<compile_context>
chip_gen: v7x
topology: tpu7x:2x2x1
jax: 0.10.2.dev20260603
libtpu: 0.0.44.dev20260713+nightly
codegen_flags: <defaults>
</compile_context>

<pallas_src>
import jax
import jax.numpy as jnp
from jax import lax
from jax.experimental import pallas as pl
from jax.experimental.pallas import tpu as pltpu
from jax.experimental.pallas import tpu_sc as plsc

B = 4096
NR = 50
NW = 50
VOCAB = 100000
NSHAPE = 6
OUT = 128
SHAPE_E = 16
KERNEL_E = 16
BIAS_E = 2
NKERN = 8
REG_E = OUT - SHAPE_E
W_E = OUT - SHAPE_E - KERNEL_E - BIAS_E

N_NODES = B * NW
DW = SHAPE_E + KERNEL_E + BIAS_E

NC = 2
NS = 16
NWORK = NC * NS

_M = 6400
_TB = 2000


def _dense_body(x_ref, wa_ref, wk2_ref, wb2_ref,
                bv_ref, swt_ref, sb_ref, dw_ref, dr_ref):
    x = x_ref[...]
    ws = x[:, 0:NSHAPE]
    wb = x[:, NSHAPE:NSHAPE + 2]
    kf = x[:, NSHAPE + 2:NSHAPE + 4]
    rs = x[:, NSHAPE + 4:16]
    i16 = lax.broadcasted_iota(jnp.int32, (_M, 2 * NKERN), 1)
    ksel = jnp.where(i16 < NKERN, kf[:, 0:1], kf[:, 1:2])
    oh = (ksel == (i16 & (NKERN - 1)).astype(jnp.float32)).astype(jnp.float32)
    dw = jnp.dot(ws, wa_ref[...], preferred_element_type=jnp.float32)
    dw += jnp.dot(oh, wk2_ref[...], preferred_element_type=jnp.float32)
    dw += jnp.dot(wb, wb2_ref[...], preferred_element_type=jnp.float32)
    dw_ref[...] = dw + bv_ref[...]
    dr_ref[...] = jnp.dot(rs, swt_ref[...],
                          preferred_element_type=jnp.float32) + sb_ref[...]


def _dense_parts(xpack, wa, wk2, wb2, bv, shape_WT, shape_b):
    grid = (N_NODES // _M,)
    row_spec = lambda w: pl.BlockSpec((_M, w), lambda i: (i, 0))
    full = lambda a: pl.BlockSpec(a.shape, lambda i: (0,) * a.ndim)
    return pl.pallas_call(
        _dense_body,
        grid=grid,
        in_specs=[
            pl.BlockSpec((_M, 16), lambda i: (i, 0)),
            full(wa), full(wk2), full(wb2), full(bv),
            full(shape_WT), full(shape_b),
        ],
        out_specs=[row_spec(DW), row_spec(SHAPE_E)],
        out_shape=[
            jax.ShapeDtypeStruct((N_NODES, DW), jnp.float32),
            jax.ShapeDtypeStruct((N_NODES, SHAPE_E), jnp.float32),
        ],
    )(xpack, wa, wk2, wb2, bv, shape_WT, shape_b)


def _pad_body(wt_ref, rt_ref, ow_ref, or_ref):
    zw = jnp.zeros((_TB, OUT - W_E), jnp.float32)
    zr = jnp.zeros((_TB, OUT - REG_E), jnp.float32)
    ow_ref[...] = jnp.concatenate([wt_ref[...], zw], axis=1)
    or_ref[...] = jnp.concatenate([rt_ref[...], zr], axis=1)


def _pad_tables(w_table, r_table):
    grid = (VOCAB // _TB,)
    return pl.pallas_call(
        _pad_body,
        grid=grid,
        in_specs=[
            pl.BlockSpec((_TB, W_E), lambda i: (i, 0)),
            pl.BlockSpec((_TB, REG_E), lambda i: (i, 0)),
        ],
        out_specs=[
            pl.BlockSpec((_TB, OUT), lambda i: (i, 0)),
            pl.BlockSpec((_TB, OUT), lambda i: (i, 0)),
        ],
        out_shape=[
            jax.ShapeDtypeStruct((VOCAB, OUT), jnp.float32),
            jax.ShapeDtypeStruct((VOCAB, OUT), jnp.float32),
        ],
    )(w_table, r_table)


PAD_DW = DW - SHAPE_E
RING = 4
BPW = B // NWORK
NGRP = BPW // 8


def _sc_kernel(w_inds, r_inds, w_table, r_table, dense_w, dense_r, out,
               idxw, idxr, dbw, dbr, ob, gsem, osem):
    wid = lax.axis_index("s") * NC + lax.axis_index("c")
    bbase = wid * BPW

    def stage_idx(g, par):
        b8 = bbase + g * 8
        pltpu.sync_copy(w_inds.at[pl.ds(b8, 8)], idxw.at[par])
        pltpu.sync_copy(r_inds.at[pl.ds(b8, 8)], idxr.at[par])

    def stage_dense(g, h):
        n4 = (bbase + g * 8 + h * 4) * NW
        pltpu.sync_copy(dense_w.at[pl.ds(n4, 200)], dbw)
        pltpu.sync_copy(dense_r.at[pl.ds(n4, 200)], dbr)

    def gathers(par, i, buf):
        pltpu.async_copy(w_table.at[idxw.at[par, i]],
                         ob.at[buf, pl.ds(0, NW)], gsem.at[buf])
        pltpu.async_copy(r_table.at[idxr.at[par, i]],
                         ob.at[buf, pl.ds(NW, NR)], gsem.at[buf])

    def wait_gathers(par, i, buf):
        pltpu.make_async_copy(w_table.at[idxw.at[par, i]],
                              ob.at[buf, pl.ds(0, NW)], gsem.at[buf]).wait()
        pltpu.make_async_copy(r_table.at[idxr.at[par, i]],
                              ob.at[buf, pl.ds(NW, NR)], gsem.at[buf]).wait()

    def merge(ih, buf):
        def mbody(r, _):
            dn = ih * NW + r
            ob[buf, r, pl.ds(W_E, 16)] = dbw[dn, pl.ds(0, 16)]
            ob[buf, r, pl.ds(W_E + 16, 16)] = dbw[dn, pl.ds(16, 16)]
            ob[buf, r, pl.ds(REG_E, 16)] = dbw[dn, pl.ds(PAD_DW, 16)]
            ob[buf, NW + r, pl.ds(REG_E, 16)] = dbr[dn, pl.ds(0, 16)]
            return 0

        lax.fori_loop(0, NW, mbody, 0)

    def out_issue(b, buf):
        pltpu.async_copy(ob.at[buf], out.at[b], osem.at[buf])

    def wait_out(b, buf):
        pltpu.make_async_copy(ob.at[buf], out.at[b], osem.at[buf]).wait()

    stage_idx(0, 0)
    gathers(0, 0, 0)
    gathers(0, 1, 1)

    def group(g, par):
        for h in range(2):
            stage_dense(g, h)
            if h == 1:
                @pl.when(g < NGRP - 1)
                def _():
                    stage_idx(g + 1, 1 - par)
            for ih in range(4):
                i = h * 4 + ih
                b = bbase + g * 8 + i
                buf = i % RING
                wait_gathers(par, i, buf)
                merge(ih, buf)
                out_issue(b, buf)
                nbuf = (i + 2) % RING
                ob_prev = i + 2 - RING
                if ob_prev >= 0:
                    wait_out(b - 2, nbuf)
                else:
                    @pl.when(g > 0)
                    def _():
                        wait_out(b - 2, nbuf)
                if i < 6:
                    gathers(par, i + 2, nbuf)
                else:
                    @pl.when(g < NGRP - 1)
                    def _():
                        gathers(1 - par, i + 2 - 8, nbuf)

    def body(k2, _):
        group(2 * k2, 0)
        group(2 * k2 + 1, 1)
        return 0

    lax.fori_loop(0, NGRP // 2, body, 0)
    wait_out(bbase + BPW - 2, 6 % RING)
    wait_out(bbase + BPW - 1, 7 % RING)


def _sc_gather_assemble(w_inds, r_inds, w_table, r_table, dense_w, dense_r):
    mesh = plsc.VectorSubcoreMesh(core_axis_name="c", subcore_axis_name="s")
    f = pl.kernel(
        _sc_kernel,
        out_type=jax.ShapeDtypeStruct((B, NW + NR, OUT), jnp.float32),
        mesh=mesh,
        scratch_types=[
            pltpu.VMEM((2, 8, NW), jnp.int32),
            pltpu.VMEM((2, 8, NR), jnp.int32),
            pltpu.VMEM((200, DW), jnp.float32),
            pltpu.VMEM((200, SHAPE_E), jnp.float32),
            pltpu.VMEM((RING, NW + NR, OUT), jnp.float32),
            pltpu.SemaphoreType.DMA((RING,)),
            pltpu.SemaphoreType.DMA((RING,)),
        ],
    )
    return f(w_inds, r_inds, w_table, r_table, dense_w, dense_r)


def kernel(regular_node_inds, regular_node_shapes, weighted_node_inds,
           weighted_node_shapes, weighted_node_kernels, weighted_node_bias,
           regular_table, weighted_table, kernel_table,
           shape_W, shape_b, bias_W, bias_b):
    shape_WT = shape_W.T
    z = jnp.zeros
    f32 = jnp.float32
    wa = jnp.concatenate([shape_WT, z((NSHAPE, DW - SHAPE_E), f32)], axis=1)
    ktd = jnp.concatenate([
        jnp.concatenate([kernel_table, z((NKERN, NKERN), f32)], axis=1),
        jnp.concatenate([z((NKERN, NKERN), f32), kernel_table], axis=1),
    ], axis=0)
    wk2 = jnp.concatenate(
        [z((2 * NKERN, SHAPE_E), f32), ktd, z((2 * NKERN, BIAS_E), f32)],
        axis=1)
    wb2 = jnp.concatenate([z((2, DW - BIAS_E), f32), bias_W.T], axis=1)
    bv = jnp.concatenate(
        [shape_b, z((KERNEL_E,), f32), bias_b]).reshape(1, DW)
    xpack = jnp.concatenate(
        [weighted_node_shapes, weighted_node_bias,
         weighted_node_kernels.astype(f32), regular_node_shapes],
        axis=-1).reshape(N_NODES, 16)
    dense_w, dense_r = _dense_parts(
        xpack, wa, wk2, wb2, bv, shape_WT, shape_b.reshape(1, SHAPE_E))
    w_table_p, r_table_p = _pad_tables(weighted_table, regular_table)
    return _sc_gather_assemble(weighted_node_inds, regular_node_inds,
                               w_table_p, r_table_p, dense_w, dense_r)

# --- scband reference (transcript-rebuilt; emitter-appended) ---
"""Pipeline reference for scband-cgnode-embedding-34428457845179 (READ-ONLY COPY).

The authoritative reference and input builder live on the scoring server;
editing this copy changes nothing except your own understanding.
"""

import jax, jax.numpy as jnp
import numpy as np

B = 4096
NR = 50
NW = 50
VOCAB = 100000
NSHAPE = 6
OUT = 128
SHAPE_E = 16
KERNEL_E = 16
BIAS_E = 2
NKERN = 8
REG_E = OUT - SHAPE_E
W_E = OUT - SHAPE_E - KERNEL_E - BIAS_E


def setup_inputs(seed: int = 0) -> dict:
    key = jax.random.key(seed)
    ks = jax.random.split(key, 12)
    return {
        "regular_node_inds": jax.random.randint(ks[0], (B, NR), 0, VOCAB, dtype=jnp.int32),
        "regular_node_shapes": jax.random.normal(ks[1], (B, NR, NSHAPE), dtype=jnp.float32),
        "weighted_node_inds": jax.random.randint(ks[2], (B, NW), 0, VOCAB, dtype=jnp.int32),
        "weighted_node_shapes": jax.random.normal(ks[3], (B, NW, NSHAPE), dtype=jnp.float32),
        "weighted_node_kernels": jax.random.randint(ks[4], (B, NW, 2), 0, NKERN, dtype=jnp.int32),
        "weighted_node_bias": jax.random.normal(ks[5], (B, NW, 2), dtype=jnp.float32),
        "regular_table": jax.random.normal(ks[6], (VOCAB, REG_E), dtype=jnp.float32) * 0.02,
        "weighted_table": jax.random.normal(ks[7], (VOCAB, W_E), dtype=jnp.float32) * 0.02,
        "kernel_table": jax.random.normal(ks[8], (NKERN, KERNEL_E // 2), dtype=jnp.float32) * 0.02,
        "shape_W": jax.random.normal(ks[9], (SHAPE_E, NSHAPE), dtype=jnp.float32) * 0.1,
        "shape_b": jnp.zeros((SHAPE_E,), dtype=jnp.float32),
        "bias_W": jax.random.normal(ks[10], (BIAS_E, 2), dtype=jnp.float32) * 0.1,
        "bias_b": jnp.zeros((BIAS_E,), dtype=jnp.float32),
    }


def reference(regular_node_inds, regular_node_shapes, weighted_node_inds,
              weighted_node_shapes, weighted_node_kernels, weighted_node_bias,
              regular_table, weighted_table, kernel_table,
              shape_W, shape_b, bias_W, bias_b):
    # regular branch
    regular_embedding = jnp.take(regular_table, regular_node_inds, axis=0)
    reg_shape_embedding = regular_node_shapes @ shape_W.T + shape_b
    regular_embedding = jnp.concatenate([regular_embedding, reg_shape_embedding], axis=-1)
    # weighted branch
    weighted_embedding = jnp.take(weighted_table, weighted_node_inds, axis=0)
    kernel_embedding = jnp.take(kernel_table, weighted_node_kernels, axis=0)
    kernel_embedding = kernel_embedding.reshape(kernel_embedding.shape[0], kernel_embedding.shape[1], -1)
    w_shape_embedding = weighted_node_shapes @ shape_W.T + shape_b
    bias_embedding = weighted_node_bias @ bias_W.T + bias_b
    weighted_embedding = jnp.concatenate(
        [weighted_embedding, w_shape_embedding, kernel_embedding, bias_embedding], axis=-1)
    # concat weighted first, regular second along node dim (dim=1)
    node_embedding = jnp.concatenate([weighted_embedding, regular_embedding], axis=1)
    return node_embedding

if __name__ == "__main__":
    import jax
    _d = setup_inputs()
    print(jax.jit(kernel)(*tuple(_d.values())))

</pallas_src>

<mosaic_0001>
#map = affine_map<(d0, d1) -> (0, 0)>
#map1 = affine_map<(d0, d1) -> (0, 0, 0)>
module attributes {stable_mosaic.version = 14 : i64} {
  func.func @_sc_kernel(%arg0: i32, %arg1: i32, %arg2: memref<4096x50xi32, #tpu.memory_space<hbm>>, %arg3: memref<4096x50xi32, #tpu.memory_space<hbm>>, %arg4: memref<100000x128xf32, #tpu.memory_space<hbm>>, %arg5: memref<100000x128xf32, #tpu.memory_space<hbm>>, %arg6: memref<204800x34xf32, #tpu.memory_space<hbm>>, %arg7: memref<204800x16xf32, #tpu.memory_space<hbm>>, %arg8: memref<4096x100x128xf32, #tpu.memory_space<hbm>>, %arg9: memref<2x8x50xi32, #tpu.memory_space<vmem>>, %arg10: memref<2x8x50xi32, #tpu.memory_space<vmem>>, %arg11: memref<200x34xf32, #tpu.memory_space<vmem>>, %arg12: memref<200x16xf32, #tpu.memory_space<vmem>>, %arg13: memref<4x100x128xf32, #tpu.memory_space<vmem>>, %arg14: memref<4x!tpu.dma_semaphore, #tpu.memory_space<semaphore_mem>>, %arg15: memref<4x!tpu.dma_semaphore, #tpu.memory_space<semaphore_mem>>) attributes {dimension_semantics = [#tpu.dimension_semantics<core_parallel>, #tpu.dimension_semantics<subcore_parallel>], iteration_bounds = array<i64: 2, 16>, scalar_prefetch = 0 : i64, scratch_operands = 7 : i64, tpu.core_type = #tpu.core_type<sc_vector_subcore>, window_params = [{transform_indices = #map}, {transform_indices = #map}, {transform_indices = #map}, {transform_indices = #map}, {transform_indices = #map}, {transform_indices = #map}, {transform_indices = #map1}]} {
    %mul3A = arith.constant 2 : i32
    %mul3A_0 = arith.muli %arg1, %mul3A : i32
    %add3A = arith.addi %mul3A_0, %arg0 : i32
    %mul3A_1 = arith.constant 128 : i32
    %mul3A_2 = arith.muli %add3A, %mul3A_1 : i32
    %add3A_3 = arith.constant 0 : i32
    %add3A_4 = arith.addi %mul3A_2, %add3A_3 : i32
    %run_scoped3A = arith.constant 0 : i32
    "tpu.region"() ({
      %run_scoped3A_121 = tpu.sem_alloc : memref<!tpu.dma_semaphore, #tpu.memory_space<semaphore_mem>>
      %dma_start3A_122 = arith.constant 0 : i32
      %dma_start3A_123 = arith.constant 0 : i32
      %dma_start3A_124 = tpu.memref_slice %arg9[%run_scoped3A, %dma_start3A_122, %dma_start3A_123] : memref<2x8x50xi32, #tpu.memory_space<vmem>> -> memref<1x8x50xi32, #tpu.memory_space<vmem>>
      %dma_start3A_125 = tpu.memref_squeeze %dma_start3A_124 : memref<1x8x50xi32, #tpu.memory_space<vmem>> -> memref<8x50xi32, #tpu.memory_space<vmem>>
      %dma_start3A_126 = arith.constant 0 : i32
      %dma_start3A_127 = tpu.memref_slice %arg2[%add3A_4, %dma_start3A_126] : memref<4096x50xi32, #tpu.memory_space<hbm>> -> memref<8x50xi32, #tpu.memory_space<hbm>>
      %dma_start3A_128 = arith.constant 0 : i32
      %dma_start3A_129 = arith.constant 0 : i32
      %dma_start3A_130 = tpu.memref_slice %arg9[%run_scoped3A, %dma_start3A_128, %dma_start3A_129] : memref<2x8x50xi32, #tpu.memory_space<vmem>> -> memref<1x8x50xi32, #tpu.memory_space<vmem>>
      %dma_start3A_131 = tpu.memref_squeeze %dma_start3A_130 : memref<1x8x50xi32, #tpu.memory_space<vmem>> -> memref<8x50xi32, #tpu.memory_space<vmem>>
      %dma_start3A_132 = arith.constant 0 : i32
      %dma_start3A_133 = tpu.memref_slice %arg2[%add3A_4, %dma_start3A_132] : memref<4096x50xi32, #tpu.memory_space<hbm>> -> memref<8x50xi32, #tpu.memory_space<hbm>>
      tpu.enqueue_dma source(%dma_start3A_133 : memref<8x50xi32, #tpu.memory_space<hbm>>) target(%dma_start3A_131 : memref<8x50xi32, #tpu.memory_space<vmem>>) target_semaphore(%run_scoped3A_121 : memref<!tpu.dma_semaphore, #tpu.memory_space<semaphore_mem>>)
      %dma_wait3A_134 = arith.constant 0 : i32
      %dma_wait3A_135 = arith.constant 0 : i32
      %dma_wait3A_136 = tpu.memref_slice %arg9[%run_scoped3A, %dma_wait3A_134, %dma_wait3A_135] : memref<2x8x50xi32, #tpu.memory_space<vmem>> -> memref<1x8x50xi32, #tpu.memory_space<vmem>>
      %dma_wait3A_137 = tpu.memref_squeeze %dma_wait3A_136 : memref<1x8x50xi32, #tpu.memory_space<vmem>> -> memref<8x50xi32, #tpu.memory_space<vmem>>
      %dma_wait3A_138 = arith.constant 0 : i32
      %dma_wait3A_139 = tpu.memref_slice %arg2[%add3A_4, %dma_wait3A_138] : memref<4096x50xi32, #tpu.memory_space<hbm>> -> memref<8x50xi32, #tpu.memory_space<hbm>>
      %dma_wait3A_140 = arith.constant 0 : i32
      %dma_wait3A_141 = arith.constant 0 : i32
      %dma_wait3A_142 = tpu.memref_slice %arg9[%run_scoped3A, %dma_wait3A_140, %dma_wait3A_141] : memref<2x8x50xi32, #tpu.memory_space<vmem>> -> memref<1x8x50xi32, #tpu.memory_space<vmem>>
      %dma_wait3A_143 = tpu.memref_squeeze %dma_wait3A_142 : memref<1x8x50xi32, #tpu.memory_space<vmem>> -> memref<8x50xi32, #tpu.memory_space<vmem>>
      %dma_wait3A_144 = arith.constant 0 : i32
      %dma_wait3A_145 = tpu.memref_slice %arg2[%add3A_4, %dma_wait3A_144] : memref<4096x50xi32, #tpu.memory_space<hbm>> -> memref<8x50xi32, #tpu.memory_space<hbm>>
      tpu.wait_dma2 semaphore(%run_scoped3A_121 : memref<!tpu.dma_semaphore, #tpu.memory_space<semaphore_mem>>) src(%dma_wait3A_145 : memref<8x50xi32, #tpu.memory_space<hbm>>) dst(%dma_wait3A_143 : memref<8x50xi32, #tpu.memory_space<vmem>>)
      tpu.yield
    }) : () -> ()
    %run_scoped3A_5 = arith.constant 0 : i32
    "tpu.region"() ({
      %run_scoped3A_121 = tpu.sem_alloc : memref<!tpu.dma_semaphore, #tpu.memory_space<semaphore_mem>>
      %dma_start3A_122 = arith.constant 0 : i32
      %dma_start3A_123 = arith.constant 0 : i32
      %dma_start3A_124 = tpu.memref_slice %arg10[%run_scoped3A_5, %dma_start3A_122, %dma_start3A_123] : memref<2x8x50xi32, #tpu.memory_space<vmem>> -> memref<1x8x50xi32, #tpu.memory_space<vmem>>
      %dma_start3A_125 = tpu.memref_squeeze %dma_start3A_124 : memref<1x8x50xi32, #tpu.memory_space<vmem>> -> memref<8x50xi32, #tpu.memory_space<vmem>>
      %dma_start3A_126 = arith.constant 0 : i32
      %dma_start3A_127 = tpu.memref_slice %arg3[%add3A_4, %dma_start3A_126] : memref<4096x50xi32, #tpu.memory_space<hbm>> -> memref<8x50xi32, #tpu.memory_space<hbm>>
      %dma_start3A_128 = arith.constant 0 : i32
      %dma_start3A_129 = arith.constant 0 : i32
      %dma_start3A_130 = tpu.memref_slice %arg10[%run_scoped3A_5, %dma_start3A_128, %dma_start3A_129] : memref<2x8x50xi32, #tpu.memory_space<vmem>> -> memref<1x8x50xi32, #tpu.memory_space<vmem>>
      %dma_start3A_131 = tpu.memref_squeeze %dma_start3A_130 : memref<1x8x50xi32, #tpu.memory_space<vmem>> -> memref<8x50xi32, #tpu.memory_space<vmem>>
      %dma_start3A_132 = arith.constant 0 : i32
      %dma_start3A_133 = tpu.memref_slice %arg3[%add3A_4, %dma_start3A_132] : memref<4096x50xi32, #tpu.memory_space<hbm>> -> memref<8x50xi32, #tpu.memory_space<hbm>>
      tpu.enqueue_dma source(%dma_start3A_133 : memref<8x50xi32, #tpu.memory_space<hbm>>) target(%dma_start3A_131 : memref<8x50xi32, #tpu.memory_space<vmem>>) target_semaphore(%run_scoped3A_121 : memref<!tpu.dma_semaphore, #tpu.memory_space<semaphore_mem>>)
      %dma_wait3A_134 = arith.constant 0 : i32
      %dma_wait3A_135 = arith.constant 0 : i32
      %dma_wait3A_136 = tpu.memref_slice %arg10[%run_scoped3A_5, %dma_wait3A_134, %dma_wait3A_135] : memref<2x8x50xi32, #tpu.memory_space<vmem>> -> memref<1x8x50xi32, #tpu.memory_space<vmem>>
      %dma_wait3A_137 = tpu.memref_squeeze %dma_wait3A_136 : memref<1x8x50xi32, #tpu.memory_space<vmem>> -> memref<8x50xi32, #tpu.memory_space<vmem>>
      %dma_wait3A_138 = arith.constant 0 : i32
      %dma_wait3A_139 = tpu.memref_slice %arg3[%add3A_4, %dma_wait3A_138] : memref<4096x50xi32, #tpu.memory_space<hbm>> -> memref<8x50xi32, #tpu.memory_space<hbm>>
      %dma_wait3A_140 = arith.constant 0 : i32
      %dma_wait3A_141 = arith.constant 0 : i32
      %dma_wait3A_142 = tpu.memref_slice %arg10[%run_scoped3A_5, %dma_wait3A_140, %dma_wait3A_141] : memref<2x8x50xi32, #tpu.memory_space<vmem>> -> memref<1x8x50xi32, #tpu.memory_space<vmem>>
      %dma_wait3A_143 = tpu.memref_squeeze %dma_wait3A_142 : memref<1x8x50xi32, #tpu.memory_space<vmem>> -> memref<8x50xi32, #tpu.memory_space<vmem>>
      %dma_wait3A_144 = arith.constant 0 : i32
      %dma_wait3A_145 = tpu.memref_slice %arg3[%add3A_4, %dma_wait3A_144] : memref<4096x50xi32, #tpu.memory_space<hbm>> -> memref<8x50xi32, #tpu.memory_space<hbm>>
      tpu.wait_dma2 semaphore(%run_scoped3A_121 : memref<!tpu.dma_semaphore, #tpu.memory_space<semaphore_mem>>) src(%dma_wait3A_145 : memref<8x50xi32, #tpu.memory_space<hbm>>) dst(%dma_wait3A_143 : memref<8x50xi32, #tpu.memory_space<vmem>>)
      tpu.yield
    }) : () -> ()
    %dma_start3A = arith.constant 0 : i32
    %dma_start3A_6 = arith.constant 0 : i32
    %dma_start3A_7 = arith.constant 0 : i32
    %dma_start3A_8 = arith.constant 0 : i32
    %dma_start3A_9 = arith.constant 0 : i32
    %dma_start3A_10 = arith.constant 0 : i32
    %dma_start3A_11 = tpu.memref_slice %arg13[%dma_start3A_7, %dma_start3A_9, %dma_start3A_10] : memref<4x100x128xf32, #tpu.memory_space<vmem>> -> memref<1x50x128xf32, #tpu.memory_space<vmem>>
    %dma_start3A_12 = tpu.memref_squeeze %dma_start3A_11 : memref<1x50x128xf32, #tpu.memory_space<vmem>> -> memref<50x128xf32, #tpu.memory_space<vmem>>
    %dma_start3A_13 = arith.constant 0 : i32
    %dma_start3A_14 = tpu.memref_slice %arg9[%dma_start3A, %dma_start3A_6, %dma_start3A_13] : memref<2x8x50xi32, #tpu.memory_space<vmem>> -> memref<1x1x50xi32, #tpu.memory_space<vmem>>
    %dma_start3A_15 = tpu.memref_squeeze %dma_start3A_14 : memref<1x1x50xi32, #tpu.memory_space<vmem>> -> memref<50xi32, #tpu.memory_space<vmem>>
    %dma_start3A_16 = arith.constant 0 : i32
    %dma_start3A_17 = arith.constant 0 : i32
    %dma_start3A_18 = tpu.memref_slice %arg4[%dma_start3A_16, %dma_start3A_17] : memref<100000x128xf32, #tpu.memory_space<hbm>> -> memref<100000x128xf32, #tpu.memory_space<hbm>>
    %dma_start3A_19 = tpu.memref_slice %arg14[%dma_start3A_8] : memref<4x!tpu.dma_semaphore, #tpu.memory_space<semaphore_mem>> -> memref<1x!tpu.dma_semaphore, #tpu.memory_space<semaphore_mem>>
    %dma_start3A_20 = tpu.memref_squeeze %dma_start3A_19 : memref<1x!tpu.dma_semaphore, #tpu.memory_space<semaphore_mem>> -> memref<!tpu.dma_semaphore, #tpu.memory_space<semaphore_mem>>
    tpu.enqueue_indirect_dma source(%dma_start3A_18 : memref<100000x128xf32, #tpu.memory_space<hbm>>) target(%dma_start3A_12 : memref<50x128xf32, #tpu.memory_space<vmem>>) offsets(%dma_start3A_15 : memref<50xi32, #tpu.memory_space<vmem>>) semaphore(%dma_start3A_20 : memref<!tpu.dma_semaphore, #tpu.memory_space<semaphore_mem>>)
    %dma_start3A_21 = arith.constant 0 : i32
    %dma_start3A_22 = arith.constant 0 : i32
    %dma_start3A_23 = arith.constant 0 : i32
    %dma_start3A_24 = arith.constant 0 : i32
    %dma_start3A_25 = arith.constant 50 : i32
    %dma_start3A_26 = arith.constant 0 : i32
    %dma_start3A_27 = tpu.memref_slice %arg13[%dma_start3A_23, %dma_start3A_25, %dma_start3A_26] : memref<4x100x128xf32, #tpu.memory_space<vmem>> -> memref<1x50x128xf32, #tpu.memory_space<vmem>>
    %dma_start3A_28 = tpu.memref_squeeze %dma_start3A_27 : memref<1x50x128xf32, #tpu.memory_space<vmem>> -> memref<50x128xf32, #tpu.memory_space<vmem>>
    %dma_start3A_29 = arith.constant 0 : i32
    %dma_start3A_30 = tpu.memref_slice %arg10[%dma_start3A_21, %dma_start3A_22, %dma_start3A_29] : memref<2x8x50xi32, #tpu.memory_space<vmem>> -> memref<1x1x50xi32, #tpu.memory_space<vmem>>
    %dma_start3A_31 = tpu.memref_squeeze %dma_start3A_30 : memref<1x1x50xi32, #tpu.memory_space<vmem>> -> memref<50xi32, #tpu.memory_space<vmem>>
    %dma_start3A_32 = arith.constant 0 : i32
    %dma_start3A_33 = arith.constant 0 : i32
    %dma_start3A_34 = tpu.memref_slice %arg5[%dma_start3A_32, %dma_start3A_33] : memref<100000x128xf32, #tpu.memory_space<hbm>> -> memref<100000x128xf32, #tpu.memory_space<hbm>>
    %dma_start3A_35 = tpu.memref_slice %arg14[%dma_start3A_24] : memref<4x!tpu.dma_semaphore, #tpu.memory_space<semaphore_mem>> -> memref<1x!tpu.dma_semaphore, #tpu.memory_space<semaphore_mem>>
    %dma_start3A_36 = tpu.memref_squeeze %dma_start3A_35 : memref<1x!tpu.dma_semaphore, #tpu.memory_space<semaphore_mem>> -> memref<!tpu.dma_semaphore, #tpu.memory_space<semaphore_mem>>
    tpu.enqueue_indirect_dma source(%dma_start3A_34 : memref<100000x128xf32, #tpu.memory_space<hbm>>) target(%dma_start3A_28 : memref<50x128xf32, #tpu.memory_space<vmem>>) offsets(%dma_start3A_31 : memref<50xi32, #tpu.memory_space<vmem>>) semaphore(%dma_start3A_36 : memref<!tpu.dma_semaphore, #tpu.memory_space<semaphore_mem>>)
    %dma_start3A_37 = arith.constant 0 : i32
    %dma_start3A_38 = arith.constant 1 : i32
    %dma_start3A_39 = arith.constant 1 : i32
    %dma_start3A_40 = arith.constant 1 : i32
    %dma_start3A_41 = arith.constant 0 : i32
    %dma_start3A_42 = arith.constant 0 : i32
    %dma_start3A_43 = tpu.memref_slice %arg13[%dma_start3A_39, %dma_start3A_41, %dma_start3A_42] : memref<4x100x128xf32, #tpu.memory_space<vmem>> -> memref<1x50x128xf32, #tpu.memory_space<vmem>>
    %dma_start3A_44 = tpu.memref_squeeze %dma_start3A_43 : memref<1x50x128xf32, #tpu.memory_space<vmem>> -> memref<50x128xf32, #tpu.memory_space<vmem>>
    %dma_start3A_45 = arith.constant 0 : i32
    %dma_start3A_46 = tpu.memref_slice %arg9[%dma_start3A_37, %dma_start3A_38, %dma_start3A_45] : memref<2x8x50xi32, #tpu.memory_space<vmem>> -> memref<1x1x50xi32, #tpu.memory_space<vmem>>
    %dma_start3A_47 = tpu.memref_squeeze %dma_start3A_46 : memref<1x1x50xi32, #tpu.memory_space<vmem>> -> memref<50xi32, #tpu.memory_space<vmem>>
    %dma_start3A_48 = arith.constant 0 : i32
    %dma_start3A_49 = arith.constant 0 : i32
    %dma_start3A_50 = tpu.memref_slice %arg4[%dma_start3A_48, %dma_start3A_49] : memref<100000x128xf32, #tpu.memory_space<hbm>> -> memref<100000x128xf32, #tpu.memory_space<hbm>>
    %dma_start3A_51 = tpu.memref_slice %arg14[%dma_start3A_40] : memref<4x!tpu.dma_semaphore, #tpu.memory_space<semaphore_mem>> -> memref<1x!tpu.dma_semaphore, #tpu.memory_space<semaphore_mem>>
    %dma_start3A_52 = tpu.memref_squeeze %dma_start3A_51 : memref<1x!tpu.dma_semaphore, #tpu.memory_space<semaphore_mem>> -> memref<!tpu.dma_semaphore, #tpu.memory_space<semaphore_mem>>
    tpu.enqueue_indirect_dma source(%dma_start3A_50 : memref<100000x128xf32, #tpu.memory_space<hbm>>) target(%dma_start3A_44 : memref<50x128xf32, #tpu.memory_space<vmem>>) offsets(%dma_start3A_47 : memref<50xi32, #tpu.memory_space<vmem>>) semaphore(%dma_start3A_52 : memref<!tpu.dma_semaphore, #tpu.memory_space<semaphore_mem>>)
    %dma_start3A_53 = arith.constant 0 : i32
    %dma_start3A_54 = arith.constant 1 : i32
    %dma_start3A_55 = arith.constant 1 : i32
    %dma_start3A_56 = arith.constant 1 : i32
    %dma_start3A_57 = arith.constant 50 : i32
    %dma_start3A_58 = arith.constant 0 : i32
    %dma_start3A_59 = tpu.memref_slice %arg13[%dma_start3A_55, %dma_start3A_57, %dma_start3A_58] : memref<4x100x128xf32, #tpu.memory_space<vmem>> -> memref<1x50x128xf32, #tpu.memory_space<vmem>>
    %dma_start3A_60 = tpu.memref_squeeze %dma_start3A_59 : memref<1x50x128xf32, #tpu.memory_space<vmem>> -> memref<50x128xf32, #tpu.memory_space<vmem>>
    %dma_start3A_61 = arith.constant 0 : i32
    %dma_start3A_62 = tpu.memref_slice %arg10[%dma_start3A_53, %dma_start3A_54, %dma_start3A_61] : memref<2x8x50xi32, #tpu.memory_space<vmem>> -> memref<1x1x50xi32, #tpu.memory_space<vmem>>
    %dma_start3A_63 = tpu.memref_squeeze %dma_start3A_62 : memref<1x1x50xi32, #tpu.memory_space<vmem>> -> memref<50xi32, #tpu.memory_space<vmem>>
    %dma_start3A_64 = arith.constant 0 : i32
    %dma_start3A_65 = arith.constant 0 : i32
    %dma_start3A_66 = tpu.memref_slice %arg5[%dma_start3A_64, %dma_start3A_65] : memref<100000x128xf32, #tpu.memory_space<hbm>> -> memref<100000x128xf32, #tpu.memory_space<hbm>>
    %dma_start3A_67 = tpu.memref_slice %arg14[%dma_start3A_56] : memref<4x!tpu.dma_semaphore, #tpu.memory_space<semaphore_mem>> -> memref<1x!tpu.dma_semaphore, #tpu.memory_space<semaphore_mem>>
    %dma_start3A_68 = tpu.memref_squeeze %dma_start3A_67 : memref<1x!tpu.dma_semaphore, #tpu.memory_space<semaphore_mem>> -> memref<!tpu.dma_semaphore, #tpu.memory_space<semaphore_mem>>
    tpu.enqueue_indirect_dma source(%dma_start3A_66 : memref<100000x128xf32, #tpu.memory_space<hbm>>) target(%dma_start3A_60 : memref<50x128xf32, #tpu.memory_space<vmem>>) offsets(%dma_start3A_63 : memref<50xi32, #tpu.memory_space<vmem>>) semaphore(%dma_start3A_68 : memref<!tpu.dma_semaphore, #tpu.memory_space<semaphore_mem>>)
    %scan3A = arith.constant 0 : i32
    %scan3A_69 = arith.constant 0 : i32
    %scan3A_70 = arith.constant 8 : i32
    %scan3A_71 = arith.addi %scan3A_69, %scan3A_70 : i32
    %scan3A_72 = arith.constant 1 : i32
    %scan3A_73 = scf.for %scan3A_121 = %scan3A_69 to %scan3A_71 step %scan3A_72 iter_args(%scan3A_122 = %scan3A) -> (i32)  : i32 {
      %mul3A_123 = arith.constant 2 : i32
      %mul3A_124 = arith.muli %mul3A_123, %scan3A_121 : i32
      %mul3A_125 = arith.constant 8 : i32
      %mul3A_126 = arith.muli %mul3A_124, %mul3A_125 : i32
      %add3A_127 = arith.addi %mul3A_2, %mul3A_126 : i32
      %add3A_128 = arith.constant 0 : i32
      %add3A_129 = arith.addi %add3A_127, %add3A_128 : i32
      %mul3A_130 = arith.constant 50 : i32
      %mul3A_131 = arith.muli %add3A_129, %mul3A_130 : i32
      "tpu.region"() ({
        %run_scoped3A_1876 = tpu.sem_alloc : memref<!tpu.dma_semaphore, #tpu.memory_space<semaphore_mem>>
        %dma_start3A_1877 = arith.constant 0 : i32
        %dma_start3A_1878 = tpu.memref_slice %arg6[%mul3A_131, %dma_start3A_1877] : memref<204800x34xf32, #tpu.memory_space<hbm>> -> memref<200x34xf32, #tpu.memory_space<hbm>>
        %dma_start3A_1879 = arith.constant 0 : i32
        %dma_start3A_1880 = tpu.memref_slice %arg6[%mul3A_131, %dma_start3A_1879] : memref<204800x34xf32, #tpu.memory_space<hbm>> -> memref<200x34xf32, #tpu.memory_space<hbm>>
        tpu.enqueue_dma source(%dma_start3A_1880 : memref<200x34xf32, #tpu.memory_space<hbm>>) target(%arg11 : memref<200x34xf32, #tpu.memory_space<vmem>>) target_semaphore(%run_scoped3A_1876 : memref<!tpu.dma_semaphore, #tpu.memory_space<semaphore_mem>>)
        %dma_wait3A_1881 = arith.constant 0 : i32
        %dma_wait3A_1882 = tpu.memref_slice %arg6[%mul3A_131, %dma_wait3A_1881] : memref<204800x34xf32, #tpu.memory_space<hbm>> -> memref<200x34xf32, #tpu.memory_space<hbm>>
        %dma_wait3A_1883 = arith.constant 0 : i32
        %dma_wait3A_1884 = tpu.memref_slice %arg6[%mul3A_131, %dma_wait3A_1883] : memref<204800x34xf32, #tpu.memory_space<hbm>> -> memref<200x34xf32, #tpu.memory_space<hbm>>
        tpu.wait_dma2 semaphore(%run_scoped3A_1876 : memref<!tpu.dma_semaphore, #tpu.memory_space<semaphore_mem>>) src(%dma_wait3A_1884 : memref<200x34xf32, #tpu.memory_space<hbm>>) dst(%arg11 : memref<200x34xf32, #tpu.memory_space<vmem>>)
        tpu.yield
      }) : () -> ()
      "tpu.region"() ({
        %run_scoped3A_1876 = tpu.sem_alloc : memref<!tpu.dma_semaphore, #tpu.memory_space<semaphore_mem>>
        %dma_start3A_1877 = arith.constant 0 : i32
        %dma_start3A_1878 = tpu.memref_slice %arg7[%mul3A_131, %dma_start3A_1877] : memref<204800x16xf32, #tpu.memory_space<hbm>> -> memref<200x16xf32, #tpu.memory_space<hbm>>
        %dma_start3A_1879 = arith.constant 0 : i32
        %dma_start3A_1880 = tpu.memref_slice %arg7[%mul3A_131, %dma_start3A_1879] : memref<204800x16xf32, #tpu.memory_space<hbm>> -> memref<200x16xf32, #tpu.memory_space<hbm>>
        tpu.enqueue_dma source(%dma_start3A_1880 : memref<200x16xf32, #tpu.memory_space<hbm>>) target(%arg12 : memref<200x16xf32, #tpu.memory_space<vmem>>) target_semaphore(%run_scoped3A_1876 : memref<!tpu.dma_semaphore, #tpu.memory_space<semaphore_mem>>)
        %dma_wait3A_1881 = arith.constant 0 : i32
        %dma_wait3A_1882 = tpu.memref_slice %arg7[%mul3A_131, %dma_wait3A_1881] : memref<204800x16xf32, #tpu.memory_space<hbm>> -> memref<200x16xf32, #tpu.memory_space<hbm>>
        %dma_wait3A_1883 = arith.constant 0 : i32
        %dma_wait3A_1884 = tpu.memref_slice %arg7[%mul3A_131, %dma_wait3A_1883] : memref<204800x16xf32, #tpu.memory_space<hbm>> -> memref<200x16xf32, #tpu.memory_space<hbm>>
        tpu.wait_dma2 semaphore(%run_scoped3A_1876 : memref<!tpu.dma_semaphore, #tpu.memory_space<semaphore_mem>>) src(%dma_wait3A_1884 : memref<200x16xf32, #tpu.memory_space<hbm>>) dst(%arg12 : memref<200x16xf32, #tpu.memory_space<vmem>>)
        tpu.yield
      }) : () -> ()
      %mul3A_132 = arith.constant 8 : i32
      %mul3A_133 = arith.muli %mul3A_124, %mul3A_132 : i32
      %add3A_134 = arith.addi %mul3A_2, %mul3A_133 : i32
      %add3A_135 = arith.constant 0 : i32
      %add3A_136 = arith.addi %add3A_134, %add3A_135 : i32
      %dma_wait3A_137 = arith.constant 0 : i32
      %dma_wait3A_138 = arith.constant 0 : i32
      %dma_wait3A_139 = arith.constant 0 : i32
      %dma_wait3A_140 = arith.constant 0 : i32
      %dma_wait3A_141 = arith.constant 0 : i32
      %dma_wait3A_142 = arith.constant 0 : i32
      %dma_wait3A_143 = tpu.memref_slice %arg13[%dma_wait3A_139, %dma_wait3A_141, %dma_wait3A_142] : memref<4x100x128xf32, #tpu.memory_space<vmem>> -> memref<1x50x128xf32, #tpu.memory_space<vmem>>
      %dma_wait3A_144 = tpu.memref_squeeze %dma_wait3A_143 : memref<1x50x128xf32, #tpu.memory_space<vmem>> -> memref<50x128xf32, #tpu.memory_space<vmem>>
      %dma_wait3A_145 = arith.constant 0 : i32
      %dma_wait3A_146 = tpu.memref_slice %arg9[%dma_wait3A_137, %dma_wait3A_138, %dma_wait3A_145] : memref<2x8x50xi32, #tpu.memory_space<vmem>> -> memref<1x1x50xi32, #tpu.memory_space<vmem>>
      %dma_wait3A_147 = tpu.memref_squeeze %dma_wait3A_146 : memref<1x1x50xi32, #tpu.memory_space<vmem>> -> memref<50xi32, #tpu.memory_space<vmem>>
      %dma_wait3A_148 = arith.constant 0 : i32
      %dma_wait3A_149 = arith.constant 0 : i32
      %dma_wait3A_150 = tpu.memref_slice %arg4[%dma_wait3A_148, %dma_wait3A_149] : memref<100000x128xf32, #tpu.memory_space<hbm>> -> memref<100000x128xf32, #tpu.memory_space<hbm>>
      %dma_wait3A_151 = tpu.memref_slice %arg14[%dma_wait3A_140] : memref<4x!tpu.dma_semaphore, #tpu.memory_space<semaphore_mem>> -> memref<1x!tpu.dma_semaphore, #tpu.memory_space<semaphore_mem>>
      %dma_wait3A_152 = tpu.memref_squeeze %dma_wait3A_151 : memref<1x!tpu.dma_semaphore, #tpu.memory_space<semaphore_mem>> -> memref<!tpu.dma_semaphore, #tpu.memory_space<semaphore_mem>>
      tpu.wait_indirect_dma semaphore(%dma_wait3A_152 : memref<!tpu.dma_semaphore, #tpu.memory_space<semaphore_mem>>) src(%dma_wait3A_150 : memref<100000x128xf32, #tpu.memory_space<hbm>>) dst(%dma_wait3A_144 : memref<50x128xf32, #tpu.memory_space<vmem>>)
      %dma_wait3A_153 = arith.constant 0 : i32
      %dma_wait3A_154 = arith.constant 0 : i32
      %dma_wait3A_155 = arith.constant 0 : i32
      %dma_wait3A_156 = arith.constant 0 : i32
      %dma_wait3A_157 = arith.constant 50 : i32
      %dma_wait3A_158 = arith.constant 0 : i32
      %dma_wait3A_159 = tpu.memref_slice %arg13[%dma_wait3A_155, %dma_wait3A_157, %dma_wait3A_158] : memref<4x100x128xf32, #tpu.memory_space<vmem>> -> memref<1x50x128xf32, #tpu.memory_space<vmem>>
      %dma_wait3A_160 = tpu.memref_squeeze %dma_wait3A_159 : memref<1x50x128xf32, #tpu.memory_space<vmem>> -> memref<50x128xf32, #tpu.memory_space<vmem>>
      %dma_wait3A_161 = arith.constant 0 : i32
      %dma_wait3A_162 = tpu.memref_slice %arg10[%dma_wait3A_153, %dma_wait3A_154, %dma_wait3A_161] : memref<2x8x50xi32, #tpu.memory_space<vmem>> -> memref<1x1x50xi32, #tpu.memory_space<vmem>>
      %dma_wait3A_163 = tpu.memref_squeeze %dma_wait3A_162 : memref<1x1x50xi32, #tpu.memory_space<vmem>> -> memref<50xi32, #tpu.memory_space<vmem>>
      %dma_wait3A_164 = arith.constant 0 : i32
      %dma_wait3A_165 = arith.constant 0 : i32
      %dma_wait3A_166 = tpu.memref_slice %arg5[%dma_wait3A_164, %dma_wait3A_165] : memref<100000x128xf32, #tpu.memory_space<hbm>> -> memref<100000x128xf32, #tpu.memory_space<hbm>>
      %dma_wait3A_167 = tpu.memref_slice %arg14[%dma_wait3A_156] : memref<4x!tpu.dma_semaphore, #tpu.memory_space<semaphore_mem>> -> memref<1x!tpu.dma_semaphore, #tpu.memory_space<semaphore_mem>>
      %dma_wait3A_168 = tpu.memref_squeeze %dma_wait3A_167 : memref<1x!tpu.dma_semaphore, #tpu.memory_space<semaphore_mem>> -> memref<!tpu.dma_semaphore, #tpu.memory_space<semaphore_mem>>
      tpu.wait_indirect_dma semaphore(%dma_wait3A_168 : memref<!tpu.dma_semaphore, #tpu.memory_space<semaphore_mem>>) src(%dma_wait3A_166 : memref<100000x128xf32, #tpu.memory_space<hbm>>) dst(%dma_wait3A_160 : memref<50x128xf32, #tpu.memory_space<vmem>>)
      %scan3A_169 = arith.constant 0 : i32
      %scan3A_170 = arith.constant 0 : i32
      %scan3A_171 = arith.constant 50 : i32
      %scan3A_172 = arith.addi %scan3A_170, %scan3A_171 : i32
      %scan3A_173 = arith.constant 1 : i32
      %scan3A_174 = scf.for %scan3A_1876 = %scan3A_170 to %scan3A_172 step %scan3A_173 iter_args(%scan3A_1877 = %scan3A_169) -> (i32)  : i32 {
        %add3A_1878 = arith.constant 0 : i32
        %add3A_1879 = arith.addi %add3A_1878, %scan3A_1876 : i32
        %get3A = arith.index_cast %add3A_1879 : i32 to index
        %get3A_1880 = arith.constant 0 : index
        %get3A_1881 = tpu.vector_load %arg11[%get3A, %get3A_1880] {strides = array<i32>} : memref<200x34xf32, #tpu.memory_space<vmem>>, vector<1x16xf32>,
        %get3A_1882 = vector.shape_cast %get3A_1881 : vector<1x16xf32> to vector<16xf32>
        %swap3A = arith.constant 0 : i32
        %swap3A_1883 = arith.index_cast %swap3A : i32 to index
        %swap3A_1884 = arith.index_cast %scan3A_1876 : i32 to index
        %swap3A_1885 = arith.constant 94 : index
        %swap3A_1886 = tpu.vector_load %arg13[%swap3A_1883, %swap3A_1884, %swap3A_1885] {strides = array<i32>} : memref<4x100x128xf32, #tpu.memory_space<vmem>>, vector<1x1x16xf32>,
        %swap3A_1887 = vector.shape_cast %swap3A_1886 : vector<1x1x16xf32> to vector<16xf32>
        %swap3A_1888 = vector.shape_cast %get3A_1882 : vector<16xf32> to vector<1x1x16xf32>
        tpu.vector_store %arg13[%swap3A_1883, %swap3A_1884, %swap3A_1885], %swap3A_1888 {strides = array<i32>} : memref<4x100x128xf32, #tpu.memory_space<vmem>>, vector<1x1x16xf32>,
        %get3A_1889 = arith.index_cast %add3A_1879 : i32 to index
        %get3A_1890 = arith.constant 16 : index
        %get3A_1891 = tpu.vector_load %arg11[%get3A_1889, %get3A_1890] {strides = array<i32>} : memref<200x34xf32, #tpu.memory_space<vmem>>, vector<1x16xf32>,
        %get3A_1892 = vector.shape_cast %get3A_1891 : vector<1x16xf32> to vector<16xf32>
        %swap3A_1893 = arith.constant 0 : i32
        %swap3A_1894 = arith.index_cast %swap3A_1893 : i32 to index
        %swap3A_1895 = arith.index_cast %scan3A_1876 : i32 to index
        %swap3A_1896 = arith.constant 110 : index
        %swap3A_1897 = tpu.vector_load %arg13[%swap3A_1894, %swap3A_1895, %swap3A_1896] {strides = array<i32>} : memref<4x100x128xf32, #tpu.memory_space<vmem>>, vector<1x1x16xf32>,
        %swap3A_1898 = vector.shape_cast %swap3A_1897 : vector<1x1x16xf32> to vector<16xf32>
        %swap3A_1899 = vector.shape_cast %get3A_1892 : vector<16xf32> to vector<1x1x16xf32>
        tpu.vector_store %arg13[%swap3A_1894, %swap3A_1895, %swap3A_1896], %swap3A_1899 {strides = array<i32>} : memref<4x100x128xf32, #tpu.memory_space<vmem>>, vector<1x1x16xf32>,
        %get3A_1900 = arith.index_cast %add3A_1879 : i32 to index
        %get3A_1901 = arith.constant 18 : index
        %get3A_1902 = tpu.vector_load %arg11[%get3A_1900, %get3A_1901] {strides = array<i32>} : memref<200x34xf32, #tpu.memory_space<vmem>>, vector<1x16xf32>,
        %get3A_1903 = vector.shape_cast %get3A_1902 : vector<1x16xf32> to vector<16xf32>
        %swap3A_1904 = arith.constant 0 : i32
        %swap3A_1905 = arith.index_cast %swap3A_1904 : i32 to index
        %swap3A_1906 = arith.index_cast %scan3A_1876 : i32 to index
        %swap3A_1907 = arith.constant 112 : index
        %swap3A_1908 = tpu.vector_load %arg13[%swap3A_1905, %swap3A_1906, %swap3A_1907] {strides = array<i32>} : memref<4x100x128xf32, #tpu.memory_space<vmem>>, vector<1x1x16xf32>,
        %swap3A_1909 = vector.shape_cast %swap3A_1908 : vector<1x1x16xf32> to vector<16xf32>
        %swap3A_1910 = vector.shape_cast %get3A_1903 : vector<16xf32> to vector<1x1x16xf32>
        tpu.vector_store %arg13[%swap3A_1905, %swap3A_1906, %swap3A_1907], %swap3A_1910 {strides = array<i32>} : memref<4x100x128xf32, #tpu.memory_space<vmem>>, vector<1x1x16xf32>,
        %get3A_1911 = arith.index_cast %add3A_1879 : i32 to index
        %get3A_1912 = arith.constant 0 : index
        %get3A_1913 = tpu.vector_load %arg12[%get3A_1911, %get3A_1912] {strides = array<i32>} : memref<200x16xf32, #tpu.memory_space<vmem>>, vector<1x16xf32>,
        %get3A_1914 = vector.shape_cast %get3A_1913 : vector<1x16xf32> to vector<16xf32>
        %add3A_1915 = arith.constant 50 : i32
        %add3A_1916 = arith.addi %add3A_1915, %scan3A_1876 : i32
        %swap3A_1917 = arith.constant 0 : i32
        %swap3A_1918 = arith.index_cast %swap3A_1917 : i32 to index
        %swap3A_1919 = arith.index_cast %add3A_1916 : i32 to index
        %swap3A_1920 = arith.constant 112 : index
        %swap3A_1921 = tpu.vector_load %arg13[%swap3A_1918, %swap3A_1919, %swap3A_1920] {strides = array<i32>} : memref<4x100x128xf32, #tpu.memory_space<vmem>>, vector<1x1x16xf32>,
        %swap3A_1922 = vector.shape_cast %swap3A_1921 : vector<1x1x16xf32> to vector<16xf32>
        %swap3A_1923 = vector.shape_cast %get3A_1914 : vector<16xf32> to vector<1x1x16xf32>
        tpu.vector_store %arg13[%swap3A_1918, %swap3A_1919, %swap3A_1920], %swap3A_1923 {strides = array<i32>} : memref<4x100x128xf32, #tpu.memory_space<vmem>>, vector<1x1x16xf32>,
        %scan3A_1924 = arith.constant 0 : i32
        scf.yield %scan3A_1924 : i32
      }
      %scan3A_175 = arith.constant 50 : i32
      %dma_start3A_176 = arith.constant 0 : i32
      %dma_start3A_177 = arith.constant 0 : i32
      %dma_start3A_178 = arith.constant 0 : i32
      %dma_start3A_179 = arith.constant 0 : i32
      %dma_start3A_180 = tpu.memref_slice %arg13[%dma_start3A_176, %dma_start3A_178, %dma_start3A_179] : memref<4x100x128xf32, #tpu.memory_space<vmem>> -> memref<1x100x128xf32, #tpu.memory_space<vmem>>
      %dma_start3A_181 = tpu.memref_squeeze %dma_start3A_180 : memref<1x100x128xf32, #tpu.memory_space<vmem>> -> memref<100x128xf32, #tpu.memory_space<vmem>>
      %dma_start3A_182 = arith.constant 0 : i32
      %dma_start3A_183 = arith.constant 0 : i32
      %dma_start3A_184 = tpu.memref_slice %arg8[%add3A_136, %dma_start3A_182, %dma_start3A_183] : memref<4096x100x128xf32, #tpu.memory_space<hbm>> -> memref<1x100x128xf32, #tpu.memory_space<hbm>>
      %dma_start3A_185 = tpu.memref_squeeze %dma_start3A_184 : memref<1x100x128xf32, #tpu.memory_space<hbm>> -> memref<100x128xf32, #tpu.memory_space<hbm>>
      %dma_start3A_186 = tpu.memref_slice %arg15[%dma_start3A_177] : memref<4x!tpu.dma_semaphore, #tpu.memory_space<semaphore_mem>> -> memref<1x!tpu.dma_semaphore, #tpu.memory_space<semaphore_mem>>
      %dma_start3A_187 = tpu.memref_squeeze %dma_start3A_186 : memref<1x!tpu.dma_semaphore, #tpu.memory_space<semaphore_mem>> -> memref<!tpu.dma_semaphore, #tpu.memory_space<semaphore_mem>>
      %dma_start3A_188 = arith.constant 0 : i32
      %dma_start3A_189 = arith.constant 0 : i32
      %dma_start3A_190 = tpu.memref_slice %arg8[%add3A_136, %dma_start3A_188, %dma_start3A_189] : memref<4096x100x128xf32, #tpu.memory_space<hbm>> -> memref<1x100x128xf32, #tpu.memory_space<hbm>>
      %dma_start3A_191 = tpu.memref_squeeze %dma_start3A_190 : memref<1x100x128xf32, #tpu.memory_space<hbm>> -> memref<100x128xf32, #tpu.memory_space<hbm>>
      %dma_start3A_192 = arith.constant 0 : i32
      %dma_start3A_193 = arith.constant 0 : i32
      %dma_start3A_194 = tpu.memref_slice %arg13[%dma_start3A_176, %dma_start3A_192, %dma_start3A_193] : memref<4x100x128xf32, #tpu.memory_space<vmem>> -> memref<1x100x128xf32, #tpu.memory_space<vmem>>
      %dma_start3A_195 = tpu.memref_squeeze %dma_start3A_194 : memref<1x100x128xf32, #tpu.memory_space<vmem>> -> memref<100x128xf32, #tpu.memory_space<vmem>>
      tpu.enqueue_dma source(%dma_start3A_195 : memref<100x128xf32, #tpu.memory_space<vmem>>) target(%dma_start3A_191 : memref<100x128xf32, #tpu.memory_space<hbm>>) target_semaphore(%dma_start3A_187 : memref<!tpu.dma_semaphore, #tpu.memory_space<semaphore_mem>>)
      %gt3A = arith.constant 0 : i32
      %gt3A_196 = arith.cmpi sgt, %mul3A_124, %gt3A : i32
      %convert_element_type3A = arith.extui %gt3A_196 : i1 to i32
      %cond3A = arith.constant 0 : i32
      %cond3A_197 = arith.cmpi ne, %convert_element_type3A, %cond3A : i32
      scf.if %cond3A_197 {
        %sub3A_1876 = arith.constant 2 : i32
        %sub3A_1877 = arith.subi %add3A_136, %sub3A_1876 : i32
        %dma_wait3A_1878 = arith.constant 2 : i32
        %dma_wait3A_1879 = arith.constant 2 : i32
        %dma_wait3A_1880 = arith.constant 0 : i32
        %dma_wait3A_1881 = arith.constant 0 : i32
        %dma_wait3A_1882 = tpu.memref_slice %arg13[%dma_wait3A_1878, %dma_wait3A_1880, %dma_wait3A_1881] : memref<4x100x128xf32, #tpu.memory_space<vmem>> -> memref<1x100x128xf32, #tpu.memory_space<vmem>>
        %dma_wait3A_1883 = tpu.memref_squeeze %dma_wait3A_1882 : memref<1x100x128xf32, #tpu.memory_space<vmem>> -> memref<100x128xf32, #tpu.memory_space<vmem>>
        %dma_wait3A_1884 = arith.constant 0 : i32
        %dma_wait3A_1885 = arith.constant 0 : i32
        %dma_wait3A_1886 = tpu.memref_slice %arg8[%sub3A_1877, %dma_wait3A_1884, %dma_wait3A_1885] : memref<4096x100x128xf32, #tpu.memory_space<hbm>> -> memref<1x100x128xf32, #tpu.memory_space<hbm>>
        %dma_wait3A_1887 = tpu.memref_squeeze %dma_wait3A_1886 : memref<1x100x128xf32, #tpu.memory_space<hbm>> -> memref<100x128xf32, #tpu.memory_space<hbm>>
        %dma_wait3A_1888 = tpu.memref_slice %arg15[%dma_wait3A_1879] : memref<4x!tpu.dma_semaphore, #tpu.memory_space<semaphore_mem>> -> memref<1x!tpu.dma_semaphore, #tpu.memory_space<semaphore_mem>>
        %dma_wait3A_1889 = tpu.memref_squeeze %dma_wait3A_1888 : memref<1x!tpu.dma_semaphore, #tpu.memory_space<semaphore_mem>> -> memref<!tpu.dma_semaphore, #tpu.memory_space<semaphore_mem>>
        %dma_wait3A_1890 = arith.constant 0 : i32
        %dma_wait3A_1891 = arith.constant 0 : i32
        %dma_wait3A_1892 = tpu.memref_slice %arg8[%sub3A_1877, %dma_wait3A_1890, %dma_wait3A_1891] : memref<4096x100x128xf32, #tpu.memory_space<hbm>> -> memref<1x100x128xf32, #tpu.memory_space<hbm>>
        %dma_wait3A_1893 = tpu.memref_squeeze %dma_wait3A_1892 : memref<1x100x128xf32, #tpu.memory_space<hbm>> -> memref<100x128xf32, #tpu.memory_space<hbm>>
        %dma_wait3A_1894 = arith.constant 0 : i32
        %dma_wait3A_1895 = arith.constant 0 : i32
        %dma_wait3A_1896 = tpu.memref_slice %arg13[%dma_wait3A_1878, %dma_wait3A_1894, %dma_wait3A_1895] : memref<4x100x128xf32, #tpu.memory_space<vmem>> -> memref<1x100x128xf32, #tpu.memory_space<vmem>>
        %dma_wait3A_1897 = tpu.memref_squeeze %dma_wait3A_1896 : memref<1x100x128xf32, #tpu.memory_space<vmem>> -> memref<100x128xf32, #tpu.memory_space<vmem>>
        tpu.wait_dma2 semaphore(%dma_wait3A_1889 : memref<!tpu.dma_semaphore, #tpu.memory_space<semaphore_mem>>) src(%dma_wait3A_1897 : memref<100x128xf32, #tpu.memory_space<vmem>>) dst(%dma_wait3A_1893 : memref<100x128xf32, #tpu.memory_space<hbm>>)
      } else {
      }
      %dma_start3A_198 = arith.constant 0 : i32
      %dma_start3A_199 = arith.constant 2 : i32
      %dma_start3A_200 = arith.constant 2 : i32
      %dma_start3A_201 = arith.constant 2 : i32
      %dma_start3A_202 = arith.constant 0 : i32
      %dma_start3A_203 = arith.constant 0 : i32
      %dma_start3A_204 = tpu.memref_slice %arg13[%dma_start3A_200, %dma_start3A_202, %dma_start3A_203] : memref<4x100x128xf32, #tpu.memory_space<vmem>> -> memref<1x50x128xf32, #tpu.memory_space<vmem>>
      %dma_start3A_205 = tpu.memref_squeeze %dma_start3A_204 : memref<1x50x128xf32, #tpu.memory_space<vmem>> -> memref<50x128xf32, #tpu.memory_space<vmem>>
      %dma_start3A_206 = arith.constant 0 : i32
      %dma_start3A_207 = tpu.memref_slice %arg9[%dma_start3A_198, %dma_start3A_199, %dma_start3A_206] : memref<2x8x50xi32, #tpu.memory_space<vmem>> -> memref<1x1x50xi32, #tpu.memory_space<vmem>>
      %dma_start3A_208 = tpu.memref_squeeze %dma_start3A_207 : memref<1x1x50xi32, #tpu.memory_space<vmem>> -> memref<50xi32, #tpu.memory_space<vmem>>
      %dma_start3A_209 = arith.constant 0 : i32
      %dma_start3A_210 = arith.constant 0 : i32
      %dma_start3A_211 = tpu.memref_slice %arg4[%dma_start3A_209, %dma_start3A_210] : memref<100000x128xf32, #tpu.memory_space<hbm>> -> memref<100000x128xf32, #tpu.memory_space<hbm>>
      %dma_start3A_212 = tpu.memref_slice %arg14[%dma_start3A_201] : memref<4x!tpu.dma_semaphore, #tpu.memory_space<semaphore_mem>> -> memref<1x!tpu.dma_semaphore, #tpu.memory_space<semaphore_mem>>
      %dma_start3A_213 = tpu.memref_squeeze %dma_start3A_212 : memref<1x!tpu.dma_semaphore, #tpu.memory_space<semaphore_mem>> -> memref<!tpu.dma_semaphore, #tpu.memory_space<semaphore_mem>>
      tpu.enqueue_indirect_dma source(%dma_start3A_211 : memref<100000x128xf32, #tpu.memory_space<hbm>>) target(%dma_start3A_205 : memref<50x128xf32, #tpu.memory_space<vmem>>) offsets(%dma_start3A_208 : memref<50xi32, #tpu.memory_space<vmem>>) semaphore(%dma_start3A_213 : memref<!tpu.dma_semaphore, #tpu.memory_space<semaphore_mem>>)
      %dma_start3A_214 = arith.constant 0 : i32
      %dma_start3A_215 = arith.constant 2 : i32
      %dma_start3A_216 = arith.constant 2 : i32
      %dma_start3A_217 = arith.constant 2 : i32
      %dma_start3A_218 = arith.constant 50 : i32
      %dma_start3A_219 = arith.constant 0 : i32
      %dma_start3A_220 = tpu.memref_slice %arg13[%dma_start3A_216, %dma_start3A_218, %dma_start3A_219] : memref<4x100x128xf32, #tpu.memory_space<vmem>> -> memref<1x50x128xf32, #tpu.memory_space<vmem>>
      %dma_start3A_221 = tpu.memref_squeeze %dma_start3A_220 : memref<1x50x128xf32, #tpu.memory_space<vmem>> -> memref<50x128xf32, #tpu.memory_space<vmem>>
      %dma_start3A_222 = arith.constant 0 : i32
      %dma_start3A_223 = tpu.memref_slice %arg10[%dma_start3A_214, %dma_start3A_215, %dma_start3A_222] : memref<2x8x50xi32, #tpu.memory_space<vmem>> -> memref<1x1x50xi32, #tpu.memory_space<vmem>>
      %dma_start3A_224 = tpu.memref_squeeze %dma_start3A_223 : memref<1x1x50xi32, #tpu.memory_space<vmem>> -> memref<50xi32, #tpu.memory_space<vmem>>
      %dma_start3A_225 = arith.constant 0 : i32
      %dma_start3A_226 = arith.constant 0 : i32
      %dma_start3A_227 = tpu.memref_slice %arg5[%dma_start3A_225, %dma_start3A_226] : memref<100000x128xf32, #tpu.memory_space<hbm>> -> memref<100000x128xf32, #tpu.memory_space<hbm>>
      %dma_start3A_228 = tpu.memref_slice %arg14[%dma_start3A_217] : memref<4x!tpu.dma_semaphore, #tpu.memory_space<semaphore_mem>> -> memref<1x!tpu.dma_semaphore, #tpu.memory_space<semaphore_mem>>
      %dma_start3A_229 = tpu.memref_squeeze %dma_start3A_228 : memref<1x!tpu.dma_semaphore, #tpu.memory_space<semaphore_mem>> -> memref<!tpu.dma_semaphore, #tpu.memory_space<semaphore_mem>>
      tpu.enqueue_indirect_dma source(%dma_start3A_227 : memref<100000x128xf32, #tpu.memory_space<hbm>>) target(%dma_start3A_221 : memref<50x128xf32, #tpu.memory_space<vmem>>) offsets(%dma_start3A_224 : memref<50xi32, #tpu.memory_space<vmem>>) semaphore(%dma_start3A_229 : memref<!tpu.dma_semaphore, #tpu.memory_space<semaphore_mem>>)
      %mul3A_230 = arith.constant 8 : i32
      %mul3A_231 = arith.muli %mul3A_124, %mul3A_230 : i32
      %add3A_232 = arith.addi %mul3A_2, %mul3A_231 : i32
      %add3A_233 = arith.constant 1 : i32
      %add3A_234 = arith.addi %add3A_232, %add3A_233 : i32
      %dma_wait3A_235 = arith.constant 0 : i32
      %dma_wait3A_236 = arith.constant 1 : i32
      %dma_wait3A_237 = arith.constant 1 : i32
      %dma_wait3A_238 = arith.constant 1 : i32
      %dma_wait3A_239 = arith.constant 0 : i32
      %dma_wait3A_240 = arith.constant 0 : i32
      %dma_wait3A_241 = tpu.memref_slice %arg13[%dma_wait3A_237, %dma_wait3A_239, %dma_wait3A_240] : memref<4x100x128xf32, #tpu.memory_space<vmem>> -> memref<1x50x128xf32, #tpu.memory_space<vmem>>
      %dma_wait3A_242 = tpu.memref_squeeze %dma_wait3A_241 : memref<1x50x128xf32, #tpu.memory_space<vmem>> -> memref<50x128xf32, #tpu.memory_space<vmem>>
      %dma_wait3A_243 = arith.constant 0 : i32
      %dma_wait3A_244 = tpu.memref_slice %arg9[%dma_wait3A_235, %dma_wait3A_236, %dma_wait3A_243] : memref<2x8x50xi32, #tpu.memory_space<vmem>> -> memref<1x1x50xi32, #tpu.memory_space<vmem>>
      %dma_wait3A_245 = tpu.memref_squeeze %dma_wait3A_244 : memref<1x1x50xi32, #tpu.memory_space<vmem>> -> memref<50xi32, #tpu.memory_space<vmem>>
      %dma_wait3A_246 = arith.constant 0 : i32
      %dma_wait3A_247 = arith.constant 0 : i32
      %dma_wait3A_248 = tpu.memref_slice %arg4[%dma_wait3A_246, %dma_wait3A_247] : memref<100000x128xf32, #tpu.memory_space<hbm>> -> memref<100000x128xf32, #tpu.memory_space<hbm>>
      %dma_wait3A_249 = tpu.memref_slice %arg14[%dma_wait3A_238] : memref<4x!tpu.dma_semaphore, #tpu.memory_space<semaphore_mem>> -> memref<1x!tpu.dma_semaphore, #tpu.memory_space<semaphore_mem>>
      %dma_wait3A_250 = tpu.memref_squeeze %dma_wait3A_249 : memref<1x!tpu.dma_semaphore, #tpu.memory_space<semaphore_mem>> -> memref<!tpu.dma_semaphore, #tpu.memory_space<semaphore_mem>>
      tpu.wait_indirect_dma semaphore(%dma_wait3A_250 : memref<!tpu.dma_semaphore, #tpu.memory_space<semaphore_mem>>) src(%dma_wait3A_248 : memref<100000x128xf32, #tpu.memory_space<hbm>>) dst(%dma_wait3A_242 : memref<50x128xf32, #tpu.memory_space<vmem>>)
      %dma_wait3A_251 = arith.constant 0 : i32
      %dma_wait3A_252 = arith.constant 1 : i32
      %dma_wait3A_253 = arith.constant 1 : i32
      %dma_wait3A_254 = arith.constant 1 : i32
      %dma_wait3A_255 = arith.constant 50 : i32
      %dma_wait3A_256 = arith.constant 0 : i32
      %dma_wait3A_257 = tpu.memref_slice %arg13[%dma_wait3A_253, %dma_wait3A_255, %dma_wait3A_256] : memref<4x100x128xf32, #tpu.memory_space<vmem>> -> memref<1x50x128xf32, #tpu.memory_space<vmem>>
      %dma_wait3A_258 = tpu.memref_squeeze %dma_wait3A_257 : memref<1x50x128xf32, #tpu.memory_space<vmem>> -> memref<50x128xf32, #tpu.memory_space<vmem>>
      %dma_wait3A_259 = arith.constant 0 : i32
      %dma_wait3A_260 = tpu.memref_slice %arg10[%dma_wait3A_251, %dma_wait3A_252, %dma_wait3A_259] : memref<2x8x50xi32, #tpu.memory_space<vmem>> -> memref<1x1x50xi32, #tpu.memory_space<vmem>>
      %dma_wait3A_261 = tpu.memref_squeeze %dma_wait3A_260 : memref<1x1x50xi32, #tpu.memory_space<vmem>> -> memref<50xi32, #tpu.memory_space<vmem>>
      %dma_wait3A_262 = arith.constant 0 : i32
      %dma_wait3A_263 = arith.constant 0 : i32
      %dma_wait3A_264 = tpu.memref_slice %arg5[%dma_wait3A_262, %dma_wait3A_263] : memref<100000x128xf32, #tpu.memory_space<hbm>> -> memref<100000x128xf32, #tpu.memory_space<hbm>>
      %dma_wait3A_265 = tpu.memref_slice %arg14[%dma_wait3A_254] : memref<4x!tpu.dma_semaphore, #tpu.memory_space<semaphore_mem>> -> memref<1x!tpu.dma_semaphore, #tpu.memory_space<semaphore_mem>>
      %dma_wait3A_266 = tpu.memref_squeeze %dma_wait3A_265 : memref<1x!tpu.dma_semaphore, #tpu.memory_space<semaphore_mem>> -> memref<!tpu.dma_semaphore, #tpu.memory_space<semaphore_mem>>
      tpu.wait_indirect_dma semaphore(%dma_wait3A_266 : memref<!tpu.dma_semaphore, #tpu.memory_space<semaphore_mem>>) src(%dma_wait3A_264 : memref<100000x128xf32, #tpu.memory_space<hbm>>) dst(%dma_wait3A_258 : memref<50x128xf32, #tpu.memory_space<vmem>>)
      %scan3A_267 = arith.constant 0 : i32
      %scan3A_268 = arith.constant 0 : i32
      %scan3A_269 = arith.constant 50 : i32
      %scan3A_270 = arith.addi %scan3A_268, %scan3A_269 : i32
      %scan3A_271 = arith.constant 1 : i32
      %scan3A_272 = scf.for %scan3A_1876 = %scan3A_268 to %scan3A_270 step %scan3A_271 iter_args(%scan3A_1877 = %scan3A_267) -> (i32)  : i32 {
        %add3A_1878 = arith.constant 50 : i32
        %add3A_1879 = arith.addi %add3A_1878, %scan3A_1876 : i32
        %get3A = arith.index_cast %add3A_1879 : i32 to index
        %get3A_1880 = arith.constant 0 : index
        %get3A_1881 = tpu.vector_load %arg11[%get3A, %get3A_1880] {strides = array<i32>} : memref<200x34xf32, #tpu.memory_space<vmem>>, vector<1x16xf32>,
        %get3A_1882 = vector.shape_cast %get3A_1881 : vector<1x16xf32> to vector<16xf32>
        %swap3A = arith.constant 1 : i32
        %swap3A_1883 = arith.index_cast %swap3A : i32 to index
        %swap3A_1884 = arith.index_cast %scan3A_1876 : i32 to index
        %swap3A_1885 = arith.constant 94 : index
        %swap3A_1886 = tpu.vector_load %arg13[%swap3A_1883, %swap3A_1884, %swap3A_1885] {strides = array<i32>} : memref<4x100x128xf32, #tpu.memory_space<vmem>>, vector<1x1x16xf32>,
        %swap3A_1887 = vector.shape_cast %swap3A_1886 : vector<1x1x16xf32> to vector<16xf32>
        %swap3A_1888 = vector.shape_cast %get3A_1882 : vector<16xf32> to vector<1x1x16xf32>
        tpu.vector_store %arg13[%swap3A_1883, %swap3A_1884, %swap3A_1885], %swap3A_1888 {strides = array<i32>} : memref<4x100x128xf32, #tpu.memory_space<vmem>>, vector<1x1x16xf32>,
        %get3A_1889 = arith.index_cast %add3A_1879 : i32 to index
        %get3A_1890 = arith.constant 16 : index
        %get3A_1891 = tpu.vector_load %arg11[%get3A_1889, %get3A_1890] {strides = array<i32>} : memref<200x34xf32, #tpu.memory_space<vmem>>, vector<1x16xf32>,
        %get3A_1892 = vector.shape_cast %get3A_1891 : vector<1x16xf32> to vector<16xf32>
        %swap3A_1893 = arith.constant 1 : i32
        %swap3A_1894 = arith.index_cast %swap3A_1893 : i32 to index
        %swap3A_1895 = arith.index_cast %scan3A_1876 : i32 to index
        %swap3A_1896 = arith.constant 110 : index
        %swap3A_1897 = tpu.vector_load %arg13[%swap3A_1894, %swap3A_1895, %swap3A_1896] {strides = array<i32>} : memref<4x100x128xf32, #tpu.memory_space<vmem>>, vector<1x1x16xf32>,
        %swap3A_1898 = vector.shape_cast %swap3A_1897 : vector<1x1x16xf32> to vector<16xf32>
        %swap3A_1899 = vector.shape_cast %get3A_1892 : vector<16xf32> to vector<1x1x16xf32>
        tpu.vector_store %arg13[%swap3A_1894, %swap3A_1895, %swap3A_1896], %swap3A_1899 {strides = array<i32>} : memref<4x100x128xf32, #tpu.memory_space<vmem>>, vector<1x1x16xf32>,
        %get3A_1900 = arith.index_cast %add3A_1879 : i32 to index
        %get3A_1901 = arith.constant 18 : index
        %get3A_1902 = tpu.vector_load %arg11[%get3A_1900, %get3A_1901] {strides = array<i32>} : memref<200x34xf32, #tpu.memory_space<vmem>>, vector<1x16xf32>,
        %get3A_1903 = vector.shape_cast %get3A_1902 : vector<1x16xf32> to vector<16xf32>
        %swap3A_1904 = arith.constant 1 : i32
        %swap3A_1905 = arith.index_cast %swap3A_1904 : i32 to index
        %swap3A_1906 = arith.index_cast %scan3A_1876 : i32 to index
        %swap3A_1907 = arith.constant 112 : index
        %swap3A_1908 = tpu.vector_load %arg13[%swap3A_1905, %swap3A_1906, %swap3A_1907] {strides = array<i32>} : memref<4x100x128xf32, #tpu.memory_space<vmem>>, vector<1x1x16xf32>,
        %swap3A_1909 = vector.shape_cast %swap3A_1908 : vector<1x1x16xf32> to vector<16xf32>
        %swap3A_1910 = vector.shape_cast %get3A_1903 : vector<16xf32> to vector<1x1x16xf32>
        tpu.vector_store %arg13[%swap3A_1905, %swap3A_1906, %swap3A_1907], %swap3A_1910 {strides = array<i32>} : memref<4x100x128xf32, #tpu.memory_space<vmem>>, vector<1x1x16xf32>,
        %get3A_1911 = arith.index_cast %add3A_1879 : i32 to index
        %get3A_1912 = arith.constant 0 : index
        %get3A_1913 = tpu.vector_load %arg12[%get3A_1911, %get3A_1912] {strides = array<i32>} : memref<200x16xf32, #tpu.memory_space<vmem>>, vector<1x16xf32>,
        %get3A_1914 = vector.shape_cast %get3A_1913 : vector<1x16xf32> to vector<16xf32>
        %add3A_1915 = arith.constant 50 : i32
        %add3A_1916 = arith.addi %add3A_1915, %scan3A_1876 : i32
        %swap3A_1917 = arith.constant 1 : i32
        %swap3A_1918 = arith.index_cast %swap3A_1917 : i32 to index
        %swap3A_1919 = arith.index_cast %add3A_1916 : i32 to index
        %swap3A_1920 = arith.constant 112 : index
        %swap3A_1921 = tpu.vector_load %arg13[%swap3A_1918, %swap3A_1919, %swap3A_1920] {strides = array<i32>} : memref<4x100x128xf32, #tpu.memory_space<vmem>>, vector<1x1x16xf32>,
        %swap3A_1922 = vector.shape_cast %swap3A_1921 : vector<1x1x16xf32> to vector<16xf32>
        %swap3A_1923 = vector.shape_cast %get3A_1914 : vector<16xf32> to vector<1x1x16xf32>
        tpu.vector_store %arg13[%swap3A_1918, %swap3A_1919, %swap3A_1920], %swap3A_1923 {strides = array<i32>} : memref<4x100x128xf32, #tpu.memory_space<vmem>>, vector<1x1x16xf32>,
        %scan3A_1924 = arith.constant 0 : i32
        scf.yield %scan3A_1924 : i32
      }
      %scan3A_273 = arith.constant 50 : i32
      %dma_start3A_274 = arith.constant 1 : i32
      %dma_start3A_275 = arith.constant 1 : i32
      %dma_start3A_276 = arith.constant 0 : i32
      %dma_start3A_277 = arith.constant 0 : i32
      %dma_start3A_278 = tpu.memref_slice %arg13[%dma_start3A_274, %dma_start3A_276, %dma_start3A_277] : memref<4x100x128xf32, #tpu.memory_space<vmem>> -> memref<1x100x128xf32, #tpu.memory_space<vmem>>
      %dma_start3A_279 = tpu.memref_squeeze %dma_start3A_278 : memref<1x100x128xf32, #tpu.memory_space<vmem>> -> memref<100x128xf32, #tpu.memory_space<vmem>>
      %dma_start3A_280 = arith.constant 0 : i32
      %dma_start3A_281 = arith.constant 0 : i32
      %dma_start3A_282 = tpu.memref_slice %arg8[%add3A_234, %dma_start3A_280, %dma_start3A_281] : memref<4096x100x128xf32, #tpu.memory_space<hbm>> -> memref<1x100x128xf32, #tpu.memory_space<hbm>>
      %dma_start3A_283 = tpu.memref_squeeze %dma_start3A_282 : memref<1x100x128xf32, #tpu.memory_space<hbm>> -> memref<100x128xf32, #tpu.memory_space<hbm>>
      %dma_start3A_284 = tpu.memref_slice %arg15[%dma_start3A_275] : memref<4x!tpu.dma_semaphore, #tpu.memory_space<semaphore_mem>> -> memref<1x!tpu.dma_semaphore, #tpu.memory_space<semaphore_mem>>
      %dma_start3A_285 = tpu.memref_squeeze %dma_start3A_284 : memref<1x!tpu.dma_semaphore, #tpu.memory_space<semaphore_mem>> -> memref<!tpu.dma_semaphore, #tpu.memory_space<semaphore_mem>>
      %dma_start3A_286 = arith.constant 0 : i32
      %dma_start3A_287 = arith.constant 0 : i32
      %dma_start3A_288 = tpu.memref_slice %arg8[%add3A_234, %dma_start3A_286, %dma_start3A_287] : memref<4096x100x128xf32, #tpu.memory_space<hbm>> -> memref<1x100x128xf32, #tpu.memory_space<hbm>>
      %dma_start3A_289 = tpu.memref_squeeze %dma_start3A_288 : memref<1x100x128xf32, #tpu.memory_space<hbm>> -> memref<100x128xf32, #tpu.memory_space<hbm>>
      %dma_start3A_290 = arith.constant 0 : i32
      %dma_start3A_291 = arith.constant 0 : i32
      %dma_start3A_292 = tpu.memref_slice %arg13[%dma_start3A_274, %dma_start3A_290, %dma_start3A_291] : memref<4x100x128xf32, #tpu.memory_space<vmem>> -> memref<1x100x128xf32, #tpu.memory_space<vmem>>
      %dma_start3A_293 = tpu.memref_squeeze %dma_start3A_292 : memref<1x100x128xf32, #tpu.memory_space<vmem>> -> memref<100x128xf32, #tpu.memory_space<vmem>>
      tpu.enqueue_dma source(%dma_start3A_293 : memref<100x128xf32, #tpu.memory_space<vmem>>) target(%dma_start3A_289 : memref<100x128xf32, #tpu.memory_space<hbm>>) target_semaphore(%dma_start3A_285 : memref<!tpu.dma_semaphore, #tpu.memory_space<semaphore_mem>>)
      %gt3A_294 = arith.constant 0 : i32
      %gt3A_295 = arith.cmpi sgt, %mul3A_124, %gt3A_294 : i32
      %convert_element_type3A_296 = arith.extui %gt3A_295 : i1 to i32
      %cond3A_297 = arith.constant 0 : i32
      %cond3A_298 = arith.cmpi ne, %convert_element_type3A_296, %cond3A_297 : i32
      scf.if %cond3A_298 {
        %sub3A_1876 = arith.constant 2 : i32
        %sub3A_1877 = arith.subi %add3A_234, %sub3A_1876 : i32
        %dma_wait3A_1878 = arith.constant 3 : i32
        %dma_wait3A_1879 = arith.constant 3 : i32
        %dma_wait3A_1880 = arith.constant 0 : i32
        %dma_wait3A_1881 = arith.constant 0 : i32
        %dma_wait3A_1882 = tpu.memref_slice %arg13[%dma_wait3A_1878, %dma_wait3A_1880, %dma_wait3A_1881] : memref<4x100x128xf32, #tpu.memory_space<vmem>> -> memref<1x100x128xf32, #tpu.memory_space<vmem>>
        %dma_wait3A_1883 = tpu.memref_squeeze %dma_wait3A_1882 : memref<1x100x128xf32, #tpu.memory_space<vmem>> -> memref<100x128xf32, #tpu.memory_space<vmem>>
        %dma_wait3A_1884 = arith.constant 0 : i32
        %dma_wait3A_1885 = arith.constant 0 : i32
        %dma_wait3A_1886 = tpu.memref_slice %arg8[%sub3A_1877, %dma_wait3A_1884, %dma_wait3A_1885] : memref<4096x100x128xf32, #tpu.memory_space<hbm>> -> memref<1x100x128xf32, #tpu.memory_space<hbm>>
        %dma_wait3A_1887 = tpu.memref_squeeze %dma_wait3A_1886 : memref<1x100x128xf32, #tpu.memory_space<hbm>> -> memref<100x128xf32, #tpu.memory_space<hbm>>
        %dma_wait3A_1888 = tpu.memref_slice %arg15[%dma_wait3A_1879] : memref<4x!tpu.dma_semaphore, #tpu.memory_space<semaphore_mem>> -> memref<1x!tpu.dma_semaphore, #tpu.memory_space<semaphore_mem>>
        %dma_wait3A_1889 = tpu.memref_squeeze %dma_wait3A_1888 : memref<1x!tpu.dma_semaphore, #tpu.memory_space<semaphore_mem>> -> memref<!tpu.dma_semaphore, #tpu.memory_space<semaphore_mem>>
        %dma_wait3A_1890 = arith.constant 0 : i32
        %dma_wait3A_1891 = arith.constant 0 : i32
        %dma_wait3A_1892 = tpu.memref_slice %arg8[%sub3A_1877, %dma_wait3A_1890, %dma_wait3A_1891] : memref<4096x100x128xf32, #tpu.memory_space<hbm>> -> memref<1x100x128xf32, #tpu.memory_space<hbm>>
        %dma_wait3A_1893 = tpu.memref_squeeze %dma_wait3A_1892 : memref<1x100x128xf32, #tpu.memory_space<hbm>> -> memref<100x128xf32, #tpu.memory_space<hbm>>
        %dma_wait3A_1894 = arith.constant 0 : i32
        %dma_wait3A_1895 = arith.constant 0 : i32
        %dma_wait3A_1896 = tpu.memref_slice %arg13[%dma_wait3A_1878, %dma_wait3A_1894, %dma_wait3A_1895] : memref<4x100x128xf32, #tpu.memory_space<vmem>> -> memref<1x100x128xf32, #tpu.memory_space<vmem>>
        %dma_wait3A_1897 = tpu.memref_squeeze %dma_wait3A_1896 : memref<1x100x128xf32, #tpu.memory_space<vmem>> -> memref<100x128xf32, #tpu.memory_space<vmem>>
        tpu.wait_dma2 semaphore(%dma_wait3A_1889 : memref<!tpu.dma_semaphore, #tpu.memory_space<semaphore_mem>>) src(%dma_wait3A_1897 : memref<100x128xf32, #tpu.memory_space<vmem>>) dst(%dma_wait3A_1893 : memref<100x128xf32, #tpu.memory_space<hbm>>)
      } else {
      }
      %dma_start3A_299 = arith.constant 0 : i32
      %dma_start3A_300 = arith.constant 3 : i32
      %dma_start3A_301 = arith.constant 3 : i32
      %dma_start3A_302 = arith.constant 3 : i32
      %dma_start3A_303 = arith.constant 0 : i32
      %dma_start3A_304 = arith.constant 0 : i32
      %dma_start3A_305 = tpu.memref_slice %arg13[%dma_start3A_301, %dma_start3A_303, %dma_start3A_304] : memref<4x100x128xf32, #tpu.memory_space<vmem>> -> memref<1x50x128xf32, #tpu.memory_space<vmem>>
      %dma_start3A_306 = tpu.memref_squeeze %dma_start3A_305 : memref<1x50x128xf32, #tpu.memory_space<vmem>> -> memref<50x128xf32, #tpu.memory_space<vmem>>
      %dma_start3A_307 = arith.constant 0 : i32
      %dma_start3A_308 = tpu.memref_slice %arg9[%dma_start3A_299, %dma_start3A_300, %dma_start3A_307] : memref<2x8x50xi32, #tpu.memory_space<vmem>> -> memref<1x1x50xi32, #tpu.memory_space<vmem>>
      %dma_start3A_309 = tpu.memref_squeeze %dma_start3A_308 : memref<1x1x50xi32, #tpu.memory_space<vmem>> -> memref<50xi32, #tpu.memory_space<vmem>>
      %dma_start3A_310 = arith.constant 0 : i32
      %dma_start3A_311 = arith.constant 0 : i32
      %dma_start3A_312 = tpu.memref_slice %arg4[%dma_start3A_310, %dma_start3A_311] : memref<100000x128xf32, #tpu.memory_space<hbm>> -> memref<100000x128xf32, #tpu.memory_space<hbm>>
      %dma_start3A_313 = tpu.memref_slice %arg14[%dma_start3A_302] : memref<4x!tpu.dma_semaphore, #tpu.memory_space<semaphore_mem>> -> memref<1x!tpu.dma_semaphore, #tpu.memory_space<semaphore_mem>>
      %dma_start3A_314 = tpu.memref_squeeze %dma_start3A_313 : memref<1x!tpu.dma_semaphore, #tpu.memory_space<semaphore_mem>> -> memref<!tpu.dma_semaphore, #tpu.memory_space<semaphore_mem>>
      tpu.enqueue_indirect_dma source(%dma_start3A_312 : memref<100000x128xf32, #tpu.memory_space<hbm>>) target(%dma_start3A_306 : memref<50x128xf32, #tpu.memory_space<vmem>>) offsets(%dma_start3A_309 : memref<50xi32, #tpu.memory_space<vmem>>) semaphore(%dma_start3A_314 : memref<!tpu.dma_semaphore, #tpu.memory_space<semaphore_mem>>)
      %dma_start3A_315 = arith.constant 0 : i32
      %dma_start3A_316 = arith.constant 3 : i32
      %dma_start3A_317 = arith.constant 3 : i32
      %dma_start3A_318 = arith.constant 3 : i32
      %dma_start3A_319 = arith.constant 50 : i32
      %dma_start3A_320 = arith.constant 0 : i32
      %dma_start3A_321 = tpu.memref_slice %arg13[%dma_start3A_317, %dma_start3A_319, %dma_start3A_320] : memref<4x100x128xf32, #tpu.memory_space<vmem>> -> memref<1x50x128xf32, #tpu.memory_space<vmem>>
      %dma_start3A_322 = tpu.memref_squeeze %dma_start3A_321 : memref<1x50x128xf32, #tpu.memory_space<vmem>> -> memref<50x128xf32, #tpu.memory_space<vmem>>
      %dma_start3A_323 = arith.constant 0 : i32
      %dma_start3A_324 = tpu.memref_slice %arg10[%dma_start3A_315, %dma_start3A_316, %dma_start3A_323] : memref<2x8x50xi32, #tpu.memory_space<vmem>> -> memref<1x1x50xi32, #tpu.memory_space<vmem>>
      %dma_start3A_325 = tpu.memref_squeeze %dma_start3A_324 : memref<1x1x50xi32, #tpu.memory_space<vmem>> -> memref<50xi32, #tpu.memory_space<vmem>>
      %dma_start3A_326 = arith.constant 0 : i32
      %dma_start3A_327 = arith.constant 0 : i32
      %dma_start3A_328 = tpu.memref_slice %arg5[%dma_start3A_326, %dma_start3A_327] : memref<100000x128xf32, #tpu.memory_space<hbm>> -> memref<100000x128xf32, #tpu.memory_space<hbm>>
      %dma_start3A_329 = tpu.memref_slice %arg14[%dma_start3A_318] : memref<4x!tpu.dma_semaphore, #tpu.memory_space<semaphore_mem>> -> memref<1x!tpu.dma_semaphore, #tpu.memory_space<semaphore_mem>>
      %dma_start3A_330 = tpu.memref_squeeze %dma_start3A_329 : memref<1x!tpu.dma_semaphore, #tpu.memory_space<semaphore_mem>> -> memref<!tpu.dma_semaphore, #tpu.memory_space<semaphore_mem>>
      tpu.enqueue_indirect_dma source(%dma_start3A_328 : memref<100000x128xf32, #tpu.memory_space<hbm>>) target(%dma_start3A_322 : memref<50x128xf32, #tpu.memory_space<vmem>>) offsets(%dma_start3A_325 : memref<50xi32, #tpu.memory_space<vmem>>) semaphore(%dma_start3A_330 : memref<!tpu.dma_semaphore, #tpu.memory_space<semaphore_mem>>)
      %mul3A_331 = arith.constant 8 : i32
      %mul3A_332 = arith.muli %mul3A_124, %mul3A_331 : i32
      %add3A_333 = arith.addi %mul3A_2, %mul3A_332 : i32
      %add3A_334 = arith.constant 2 : i32
      %add3A_335 = arith.addi %add3A_333, %add3A_334 : i32
      %dma_wait3A_336 = arith.constant 0 : i32
      %dma_wait3A_337 = arith.constant 2 : i32
      %dma_wait3A_338 = arith.constant 2 : i32
      %dma_wait3A_339 = arith.constant 2 : i32
      %dma_wait3A_340 = arith.constant 0 : i32
      %dma_wait3A_341 = arith.constant 0 : i32
      %dma_wait3A_342 = tpu.memref_slice %arg13[%dma_wait3A_338, %dma_wait3A_340, %dma_wait3A_341] : memref<4x100x128xf32, #tpu.memory_space<vmem>> -> memref<1x50x128xf32, #tpu.memory_space<vmem>>
      %dma_wait3A_343 = tpu.memref_squeeze %dma_wait3A_342 : memref<1x50x128xf32, #tpu.memory_space<vmem>> -> memref<50x128xf32, #tpu.memory_space<vmem>>
      %dma_wait3A_344 = arith.constant 0 : i32
      %dma_wait3A_345 = tpu.memref_slice %arg9[%dma_wait3A_336, %dma_wait3A_337, %dma_wait3A_344] : memref<2x8x50xi32, #tpu.memory_space<vmem>> -> memref<1x1x50xi32, #tpu.memory_space<vmem>>
      %dma_wait3A_346 = tpu.memref_squeeze %dma_wait3A_345 : memref<1x1x50xi32, #tpu.memory_space<vmem>> -> memref<50xi32, #tpu.memory_space<vmem>>
      %dma_wait3A_347 = arith.constant 0 : i32
      %dma_wait3A_348 = arith.constant 0 : i32
      %dma_wait3A_349 = tpu.memref_slice %arg4[%dma_wait3A_347, %dma_wait3A_348] : memref<100000x128xf32, #tpu.memory_space<hbm>> -> memref<100000x128xf32, #tpu.memory_space<hbm>>
      %dma_wait3A_350 = tpu.memref_slice %arg14[%dma_wait3A_339] : memref<4x!tpu.dma_semaphore, #tpu.memory_space<semaphore_mem>> -> memref<1x!tpu.dma_semaphore, #tpu.memory_space<semaphore_mem>>
      %dma_wait3A_351 = tpu.memref_squeeze %dma_wait3A_350 : memref<1x!tpu.dma_semaphore, #tpu.memory_space<semaphore_mem>> -> memref<!tpu.dma_semaphore, #tpu.memory_space<semaphore_mem>>
      tpu.wait_indirect_dma semaphore(%dma_wait3A_351 : memref<!tpu.dma_semaphore, #tpu.memory_space<semaphore_mem>>) src(%dma_wait3A_349 : memref<100000x128xf32, #tpu.memory_space<hbm>>) dst(%dma_wait3A_343 : memref<50x128xf32, #tpu.memory_space<vmem>>)
      %dma_wait3A_352 = arith.constant 0 : i32
      %dma_wait3A_353 = arith.constant 2 : i32
      %dma_wait3A_354 = arith.constant 2 : i32
      %dma_wait3A_355 = arith.constant 2 : i32
      %dma_wait3A_356 = arith.constant 50 : i32
      %dma_wait3A_357 = arith.constant 0 : i32
      %dma_wait3A_358 = tpu.memref_slice %arg13[%dma_wait3A_354, %dma_wait3A_356, %dma_wait3A_357] : memref<4x100x128xf32, #tpu.memory_space<vmem>> -> memref<1x50x128xf32, #tpu.memory_space<vmem>>
      %dma_wait3A_359 = tpu.memref_squeeze %dma_wait3A_358 : memref<1x50x128xf32, #tpu.memory_space<vmem>> -> memref<50x128xf32, #tpu.memory_space<vmem>>
      %dma_wait3A_360 = arith.constant 0 : i32
      %dma_wait3A_361 = tpu.memref_slice %arg10[%dma_wait3A_352, %dma_wait3A_353, %dma_wait3A_360] : memref<2x8x50xi32, #tpu.memory_space<vmem>> -> memref<1x1x50xi32, #tpu.memory_space<vmem>>
      %dma_wait3A_362 = tpu.memref_squeeze %dma_wait3A_361 : memref<1x1x50xi32, #tpu.memory_space<vmem>> -> memref<50xi32, #tpu.memory_space<vmem>>
      %dma_wait3A_363 = arith.constant 0 : i32
      %dma_wait3A_364 = arith.constant 0 : i32
      %dma_wait3A_365 = tpu.memref_slice %arg5[%dma_wait3A_363, %dma_wait3A_364] : memref<100000x128xf32, #tpu.memory_space<hbm>> -> memref<100000x128xf32, #tpu.memory_space<hbm>>
      %dma_wait3A_366 = tpu.memref_slice %arg14[%dma_wait3A_355] : memref<4x!tpu.dma_semaphore, #tpu.memory_space<semaphore_mem>> -> memref<1x!tpu.dma_semaphore, #tpu.memory_space<semaphore_mem>>
      %dma_wait3A_367 = tpu.memref_squeeze %dma_wait3A_366 : memref<1x!tpu.dma_semaphore, #tpu.memory_space<semaphore_mem>> -> memref<!tpu.dma_semaphore, #tpu.memory_space<semaphore_mem>>
      tpu.wait_indirect_dma semaphore(%dma_wait3A_367 : memref<!tpu.dma_semaphore, #tpu.memory_space<semaphore_mem>>) src(%dma_wait3A_365 : memref<100000x128xf32, #tpu.memory_space<hbm>>) dst(%dma_wait3A_359 : memref<50x128xf32, #tpu.memory_space<vmem>>)
      %scan3A_368 = arith.constant 0 : i32
      %scan3A_369 = arith.constant 0 : i32
      %scan3A_370 = arith.constant 50 : i32
      %scan3A_371 = arith.addi %scan3A_369, %scan3A_370 : i32
      %scan3A_372 = arith.constant 1 : i32
      %scan3A_373 = scf.for %scan3A_1876 = %scan3A_369 to %scan3A_371 step %scan3A_372 iter_args(%scan3A_1877 = %scan3A_368) -> (i32)  : i32 {
        %add3A_1878 = arith.constant 100 : i32
        %add3A_1879 = arith.addi %add3A_1878, %scan3A_1876 : i32
        %get3A = arith.index_cast %add3A_1879 : i32 to index
        %get3A_1880 = arith.constant 0 : index
        %get3A_1881 = tpu.vector_load %arg11[%get3A, %get3A_1880] {strides = array<i32>} : memref<200x34xf32, #tpu.memory_space<vmem>>, vector<1x16xf32>,
        %get3A_1882 = vector.shape_cast %get3A_1881 : vector<1x16xf32> to vector<16xf32>
        %swap3A = arith.constant 2 : i32
        %swap3A_1883 = arith.index_cast %swap3A : i32 to index
        %swap3A_1884 = arith.index_cast %scan3A_1876 : i32 to index
        %swap3A_1885 = arith.constant 94 : index
        %swap3A_1886 = tpu.vector_load %arg13[%swap3A_1883, %swap3A_1884, %swap3A_1885] {strides = array<i32>} : memref<4x100x128xf32, #tpu.memory_space<vmem>>, vector<1x1x16xf32>,
        %swap3A_1887 = vector.shape_cast %swap3A_1886 : vector<1x1x16xf32> to vector<16xf32>
        %swap3A_1888 = vector.shape_cast %get3A_1882 : vector<16xf32> to vector<1x1x16xf32>
        tpu.vector_store %arg13[%swap3A_1883, %swap3A_1884, %swap3A_1885], %swap3A_1888 {strides = array<i32>} : memref<4x100x128xf32, #tpu.memory_space<vmem>>, vector<1x1x16xf32>,
        %get3A_1889 = arith.index_cast %add3A_1879 : i32 to index
        %get3A_1890 = arith.constant 16 : index
        %get3A_1891 = tpu.vector_load %arg11[%get3A_1889, %get3A_1890] {strides = array<i32>} : memref<200x34xf32, #tpu.memory_space<vmem>>, vector<1x16xf32>,
        %get3A_1892 = vector.shape_cast %get3A_1891 : vector<1x16xf32> to vector<16xf32>
        %swap3A_1893 = arith.constant 2 : i32
        %swap3A_1894 = arith.index_cast %swap3A_1893 : i32 to index
        %swap3A_1895 = arith.index_cast %scan3A_1876 : i32 to index
        %swap3A_1896 = arith.constant 110 : index
        %swap3A_1897 = tpu.vector_load %arg13[%swap3A_1894, %swap3A_1895, %swap3A_1896] {strides = array<i32>} : memref<4x100x128xf32, #tpu.memory_space<vmem>>, vector<1x1x16xf32>,
        %swap3A_1898 = vector.shape_cast %swap3A_1897 : vector<1x1x16xf32> to vector<16xf32>
        %swap3A_1899 = vector.shape_cast %get3A_1892 : vector<16xf32> to vector<1x1x16xf32>
        tpu.vector_store %arg13[%swap3A_1894, %swap3A_1895, %swap3A_1896], %swap3A_1899 {strides = array<i32>} : memref<4x100x128xf32, #tpu.memory_space<vmem>>, vector<1x1x16xf32>,
        %get3A_1900 = arith.index_cast %add3A_1879 : i32 to index
        %get3A_1901 = arith.constant 18 : index
        %get3A_1902 = tpu.vector_load %arg11[%get3A_1900, %get3A_1901] {strides = array<i32>} : memref<200x34xf32, #tpu.memory_space<vmem>>, vector<1x16xf32>,
        %get3A_1903 = vector.shape_cast %get3A_1902 : vector<1x16xf32> to vector<16xf32>
        %swap3A_1904 = arith.constant 2 : i32
        %swap3A_1905 = arith.index_cast %swap3A_1904 : i32 to index
        %swap3A_1906 = arith.index_cast %scan3A_1876 : i32 to index
        %swap3A_1907 = arith.constant 112 : index
        %swap3A_1908 = tpu.vector_load %arg13[%swap3A_1905, %swap3A_1906, %swap3A_1907] {strides = array<i32>} : memref<4x100x128xf32, #tpu.memory_space<vmem>>, vector<1x1x16xf32>,
        %swap3A_1909 = vector.shape_cast %swap3A_1908 : vector<1x1x16xf32> to vector<16xf32>
        %swap3A_1910 = vector.shape_cast %get3A_1903 : vector<16xf32> to vector<1x1x16xf32>
        tpu.vector_store %arg13[%swap3A_1905, %swap3A_1906, %swap3A_1907], %swap3A_1910 {strides = array<i32>} : memref<4x100x128xf32, #tpu.memory_space<vmem>>, vector<1x1x16xf32>,
        %get3A_1911 = arith.index_cast %add3A_1879 : i32 to index
        %get3A_1912 = arith.constant 0 : index
        %get3A_1913 = tpu.vector_load %arg12[%get3A_1911, %get3A_1912] {strides = array<i32>} : memref<200x16xf32, #tpu.memory_space<vmem>>, vector<1x16xf32>,
        %get3A_1914 = vector.shape_cast %get3A_1913 : vector<1x16xf32> to vector<16xf32>
        %add3A_1915 = arith.constant 50 : i32
        %add3A_1916 = arith.addi %add3A_1915, %scan3A_1876 : i32
        %swap3A_1917 = arith.constant 2 : i32
        %swap3A_1918 = arith.index_cast %swap3A_1917 : i32 to index
        %swap3A_1919 = arith.index_cast %add3A_1916 : i32 to index
        %swap3A_1920 = arith.constant 112 : index
        %swap3A_1921 = tpu.vector_load %arg13[%swap3A_1918, %swap3A_1919, %swap3A_1920] {strides = array<i32>} : memref<4x100x128xf32, #tpu.memory_space<vmem>>, vector<1x1x16xf32>,
        %swap3A_1922 = vector.shape_cast %swap3A_1921 : vector<1x1x16xf32> to vector<16xf32>
        %swap3A_1923 = vector.shape_cast %get3A_1914 : vector<16xf32> to vector<1x1x16xf32>
        tpu.vector_store %arg13[%swap3A_1918, %swap3A_1919, %swap3A_1920], %swap3A_1923 {strides = array<i32>} : memref<4x100x128xf32, #tpu.memory_space<vmem>>, vector<1x1x16xf32>,
        %scan3A_1924 = arith.constant 0 : i32
        scf.yield %scan3A_1924 : i32
      }
      %scan3A_374 = arith.constant 50 : i32
      %dma_start3A_375 = arith.constant 2 : i32
      %dma_start3A_376 = arith.constant 2 : i32
      %dma_start3A_377 = arith.constant 0 : i32
      %dma_start3A_378 = arith.constant 0 : i32
      %dma_start3A_379 = tpu.memref_slice %arg13[%dma_start3A_375, %dma_start3A_377, %dma_start3A_378] : memref<4x100x128xf32, #tpu.memory_space<vmem>> -> memref<1x100x128xf32, #tpu.memory_space<vmem>>
      %dma_start3A_380 = tpu.memref_squeeze %dma_start3A_379 : memref<1x100x128xf32, #tpu.memory_space<vmem>> -> memref<100x128xf32, #tpu.memory_space<vmem>>
      %dma_start3A_381 = arith.constant 0 : i32
      %dma_start3A_382 = arith.constant 0 : i32
      %dma_start3A_383 = tpu.memref_slice %arg8[%add3A_335, %dma_start3A_381, %dma_start3A_382] : memref<4096x100x128xf32, #tpu.memory_space<hbm>> -> memref<1x100x128xf32, #tpu.memory_space<hbm>>
      %dma_start3A_384 = tpu.memref_squeeze %dma_start3A_383 : memref<1x100x128xf32, #tpu.memory_space<hbm>> -> memref<100x128xf32, #tpu.memory_space<hbm>>
      %dma_start3A_385 = tpu.memref_slice %arg15[%dma_start3A_376] : memref<4x!tpu.dma_semaphore, #tpu.memory_space<semaphore_mem>> -> memref<1x!tpu.dma_semaphore, #tpu.memory_space<semaphore_mem>>
      %dma_start3A_386 = tpu.memref_squeeze %dma_start3A_385 : memref<1x!tpu.dma_semaphore, #tpu.memory_space<semaphore_mem>> -> memref<!tpu.dma_semaphore, #tpu.memory_space<semaphore_mem>>
      %dma_start3A_387 = arith.constant 0 : i32
      %dma_start3A_388 = arith.constant 0 : i32
      %dma_start3A_389 = tpu.memref_slice %arg8[%add3A_335, %dma_start3A_387, %dma_start3A_388] : memref<4096x100x128xf32, #tpu.memory_space<hbm>> -> memref<1x100x128xf32, #tpu.memory_space<hbm>>
      %dma_start3A_390 = tpu.memref_squeeze %dma_start3A_389 : memref<1x100x128xf32, #tpu.memory_space<hbm>> -> memref<100x128xf32, #tpu.memory_space<hbm>>
      %dma_start3A_391 = arith.constant 0 : i32
      %dma_start3A_392 = arith.constant 0 : i32
      %dma_start3A_393 = tpu.memref_slice %arg13[%dma_start3A_375, %dma_start3A_391, %dma_start3A_392] : memref<4x100x128xf32, #tpu.memory_space<vmem>> -> memref<1x100x128xf32, #tpu.memory_space<vmem>>
      %dma_start3A_394 = tpu.memref_squeeze %dma_start3A_393 : memref<1x100x128xf32, #tpu.memory_space<vmem>> -> memref<100x128xf32, #tpu.memory_space<vmem>>
      tpu.enqueue_dma source(%dma_start3A_394 : memref<100x128xf32, #tpu.memory_space<vmem>>) target(%dma_start3A_390 : memref<100x128xf32, #tpu.memory_space<hbm>>) target_semaphore(%dma_start3A_386 : memref<!tpu.dma_semaphore, #tpu.memory_space<semaphore_mem>>)
      %sub3A_395 = arith.constant 2 : i32
      %sub3A_396 = arith.subi %add3A_335, %sub3A_395 : i32
      %dma_wait3A_397 = arith.constant 0 : i32
      %dma_wait3A_398 = arith.constant 0 : i32
      %dma_wait3A_399 = arith.constant 0 : i32
      %dma_wait3A_400 = arith.constant 0 : i32
      %dma_wait3A_401 = tpu.memref_slice %arg13[%dma_wait3A_397, %dma_wait3A_399, %dma_wait3A_400] : memref<4x100x128xf32, #tpu.memory_space<vmem>> -> memref<1x100x128xf32, #tpu.memory_space<vmem>>
      %dma_wait3A_402 = tpu.memref_squeeze %dma_wait3A_401 : memref<1x100x128xf32, #tpu.memory_space<vmem>> -> memref<100x128xf32, #tpu.memory_space<vmem>>
      %dma_wait3A_403 = arith.constant 0 : i32
      %dma_wait3A_404 = arith.constant 0 : i32
      %dma_wait3A_405 = tpu.memref_slice %arg8[%sub3A_396, %dma_wait3A_403, %dma_wait3A_404] : memref<4096x100x128xf32, #tpu.memory_space<hbm>> -> memref<1x100x128xf32, #tpu.memory_space<hbm>>
      %dma_wait3A_406 = tpu.memref_squeeze %dma_wait3A_405 : memref<1x100x128xf32, #tpu.memory_space<hbm>> -> memref<100x128xf32, #tpu.memory_space<hbm>>
      %dma_wait3A_407 = tpu.memref_slice %arg15[%dma_wait3A_398] : memref<4x!tpu.dma_semaphore, #tpu.memory_space<semaphore_mem>> -> memref<1x!tpu.dma_semaphore, #tpu.memory_space<semaphore_mem>>
      %dma_wait3A_408 = tpu.memref_squeeze %dma_wait3A_407 : memref<1x!tpu.dma_semaphore, #tpu.memory_space<semaphore_mem>> -> memref<!tpu.dma_semaphore, #tpu.memory_space<semaphore_mem>>
      %dma_wait3A_409 = arith.constant 0 : i32
      %dma_wait3A_410 = arith.constant 0 : i32
      %dma_wait3A_411 = tpu.memref_slice %arg8[%sub3A_396, %dma_wait3A_409, %dma_wait3A_410] : memref<4096x100x128xf32, #tpu.memory_space<hbm>> -> memref<1x100x128xf32, #tpu.memory_space<hbm>>
      %dma_wait3A_412 = tpu.memref_squeeze %dma_wait3A_411 : memref<1x100x128xf32, #tpu.memory_space<hbm>> -> memref<100x128xf32, #tpu.memory_space<hbm>>
      %dma_wait3A_413 = arith.constant 0 : i32
      %dma_wait3A_414 = arith.constant 0 : i32
      %dma_wait3A_415 = tpu.memref_slice %arg13[%dma_wait3A_397, %dma_wait3A_413, %dma_wait3A_414] : memref<4x100x128xf32, #tpu.memory_space<vmem>> -> memref<1x100x128xf32, #tpu.memory_space<vmem>>
      %dma_wait3A_416 = tpu.memref_squeeze %dma_wait3A_415 : memref<1x100x128xf32, #tpu.memory_space<vmem>> -> memref<100x128xf32, #tpu.memory_space<vmem>>
      tpu.wait_dma2 semaphore(%dma_wait3A_408 : memref<!tpu.dma_semaphore, #tpu.memory_space<semaphore_mem>>) src(%dma_wait3A_416 : memref<100x128xf32, #tpu.memory_space<vmem>>) dst(%dma_wait3A_412 : memref<100x128xf32, #tpu.memory_space<hbm>>)
      %dma_start3A_417 = arith.constant 0 : i32
      %dma_start3A_418 = arith.constant 4 : i32
      %dma_start3A_419 = arith.constant 0 : i32
      %dma_start3A_420 = arith.constant 0 : i32
      %dma_start3A_421 = arith.constant 0 : i32
      %dma_start3A_422 = arith.constant 0 : i32
      %dma_start3A_423 = tpu.memref_slice %arg13[%dma_start3A_419, %dma_start3A_421, %dma_start3A_422] : memref<4x100x128xf32, #tpu.memory_space<vmem>> -> memref<1x50x128xf32, #tpu.memory_space<vmem>>
      %dma_start3A_424 = tpu.memref_squeeze %dma_start3A_423 : memref<1x50x128xf32, #tpu.memory_space<vmem>> -> memref<50x128xf32, #tpu.memory_space<vmem>>
      %dma_start3A_425 = arith.constant 0 : i32
      %dma_start3A_426 = tpu.memref_slice %arg9[%dma_start3A_417, %dma_start3A_418, %dma_start3A_425] : memref<2x8x50xi32, #tpu.memory_space<vmem>> -> memref<1x1x50xi32, #tpu.memory_space<vmem>>
      %dma_start3A_427 = tpu.memref_squeeze %dma_start3A_426 : memref<1x1x50xi32, #tpu.memory_space<vmem>> -> memref<50xi32, #tpu.memory_space<vmem>>
      %dma_start3A_428 = arith.constant 0 : i32
      %dma_start3A_429 = arith.constant 0 : i32
      %dma_start3A_430 = tpu.memref_slice %arg4[%dma_start3A_428, %dma_start3A_429] : memref<100000x128xf32, #tpu.memory_space<hbm>> -> memref<100000x128xf32, #tpu.memory_space<hbm>>
      %dma_start3A_431 = tpu.memref_slice %arg14[%dma_start3A_420] : memref<4x!tpu.dma_semaphore, #tpu.memory_space<semaphore_mem>> -> memref<1x!tpu.dma_semaphore, #tpu.memory_space<semaphore_mem>>
      %dma_start3A_432 = tpu.memref_squeeze %dma_start3A_431 : memref<1x!tpu.dma_semaphore, #tpu.memory_space<semaphore_mem>> -> memref<!tpu.dma_semaphore, #tpu.memory_space<semaphore_mem>>
      tpu.enqueue_indirect_dma source(%dma_start3A_430 : memref<100000x128xf32, #tpu.memory_space<hbm>>) target(%dma_start3A_424 : memref<50x128xf32, #tpu.memory_space<vmem>>) offsets(%dma_start3A_427 : memref<50xi32, #tpu.memory_space<vmem>>) semaphore(%dma_start3A_432 : memref<!tpu.dma_semaphore, #tpu.memory_space<semaphore_mem>>)
      %dma_start3A_433 = arith.constant 0 : i32
      %dma_start3A_434 = arith.constant 4 : i32
      %dma_start3A_435 = arith.constant 0 : i32
      %dma_start3A_436 = arith.constant 0 : i32
      %dma_start3A_437 = arith.constant 50 : i32
      %dma_start3A_438 = arith.constant 0 : i32
      %dma_start3A_439 = tpu.memref_slice %arg13[%dma_start3A_435, %dma_start3A_437, %dma_start3A_438] : memref<4x100x128xf32, #tpu.memory_space<vmem>> -> memref<1x50x128xf32, #tpu.memory_space<vmem>>
      %dma_start3A_440 = tpu.memref_squeeze %dma_start3A_439 : memref<1x50x128xf32, #tpu.memory_space<vmem>> -> memref<50x128xf32, #tpu.memory_space<vmem>>
      %dma_start3A_441 = arith.constant 0 : i32
      %dma_start3A_442 = tpu.memref_slice %arg10[%dma_start3A_433, %dma_start3A_434, %dma_start3A_441] : memref<2x8x50xi32, #tpu.memory_space<vmem>> -> memref<1x1x50xi32, #tpu.memory_space<vmem>>
      %dma_start3A_443 = tpu.memref_squeeze %dma_start3A_442 : memref<1x1x50xi32, #tpu.memory_space<vmem>> -> memref<50xi32, #tpu.memory_space<vmem>>
      %dma_start3A_444 = arith.constant 0 : i32
      %dma_start3A_445 = arith.constant 0 : i32
      %dma_start3A_446 = tpu.memref_slice %arg5[%dma_start3A_444, %dma_start3A_445] : memref<100000x128xf32, #tpu.memory_space<hbm>> -> memref<100000x128xf32, #tpu.memory_space<hbm>>
      %dma_start3A_447 = tpu.memref_slice %arg14[%dma_start3A_436] : memref<4x!tpu.dma_semaphore, #tpu.memory_space<semaphore_mem>> -> memref<1x!tpu.dma_semaphore, #tpu.memory_space<semaphore_mem>>
      %dma_start3A_448 = tpu.memref_squeeze %dma_start3A_447 : memref<1x!tpu.dma_semaphore, #tpu.memory_space<semaphore_mem>> -> memref<!tpu.dma_semaphore, #tpu.memory_space<semaphore_mem>>
      tpu.enqueue_indirect_dma source(%dma_start3A_446 : memref<100000x128xf32, #tpu.memory_space<hbm>>) target(%dma_start3A_440 : memref<50x128xf32, #tpu.memory_space<vmem>>) offsets(%dma_start3A_443 : memref<50xi32, #tpu.memory_space<vmem>>) semaphore(%dma_start3A_448 : memref<!tpu.dma_semaphore, #tpu.memory_space<semaphore_mem>>)
      %mul3A_449 = arith.constant 8 : i32
      %mul3A_450 = arith.muli %mul3A_124, %mul3A_449 : i32
      %add3A_451 = arith.addi %mul3A_2, %mul3A_450 : i32
      %add3A_452 = arith.constant 3 : i32
      %add3A_453 = arith.addi %add3A_451, %add3A_452 : i32
      %dma_wait3A_454 = arith.constant 0 : i32
      %dma_wait3A_455 = arith.constant 3 : i32
      %dma_wait3A_456 = arith.constant 3 : i32
      %dma_wait3A_457 = arith.constant 3 : i32
      %dma_wait3A_458 = arith.constant 0 : i32
      %dma_wait3A_459 = arith.constant 0 : i32
      %dma_wait3A_460 = tpu.memref_slice %arg13[%dma_wait3A_456, %dma_wait3A_458, %dma_wait3A_459] : memref<4x100x128xf32, #tpu.memory_space<vmem>> -> memref<1x50x128xf32, #tpu.memory_space<vmem>>
      %dma_wait3A_461 = tpu.memref_squeeze %dma_wait3A_460 : memref<1x50x128xf32, #tpu.memory_space<vmem>> -> memref<50x128xf32, #tpu.memory_space<vmem>>
      %dma_wait3A_462 = arith.constant 0 : i32
      %dma_wait3A_463 = tpu.memref_slice %arg9[%dma_wait3A_454, %dma_wait3A_455, %dma_wait3A_462] : memref<2x8x50xi32, #tpu.memory_space<vmem>> -> memref<1x1x50xi32, #tpu.memory_space<vmem>>
      %dma_wait3A_464 = tpu.memref_squeeze %dma_wait3A_463 : memref<1x1x50xi32, #tpu.memory_space<vmem>> -> memref<50xi32, #tpu.memory_space<vmem>>
      %dma_wait3A_465 = arith.constant 0 : i32
      %dma_wait3A_466 = arith.constant 0 : i32
      %dma_wait3A_467 = tpu.memref_slice %arg4[%dma_wait3A_465, %dma_wait3A_466] : memref<100000x128xf32, #tpu.memory_space<hbm>> -> memref<100000x128xf32, #tpu.memory_space<hbm>>
      %dma_wait3A_468 = tpu.memref_slice %arg14[%dma_wait3A_457] : memref<4x!tpu.dma_semaphore, #tpu.memory_space<semaphore_mem>> -> memref<1x!tpu.dma_semaphore, #tpu.memory_space<semaphore_mem>>
      %dma_wait3A_469 = tpu.memref_squeeze %dma_wait3A_468 : memref<1x!tpu.dma_semaphore, #tpu.memory_space<semaphore_mem>> -> memref<!tpu.dma_semaphore, #tpu.memory_space<semaphore_mem>>
      tpu.wait_indirect_dma semaphore(%dma_wait3A_469 : memref<!tpu.dma_semaphore, #tpu.memory_space<semaphore_mem>>) src(%dma_wait3A_467 : memref<100000x128xf32, #tpu.memory_space<hbm>>) dst(%dma_wait3A_461 : memref<50x128xf32, #tpu.memory_space<vmem>>)
      %dma_wait3A_470 = arith.constant 0 : i32
      %dma_wait3A_471 = arith.constant 3 : i32
      %dma_wait3A_472 = arith.constant 3 : i32
      %dma_wait3A_473 = arith.constant 3 : i32
      %dma_wait3A_474 = arith.constant 50 : i32
      %dma_wait3A_475 = arith.constant 0 : i32
      %dma_wait3A_476 = tpu.memref_slice %arg13[%dma_wait3A_472, %dma_wait3A_474, %dma_wait3A_475] : memref<4x100x128xf32, #tpu.memory_space<vmem>> -> memref<1x50x128xf32, #tpu.memory_space<vmem>>
      %dma_wait3A_477 = tpu.memref_squeeze %dma_wait3A_476 : memref<1x50x128xf32, #tpu.memory_space<vmem>> -> memref<50x128xf32, #tpu.memory_space<vmem>>
      %dma_wait3A_478 = arith.constant 0 : i32
      %dma_wait3A_479 = tpu.memref_slice %arg10[%dma_wait3A_470, %dma_wait3A_471, %dma_wait3A_478] : memref<2x8x50xi32, #tpu.memory_space<vmem>> -> memref<1x1x50xi32, #tpu.memory_space<vmem>>
      %dma_wait3A_480 = tpu.memref_squeeze %dma_wait3A_479 : memref<1x1x50xi32, #tpu.memory_space<vmem>> -> memref<50xi32, #tpu.memory_space<vmem>>
      %dma_wait3A_481 = arith.constant 0 : i32
      %dma_wait3A_482 = arith.constant 0 : i32
      %dma_wait3A_483 = tpu.memref_slice %arg5[%dma_wait3A_481, %dma_wait3A_482] : memref<100000x128xf32, #tpu.memory_space<hbm>> -> memref<100000x128xf32, #tpu.memory_space<hbm>>
      %dma_wait3A_484 = tpu.memref_slice %arg14[%dma_wait3A_473] : memref<4x!tpu.dma_semaphore, #tpu.memory_space<semaphore_mem>> -> memref<1x!tpu.dma_semaphore, #tpu.memory_space<semaphore_mem>>
      %dma_wait3A_485 = tpu.memref_squeeze %dma_wait3A_484 : memref<1x!tpu.dma_semaphore, #tpu.memory_space<semaphore_mem>> -> memref<!tpu.dma_semaphore, #tpu.memory_space<semaphore_mem>>
      tpu.wait_indirect_dma semaphore(%dma_wait3A_485 : memref<!tpu.dma_semaphore, #tpu.memory_space<semaphore_mem>>) src(%dma_wait3A_483 : memref<100000x128xf32, #tpu.memory_space<hbm>>) dst(%dma_wait3A_477 : memref<50x128xf32, #tpu.memory_space<vmem>>)
      %scan3A_486 = arith.constant 0 : i32
      %scan3A_487 = arith.constant 0 : i32
      %scan3A_488 = arith.constant 50 : i32
      %scan3A_489 = arith.addi %scan3A_487, %scan3A_488 : i32
      %scan3A_490 = arith.constant 1 : i32
      %scan3A_491 = scf.for %scan3A_1876 = %scan3A_487 to %scan3A_489 step %scan3A_490 iter_args(%scan3A_1877 = %scan3A_486) -> (i32)  : i32 {
        %add3A_1878 = arith.constant 150 : i32
        %add3A_1879 = arith.addi %add3A_1878, %scan3A_1876 : i32
        %get3A = arith.index_cast %add3A_1879 : i32 to index
        %get3A_1880 = arith.constant 0 : index
        %get3A_1881 = tpu.vector_load %arg11[%get3A, %get3A_1880] {strides = array<i32>} : memref<200x34xf32, #tpu.memory_space<vmem>>, vector<1x16xf32>,
        %get3A_1882 = vector.shape_cast %get3A_1881 : vector<1x16xf32> to vector<16xf32>
        %swap3A = arith.constant 3 : i32
        %swap3A_1883 = arith.index_cast %swap3A : i32 to index
        %swap3A_1884 = arith.index_cast %scan3A_1876 : i32 to index
        %swap3A_1885 = arith.constant 94 : index
        %swap3A_1886 = tpu.vector_load %arg13[%swap3A_1883, %swap3A_1884, %swap3A_1885] {strides = array<i32>} : memref<4x100x128xf32, #tpu.memory_space<vmem>>, vector<1x1x16xf32>,
        %swap3A_1887 = vector.shape_cast %swap3A_1886 : vector<1x1x16xf32> to vector<16xf32>
        %swap3A_1888 = vector.shape_cast %get3A_1882 : vector<16xf32> to vector<1x1x16xf32>
        tpu.vector_store %arg13[%swap3A_1883, %swap3A_1884, %swap3A_1885], %swap3A_1888 {strides = array<i32>} : memref<4x100x128xf32, #tpu.memory_space<vmem>>, vector<1x1x16xf32>,
        %get3A_1889 = arith.index_cast %add3A_1879 : i32 to index
        %get3A_1890 = arith.constant 16 : index
        %get3A_1891 = tpu.vector_load %arg11[%get3A_1889, %get3A_1890] {strides = array<i32>} : memref<200x34xf32, #tpu.memory_space<vmem>>, vector<1x16xf32>,
        %get3A_1892 = vector.shape_cast %get3A_1891 : vector<1x16xf32> to vector<16xf32>
        %swap3A_1893 = arith.constant 3 : i32
        %swap3A_1894 = arith.index_cast %swap3A_1893 : i32 to index
        %swap3A_1895 = arith.index_cast %scan3A_1876 : i32 to index
        %swap3A_1896 = arith.constant 110 : index
        %swap3A_1897 = tpu.vector_load %arg13[%swap3A_1894, %swap3A_1895, %swap3A_1896] {strides = array<i32>} : memref<4x100x128xf32, #tpu.memory_space<vmem>>, vector<1x1x16xf32>,
        %swap3A_1898 = vector.shape_cast %swap3A_1897 : vector<1x1x16xf32> to vector<16xf32>
        %swap3A_1899 = vector.shape_cast %get3A_1892 : vector<16xf32> to vector<1x1x16xf32>
        tpu.vector_store %arg13[%swap3A_1894, %swap3A_1895, %swap3A_1896], %swap3A_1899 {strides = array<i32>} : memref<4x100x128xf32, #tpu.memory_space<vmem>>, vector<1x1x16xf32>,
        %get3A_1900 = arith.index_cast %add3A_1879 : i32 to index
        %get3A_1901 = arith.constant 18 : index
        %get3A_1902 = tpu.vector_load %arg11[%get3A_1900, %get3A_1901] {strides = array<i32>} : memref<200x34xf32, #tpu.memory_space<vmem>>, vector<1x16xf32>,
        %get3A_1903 = vector.shape_cast %get3A_1902 : vector<1x16xf32> to vector<16xf32>
        %swap3A_1904 = arith.constant 3 : i32
        %swap3A_1905 = arith.index_cast %swap3A_1904 : i32 to index
        %swap3A_1906 = arith.index_cast %scan3A_1876 : i32 to index
        %swap3A_1907 = arith.constant 112 : index
        %swap3A_1908 = tpu.vector_load %arg13[%swap3A_1905, %swap3A_1906, %swap3A_1907] {strides = array<i32>} : memref<4x100x128xf32, #tpu.memory_space<vmem>>, vector<1x1x16xf32>,
        %swap3A_1909 = vector.shape_cast %swap3A_1908 : vector<1x1x16xf32> to vector<16xf32>
        %swap3A_1910 = vector.shape_cast %get3A_1903 : vector<16xf32> to vector<1x1x16xf32>
        tpu.vector_store %arg13[%swap3A_1905, %swap3A_1906, %swap3A_1907], %swap3A_1910 {strides = array<i32>} : memref<4x100x128xf32, #tpu.memory_space<vmem>>, vector<1x1x16xf32>,
        %get3A_1911 = arith.index_cast %add3A_1879 : i32 to index
        %get3A_1912 = arith.constant 0 : index
        %get3A_1913 = tpu.vector_load %arg12[%get3A_1911, %get3A_1912] {strides = array<i32>} : memref<200x16xf32, #tpu.memory_space<vmem>>, vector<1x16xf32>,
        %get3A_1914 = vector.shape_cast %get3A_1913 : vector<1x16xf32> to vector<16xf32>
        %add3A_1915 = arith.constant 50 : i32
        %add3A_1916 = arith.addi %add3A_1915, %scan3A_1876 : i32
        %swap3A_1917 = arith.constant 3 : i32
        %swap3A_1918 = arith.index_cast %swap3A_1917 : i32 to index
        %swap3A_1919 = arith.index_cast %add3A_1916 : i32 to index
        %swap3A_1920 = arith.constant 112 : index
        %swap3A_1921 = tpu.vector_load %arg13[%swap3A_1918, %swap3A_1919, %swap3A_1920] {strides = array<i32>} : memref<4x100x128xf32, #tpu.memory_space<vmem>>, vector<1x1x16xf32>,
        %swap3A_1922 = vector.shape_cast %swap3A_1921 : vector<1x1x16xf32> to vector<16xf32>
        %swap3A_1923 = vector.shape_cast %get3A_1914 : vector<16xf32> to vector<1x1x16xf32>
        tpu.vector_store %arg13[%swap3A_1918, %swap3A_1919, %swap3A_1920], %swap3A_1923 {strides = array<i32>} : memref<4x100x128xf32, #tpu.memory_space<vmem>>, vector<1x1x16xf32>,
        %scan3A_1924 = arith.constant 0 : i32
        scf.yield %scan3A_1924 : i32
      }
      %scan3A_492 = arith.constant 50 : i32
      %dma_start3A_493 = arith.constant 3 : i32
      %dma_start3A_494 = arith.constant 3 : i32
      %dma_start3A_495 = arith.constant 0 : i32
      %dma_start3A_496 = arith.constant 0 : i32
      %dma_start3A_497 = tpu.memref_slice %arg13[%dma_start3A_493, %dma_start3A_495, %dma_start3A_496] : memref<4x100x128xf32, #tpu.memory_space<vmem>> -> memref<1x100x128xf32, #tpu.memory_space<vmem>>
      %dma_start3A_498 = tpu.memref_squeeze %dma_start3A_497 : memref<1x100x128xf32, #tpu.memory_space<vmem>> -> memref<100x128xf32, #tpu.memory_space<vmem>>
      %dma_start3A_499 = arith.constant 0 : i32
      %dma_start3A_500 = arith.constant 0 : i32
      %dma_start3A_501 = tpu.memref_slice %arg8[%add3A_453, %dma_start3A_499, %dma_start3A_500] : memref<4096x100x128xf32, #tpu.memory_space<hbm>> -> memref<1x100x128xf32, #tpu.memory_space<hbm>>
      %dma_start3A_502 = tpu.memref_squeeze %dma_start3A_501 : memref<1x100x128xf32, #tpu.memory_space<hbm>> -> memref<100x128xf32, #tpu.memory_space<hbm>>
      %dma_start3A_503 = tpu.memref_slice %arg15[%dma_start3A_494] : memref<4x!tpu.dma_semaphore, #tpu.memory_space<semaphore_mem>> -> memref<1x!tpu.dma_semaphore, #tpu.memory_space<semaphore_mem>>
      %dma_start3A_504 = tpu.memref_squeeze %dma_start3A_503 : memref<1x!tpu.dma_semaphore, #tpu.memory_space<semaphore_mem>> -> memref<!tpu.dma_semaphore, #tpu.memory_space<semaphore_mem>>
      %dma_start3A_505 = arith.constant 0 : i32
      %dma_start3A_506 = arith.constant 0 : i32
      %dma_start3A_507 = tpu.memref_slice %arg8[%add3A_453, %dma_start3A_505, %dma_start3A_506] : memref<4096x100x128xf32, #tpu.memory_space<hbm>> -> memref<1x100x128xf32, #tpu.memory_space<hbm>>
      %dma_start3A_508 = tpu.memref_squeeze %dma_start3A_507 : memref<1x100x128xf32, #tpu.memory_space<hbm>> -> memref<100x128xf32, #tpu.memory_space<hbm>>
      %dma_start3A_509 = arith.constant 0 : i32
      %dma_start3A_510 = arith.constant 0 : i32
      %dma_start3A_511 = tpu.memref_slice %arg13[%dma_start3A_493, %dma_start3A_509, %dma_start3A_510] : memref<4x100x128xf32, #tpu.memory_space<vmem>> -> memref<1x100x128xf32, #tpu.memory_space<vmem>>
      %dma_start3A_512 = tpu.memref_squeeze %dma_start3A_511 : memref<1x100x128xf32, #tpu.memory_space<vmem>> -> memref<100x128xf32, #tpu.memory_space<vmem>>
      tpu.enqueue_dma source(%dma_start3A_512 : memref<100x128xf32, #tpu.memory_space<vmem>>) target(%dma_start3A_508 : memref<100x128xf32, #tpu.memory_space<hbm>>) target_semaphore(%dma_start3A_504 : memref<!tpu.dma_semaphore, #tpu.memory_space<semaphore_mem>>)
      %sub3A_513 = arith.constant 2 : i32
      %sub3A_514 = arith.subi %add3A_453, %sub3A_513 : i32
      %dma_wait3A_515 = arith.constant 1 : i32
      %dma_wait3A_516 = arith.constant 1 : i32
      %dma_wait3A_517 = arith.constant 0 : i32
      %dma_wait3A_518 = arith.constant 0 : i32
      %dma_wait3A_519 = tpu.memref_slice %arg13[%dma_wait3A_515, %dma_wait3A_517, %dma_wait3A_518] : memref<4x100x128xf32, #tpu.memory_space<vmem>> -> memref<1x100x128xf32, #tpu.memory_space<vmem>>
      %dma_wait3A_520 = tpu.memref_squeeze %dma_wait3A_519 : memref<1x100x128xf32, #tpu.memory_space<vmem>> -> memref<100x128xf32, #tpu.memory_space<vmem>>
      %dma_wait3A_521 = arith.constant 0 : i32
      %dma_wait3A_522 = arith.constant 0 : i32
      %dma_wait3A_523 = tpu.memref_slice %arg8[%sub3A_514, %dma_wait3A_521, %dma_wait3A_522] : memref<4096x100x128xf32, #tpu.memory_space<hbm>> -> memref<1x100x128xf32, #tpu.memory_space<hbm>>
      %dma_wait3A_524 = tpu.memref_squeeze %dma_wait3A_523 : memref<1x100x128xf32, #tpu.memory_space<hbm>> -> memref<100x128xf32, #tpu.memory_space<hbm>>
      %dma_wait3A_525 = tpu.memref_slice %arg15[%dma_wait3A_516] : memref<4x!tpu.dma_semaphore, #tpu.memory_space<semaphore_mem>> -> memref<1x!tpu.dma_semaphore, #tpu.memory_space<semaphore_mem>>
      %dma_wait3A_526 = tpu.memref_squeeze %dma_wait3A_525 : memref<1x!tpu.dma_semaphore, #tpu.memory_space<semaphore_mem>> -> memref<!tpu.dma_semaphore, #tpu.memory_space<semaphore_mem>>
      %dma_wait3A_527 = arith.constant 0 : i32
      %dma_wait3A_528 = arith.constant 0 : i32
      %dma_wait3A_529 = tpu.memref_slice %arg8[%sub3A_514, %dma_wait3A_527, %dma_wait3A_528] : memref<4096x100x128xf32, #tpu.memory_space<hbm>> -> memref<1x100x128xf32, #tpu.memory_space<hbm>>
      %dma_wait3A_530 = tpu.memref_squeeze %dma_wait3A_529 : memref<1x100x128xf32, #tpu.memory_space<hbm>> -> memref<100x128xf32, #tpu.memory_space<hbm>>
      %dma_wait3A_531 = arith.constant 0 : i32
      %dma_wait3A_532 = arith.constant 0 : i32
      %dma_wait3A_533 = tpu.memref_slice %arg13[%dma_wait3A_515, %dma_wait3A_531, %dma_wait3A_532] : memref<4x100x128xf32, #tpu.memory_space<vmem>> -> memref<1x100x128xf32, #tpu.memory_space<vmem>>
      %dma_wait3A_534 = tpu.memref_squeeze %dma_wait3A_533 : memref<1x100x128xf32, #tpu.memory_space<vmem>> -> memref<100x128xf32, #tpu.memory_space<vmem>>
      tpu.wait_dma2 semaphore(%dma_wait3A_526 : memref<!tpu.dma_semaphore, #tpu.memory_space<semaphore_mem>>) src(%dma_wait3A_534 : memref<100x128xf32, #tpu.memory_space<vmem>>) dst(%dma_wait3A_530 : memref<100x128xf32, #tpu.memory_space<hbm>>)
      %dma_start3A_535 = arith.constant 0 : i32
      %dma_start3A_536 = arith.constant 5 : i32
      %dma_start3A_537 = arith.constant 1 : i32
      %dma_start3A_538 = arith.constant 1 : i32
      %dma_start3A_539 = arith.constant 0 : i32
      %dma_start3A_540 = arith.constant 0 : i32
      %dma_start3A_541 = tpu.memref_slice %arg13[%dma_start3A_537, %dma_start3A_539, %dma_start3A_540] : memref<4x100x128xf32, #tpu.memory_space<vmem>> -> memref<1x50x128xf32, #tpu.memory_space<vmem>>
      %dma_start3A_542 = tpu.memref_squeeze %dma_start3A_541 : memref<1x50x128xf32, #tpu.memory_space<vmem>> -> memref<50x128xf32, #tpu.memory_space<vmem>>
      %dma_start3A_543 = arith.constant 0 : i32
      %dma_start3A_544 = tpu.memref_slice %arg9[%dma_start3A_535, %dma_start3A_536, %dma_start3A_543] : memref<2x8x50xi32, #tpu.memory_space<vmem>> -> memref<1x1x50xi32, #tpu.memory_space<vmem>>
      %dma_start3A_545 = tpu.memref_squeeze %dma_start3A_544 : memref<1x1x50xi32, #tpu.memory_space<vmem>> -> memref<50xi32, #tpu.memory_space<vmem>>
      %dma_start3A_546 = arith.constant 0 : i32
      %dma_start3A_547 = arith.constant 0 : i32
      %dma_start3A_548 = tpu.memref_slice %arg4[%dma_start3A_546, %dma_start3A_547] : memref<100000x128xf32, #tpu.memory_space<hbm>> -> memref<100000x128xf32, #tpu.memory_space<hbm>>
      %dma_start3A_549 = tpu.memref_slice %arg14[%dma_start3A_538] : memref<4x!tpu.dma_semaphore, #tpu.memory_space<semaphore_mem>> -> memref<1x!tpu.dma_semaphore, #tpu.memory_space<semaphore_mem>>
      %dma_start3A_550 = tpu.memref_squeeze %dma_start3A_549 : memref<1x!tpu.dma_semaphore, #tpu.memory_space<semaphore_mem>> -> memref<!tpu.dma_semaphore, #tpu.memory_space<semaphore_mem>>
      tpu.enqueue_indirect_dma source(%dma_start3A_548 : memref<100000x128xf32, #tpu.memory_space<hbm>>) target(%dma_start3A_542 : memref<50x128xf32, #tpu.memory_space<vmem>>) offsets(%dma_start3A_545 : memref<50xi32, #tpu.memory_space<vmem>>) semaphore(%dma_start3A_550 : memref<!tpu.dma_semaphore, #tpu.memory_space<semaphore_mem>>)
      %dma_start3A_551 = arith.constant 0 : i32
      %dma_start3A_552 = arith.constant 5 : i32
      %dma_start3A_553 = arith.constant 1 : i32
      %dma_start3A_554 = arith.constant 1 : i32
      %dma_start3A_555 = arith.constant 50 : i32
      %dma_start3A_556 = arith.constant 0 : i32
      %dma_start3A_557 = tpu.memref_slice %arg13[%dma_start3A_553, %dma_start3A_555, %dma_start3A_556] : memref<4x100x128xf32, #tpu.memory_space<vmem>> -> memref<1x50x128xf32, #tpu.memory_space<vmem>>
      %dma_start3A_558 = tpu.memref_squeeze %dma_start3A_557 : memref<1x50x128xf32, #tpu.memory_space<vmem>> -> memref<50x128xf32, #tpu.memory_space<vmem>>
      %dma_start3A_559 = arith.constant 0 : i32
      %dma_start3A_560 = tpu.memref_slice %arg10[%dma_start3A_551, %dma_start3A_552, %dma_start3A_559] : memref<2x8x50xi32, #tpu.memory_space<vmem>> -> memref<1x1x50xi32, #tpu.memory_space<vmem>>
      %dma_start3A_561 = tpu.memref_squeeze %dma_start3A_560 : memref<1x1x50xi32, #tpu.memory_space<vmem>> -> memref<50xi32, #tpu.memory_space<vmem>>
      %dma_start3A_562 = arith.constant 0 : i32
      %dma_start3A_563 = arith.constant 0 : i32
      %dma_start3A_564 = tpu.memref_slice %arg5[%dma_start3A_562, %dma_start3A_563] : memref<100000x128xf32, #tpu.memory_space<hbm>> -> memref<100000x128xf32, #tpu.memory_space<hbm>>
      %dma_start3A_565 = tpu.memref_slice %arg14[%dma_start3A_554] : memref<4x!tpu.dma_semaphore, #tpu.memory_space<semaphore_mem>> -> memref<1x!tpu.dma_semaphore, #tpu.memory_space<semaphore_mem>>
      %dma_start3A_566 = tpu.memref_squeeze %dma_start3A_565 : memref<1x!tpu.dma_semaphore, #tpu.memory_space<semaphore_mem>> -> memref<!tpu.dma_semaphore, #tpu.memory_space<semaphore_mem>>
      tpu.enqueue_indirect_dma source(%dma_start3A_564 : memref<100000x128xf32, #tpu.memory_space<hbm>>) target(%dma_start3A_558 : memref<50x128xf32, #tpu.memory_space<vmem>>) offsets(%dma_start3A_561 : memref<50xi32, #tpu.memory_space<vmem>>) semaphore(%dma_start3A_566 : memref<!tpu.dma_semaphore, #tpu.memory_space<semaphore_mem>>)
      %mul3A_567 = arith.constant 8 : i32
      %mul3A_568 = arith.muli %mul3A_124, %mul3A_567 : i32
      %add3A_569 = arith.addi %mul3A_2, %mul3A_568 : i32
      %add3A_570 = arith.constant 4 : i32
      %add3A_571 = arith.addi %add3A_569, %add3A_570 : i32
      %mul3A_572 = arith.constant 50 : i32
      %mul3A_573 = arith.muli %add3A_571, %mul3A_572 : i32
      "tpu.region"() ({
        %run_scoped3A_1876 = tpu.sem_alloc : memref<!tpu.dma_semaphore, #tpu.memory_space<semaphore_mem>>
        %dma_start3A_1877 = arith.constant 0 : i32
        %dma_start3A_1878 = tpu.memref_slice %arg6[%mul3A_573, %dma_start3A_1877] : memref<204800x34xf32, #tpu.memory_space<hbm>> -> memref<200x34xf32, #tpu.memory_space<hbm>>
        %dma_start3A_1879 = arith.constant 0 : i32
        %dma_start3A_1880 = tpu.memref_slice %arg6[%mul3A_573, %dma_start3A_1879] : memref<204800x34xf32, #tpu.memory_space<hbm>> -> memref<200x34xf32, #tpu.memory_space<hbm>>
        tpu.enqueue_dma source(%dma_start3A_1880 : memref<200x34xf32, #tpu.memory_space<hbm>>) target(%arg11 : memref<200x34xf32, #tpu.memory_space<vmem>>) target_semaphore(%run_scoped3A_1876 : memref<!tpu.dma_semaphore, #tpu.memory_space<semaphore_mem>>)
        %dma_wait3A_1881 = arith.constant 0 : i32
        %dma_wait3A_1882 = tpu.memref_slice %arg6[%mul3A_573, %dma_wait3A_1881] : memref<204800x34xf32, #tpu.memory_space<hbm>> -> memref<200x34xf32, #tpu.memory_space<hbm>>
        %dma_wait3A_1883 = arith.constant 0 : i32
        %dma_wait3A_1884 = tpu.memref_slice %arg6[%mul3A_573, %dma_wait3A_1883] : memref<204800x34xf32, #tpu.memory_space<hbm>> -> memref<200x34xf32, #tpu.memory_space<hbm>>
        tpu.wait_dma2 semaphore(%run_scoped3A_1876 : memref<!tpu.dma_semaphore, #tpu.memory_space<semaphore_mem>>) src(%dma_wait3A_1884 : memref<200x34xf32, #tpu.memory_space<hbm>>) dst(%arg11 : memref<200x34xf32, #tpu.memory_space<vmem>>)
        tpu.yield
      }) : () -> ()
      "tpu.region"() ({
        %run_scoped3A_1876 = tpu.sem_alloc : memref<!tpu.dma_semaphore, #tpu.memory_space<semaphore_mem>>
        %dma_start3A_1877 = arith.constant 0 : i32
        %dma_start3A_1878 = tpu.memref_slice %arg7[%mul3A_573, %dma_start3A_1877] : memref<204800x16xf32, #tpu.memory_space<hbm>> -> memref<200x16xf32, #tpu.memory_space<hbm>>
        %dma_start3A_1879 = arith.constant 0 : i32
        %dma_start3A_1880 = tpu.memref_slice %arg7[%mul3A_573, %dma_start3A_1879] : memref<204800x16xf32, #tpu.memory_space<hbm>> -> memref<200x16xf32, #tpu.memory_space<hbm>>
        tpu.enqueue_dma source(%dma_start3A_1880 : memref<200x16xf32, #tpu.memory_space<hbm>>) target(%arg12 : memref<200x16xf32, #tpu.memory_space<vmem>>) target_semaphore(%run_scoped3A_1876 : memref<!tpu.dma_semaphore, #tpu.memory_space<semaphore_mem>>)
        %dma_wait3A_1881 = arith.constant 0 : i32
        %dma_wait3A_1882 = tpu.memref_slice %arg7[%mul3A_573, %dma_wait3A_1881] : memref<204800x16xf32, #tpu.memory_space<hbm>> -> memref<200x16xf32, #tpu.memory_space<hbm>>
        %dma_wait3A_1883 = arith.constant 0 : i32
        %dma_wait3A_1884 = tpu.memref_slice %arg7[%mul3A_573, %dma_wait3A_1883] : memref<204800x16xf32, #tpu.memory_space<hbm>> -> memref<200x16xf32, #tpu.memory_space<hbm>>
        tpu.wait_dma2 semaphore(%run_scoped3A_1876 : memref<!tpu.dma_semaphore, #tpu.memory_space<semaphore_mem>>) src(%dma_wait3A_1884 : memref<200x16xf32, #tpu.memory_space<hbm>>) dst(%arg12 : memref<200x16xf32, #tpu.memory_space<vmem>>)
        tpu.yield
      }) : () -> ()
      %lt3A = arith.constant 15 : i32
      %lt3A_574 = arith.cmpi slt, %mul3A_124, %lt3A : i32
      %convert_element_type3A_575 = arith.extui %lt3A_574 : i1 to i32
      %cond3A_576 = arith.constant 0 : i32
      %cond3A_577 = arith.cmpi ne, %convert_element_type3A_575, %cond3A_576 : i32
      scf.if %cond3A_577 {
        %add3A_1876 = arith.constant 1 : i32
        %add3A_1877 = arith.addi %mul3A_124, %add3A_1876 : i32
        %mul3A_1878 = arith.constant 8 : i32
        %mul3A_1879 = arith.muli %add3A_1877, %mul3A_1878 : i32
        %add3A_1880 = arith.addi %mul3A_2, %mul3A_1879 : i32
        %run_scoped3A_1881 = arith.constant 1 : i32
        "tpu.region"() ({
          %run_scoped3A_1883 = tpu.sem_alloc : memref<!tpu.dma_semaphore, #tpu.memory_space<semaphore_mem>>
          %dma_start3A_1884 = arith.constant 0 : i32
          %dma_start3A_1885 = arith.constant 0 : i32
          %dma_start3A_1886 = tpu.memref_slice %arg9[%run_scoped3A_1881, %dma_start3A_1884, %dma_start3A_1885] : memref<2x8x50xi32, #tpu.memory_space<vmem>> -> memref<1x8x50xi32, #tpu.memory_space<vmem>>
          %dma_start3A_1887 = tpu.memref_squeeze %dma_start3A_1886 : memref<1x8x50xi32, #tpu.memory_space<vmem>> -> memref<8x50xi32, #tpu.memory_space<vmem>>
          %dma_start3A_1888 = arith.constant 0 : i32
          %dma_start3A_1889 = tpu.memref_slice %arg2[%add3A_1880, %dma_start3A_1888] : memref<4096x50xi32, #tpu.memory_space<hbm>> -> memref<8x50xi32, #tpu.memory_space<hbm>>
          %dma_start3A_1890 = arith.constant 0 : i32
          %dma_start3A_1891 = arith.constant 0 : i32
          %dma_start3A_1892 = tpu.memref_slice %arg9[%run_scoped3A_1881, %dma_start3A_1890, %dma_start3A_1891] : memref<2x8x50xi32, #tpu.memory_space<vmem>> -> memref<1x8x50xi32, #tpu.memory_space<vmem>>
          %dma_start3A_1893 = tpu.memref_squeeze %dma_start3A_1892 : memref<1x8x50xi32, #tpu.memory_space<vmem>> -> memref<8x50xi32, #tpu.memory_space<vmem>>
          %dma_start3A_1894 = arith.constant 0 : i32
          %dma_start3A_1895 = tpu.memref_slice %arg2[%add3A_1880, %dma_start3A_1894] : memref<4096x50xi32, #tpu.memory_space<hbm>> -> memref<8x50xi32, #tpu.memory_space<hbm>>
          tpu.enqueue_dma source(%dma_start3A_1895 : memref<8x50xi32, #tpu.memory_space<hbm>>) target(%dma_start3A_1893 : memref<8x50xi32, #tpu.memory_space<vmem>>) target_semaphore(%run_scoped3A_1883 : memref<!tpu.dma_semaphore, #tpu.memory_space<semaphore_mem>>)
          %dma_wait3A_1896 = arith.constant 0 : i32
          %dma_wait3A_1897 = arith.constant 0 : i32
          %dma_wait3A_1898 = tpu.memref_slice %arg9[%run_scoped3A_1881, %dma_wait3A_1896, %dma_wait3A_1897] : memref<2x8x50xi32, #tpu.memory_space<vmem>> -> memref<1x8x50xi32, #tpu.memory_space<vmem>>
          %dma_wait3A_1899 = tpu.memref_squeeze %dma_wait3A_1898 : memref<1x8x50xi32, #tpu.memory_space<vmem>> -> memref<8x50xi32, #tpu.memory_space<vmem>>
          %dma_wait3A_1900 = arith.constant 0 : i32
          %dma_wait3A_1901 = tpu.memref_slice %arg2[%add3A_1880, %dma_wait3A_1900] : memref<4096x50xi32, #tpu.memory_space<hbm>> -> memref<8x50xi32, #tpu.memory_space<hbm>>
          %dma_wait3A_1902 = arith.constant 0 : i32
          %dma_wait3A_1903 = arith.constant 0 : i32
          %dma_wait3A_1904 = tpu.memref_slice %arg9[%run_scoped3A_1881, %dma_wait3A_1902, %dma_wait3A_1903] : memref<2x8x50xi32, #tpu.memory_space<vmem>> -> memref<1x8x50xi32, #tpu.memory_space<vmem>>
          %dma_wait3A_1905 = tpu.memref_squeeze %dma_wait3A_1904 : memref<1x8x50xi32, #tpu.memory_space<vmem>> -> memref<8x50xi32, #tpu.memory_space<vmem>>
          %dma_wait3A_1906 = arith.constant 0 : i32
          %dma_wait3A_1907 = tpu.memref_slice %arg2[%add3A_1880, %dma_wait3A_1906] : memref<4096x50xi32, #tpu.memory_space<hbm>> -> memref<8x50xi32, #tpu.memory_space<hbm>>
          tpu.wait_dma2 semaphore(%run_scoped3A_1883 : memref<!tpu.dma_semaphore, #tpu.memory_space<semaphore_mem>>) src(%dma_wait3A_1907 : memref<8x50xi32, #tpu.memory_space<hbm>>) dst(%dma_wait3A_1905 : memref<8x50xi32, #tpu.memory_space<vmem>>)
          tpu.yield
        }) : () -> ()
        %run_scoped3A_1882 = arith.constant 1 : i32
        "tpu.region"() ({
          %run_scoped3A_1883 = tpu.sem_alloc : memref<!tpu.dma_semaphore, #tpu.memory_space<semaphore_mem>>
          %dma_start3A_1884 = arith.constant 0 : i32
          %dma_start3A_1885 = arith.constant 0 : i32
          %dma_start3A_1886 = tpu.memref_slice %arg10[%run_scoped3A_1882, %dma_start3A_1884, %dma_start3A_1885] : memref<2x8x50xi32, #tpu.memory_space<vmem>> -> memref<1x8x50xi32, #tpu.memory_space<vmem>>
          %dma_start3A_1887 = tpu.memref_squeeze %dma_start3A_1886 : memref<1x8x50xi32, #tpu.memory_space<vmem>> -> memref<8x50xi32, #tpu.memory_space<vmem>>
          %dma_start3A_1888 = arith.constant 0 : i32
          %dma_start3A_1889 = tpu.memref_slice %arg3[%add3A_1880, %dma_start3A_1888] : memref<4096x50xi32, #tpu.memory_space<hbm>> -> memref<8x50xi32, #tpu.memory_space<hbm>>
          %dma_start3A_1890 = arith.constant 0 : i32
          %dma_start3A_1891 = arith.constant 0 : i32
          %dma_start3A_1892 = tpu.memref_slice %arg10[%run_scoped3A_1882, %dma_start3A_1890, %dma_start3A_1891] : memref<2x8x50xi32, #tpu.memory_space<vmem>> -> memref<1x8x50xi32, #tpu.memory_space<vmem>>
          %dma_start3A_1893 = tpu.memref_squeeze %dma_start3A_1892 : memref<1x8x50xi32, #tpu.memory_space<vmem>> -> memref<8x50xi32, #tpu.memory_space<vmem>>
          %dma_start3A_1894 = arith.constant 0 : i32
          %dma_start3A_1895 = tpu.memref_slice %arg3[%add3A_1880, %dma_start3A_1894] : memref<4096x50xi32, #tpu.memory_space<hbm>> -> memref<8x50xi32, #tpu.memory_space<hbm>>
          tpu.enqueue_dma source(%dma_start3A_1895 : memref<8x50xi32, #tpu.memory_space<hbm>>) target(%dma_start3A_1893 : memref<8x50xi32, #tpu.memory_space<vmem>>) target_semaphore(%run_scoped3A_1883 : memref<!tpu.dma_semaphore, #tpu.memory_space<semaphore_mem>>)
          %dma_wait3A_1896 = arith.constant 0 : i32
          %dma_wait3A_1897 = arith.constant 0 : i32
          %dma_wait3A_1898 = tpu.memref_slice %arg10[%run_scoped3A_1882, %dma_wait3A_1896, %dma_wait3A_1897] : memref<2x8x50xi32, #tpu.memory_space<vmem>> -> memref<1x8x50xi32, #tpu.memory_space<vmem>>
          %dma_wait3A_1899 = tpu.memref_squeeze %dma_wait3A_1898 : memref<1x8x50xi32, #tpu.memory_space<vmem>> -> memref<8x50xi32, #tpu.memory_space<vmem>>
          %dma_wait3A_1900 = arith.constant 0 : i32
          %dma_wait3A_1901 = tpu.memref_slice %arg3[%add3A_1880, %dma_wait3A_1900] : memref<4096x50xi32, #tpu.memory_space<hbm>> -> memref<8x50xi32, #tpu.memory_space<hbm>>
          %dma_wait3A_1902 = arith.constant 0 : i32
          %dma_wait3A_1903 = arith.constant 0 : i32
          %dma_wait3A_1904 = tpu.memref_slice %arg10[%run_scoped3A_1882, %dma_wait3A_1902, %dma_wait3A_1903] : memref<2x8x50xi32, #tpu.memory_space<vmem>> -> memref<1x8x50xi32, #tpu.memory_space<vmem>>
          %dma_wait3A_1905 = tpu.memref_squeeze %dma_wait3A_1904 : memref<1x8x50xi32, #tpu.memory_space<vmem>> -> memref<8x50xi32, #tpu.memory_space<vmem>>
          %dma_wait3A_1906 = arith.constant 0 : i32
          %dma_wait3A_1907 = tpu.memref_slice %arg3[%add3A_1880, %dma_wait3A_1906] : memref<4096x50xi32, #tpu.memory_space<hbm>> -> memref<8x50xi32, #tpu.memory_space<hbm>>
          tpu.wait_dma2 semaphore(%run_scoped3A_1883 : memref<!tpu.dma_semaphore, #tpu.memory_space<semaphore_mem>>) src(%dma_wait3A_1907 : memref<8x50xi32, #tpu.memory_space<hbm>>) dst(%dma_wait3A_1905 : memref<8x50xi32, #tpu.memory_space<vmem>>)
          tpu.yield
        }) : () -> ()
      } else {
      }
      %mul3A_578 = arith.constant 8 : i32
      %mul3A_579 = arith.muli %mul3A_124, %mul3A_578 : i32
      %add3A_580 = arith.addi %mul3A_2, %mul3A_579 : i32
      %add3A_581 = arith.constant 4 : i32
      %add3A_582 = arith.addi %add3A_580, %add3A_581 : i32
      %dma_wait3A_583 = arith.constant 0 : i32
      %dma_wait3A_584 = arith.constant 4 : i32
      %dma_wait3A_585 = arith.constant 0 : i32
      %dma_wait3A_586 = arith.constant 0 : i32
      %dma_wait3A_587 = arith.constant 0 : i32
      %dma_wait3A_588 = arith.constant 0 : i32
      %dma_wait3A_589 = tpu.memref_slice %arg13[%dma_wait3A_585, %dma_wait3A_587, %dma_wait3A_588] : memref<4x100x128xf32, #tpu.memory_space<vmem>> -> memref<1x50x128xf32, #tpu.memory_space<vmem>>
      %dma_wait3A_590 = tpu.memref_squeeze %dma_wait3A_589 : memref<1x50x128xf32, #tpu.memory_space<vmem>> -> memref<50x128xf32, #tpu.memory_space<vmem>>
      %dma_wait3A_591 = arith.constant 0 : i32
      %dma_wait3A_592 = tpu.memref_slice %arg9[%dma_wait3A_583, %dma_wait3A_584, %dma_wait3A_591] : memref<2x8x50xi32, #tpu.memory_space<vmem>> -> memref<1x1x50xi32, #tpu.memory_space<vmem>>
      %dma_wait3A_593 = tpu.memref_squeeze %dma_wait3A_592 : memref<1x1x50xi32, #tpu.memory_space<vmem>> -> memref<50xi32, #tpu.memory_space<vmem>>
      %dma_wait3A_594 = arith.constant 0 : i32
      %dma_wait3A_595 = arith.constant 0 : i32
      %dma_wait3A_596 = tpu.memref_slice %arg4[%dma_wait3A_594, %dma_wait3A_595] : memref<100000x128xf32, #tpu.memory_space<hbm>> -> memref<100000x128xf32, #tpu.memory_space<hbm>>
      %dma_wait3A_597 = tpu.memref_slice %arg14[%dma_wait3A_586] : memref<4x!tpu.dma_semaphore, #tpu.memory_space<semaphore_mem>> -> memref<1x!tpu.dma_semaphore, #tpu.memory_space<semaphore_mem>>
      %dma_wait3A_598 = tpu.memref_squeeze %dma_wait3A_597 : memref<1x!tpu.dma_semaphore, #tpu.memory_space<semaphore_mem>> -> memref<!tpu.dma_semaphore, #tpu.memory_space<semaphore_mem>>
      tpu.wait_indirect_dma semaphore(%dma_wait3A_598 : memref<!tpu.dma_semaphore, #tpu.memory_space<semaphore_mem>>) src(%dma_wait3A_596 : memref<100000x128xf32, #tpu.memory_space<hbm>>) dst(%dma_wait3A_590 : memref<50x128xf32, #tpu.memory_space<vmem>>)
      %dma_wait3A_599 = arith.constant 0 : i32
      %dma_wait3A_600 = arith.constant 4 : i32
      %dma_wait3A_601 = arith.constant 0 : i32
      %dma_wait3A_602 = arith.constant 0 : i32
      %dma_wait3A_603 = arith.constant 50 : i32
      %dma_wait3A_604 = arith.constant 0 : i32
      %dma_wait3A_605 = tpu.memref_slice %arg13[%dma_wait3A_601, %dma_wait3A_603, %dma_wait3A_604] : memref<4x100x128xf32, #tpu.memory_space<vmem>> -> memref<1x50x128xf32, #tpu.memory_space<vmem>>
      %dma_wait3A_606 = tpu.memref_squeeze %dma_wait3A_605 : memref<1x50x128xf32, #tpu.memory_space<vmem>> -> memref<50x128xf32, #tpu.memory_space<vmem>>
      %dma_wait3A_607 = arith.constant 0 : i32
      %dma_wait3A_608 = tpu.memref_slice %arg10[%dma_wait3A_599, %dma_wait3A_600, %dma_wait3A_607] : memref<2x8x50xi32, #tpu.memory_space<vmem>> -> memref<1x1x50xi32, #tpu.memory_space<vmem>>
      %dma_wait3A_609 = tpu.memref_squeeze %dma_wait3A_608 : memref<1x1x50xi32, #tpu.memory_space<vmem>> -> memref<50xi32, #tpu.memory_space<vmem>>
      %dma_wait3A_610 = arith.constant 0 : i32
      %dma_wait3A_611 = arith.constant 0 : i32
      %dma_wait3A_612 = tpu.memref_slice %arg5[%dma_wait3A_610, %dma_wait3A_611] : memref<100000x128xf32, #tpu.memory_space<hbm>> -> memref<100000x128xf32, #tpu.memory_space<hbm>>
      %dma_wait3A_613 = tpu.memref_slice %arg14[%dma_wait3A_602] : memref<4x!tpu.dma_semaphore, #tpu.memory_space<semaphore_mem>> -> memref<1x!tpu.dma_semaphore, #tpu.memory_space<semaphore_mem>>
      %dma_wait3A_614 = tpu.memref_squeeze %dma_wait3A_613 : memref<1x!tpu.dma_semaphore, #tpu.memory_space<semaphore_mem>> -> memref<!tpu.dma_semaphore, #tpu.memory_space<semaphore_mem>>
      tpu.wait_indirect_dma semaphore(%dma_wait3A_614 : memref<!tpu.dma_semaphore, #tpu.memory_space<semaphore_mem>>) src(%dma_wait3A_612 : memref<100000x128xf32, #tpu.memory_space<hbm>>) dst(%dma_wait3A_606 : memref<50x128xf32, #tpu.memory_space<vmem>>)
      %scan3A_615 = arith.constant 0 : i32
      %scan3A_616 = arith.constant 0 : i32
      %scan3A_617 = arith.constant 50 : i32
      %scan3A_618 = arith.addi %scan3A_616, %scan3A_617 : i32
      %scan3A_619 = arith.constant 1 : i32
      %scan3A_620 = scf.for %scan3A_1876 = %scan3A_616 to %scan3A_618 step %scan3A_619 iter_args(%scan3A_1877 = %scan3A_615) -> (i32)  : i32 {
        %add3A_1878 = arith.constant 0 : i32
        %add3A_1879 = arith.addi %add3A_1878, %scan3A_1876 : i32
        %get3A = arith.index_cast %add3A_1879 : i32 to index
        %get3A_1880 = arith.constant 0 : index
        %get3A_1881 = tpu.vector_load %arg11[%get3A, %get3A_1880] {strides = array<i32>} : memref<200x34xf32, #tpu.memory_space<vmem>>, vector<1x16xf32>,
        %get3A_1882 = vector.shape_cast %get3A_1881 : vector<1x16xf32> to vector<16xf32>
        %swap3A = arith.constant 0 : i32
        %swap3A_1883 = arith.index_cast %swap3A : i32 to index
        %swap3A_1884 = arith.index_cast %scan3A_1876 : i32 to index
        %swap3A_1885 = arith.constant 94 : index
        %swap3A_1886 = tpu.vector_load %arg13[%swap3A_1883, %swap3A_1884, %swap3A_1885] {strides = array<i32>} : memref<4x100x128xf32, #tpu.memory_space<vmem>>, vector<1x1x16xf32>,
        %swap3A_1887 = vector.shape_cast %swap3A_1886 : vector<1x1x16xf32> to vector<16xf32>
        %swap3A_1888 = vector.shape_cast %get3A_1882 : vector<16xf32> to vector<1x1x16xf32>
        tpu.vector_store %arg13[%swap3A_1883, %swap3A_1884, %swap3A_1885], %swap3A_1888 {strides = array<i32>} : memref<4x100x128xf32, #tpu.memory_space<vmem>>, vector<1x1x16xf32>,
        %get3A_1889 = arith.index_cast %add3A_1879 : i32 to index
        %get3A_1890 = arith.constant 16 : index
        %get3A_1891 = tpu.vector_load %arg11[%get3A_1889, %get3A_1890] {strides = array<i32>} : memref<200x34xf32, #tpu.memory_space<vmem>>, vector<1x16xf32>,
        %get3A_1892 = vector.shape_cast %get3A_1891 : vector<1x16xf32> to vector<16xf32>
        %swap3A_1893 = arith.constant 0 : i32
        %swap3A_1894 = arith.index_cast %swap3A_1893 : i32 to index
        %swap3A_1895 = arith.index_cast %scan3A_1876 : i32 to index
        %swap3A_1896 = arith.constant 110 : index
        %swap3A_1897 = tpu.vector_load %arg13[%swap3A_1894, %swap3A_1895, %swap3A_1896] {strides = array<i32>} : memref<4x100x128xf32, #tpu.memory_space<vmem>>, vector<1x1x16xf32>,
        %swap3A_1898 = vector.shape_cast %swap3A_1897 : vector<1x1x16xf32> to vector<16xf32>
        %swap3A_1899 = vector.shape_cast %get3A_1892 : vector<16xf32> to vector<1x1x16xf32>
        tpu.vector_store %arg13[%swap3A_1894, %swap3A_1895, %swap3A_1896], %swap3A_1899 {strides = array<i32>} : memref<4x100x128xf32, #tpu.memory_space<vmem>>, vector<1x1x16xf32>,
        %get3A_1900 = arith.index_cast %add3A_1879 : i32 to index
        %get3A_1901 = arith.constant 18 : index
        %get3A_1902 = tpu.vector_load %arg11[%get3A_1900, %get3A_1901] {strides = array<i32>} : memref<200x34xf32, #tpu.memory_space<vmem>>, vector<1x16xf32>,
        %get3A_1903 = vector.shape_cast %get3A_1902 : vector<1x16xf32> to vector<16xf32>
        %swap3A_1904 = arith.constant 0 : i32
        %swap3A_1905 = arith.index_cast %swap3A_1904 : i32 to index
        %swap3A_1906 = arith.index_cast %scan3A_1876 : i32 to index
        %swap3A_1907 = arith.constant 112 : index
        %swap3A_1908 = tpu.vector_load %arg13[%swap3A_1905, %swap3A_1906, %swap3A_1907] {strides = array<i32>} : memref<4x100x128xf32, #tpu.memory_space<vmem>>, vector<1x1x16xf32>,
        %swap3A_1909 = vector.shape_cast %swap3A_1908 : vector<1x1x16xf32> to vector<16xf32>
        %swap3A_1910 = vector.shape_cast %get3A_1903 : vector<16xf32> to vector<1x1x16xf32>
        tpu.vector_store %arg13[%swap3A_1905, %swap3A_1906, %swap3A_1907], %swap3A_1910 {strides = array<i32>} : memref<4x100x128xf32, #tpu.memory_space<vmem>>, vector<1x1x16xf32>,
        %get3A_1911 = arith.index_cast %add3A_1879 : i32 to index
        %get3A_1912 = arith.constant 0 : index
        %get3A_1913 = tpu.vector_load %arg12[%get3A_1911, %get3A_1912] {strides = array<i32>} : memref<200x16xf32, #tpu.memory_space<vmem>>, vector<1x16xf32>,
        %get3A_1914 = vector.shape_cast %get3A_1913 : vector<1x16xf32> to vector<16xf32>
        %add3A_1915 = arith.constant 50 : i32
        %add3A_1916 = arith.addi %add3A_1915, %scan3A_1876 : i32
        %swap3A_1917 = arith.constant 0 : i32
        %swap3A_1918 = arith.index_cast %swap3A_1917 : i32 to index
        %swap3A_1919 = arith.index_cast %add3A_1916 : i32 to index
        %swap3A_1920 = arith.constant 112 : index
        %swap3A_1921 = tpu.vector_load %arg13[%swap3A_1918, %swap3A_1919, %swap3A_1920] {strides = array<i32>} : memref<4x100x128xf32, #tpu.memory_space<vmem>>, vector<1x1x16xf32>,
        %swap3A_1922 = vector.shape_cast %swap3A_1921 : vector<1x1x16xf32> to vector<16xf32>
        %swap3A_1923 = vector.shape_cast %get3A_1914 : vector<16xf32> to vector<1x1x16xf32>
        tpu.vector_store %arg13[%swap3A_1918, %swap3A_1919, %swap3A_1920], %swap3A_1923 {strides = array<i32>} : memref<4x100x128xf32, #tpu.memory_space<vmem>>, vector<1x1x16xf32>,
        %scan3A_1924 = arith.constant 0 : i32
        scf.yield %scan3A_1924 : i32
      }
      %scan3A_621 = arith.constant 50 : i32
      %dma_start3A_622 = arith.constant 0 : i32
      %dma_start3A_623 = arith.constant 0 : i32
      %dma_start3A_624 = arith.constant 0 : i32
      %dma_start3A_625 = arith.constant 0 : i32
      %dma_start3A_626 = tpu.memref_slice %arg13[%dma_start3A_622, %dma_start3A_624, %dma_start3A_625] : memref<4x100x128xf32, #tpu.memory_space<vmem>> -> memref<1x100x128xf32, #tpu.memory_space<vmem>>
      %dma_start3A_627 = tpu.memref_squeeze %dma_start3A_626 : memref<1x100x128xf32, #tpu.memory_space<vmem>> -> memref<100x128xf32, #tpu.memory_space<vmem>>
      %dma_start3A_628 = arith.constant 0 : i32
      %dma_start3A_629 = arith.constant 0 : i32
      %dma_start3A_630 = tpu.memref_slice %arg8[%add3A_582, %dma_start3A_628, %dma_start3A_629] : memref<4096x100x128xf32, #tpu.memory_space<hbm>> -> memref<1x100x128xf32, #tpu.memory_space<hbm>>
      %dma_start3A_631 = tpu.memref_squeeze %dma_start3A_630 : memref<1x100x128xf32, #tpu.memory_space<hbm>> -> memref<100x128xf32, #tpu.memory_space<hbm>>
      %dma_start3A_632 = tpu.memref_slice %arg15[%dma_start3A_623] : memref<4x!tpu.dma_semaphore, #tpu.memory_space<semaphore_mem>> -> memref<1x!tpu.dma_semaphore, #tpu.memory_space<semaphore_mem>>
      %dma_start3A_633 = tpu.memref_squeeze %dma_start3A_632 : memref<1x!tpu.dma_semaphore, #tpu.memory_space<semaphore_mem>> -> memref<!tpu.dma_semaphore, #tpu.memory_space<semaphore_mem>>
      %dma_start3A_634 = arith.constant 0 : i32
      %dma_start3A_635 = arith.constant 0 : i32
      %dma_start3A_636 = tpu.memref_slice %arg8[%add3A_582, %dma_start3A_634, %dma_start3A_635] : memref<4096x100x128xf32, #tpu.memory_space<hbm>> -> memref<1x100x128xf32, #tpu.memory_space<hbm>>
      %dma_start3A_637 = tpu.memref_squeeze %dma_start3A_636 : memref<1x100x128xf32, #tpu.memory_space<hbm>> -> memref<100x128xf32, #tpu.memory_space<hbm>>
      %dma_start3A_638 = arith.constant 0 : i32
      %dma_start3A_639 = arith.constant 0 : i32
      %dma_start3A_640 = tpu.memref_slice %arg13[%dma_start3A_622, %dma_start3A_638, %dma_start3A_639] : memref<4x100x128xf32, #tpu.memory_space<vmem>> -> memref<1x100x128xf32, #tpu.memory_space<vmem>>
      %dma_start3A_641 = tpu.memref_squeeze %dma_start3A_640 : memref<1x100x128xf32, #tpu.memory_space<vmem>> -> memref<100x128xf32, #tpu.memory_space<vmem>>
      tpu.enqueue_dma source(%dma_start3A_641 : memref<100x128xf32, #tpu.memory_space<vmem>>) target(%dma_start3A_637 : memref<100x128xf32, #tpu.memory_space<hbm>>) target_semaphore(%dma_start3A_633 : memref<!tpu.dma_semaphore, #tpu.memory_space<semaphore_mem>>)
      %sub3A_642 = arith.constant 2 : i32
      %sub3A_643 = arith.subi %add3A_582, %sub3A_642 : i32
      %dma_wait3A_644 = arith.constant 2 : i32
      %dma_wait3A_645 = arith.constant 2 : i32
      %dma_wait3A_646 = arith.constant 0 : i32
      %dma_wait3A_647 = arith.constant 0 : i32
      %dma_wait3A_648 = tpu.memref_slice %arg13[%dma_wait3A_644, %dma_wait3A_646, %dma_wait3A_647] : memref<4x100x128xf32, #tpu.memory_space<vmem>> -> memref<1x100x128xf32, #tpu.memory_space<vmem>>
      %dma_wait3A_649 = tpu.memref_squeeze %dma_wait3A_648 : memref<1x100x128xf32, #tpu.memory_space<vmem>> -> memref<100x128xf32, #tpu.memory_space<vmem>>
      %dma_wait3A_650 = arith.constant 0 : i32
      %dma_wait3A_651 = arith.constant 0 : i32
      %dma_wait3A_652 = tpu.memref_slice %arg8[%sub3A_643, %dma_wait3A_650, %dma_wait3A_651] : memref<4096x100x128xf32, #tpu.memory_space<hbm>> -> memref<1x100x128xf32, #tpu.memory_space<hbm>>
      %dma_wait3A_653 = tpu.memref_squeeze %dma_wait3A_652 : memref<1x100x128xf32, #tpu.memory_space<hbm>> -> memref<100x128xf32, #tpu.memory_space<hbm>>
      %dma_wait3A_654 = tpu.memref_slice %arg15[%dma_wait3A_645] : memref<4x!tpu.dma_semaphore, #tpu.memory_space<semaphore_mem>> -> memref<1x!tpu.dma_semaphore, #tpu.memory_space<semaphore_mem>>
      %dma_wait3A_655 = tpu.memref_squeeze %dma_wait3A_654 : memref<1x!tpu.dma_semaphore, #tpu.memory_space<semaphore_mem>> -> memref<!tpu.dma_semaphore, #tpu.memory_space<semaphore_mem>>
      %dma_wait3A_656 = arith.constant 0 : i32
      %dma_wait3A_657 = arith.constant 0 : i32
      %dma_wait3A_658 = tpu.memref_slice %arg8[%sub3A_643, %dma_wait3A_656, %dma_wait3A_657] : memref<4096x100x128xf32, #tpu.memory_space<hbm>> -> memref<1x100x128xf32, #tpu.memory_space<hbm>>
      %dma_wait3A_659 = tpu.memref_squeeze %dma_wait3A_658 : memref<1x100x128xf32, #tpu.memory_space<hbm>> -> memref<100x128xf32, #tpu.memory_space<hbm>>
      %dma_wait3A_660 = arith.constant 0 : i32
      %dma_wait3A_661 = arith.constant 0 : i32
      %dma_wait3A_662 = tpu.memref_slice %arg13[%dma_wait3A_644, %dma_wait3A_660, %dma_wait3A_661] : memref<4x100x128xf32, #tpu.memory_space<vmem>> -> memref<1x100x128xf32, #tpu.memory_space<vmem>>
      %dma_wait3A_663 = tpu.memref_squeeze %dma_wait3A_662 : memref<1x100x128xf32, #tpu.memory_space<vmem>> -> memref<100x128xf32, #tpu.memory_space<vmem>>
      tpu.wait_dma2 semaphore(%dma_wait3A_655 : memref<!tpu.dma_semaphore, #tpu.memory_space<semaphore_mem>>) src(%dma_wait3A_663 : memref<100x128xf32, #tpu.memory_space<vmem>>) dst(%dma_wait3A_659 : memref<100x128xf32, #tpu.memory_space<hbm>>)
      %dma_start3A_664 = arith.constant 0 : i32
      %dma_start3A_665 = arith.constant 6 : i32
      %dma_start3A_666 = arith.constant 2 : i32
      %dma_start3A_667 = arith.constant 2 : i32
      %dma_start3A_668 = arith.constant 0 : i32
      %dma_start3A_669 = arith.constant 0 : i32
      %dma_start3A_670 = tpu.memref_slice %arg13[%dma_start3A_666, %dma_start3A_668, %dma_start3A_669] : memref<4x100x128xf32, #tpu.memory_space<vmem>> -> memref<1x50x128xf32, #tpu.memory_space<vmem>>
      %dma_start3A_671 = tpu.memref_squeeze %dma_start3A_670 : memref<1x50x128xf32, #tpu.memory_space<vmem>> -> memref<50x128xf32, #tpu.memory_space<vmem>>
      %dma_start3A_672 = arith.constant 0 : i32
      %dma_start3A_673 = tpu.memref_slice %arg9[%dma_start3A_664, %dma_start3A_665, %dma_start3A_672] : memref<2x8x50xi32, #tpu.memory_space<vmem>> -> memref<1x1x50xi32, #tpu.memory_space<vmem>>
      %dma_start3A_674 = tpu.memref_squeeze %dma_start3A_673 : memref<1x1x50xi32, #tpu.memory_space<vmem>> -> memref<50xi32, #tpu.memory_space<vmem>>
      %dma_start3A_675 = arith.constant 0 : i32
      %dma_start3A_676 = arith.constant 0 : i32
      %dma_start3A_677 = tpu.memref_slice %arg4[%dma_start3A_675, %dma_start3A_676] : memref<100000x128xf32, #tpu.memory_space<hbm>> -> memref<100000x128xf32, #tpu.memory_space<hbm>>
      %dma_start3A_678 = tpu.memref_slice %arg14[%dma_start3A_667] : memref<4x!tpu.dma_semaphore, #tpu.memory_space<semaphore_mem>> -> memref<1x!tpu.dma_semaphore, #tpu.memory_space<semaphore_mem>>
      %dma_start3A_679 = tpu.memref_squeeze %dma_start3A_678 : memref<1x!tpu.dma_semaphore, #tpu.memory_space<semaphore_mem>> -> memref<!tpu.dma_semaphore, #tpu.memory_space<semaphore_mem>>
      tpu.enqueue_indirect_dma source(%dma_start3A_677 : memref<100000x128xf32, #tpu.memory_space<hbm>>) target(%dma_start3A_671 : memref<50x128xf32, #tpu.memory_space<vmem>>) offsets(%dma_start3A_674 : memref<50xi32, #tpu.memory_space<vmem>>) semaphore(%dma_start3A_679 : memref<!tpu.dma_semaphore, #tpu.memory_space<semaphore_mem>>)
      %dma_start3A_680 = arith.constant 0 : i32
      %dma_start3A_681 = arith.constant 6 : i32
      %dma_start3A_682 = arith.constant 2 : i32
      %dma_start3A_683 = arith.constant 2 : i32
      %dma_start3A_684 = arith.constant 50 : i32
      %dma_start3A_685 = arith.constant 0 : i32
      %dma_start3A_686 = tpu.memref_slice %arg13[%dma_start3A_682, %dma_start3A_684, %dma_start3A_685] : memref<4x100x128xf32, #tpu.memory_space<vmem>> -> memref<1x50x128xf32, #tpu.memory_space<vmem>>
      %dma_start3A_687 = tpu.memref_squeeze %dma_start3A_686 : memref<1x50x128xf32, #tpu.memory_space<vmem>> -> memref<50x128xf32, #tpu.memory_space<vmem>>
      %dma_start3A_688 = arith.constant 0 : i32
      %dma_start3A_689 = tpu.memref_slice %arg10[%dma_start3A_680, %dma_start3A_681, %dma_start3A_688] : memref<2x8x50xi32, #tpu.memory_space<vmem>> -> memref<1x1x50xi32, #tpu.memory_space<vmem>>
      %dma_start3A_690 = tpu.memref_squeeze %dma_start3A_689 : memref<1x1x50xi32, #tpu.memory_space<vmem>> -> memref<50xi32, #tpu.memory_space<vmem>>
      %dma_start3A_691 = arith.constant 0 : i32
      %dma_start3A_692 = arith.constant 0 : i32
      %dma_start3A_693 = tpu.memref_slice %arg5[%dma_start3A_691, %dma_start3A_692] : memref<100000x128xf32, #tpu.memory_space<hbm>> -> memref<100000x128xf32, #tpu.memory_space<hbm>>
      %dma_start3A_694 = tpu.memref_slice %arg14[%dma_start3A_683] : memref<4x!tpu.dma_semaphore, #tpu.memory_space<semaphore_mem>> -> memref<1x!tpu.dma_semaphore, #tpu.memory_space<semaphore_mem>>
      %dma_start3A_695 = tpu.memref_squeeze %dma_start3A_694 : memref<1x!tpu.dma_semaphore, #tpu.memory_space<semaphore_mem>> -> memref<!tpu.dma_semaphore, #tpu.memory_space<semaphore_mem>>
      tpu.enqueue_indirect_dma source(%dma_start3A_693 : memref<100000x128xf32, #tpu.memory_space<hbm>>) target(%dma_start3A_687 : memref<50x128xf32, #tpu.memory_space<vmem>>) offsets(%dma_start3A_690 : memref<50xi32, #tpu.memory_space<vmem>>) semaphore(%dma_start3A_695 : memref<!tpu.dma_semaphore, #tpu.memory_space<semaphore_mem>>)
      %mul3A_696 = arith.constant 8 : i32
      %mul3A_697 = arith.muli %mul3A_124, %mul3A_696 : i32
      %add3A_698 = arith.addi %mul3A_2, %mul3A_697 : i32
      %add3A_699 = arith.constant 5 : i32
      %add3A_700 = arith.addi %add3A_698, %add3A_699 : i32
      %dma_wait3A_701 = arith.constant 0 : i32
      %dma_wait3A_702 = arith.constant 5 : i32
      %dma_wait3A_703 = arith.constant 1 : i32
      %dma_wait3A_704 = arith.constant 1 : i32
      %dma_wait3A_705 = arith.constant 0 : i32
      %dma_wait3A_706 = arith.constant 0 : i32
      %dma_wait3A_707 = tpu.memref_slice %arg13[%dma_wait3A_703, %dma_wait3A_705, %dma_wait3A_706] : memref<4x100x128xf32, #tpu.memory_space<vmem>> -> memref<1x50x128xf32, #tpu.memory_space<vmem>>
      %dma_wait3A_708 = tpu.memref_squeeze %dma_wait3A_707 : memref<1x50x128xf32, #tpu.memory_space<vmem>> -> memref<50x128xf32, #tpu.memory_space<vmem>>
      %dma_wait3A_709 = arith.constant 0 : i32
      %dma_wait3A_710 = tpu.memref_slice %arg9[%dma_wait3A_701, %dma_wait3A_702, %dma_wait3A_709] : memref<2x8x50xi32, #tpu.memory_space<vmem>> -> memref<1x1x50xi32, #tpu.memory_space<vmem>>
      %dma_wait3A_711 = tpu.memref_squeeze %dma_wait3A_710 : memref<1x1x50xi32, #tpu.memory_space<vmem>> -> memref<50xi32, #tpu.memory_space<vmem>>
      %dma_wait3A_712 = arith.constant 0 : i32
      %dma_wait3A_713 = arith.constant 0 : i32
      %dma_wait3A_714 = tpu.memref_slice %arg4[%dma_wait3A_712, %dma_wait3A_713] : memref<100000x128xf32, #tpu.memory_space<hbm>> -> memref<100000x128xf32, #tpu.memory_space<hbm>>
      %dma_wait3A_715 = tpu.memref_slice %arg14[%dma_wait3A_704] : memref<4x!tpu.dma_semaphore, #tpu.memory_space<semaphore_mem>> -> memref<1x!tpu.dma_semaphore, #tpu.memory_space<semaphore_mem>>
      %dma_wait3A_716 = tpu.memref_squeeze %dma_wait3A_715 : memref<1x!tpu.dma_semaphore, #tpu.memory_space<semaphore_mem>> -> memref<!tpu.dma_semaphore, #tpu.memory_space<semaphore_mem>>
      tpu.wait_indirect_dma semaphore(%dma_wait3A_716 : memref<!tpu.dma_semaphore, #tpu.memory_space<semaphore_mem>>) src(%dma_wait3A_714 : memref<100000x128xf32, #tpu.memory_space<hbm>>) dst(%dma_wait3A_708 : memref<50x128xf32, #tpu.memory_space<vmem>>)
      %dma_wait3A_717 = arith.constant 0 : i32
      %dma_wait3A_718 = arith.constant 5 : i32
      %dma_wait3A_719 = arith.constant 1 : i32
      %dma_wait3A_720 = arith.constant 1 : i32
      %dma_wait3A_721 = arith.constant 50 : i32
      %dma_wait3A_722 = arith.constant 0 : i32
      %dma_wait3A_723 = tpu.memref_slice %arg13[%dma_wait3A_719, %dma_wait3A_721, %dma_wait3A_722] : memref<4x100x128xf32, #tpu.memory_space<vmem>> -> memref<1x50x128xf32, #tpu.memory_space<vmem>>
      %dma_wait3A_724 = tpu.memref_squeeze %dma_wait3A_723 : memref<1x50x128xf32, #tpu.memory_space<vmem>> -> memref<50x128xf32, #tpu.memory_space<vmem>>
      %dma_wait3A_725 = arith.constant 0 : i32
      %dma_wait3A_726 = tpu.memref_slice %arg10[%dma_wait3A_717, %dma_wait3A_718, %dma_wait3A_725] : memref<2x8x50xi32, #tpu.memory_space<vmem>> -> memref<1x1x50xi32, #tpu.memory_space<vmem>>
      %dma_wait3A_727 = tpu.memref_squeeze %dma_wait3A_726 : memref<1x1x50xi32, #tpu.memory_space<vmem>> -> memref<50xi32, #tpu.memory_space<vmem>>
      %dma_wait3A_728 = arith.constant 0 : i32
      %dma_wait3A_729 = arith.constant 0 : i32
      %dma_wait3A_730 = tpu.memref_slice %arg5[%dma_wait3A_728, %dma_wait3A_729] : memref<100000x128xf32, #tpu.memory_space<hbm>> -> memref<100000x128xf32, #tpu.memory_space<hbm>>
      %dma_wait3A_731 = tpu.memref_slice %arg14[%dma_wait3A_720] : memref<4x!tpu.dma_semaphore, #tpu.memory_space<semaphore_mem>> -> memref<1x!tpu.dma_semaphore, #tpu.memory_space<semaphore_mem>>
      %dma_wait3A_732 = tpu.memref_squeeze %dma_wait3A_731 : memref<1x!tpu.dma_semaphore, #tpu.memory_space<semaphore_mem>> -> memref<!tpu.dma_semaphore, #tpu.memory_space<semaphore_mem>>
      tpu.wait_indirect_dma semaphore(%dma_wait3A_732 : memref<!tpu.dma_semaphore, #tpu.memory_space<semaphore_mem>>) src(%dma_wait3A_730 : memref<100000x128xf32, #tpu.memory_space<hbm>>) dst(%dma_wait3A_724 : memref<50x128xf32, #tpu.memory_space<vmem>>)
      %scan3A_733 = arith.constant 0 : i32
      %scan3A_734 = arith.constant 0 : i32
      %scan3A_735 = arith.constant 50 : i32
      %scan3A_736 = arith.addi %scan3A_734, %scan3A_735 : i32
      %scan3A_737 = arith.constant 1 : i32
      %scan3A_738 = scf.for %scan3A_1876 = %scan3A_734 to %scan3A_736 step %scan3A_737 iter_args(%scan3A_1877 = %scan3A_733) -> (i32)  : i32 {
        %add3A_1878 = arith.constant 50 : i32
        %add3A_1879 = arith.addi %add3A_1878, %scan3A_1876 : i32
        %get3A = arith.index_cast %add3A_1879 : i32 to index
        %get3A_1880 = arith.constant 0 : index
        %get3A_1881 = tpu.vector_load %arg11[%get3A, %get3A_1880] {strides = array<i32>} : memref<200x34xf32, #tpu.memory_space<vmem>>, vector<1x16xf32>,
        %get3A_1882 = vector.shape_cast %get3A_1881 : vector<1x16xf32> to vector<16xf32>
        %swap3A = arith.constant 1 : i32
        %swap3A_1883 = arith.index_cast %swap3A : i32 to index
        %swap3A_1884 = arith.index_cast %scan3A_1876 : i32 to index
        %swap3A_1885 = arith.constant 94 : index
        %swap3A_1886 = tpu.vector_load %arg13[%swap3A_1883, %swap3A_1884, %swap3A_1885] {strides = array<i32>} : memref<4x100x128xf32, #tpu.memory_space<vmem>>, vector<1x1x16xf32>,
        %swap3A_1887 = vector.shape_cast %swap3A_1886 : vector<1x1x16xf32> to vector<16xf32>
        %swap3A_1888 = vector.shape_cast %get3A_1882 : vector<16xf32> to vector<1x1x16xf32>
        tpu.vector_store %arg13[%swap3A_1883, %swap3A_1884, %swap3A_1885], %swap3A_1888 {strides = array<i32>} : memref<4x100x128xf32, #tpu.memory_space<vmem>>, vector<1x1x16xf32>,
        %get3A_1889 = arith.index_cast %add3A_1879 : i32 to index
        %get3A_1890 = arith.constant 16 : index
        %get3A_1891 = tpu.vector_load %arg11[%get3A_1889, %get3A_1890] {strides = array<i32>} : memref<200x34xf32, #tpu.memory_space<vmem>>, vector<1x16xf32>,
        %get3A_1892 = vector.shape_cast %get3A_1891 : vector<1x16xf32> to vector<16xf32>
        %swap3A_1893 = arith.constant 1 : i32
        %swap3A_1894 = arith.index_cast %swap3A_1893 : i32 to index
        %swap3A_1895 = arith.index_cast %scan3A_1876 : i32 to index
        %swap3A_1896 = arith.constant 110 : index
        %swap3A_1897 = tpu.vector_load %arg13[%swap3A_1894, %swap3A_1895, %swap3A_1896] {strides = array<i32>} : memref<4x100x128xf32, #tpu.memory_space<vmem>>, vector<1x1x16xf32>,
        %swap3A_1898 = vector.shape_cast %swap3A_1897 : vector<1x1x16xf32> to vector<16xf32>
        %swap3A_1899 = vector.shape_cast %get3A_1892 : vector<16xf32> to vector<1x1x16xf32>
        tpu.vector_store %arg13[%swap3A_1894, %swap3A_1895, %swap3A_1896], %swap3A_1899 {strides = array<i32>} : memref<4x100x128xf32, #tpu.memory_space<vmem>>, vector<1x1x16xf32>,
        %get3A_1900 = arith.index_cast %add3A_1879 : i32 to index
        %get3A_1901 = arith.constant 18 : index
        %get3A_1902 = tpu.vector_load %arg11[%get3A_1900, %get3A_1901] {strides = array<i32>} : memref<200x34xf32, #tpu.memory_space<vmem>>, vector<1x16xf32>,
        %get3A_1903 = vector.shape_cast %get3A_1902 : vector<1x16xf32> to vector<16xf32>
        %swap3A_1904 = arith.constant 1 : i32
        %swap3A_1905 = arith.index_cast %swap3A_1904 : i32 to index
        %swap3A_1906 = arith.index_cast %scan3A_1876 : i32 to index
        %swap3A_1907 = arith.constant 112 : index
        %swap3A_1908 = tpu.vector_load %arg13[%swap3A_1905, %swap3A_1906, %swap3A_1907] {strides = array<i32>} : memref<4x100x128xf32, #tpu.memory_space<vmem>>, vector<1x1x16xf32>,
        %swap3A_1909 = vector.shape_cast %swap3A_1908 : vector<1x1x16xf32> to vector<16xf32>
        %swap3A_1910 = vector.shape_cast %get3A_1903 : vector<16xf32> to vector<1x1x16xf32>
        tpu.vector_store %arg13[%swap3A_1905, %swap3A_1906, %swap3A_1907], %swap3A_1910 {strides = array<i32>} : memref<4x100x128xf32, #tpu.memory_space<vmem>>, vector<1x1x16xf32>,
        %get3A_1911 = arith.index_cast %add3A_1879 : i32 to index
        %get3A_1912 = arith.constant 0 : index
        %get3A_1913 = tpu.vector_load %arg12[%get3A_1911, %get3A_1912] {strides = array<i32>} : memref<200x16xf32, #tpu.memory_space<vmem>>, vector<1x16xf32>,
        %get3A_1914 = vector.shape_cast %get3A_1913 : vector<1x16xf32> to vector<16xf32>
        %add3A_1915 = arith.constant 50 : i32
        %add3A_1916 = arith.addi %add3A_1915, %scan3A_1876 : i32
        %swap3A_1917 = arith.constant 1 : i32
        %swap3A_1918 = arith.index_cast %swap3A_1917 : i32 to index
        %swap3A_1919 = arith.index_cast %add3A_1916 : i32 to index
        %swap3A_1920 = arith.constant 112 : index
        %swap3A_1921 = tpu.vector_load %arg13[%swap3A_1918, %swap3A_1919, %swap3A_1920] {strides = array<i32>} : memref<4x100x128xf32, #tpu.memory_space<vmem>>, vector<1x1x16xf32>,
        %swap3A_1922 = vector.shape_cast %swap3A_1921 : vector<1x1x16xf32> to vector<16xf32>
        %swap3A_1923 = vector.shape_cast %get3A_1914 : vector<16xf32> to vector<1x1x16xf32>
        tpu.vector_store %arg13[%swap3A_1918, %swap3A_1919, %swap3A_1920], %swap3A_1923 {strides = array<i32>} : memref<4x100x128xf32, #tpu.memory_space<vmem>>, vector<1x1x16xf32>,
        %scan3A_1924 = arith.constant 0 : i32
        scf.yield %scan3A_1924 : i32
      }
      %scan3A_739 = arith.constant 50 : i32
      %dma_start3A_740 = arith.constant 1 : i32
      %dma_start3A_741 = arith.constant 1 : i32
      %dma_start3A_742 = arith.constant 0 : i32
      %dma_start3A_743 = arith.constant 0 : i32
      %dma_start3A_744 = tpu.memref_slice %arg13[%dma_start3A_740, %dma_start3A_742, %dma_start3A_743] : memref<4x100x128xf32, #tpu.memory_space<vmem>> -> memref<1x100x128xf32, #tpu.memory_space<vmem>>
      %dma_start3A_745 = tpu.memref_squeeze %dma_start3A_744 : memref<1x100x128xf32, #tpu.memory_space<vmem>> -> memref<100x128xf32, #tpu.memory_space<vmem>>
      %dma_start3A_746 = arith.constant 0 : i32
      %dma_start3A_747 = arith.constant 0 : i32
      %dma_start3A_748 = tpu.memref_slice %arg8[%add3A_700, %dma_start3A_746, %dma_start3A_747] : memref<4096x100x128xf32, #tpu.memory_space<hbm>> -> memref<1x100x128xf32, #tpu.memory_space<hbm>>
      %dma_start3A_749 = tpu.memref_squeeze %dma_start3A_748 : memref<1x100x128xf32, #tpu.memory_space<hbm>> -> memref<100x128xf32, #tpu.memory_space<hbm>>
      %dma_start3A_750 = tpu.memref_slice %arg15[%dma_start3A_741] : memref<4x!tpu.dma_semaphore, #tpu.memory_space<semaphore_mem>> -> memref<1x!tpu.dma_semaphore, #tpu.memory_space<semaphore_mem>>
      %dma_start3A_751 = tpu.memref_squeeze %dma_start3A_750 : memref<1x!tpu.dma_semaphore, #tpu.memory_space<semaphore_mem>> -> memref<!tpu.dma_semaphore, #tpu.memory_space<semaphore_mem>>
      %dma_start3A_752 = arith.constant 0 : i32
      %dma_start3A_753 = arith.constant 0 : i32
      %dma_start3A_754 = tpu.memref_slice %arg8[%add3A_700, %dma_start3A_752, %dma_start3A_753] : memref<4096x100x128xf32, #tpu.memory_space<hbm>> -> memref<1x100x128xf32, #tpu.memory_space<hbm>>
      %dma_start3A_755 = tpu.memref_squeeze %dma_start3A_754 : memref<1x100x128xf32, #tpu.memory_space<hbm>> -> memref<100x128xf32, #tpu.memory_space<hbm>>
      %dma_start3A_756 = arith.constant 0 : i32
      %dma_start3A_757 = arith.constant 0 : i32
      %dma_start3A_758 = tpu.memref_slice %arg13[%dma_start3A_740, %dma_start3A_756, %dma_start3A_757] : memref<4x100x128xf32, #tpu.memory_space<vmem>> -> memref<1x100x128xf32, #tpu.memory_space<vmem>>
      %dma_start3A_759 = tpu.memref_squeeze %dma_start3A_758 : memref<1x100x128xf32, #tpu.memory_space<vmem>> -> memref<100x128xf32, #tpu.memory_space<vmem>>
      tpu.enqueue_dma source(%dma_start3A_759 : memref<100x128xf32, #tpu.memory_space<vmem>>) target(%dma_start3A_755 : memref<100x128xf32, #tpu.memory_space<hbm>>) target_semaphore(%dma_start3A_751 : memref<!tpu.dma_semaphore, #tpu.memory_space<semaphore_mem>>)
      %sub3A_760 = arith.constant 2 : i32
      %sub3A_761 = arith.subi %add3A_700, %sub3A_760 : i32
      %dma_wait3A_762 = arith.constant 3 : i32
      %dma_wait3A_763 = arith.constant 3 : i32
      %dma_wait3A_764 = arith.constant 0 : i32
      %dma_wait3A_765 = arith.constant 0 : i32
      %dma_wait3A_766 = tpu.memref_slice %arg13[%dma_wait3A_762, %dma_wait3A_764, %dma_wait3A_765] : memref<4x100x128xf32, #tpu.memory_space<vmem>> -> memref<1x100x128xf32, #tpu.memory_space<vmem>>
      %dma_wait3A_767 = tpu.memref_squeeze %dma_wait3A_766 : memref<1x100x128xf32, #tpu.memory_space<vmem>> -> memref<100x128xf32, #tpu.memory_space<vmem>>
      %dma_wait3A_768 = arith.constant 0 : i32
      %dma_wait3A_769 = arith.constant 0 : i32
      %dma_wait3A_770 = tpu.memref_slice %arg8[%sub3A_761, %dma_wait3A_768, %dma_wait3A_769] : memref<4096x100x128xf32, #tpu.memory_space<hbm>> -> memref<1x100x128xf32, #tpu.memory_space<hbm>>
      %dma_wait3A_771 = tpu.memref_squeeze %dma_wait3A_770 : memref<1x100x128xf32, #tpu.memory_space<hbm>> -> memref<100x128xf32, #tpu.memory_space<hbm>>
      %dma_wait3A_772 = tpu.memref_slice %arg15[%dma_wait3A_763] : memref<4x!tpu.dma_semaphore, #tpu.memory_space<semaphore_mem>> -> memref<1x!tpu.dma_semaphore, #tpu.memory_space<semaphore_mem>>
      %dma_wait3A_773 = tpu.memref_squeeze %dma_wait3A_772 : memref<1x!tpu.dma_semaphore, #tpu.memory_space<semaphore_mem>> -> memref<!tpu.dma_semaphore, #tpu.memory_space<semaphore_mem>>
      %dma_wait3A_774 = arith.constant 0 : i32
      %dma_wait3A_775 = arith.constant 0 : i32
      %dma_wait3A_776 = tpu.memref_slice %arg8[%sub3A_761, %dma_wait3A_774, %dma_wait3A_775] : memref<4096x100x128xf32, #tpu.memory_space<hbm>> -> memref<1x100x128xf32, #tpu.memory_space<hbm>>
      %dma_wait3A_777 = tpu.memref_squeeze %dma_wait3A_776 : memref<1x100x128xf32, #tpu.memory_space<hbm>> -> memref<100x128xf32, #tpu.memory_space<hbm>>
      %dma_wait3A_778 = arith.constant 0 : i32
      %dma_wait3A_779 = arith.constant 0 : i32
      %dma_wait3A_780 = tpu.memref_slice %arg13[%dma_wait3A_762, %dma_wait3A_778, %dma_wait3A_779] : memref<4x100x128xf32, #tpu.memory_space<vmem>> -> memref<1x100x128xf32, #tpu.memory_space<vmem>>
      %dma_wait3A_781 = tpu.memref_squeeze %dma_wait3A_780 : memref<1x100x128xf32, #tpu.memory_space<vmem>> -> memref<100x128xf32, #tpu.memory_space<vmem>>
      tpu.wait_dma2 semaphore(%dma_wait3A_773 : memref<!tpu.dma_semaphore, #tpu.memory_space<semaphore_mem>>) src(%dma_wait3A_781 : memref<100x128xf32, #tpu.memory_space<vmem>>) dst(%dma_wait3A_777 : memref<100x128xf32, #tpu.memory_space<hbm>>)
      %dma_start3A_782 = arith.constant 0 : i32
      %dma_start3A_783 = arith.constant 7 : i32
      %dma_start3A_784 = arith.constant 3 : i32
      %dma_start3A_785 = arith.constant 3 : i32
      %dma_start3A_786 = arith.constant 0 : i32
      %dma_start3A_787 = arith.constant 0 : i32
      %dma_start3A_788 = tpu.memref_slice %arg13[%dma_start3A_784, %dma_start3A_786, %dma_start3A_787] : memref<4x100x128xf32, #tpu.memory_space<vmem>> -> memref<1x50x128xf32, #tpu.memory_space<vmem>>
      %dma_start3A_789 = tpu.memref_squeeze %dma_start3A_788 : memref<1x50x128xf32, #tpu.memory_space<vmem>> -> memref<50x128xf32, #tpu.memory_space<vmem>>
      %dma_start3A_790 = arith.constant 0 : i32
      %dma_start3A_791 = tpu.memref_slice %arg9[%dma_start3A_782, %dma_start3A_783, %dma_start3A_790] : memref<2x8x50xi32, #tpu.memory_space<vmem>> -> memref<1x1x50xi32, #tpu.memory_space<vmem>>
      %dma_start3A_792 = tpu.memref_squeeze %dma_start3A_791 : memref<1x1x50xi32, #tpu.memory_space<vmem>> -> memref<50xi32, #tpu.memory_space<vmem>>
      %dma_start3A_793 = arith.constant 0 : i32
      %dma_start3A_794 = arith.constant 0 : i32
      %dma_start3A_795 = tpu.memref_slice %arg4[%dma_start3A_793, %dma_start3A_794] : memref<100000x128xf32, #tpu.memory_space<hbm>> -> memref<100000x128xf32, #tpu.memory_space<hbm>>
      %dma_start3A_796 = tpu.memref_slice %arg14[%dma_start3A_785] : memref<4x!tpu.dma_semaphore, #tpu.memory_space<semaphore_mem>> -> memref<1x!tpu.dma_semaphore, #tpu.memory_space<semaphore_mem>>
      %dma_start3A_797 = tpu.memref_squeeze %dma_start3A_796 : memref<1x!tpu.dma_semaphore, #tpu.memory_space<semaphore_mem>> -> memref<!tpu.dma_semaphore, #tpu.memory_space<semaphore_mem>>
      tpu.enqueue_indirect_dma source(%dma_start3A_795 : memref<100000x128xf32, #tpu.memory_space<hbm>>) target(%dma_start3A_789 : memref<50x128xf32, #tpu.memory_space<vmem>>) offsets(%dma_start3A_792 : memref<50xi32, #tpu.memory_space<vmem>>) semaphore(%dma_start3A_797 : memref<!tpu.dma_semaphore, #tpu.memory_space<semaphore_mem>>)
      %dma_start3A_798 = arith.constant 0 : i32
      %dma_start3A_799 = arith.constant 7 : i32
      %dma_start3A_800 = arith.constant 3 : i32
      %dma_start3A_801 = arith.constant 3 : i32
      %dma_start3A_802 = arith.constant 50 : i32
      %dma_start3A_803 = arith.constant 0 : i32
      %dma_start3A_804 = tpu.memref_slice %arg13[%dma_start3A_800, %dma_start3A_802, %dma_start3A_803] : memref<4x100x128xf32, #tpu.memory_space<vmem>> -> memref<1x50x128xf32, #tpu.memory_space<vmem>>
      %dma_start3A_805 = tpu.memref_squeeze %dma_start3A_804 : memref<1x50x128xf32, #tpu.memory_space<vmem>> -> memref<50x128xf32, #tpu.memory_space<vmem>>
      %dma_start3A_806 = arith.constant 0 : i32
      %dma_start3A_807 = tpu.memref_slice %arg10[%dma_start3A_798, %dma_start3A_799, %dma_start3A_806] : memref<2x8x50xi32, #tpu.memory_space<vmem>> -> memref<1x1x50xi32, #tpu.memory_space<vmem>>
      %dma_start3A_808 = tpu.memref_squeeze %dma_start3A_807 : memref<1x1x50xi32, #tpu.memory_space<vmem>> -> memref<50xi32, #tpu.memory_space<vmem>>
      %dma_start3A_809 = arith.constant 0 : i32
      %dma_start3A_810 = arith.constant 0 : i32
      %dma_start3A_811 = tpu.memref_slice %arg5[%dma_start3A_809, %dma_start3A_810] : memref<100000x128xf32, #tpu.memory_space<hbm>> -> memref<100000x128xf32, #tpu.memory_space<hbm>>
      %dma_start3A_812 = tpu.memref_slice %arg14[%dma_start3A_801] : memref<4x!tpu.dma_semaphore, #tpu.memory_space<semaphore_mem>> -> memref<1x!tpu.dma_semaphore, #tpu.memory_space<semaphore_mem>>
      %dma_start3A_813 = tpu.memref_squeeze %dma_start3A_812 : memref<1x!tpu.dma_semaphore, #tpu.memory_space<semaphore_mem>> -> memref<!tpu.dma_semaphore, #tpu.memory_space<semaphore_mem>>
      tpu.enqueue_indirect_dma source(%dma_start3A_811 : memref<100000x128xf32, #tpu.memory_space<hbm>>) target(%dma_start3A_805 : memref<50x128xf32, #tpu.memory_space<vmem>>) offsets(%dma_start3A_808 : memref<50xi32, #tpu.memory_space<vmem>>) semaphore(%dma_start3A_813 : memref<!tpu.dma_semaphore, #tpu.memory_space<semaphore_mem>>)
      %mul3A_814 = arith.constant 8 : i32
      %mul3A_815 = arith.muli %mul3A_124, %mul3A_814 : i32
      %add3A_816 = arith.addi %mul3A_2, %mul3A_815 : i32
      %add3A_817 = arith.constant 6 : i32
      %add3A_818 = arith.addi %add3A_816, %add3A_817 : i32
      %dma_wait3A_819 = arith.constant 0 : i32
      %dma_wait3A_820 = arith.constant 6 : i32
      %dma_wait3A_821 = arith.constant 2 : i32
      %dma_wait3A_822 = arith.constant 2 : i32
      %dma_wait3A_823 = arith.constant 0 : i32
      %dma_wait3A_824 = arith.constant 0 : i32
      %dma_wait3A_825 = tpu.memref_slice %arg13[%dma_wait3A_821, %dma_wait3A_823, %dma_wait3A_824] : memref<4x100x128xf32, #tpu.memory_space<vmem>> -> memref<1x50x128xf32, #tpu.memory_space<vmem>>
      %dma_wait3A_826 = tpu.memref_squeeze %dma_wait3A_825 : memref<1x50x128xf32, #tpu.memory_space<vmem>> -> memref<50x128xf32, #tpu.memory_space<vmem>>
      %dma_wait3A_827 = arith.constant 0 : i32
      %dma_wait3A_828 = tpu.memref_slice %arg9[%dma_wait3A_819, %dma_wait3A_820, %dma_wait3A_827] : memref<2x8x50xi32, #tpu.memory_space<vmem>> -> memref<1x1x50xi32, #tpu.memory_space<vmem>>
      %dma_wait3A_829 = tpu.memref_squeeze %dma_wait3A_828 : memref<1x1x50xi32, #tpu.memory_space<vmem>> -> memref<50xi32, #tpu.memory_space<vmem>>
      %dma_wait3A_830 = arith.constant 0 : i32
      %dma_wait3A_831 = arith.constant 0 : i32
      %dma_wait3A_832 = tpu.memref_slice %arg4[%dma_wait3A_830, %dma_wait3A_831] : memref<100000x128xf32, #tpu.memory_space<hbm>> -> memref<100000x128xf32, #tpu.memory_space<hbm>>
      %dma_wait3A_833 = tpu.memref_slice %arg14[%dma_wait3A_822] : memref<4x!tpu.dma_semaphore, #tpu.memory_space<semaphore_mem>> -> memref<1x!tpu.dma_semaphore, #tpu.memory_space<semaphore_mem>>
      %dma_wait3A_834 = tpu.memref_squeeze %dma_wait3A_833 : memref<1x!tpu.dma_semaphore, #tpu.memory_space<semaphore_mem>> -> memref<!tpu.dma_semaphore, #tpu.memory_space<semaphore_mem>>
      tpu.wait_indirect_dma semaphore(%dma_wait3A_834 : memref<!tpu.dma_semaphore, #tpu.memory_space<semaphore_mem>>) src(%dma_wait3A_832 : memref<100000x128xf32, #tpu.memory_space<hbm>>) dst(%dma_wait3A_826 : memref<50x128xf32, #tpu.memory_space<vmem>>)
      %dma_wait3A_835 = arith.constant 0 : i32
      %dma_wait3A_836 = arith.constant 6 : i32
      %dma_wait3A_837 = arith.constant 2 : i32
      %dma_wait3A_838 = arith.constant 2 : i32
      %dma_wait3A_839 = arith.constant 50 : i32
      %dma_wait3A_840 = arith.constant 0 : i32
      %dma_wait3A_841 = tpu.memref_slice %arg13[%dma_wait3A_837, %dma_wait3A_839, %dma_wait3A_840] : memref<4x100x128xf32, #tpu.memory_space<vmem>> -> memref<1x50x128xf32, #tpu.memory_space<vmem>>
      %dma_wait3A_842 = tpu.memref_squeeze %dma_wait3A_841 : memref<1x50x128xf32, #tpu.memory_space<vmem>> -> memref<50x128xf32, #tpu.memory_space<vmem>>
      %dma_wait3A_843 = arith.constant 0 : i32
      %dma_wait3A_844 = tpu.memref_slice %arg10[%dma_wait3A_835, %dma_wait3A_836, %dma_wait3A_843] : memref<2x8x50xi32, #tpu.memory_space<vmem>> -> memref<1x1x50xi32, #tpu.memory_space<vmem>>
      %dma_wait3A_845 = tpu.memref_squeeze %dma_wait3A_844 : memref<1x1x50xi32, #tpu.memory_space<vmem>> -> memref<50xi32, #tpu.memory_space<vmem>>
      %dma_wait3A_846 = arith.constant 0 : i32
      %dma_wait3A_847 = arith.constant 0 : i32
      %dma_wait3A_848 = tpu.memref_slice %arg5[%dma_wait3A_846, %dma_wait3A_847] : memref<100000x128xf32, #tpu.memory_space<hbm>> -> memref<100000x128xf32, #tpu.memory_space<hbm>>
      %dma_wait3A_849 = tpu.memref_slice %arg14[%dma_wait3A_838] : memref<4x!tpu.dma_semaphore, #tpu.memory_space<semaphore_mem>> -> memref<1x!tpu.dma_semaphore, #tpu.memory_space<semaphore_mem>>
      %dma_wait3A_850 = tpu.memref_squeeze %dma_wait3A_849 : memref<1x!tpu.dma_semaphore, #tpu.memory_space<semaphore_mem>> -> memref<!tpu.dma_semaphore, #tpu.memory_space<semaphore_mem>>
      tpu.wait_indirect_dma semaphore(%dma_wait3A_850 : memref<!tpu.dma_semaphore, #tpu.memory_space<semaphore_mem>>) src(%dma_wait3A_848 : memref<100000x128xf32, #tpu.memory_space<hbm>>) dst(%dma_wait3A_842 : memref<50x128xf32, #tpu.memory_space<vmem>>)
      %scan3A_851 = arith.constant 0 : i32
      %scan3A_852 = arith.constant 0 : i32
      %scan3A_853 = arith.constant 50 : i32
      %scan3A_854 = arith.addi %scan3A_852, %scan3A_853 : i32
      %scan3A_855 = arith.constant 1 : i32
      %scan3A_856 = scf.for %scan3A_1876 = %scan3A_852 to %scan3A_854 step %scan3A_855 iter_args(%scan3A_1877 = %scan3A_851) -> (i32)  : i32 {
        %add3A_1878 = arith.constant 100 : i32
        %add3A_1879 = arith.addi %add3A_1878, %scan3A_1876 : i32
        %get3A = arith.index_cast %add3A_1879 : i32 to index
        %get3A_1880 = arith.constant 0 : index
        %get3A_1881 = tpu.vector_load %arg11[%get3A, %get3A_1880] {strides = array<i32>} : memref<200x34xf32, #tpu.memory_space<vmem>>, vector<1x16xf32>,
        %get3A_1882 = vector.shape_cast %get3A_1881 : vector<1x16xf32> to vector<16xf32>
        %swap3A = arith.constant 2 : i32
        %swap3A_1883 = arith.index_cast %swap3A : i32 to index
        %swap3A_1884 = arith.index_cast %scan3A_1876 : i32 to index
        %swap3A_1885 = arith.constant 94 : index
        %swap3A_1886 = tpu.vector_load %arg13[%swap3A_1883, %swap3A_1884, %swap3A_1885] {strides = array<i32>} : memref<4x100x128xf32, #tpu.memory_space<vmem>>, vector<1x1x16xf32>,
        %swap3A_1887 = vector.shape_cast %swap3A_1886 : vector<1x1x16xf32> to vector<16xf32>
        %swap3A_1888 = vector.shape_cast %get3A_1882 : vector<16xf32> to vector<1x1x16xf32>
        tpu.vector_store %arg13[%swap3A_1883, %swap3A_1884, %swap3A_1885], %swap3A_1888 {strides = array<i32>} : memref<4x100x128xf32, #tpu.memory_space<vmem>>, vector<1x1x16xf32>,
        %get3A_1889 = arith.index_cast %add3A_1879 : i32 to index
        %get3A_1890 = arith.constant 16 : index
        %get3A_1891 = tpu.vector_load %arg11[%get3A_1889, %get3A_1890] {strides = array<i32>} : memref<200x34xf32, #tpu.memory_space<vmem>>, vector<1x16xf32>,
        %get3A_1892 = vector.shape_cast %get3A_1891 : vector<1x16xf32> to vector<16xf32>
        %swap3A_1893 = arith.constant 2 : i32
        %swap3A_1894 = arith.index_cast %swap3A_1893 : i32 to index
        %swap3A_1895 = arith.index_cast %scan3A_1876 : i32 to index
        %swap3A_1896 = arith.constant 110 : index
        %swap3A_1897 = tpu.vector_load %arg13[%swap3A_1894, %swap3A_1895, %swap3A_1896] {strides = array<i32>} : memref<4x100x128xf32, #tpu.memory_space<vmem>>, vector<1x1x16xf32>,
        %swap3A_1898 = vector.shape_cast %swap3A_1897 : vector<1x1x16xf32> to vector<16xf32>
        %swap3A_1899 = vector.shape_cast %get3A_1892 : vector<16xf32> to vector<1x1x16xf32>
        tpu.vector_store %arg13[%swap3A_1894, %swap3A_1895, %swap3A_1896], %swap3A_1899 {strides = array<i32>} : memref<4x100x128xf32, #tpu.memory_space<vmem>>, vector<1x1x16xf32>,
        %get3A_1900 = arith.index_cast %add3A_1879 : i32 to index
        %get3A_1901 = arith.constant 18 : index
        %get3A_1902 = tpu.vector_load %arg11[%get3A_1900, %get3A_1901] {strides = array<i32>} : memref<200x34xf32, #tpu.memory_space<vmem>>, vector<1x16xf32>,
        %get3A_1903 = vector.shape_cast %get3A_1902 : vector<1x16xf32> to vector<16xf32>
        %swap3A_1904 = arith.constant 2 : i32
        %swap3A_1905 = arith.index_cast %swap3A_1904 : i32 to index
        %swap3A_1906 = arith.index_cast %scan3A_1876 : i32 to index
        %swap3A_1907 = arith.constant 112 : index
        %swap3A_1908 = tpu.vector_load %arg13[%swap3A_1905, %swap3A_1906, %swap3A_1907] {strides = array<i32>} : memref<4x100x128xf32, #tpu.memory_space<vmem>>, vector<1x1x16xf32>,
        %swap3A_1909 = vector.shape_cast %swap3A_1908 : vector<1x1x16xf32> to vector<16xf32>
        %swap3A_1910 = vector.shape_cast %get3A_1903 : vector<16xf32> to vector<1x1x16xf32>
        tpu.vector_store %arg13[%swap3A_1905, %swap3A_1906, %swap3A_1907], %swap3A_1910 {strides = array<i32>} : memref<4x100x128xf32, #tpu.memory_space<vmem>>, vector<1x1x16xf32>,
        %get3A_1911 = arith.index_cast %add3A_1879 : i32 to index
        %get3A_1912 = arith.constant 0 : index
        %get3A_1913 = tpu.vector_load %arg12[%get3A_1911, %get3A_1912] {strides = array<i32>} : memref<200x16xf32, #tpu.memory_space<vmem>>, vector<1x16xf32>,
        %get3A_1914 = vector.shape_cast %get3A_1913 : vector<1x16xf32> to vector<16xf32>
        %add3A_1915 = arith.constant 50 : i32
        %add3A_1916 = arith.addi %add3A_1915, %scan3A_1876 : i32
        %swap3A_1917 = arith.constant 2 : i32
        %swap3A_1918 = arith.index_cast %swap3A_1917 : i32 to index
        %swap3A_1919 = arith.index_cast %add3A_1916 : i32 to index
        %swap3A_1920 = arith.constant 112 : index
        %swap3A_1921 = tpu.vector_load %arg13[%swap3A_1918, %swap3A_1919, %swap3A_1920] {strides = array<i32>} : memref<4x100x128xf32, #tpu.memory_space<vmem>>, vector<1x1x16xf32>,
        %swap3A_1922 = vector.shape_cast %swap3A_1921 : vector<1x1x16xf32> to vector<16xf32>
        %swap3A_1923 = vector.shape_cast %get3A_1914 : vector<16xf32> to vector<1x1x16xf32>
        tpu.vector_store %arg13[%swap3A_1918, %swap3A_1919, %swap3A_1920], %swap3A_1923 {strides = array<i32>} : memref<4x100x128xf32, #tpu.memory_space<vmem>>, vector<1x1x16xf32>,
        %scan3A_1924 = arith.constant 0 : i32
        scf.yield %scan3A_1924 : i32
      }
      %scan3A_857 = arith.constant 50 : i32
      %dma_start3A_858 = arith.constant 2 : i32
      %dma_start3A_859 = arith.constant 2 : i32
      %dma_start3A_860 = arith.constant 0 : i32
      %dma_start3A_861 = arith.constant 0 : i32
      %dma_start3A_862 = tpu.memref_slice %arg13[%dma_start3A_858, %dma_start3A_860, %dma_start3A_861] : memref<4x100x128xf32, #tpu.memory_space<vmem>> -> memref<1x100x128xf32, #tpu.memory_space<vmem>>
      %dma_start3A_863 = tpu.memref_squeeze %dma_start3A_862 : memref<1x100x128xf32, #tpu.memory_space<vmem>> -> memref<100x128xf32, #tpu.memory_space<vmem>>
      %dma_start3A_864 = arith.constant 0 : i32
      %dma_start3A_865 = arith.constant 0 : i32
      %dma_start3A_866 = tpu.memref_slice %arg8[%add3A_818, %dma_start3A_864, %dma_start3A_865] : memref<4096x100x128xf32, #tpu.memory_space<hbm>> -> memref<1x100x128xf32, #tpu.memory_space<hbm>>
      %dma_start3A_867 = tpu.memref_squeeze %dma_start3A_866 : memref<1x100x128xf32, #tpu.memory_space<hbm>> -> memref<100x128xf32, #tpu.memory_space<hbm>>
      %dma_start3A_868 = tpu.memref_slice %arg15[%dma_start3A_859] : memref<4x!tpu.dma_semaphore, #tpu.memory_space<semaphore_mem>> -> memref<1x!tpu.dma_semaphore, #tpu.memory_space<semaphore_mem>>
      %dma_start3A_869 = tpu.memref_squeeze %dma_start3A_868 : memref<1x!tpu.dma_semaphore, #tpu.memory_space<semaphore_mem>> -> memref<!tpu.dma_semaphore, #tpu.memory_space<semaphore_mem>>
      %dma_start3A_870 = arith.constant 0 : i32
      %dma_start3A_871 = arith.constant 0 : i32
      %dma_start3A_872 = tpu.memref_slice %arg8[%add3A_818, %dma_start3A_870, %dma_start3A_871] : memref<4096x100x128xf32, #tpu.memory_space<hbm>> -> memref<1x100x128xf32, #tpu.memory_space<hbm>>
      %dma_start3A_873 = tpu.memref_squeeze %dma_start3A_872 : memref<1x100x128xf32, #tpu.memory_space<hbm>> -> memref<100x128xf32, #tpu.memory_space<hbm>>
      %dma_start3A_874 = arith.constant 0 : i32
      %dma_start3A_875 = arith.constant 0 : i32
      %dma_start3A_876 = tpu.memref_slice %arg13[%dma_start3A_858, %dma_start3A_874, %dma_start3A_875] : memref<4x100x128xf32, #tpu.memory_space<vmem>> -> memref<1x100x128xf32, #tpu.memory_space<vmem>>
      %dma_start3A_877 = tpu.memref_squeeze %dma_start3A_876 : memref<1x100x128xf32, #tpu.memory_space<vmem>> -> memref<100x128xf32, #tpu.memory_space<vmem>>
      tpu.enqueue_dma source(%dma_start3A_877 : memref<100x128xf32, #tpu.memory_space<vmem>>) target(%dma_start3A_873 : memref<100x128xf32, #tpu.memory_space<hbm>>) target_semaphore(%dma_start3A_869 : memref<!tpu.dma_semaphore, #tpu.memory_space<semaphore_mem>>)
      %sub3A_878 = arith.constant 2 : i32
      %sub3A_879 = arith.subi %add3A_818, %sub3A_878 : i32
      %dma_wait3A_880 = arith.constant 0 : i32
      %dma_wait3A_881 = arith.constant 0 : i32
      %dma_wait3A_882 = arith.constant 0 : i32
      %dma_wait3A_883 = arith.constant 0 : i32
      %dma_wait3A_884 = tpu.memref_slice %arg13[%dma_wait3A_880, %dma_wait3A_882, %dma_wait3A_883] : memref<4x100x128xf32, #tpu.memory_space<vmem>> -> memref<1x100x128xf32, #tpu.memory_space<vmem>>
      %dma_wait3A_885 = tpu.memref_squeeze %dma_wait3A_884 : memref<1x100x128xf32, #tpu.memory_space<vmem>> -> memref<100x128xf32, #tpu.memory_space<vmem>>
      %dma_wait3A_886 = arith.constant 0 : i32
      %dma_wait3A_887 = arith.constant 0 : i32
      %dma_wait3A_888 = tpu.memref_slice %arg8[%sub3A_879, %dma_wait3A_886, %dma_wait3A_887] : memref<4096x100x128xf32, #tpu.memory_space<hbm>> -> memref<1x100x128xf32, #tpu.memory_space<hbm>>
      %dma_wait3A_889 = tpu.memref_squeeze %dma_wait3A_888 : memref<1x100x128xf32, #tpu.memory_space<hbm>> -> memref<100x128xf32, #tpu.memory_space<hbm>>
      %dma_wait3A_890 = tpu.memref_slice %arg15[%dma_wait3A_881] : memref<4x!tpu.dma_semaphore, #tpu.memory_space<semaphore_mem>> -> memref<1x!tpu.dma_semaphore, #tpu.memory_space<semaphore_mem>>
      %dma_wait3A_891 = tpu.memref_squeeze %dma_wait3A_890 : memref<1x!tpu.dma_semaphore, #tpu.memory_space<semaphore_mem>> -> memref<!tpu.dma_semaphore, #tpu.memory_space<semaphore_mem>>
      %dma_wait3A_892 = arith.constant 0 : i32
      %dma_wait3A_893 = arith.constant 0 : i32
      %dma_wait3A_894 = tpu.memref_slice %arg8[%sub3A_879, %dma_wait3A_892, %dma_wait3A_893] : memref<4096x100x128xf32, #tpu.memory_space<hbm>> -> memref<1x100x128xf32, #tpu.memory_space<hbm>>
      %dma_wait3A_895 = tpu.memref_squeeze %dma_wait3A_894 : memref<1x100x128xf32, #tpu.memory_space<hbm>> -> memref<100x128xf32, #tpu.memory_space<hbm>>
      %dma_wait3A_896 = arith.constant 0 : i32
      %dma_wait3A_897 = arith.constant 0 : i32
      %dma_wait3A_898 = tpu.memref_slice %arg13[%dma_wait3A_880, %dma_wait3A_896, %dma_wait3A_897] : memref<4x100x128xf32, #tpu.memory_space<vmem>> -> memref<1x100x128xf32, #tpu.memory_space<vmem>>
      %dma_wait3A_899 = tpu.memref_squeeze %dma_wait3A_898 : memref<1x100x128xf32, #tpu.memory_space<vmem>> -> memref<100x128xf32, #tpu.memory_space<vmem>>
      tpu.wait_dma2 semaphore(%dma_wait3A_891 : memref<!tpu.dma_semaphore, #tpu.memory_space<semaphore_mem>>) src(%dma_wait3A_899 : memref<100x128xf32, #tpu.memory_space<vmem>>) dst(%dma_wait3A_895 : memref<100x128xf32, #tpu.memory_space<hbm>>)
      %lt3A_900 = arith.constant 15 : i32
      %lt3A_901 = arith.cmpi slt, %mul3A_124, %lt3A_900 : i32
      %convert_element_type3A_902 = arith.extui %lt3A_901 : i1 to i32
      %cond3A_903 = arith.constant 0 : i32
      %cond3A_904 = arith.cmpi ne, %convert_element_type3A_902, %cond3A_903 : i32
      scf.if %cond3A_904 {
        %dma_start3A_1876 = arith.constant 1 : i32
        %dma_start3A_1877 = arith.constant 0 : i32
        %dma_start3A_1878 = arith.constant 0 : i32
        %dma_start3A_1879 = arith.constant 0 : i32
        %dma_start3A_1880 = arith.constant 0 : i32
        %dma_start3A_1881 = arith.constant 0 : i32
        %dma_start3A_1882 = tpu.memref_slice %arg13[%dma_start3A_1878, %dma_start3A_1880, %dma_start3A_1881] : memref<4x100x128xf32, #tpu.memory_space<vmem>> -> memref<1x50x128xf32, #tpu.memory_space<vmem>>
        %dma_start3A_1883 = tpu.memref_squeeze %dma_start3A_1882 : memref<1x50x128xf32, #tpu.memory_space<vmem>> -> memref<50x128xf32, #tpu.memory_space<vmem>>
        %dma_start3A_1884 = arith.constant 0 : i32
        %dma_start3A_1885 = tpu.memref_slice %arg9[%dma_start3A_1876, %dma_start3A_1877, %dma_start3A_1884] : memref<2x8x50xi32, #tpu.memory_space<vmem>> -> memref<1x1x50xi32, #tpu.memory_space<vmem>>
        %dma_start3A_1886 = tpu.memref_squeeze %dma_start3A_1885 : memref<1x1x50xi32, #tpu.memory_space<vmem>> -> memref<50xi32, #tpu.memory_space<vmem>>
        %dma_start3A_1887 = arith.constant 0 : i32
        %dma_start3A_1888 = arith.constant 0 : i32
        %dma_start3A_1889 = tpu.memref_slice %arg4[%dma_start3A_1887, %dma_start3A_1888] : memref<100000x128xf32, #tpu.memory_space<hbm>> -> memref<100000x128xf32, #tpu.memory_space<hbm>>
        %dma_start3A_1890 = tpu.memref_slice %arg14[%dma_start3A_1879] : memref<4x!tpu.dma_semaphore, #tpu.memory_space<semaphore_mem>> -> memref<1x!tpu.dma_semaphore, #tpu.memory_space<semaphore_mem>>
        %dma_start3A_1891 = tpu.memref_squeeze %dma_start3A_1890 : memref<1x!tpu.dma_semaphore, #tpu.memory_space<semaphore_mem>> -> memref<!tpu.dma_semaphore, #tpu.memory_space<semaphore_mem>>
        tpu.enqueue_indirect_dma source(%dma_start3A_1889 : memref<100000x128xf32, #tpu.memory_space<hbm>>) target(%dma_start3A_1883 : memref<50x128xf32, #tpu.memory_space<vmem>>) offsets(%dma_start3A_1886 : memref<50xi32, #tpu.memory_space<vmem>>) semaphore(%dma_start3A_1891 : memref<!tpu.dma_semaphore, #tpu.memory_space<semaphore_mem>>)
        %dma_start3A_1892 = arith.constant 1 : i32
        %dma_start3A_1893 = arith.constant 0 : i32
        %dma_start3A_1894 = arith.constant 0 : i32
        %dma_start3A_1895 = arith.constant 0 : i32
        %dma_start3A_1896 = arith.constant 50 : i32
        %dma_start3A_1897 = arith.constant 0 : i32
        %dma_start3A_1898 = tpu.memref_slice %arg13[%dma_start3A_1894, %dma_start3A_1896, %dma_start3A_1897] : memref<4x100x128xf32, #tpu.memory_space<vmem>> -> memref<1x50x128xf32, #tpu.memory_space<vmem>>
        %dma_start3A_1899 = tpu.memref_squeeze %dma_start3A_1898 : memref<1x50x128xf32, #tpu.memory_space<vmem>> -> memref<50x128xf32, #tpu.memory_space<vmem>>
        %dma_start3A_1900 = arith.constant 0 : i32
        %dma_start3A_1901 = tpu.memref_slice %arg10[%dma_start3A_1892, %dma_start3A_1893, %dma_start3A_1900] : memref<2x8x50xi32, #tpu.memory_space<vmem>> -> memref<1x1x50xi32, #tpu.memory_space<vmem>>
        %dma_start3A_1902 = tpu.memref_squeeze %dma_start3A_1901 : memref<1x1x50xi32, #tpu.memory_space<vmem>> -> memref<50xi32, #tpu.memory_space<vmem>>
        %dma_start3A_1903 = arith.constant 0 : i32
        %dma_start3A_1904 = arith.constant 0 : i32
        %dma_start3A_1905 = tpu.memref_slice %arg5[%dma_start3A_1903, %dma_start3A_1904] : memref<100000x128xf32, #tpu.memory_space<hbm>> -> memref<100000x128xf32, #tpu.memory_space<hbm>>
        %dma_start3A_1906 = tpu.memref_slice %arg14[%dma_start3A_1895] : memref<4x!tpu.dma_semaphore, #tpu.memory_space<semaphore_mem>> -> memref<1x!tpu.dma_semaphore, #tpu.memory_space<semaphore_mem>>
        %dma_start3A_1907 = tpu.memref_squeeze %dma_start3A_1906 : memref<1x!tpu.dma_semaphore, #tpu.memory_space<semaphore_mem>> -> memref<!tpu.dma_semaphore, #tpu.memory_space<semaphore_mem>>
        tpu.enqueue_indirect_dma source(%dma_start3A_1905 : memref<100000x128xf32, #tpu.memory_space<hbm>>) target(%dma_start3A_1899 : memref<50x128xf32, #tpu.memory_space<vmem>>) offsets(%dma_start3A_1902 : memref<50xi32, #tpu.memory_space<vmem>>) semaphore(%dma_start3A_1907 : memref<!tpu.dma_semaphore, #tpu.memory_space<semaphore_mem>>)
      } else {
      }
      %mul3A_905 = arith.constant 8 : i32
      %mul3A_906 = arith.muli %mul3A_124, %mul3A_905 : i32
      %add3A_907 = arith.addi %mul3A_2, %mul3A_906 : i32
      %add3A_908 = arith.constant 7 : i32
      %add3A_909 = arith.addi %add3A_907, %add3A_908 : i32
      %dma_wait3A_910 = arith.constant 0 : i32
      %dma_wait3A_911 = arith.constant 7 : i32
      %dma_wait3A_912 = arith.constant 3 : i32
      %dma_wait3A_913 = arith.constant 3 : i32
      %dma_wait3A_914 = arith.constant 0 : i32
      %dma_wait3A_915 = arith.constant 0 : i32
      %dma_wait3A_916 = tpu.memref_slice %arg13[%dma_wait3A_912, %dma_wait3A_914, %dma_wait3A_915] : memref<4x100x128xf32, #tpu.memory_space<vmem>> -> memref<1x50x128xf32, #tpu.memory_space<vmem>>
      %dma_wait3A_917 = tpu.memref_squeeze %dma_wait3A_916 : memref<1x50x128xf32, #tpu.memory_space<vmem>> -> memref<50x128xf32, #tpu.memory_space<vmem>>
      %dma_wait3A_918 = arith.constant 0 : i32
      %dma_wait3A_919 = tpu.memref_slice %arg9[%dma_wait3A_910, %dma_wait3A_911, %dma_wait3A_918] : memref<2x8x50xi32, #tpu.memory_space<vmem>> -> memref<1x1x50xi32, #tpu.memory_space<vmem>>
      %dma_wait3A_920 = tpu.memref_squeeze %dma_wait3A_919 : memref<1x1x50xi32, #tpu.memory_space<vmem>> -> memref<50xi32, #tpu.memory_space<vmem>>
      %dma_wait3A_921 = arith.constant 0 : i32
      %dma_wait3A_922 = arith.constant 0 : i32
      %dma_wait3A_923 = tpu.memref_slice %arg4[%dma_wait3A_921, %dma_wait3A_922] : memref<100000x128xf32, #tpu.memory_space<hbm>> -> memref<100000x128xf32, #tpu.memory_space<hbm>>
      %dma_wait3A_924 = tpu.memref_slice %arg14[%dma_wait3A_913] : memref<4x!tpu.dma_semaphore, #tpu.memory_space<semaphore_mem>> -> memref<1x!tpu.dma_semaphore, #tpu.memory_space<semaphore_mem>>
      %dma_wait3A_925 = tpu.memref_squeeze %dma_wait3A_924 : memref<1x!tpu.dma_semaphore, #tpu.memory_space<semaphore_mem>> -> memref<!tpu.dma_semaphore, #tpu.memory_space<semaphore_mem>>
      tpu.wait_indirect_dma semaphore(%dma_wait3A_925 : memref<!tpu.dma_semaphore, #tpu.memory_space<semaphore_mem>>) src(%dma_wait3A_923 : memref<100000x128xf32, #tpu.memory_space<hbm>>) dst(%dma_wait3A_917 : memref<50x128xf32, #tpu.memory_space<vmem>>)
      %dma_wait3A_926 = arith.constant 0 : i32
      %dma_wait3A_927 = arith.constant 7 : i32
      %dma_wait3A_928 = arith.constant 3 : i32
      %dma_wait3A_929 = arith.constant 3 : i32
      %dma_wait3A_930 = arith.constant 50 : i32
      %dma_wait3A_931 = arith.constant 0 : i32
      %dma_wait3A_932 = tpu.memref_slice %arg13[%dma_wait3A_928, %dma_wait3A_930, %dma_wait3A_931] : memref<4x100x128xf32, #tpu.memory_space<vmem>> -> memref<1x50x128xf32, #tpu.memory_space<vmem>>
      %dma_wait3A_933 = tpu.memref_squeeze %dma_wait3A_932 : memref<1x50x128xf32, #tpu.memory_space<vmem>> -> memref<50x128xf32, #tpu.memory_space<vmem>>
      %dma_wait3A_934 = arith.constant 0 : i32
      %dma_wait3A_935 = tpu.memref_slice %arg10[%dma_wait3A_926, %dma_wait3A_927, %dma_wait3A_934] : memref<2x8x50xi32, #tpu.memory_space<vmem>> -> memref<1x1x50xi32, #tpu.memory_space<vmem>>
      %dma_wait3A_936 = tpu.memref_squeeze %dma_wait3A_935 : memref<1x1x50xi32, #tpu.memory_space<vmem>> -> memref<50xi32, #tpu.memory_space<vmem>>
      %dma_wait3A_937 = arith.constant 0 : i32
      %dma_wait3A_938 = arith.constant 0 : i32
      %dma_wait3A_939 = tpu.memref_slice %arg5[%dma_wait3A_937, %dma_wait3A_938] : memref<100000x128xf32, #tpu.memory_space<hbm>> -> memref<100000x128xf32, #tpu.memory_space<hbm>>
      %dma_wait3A_940 = tpu.memref_slice %arg14[%dma_wait3A_929] : memref<4x!tpu.dma_semaphore, #tpu.memory_space<semaphore_mem>> -> memref<1x!tpu.dma_semaphore, #tpu.memory_space<semaphore_mem>>
      %dma_wait3A_941 = tpu.memref_squeeze %dma_wait3A_940 : memref<1x!tpu.dma_semaphore, #tpu.memory_space<semaphore_mem>> -> memref<!tpu.dma_semaphore, #tpu.memory_space<semaphore_mem>>
      tpu.wait_indirect_dma semaphore(%dma_wait3A_941 : memref<!tpu.dma_semaphore, #tpu.memory_space<semaphore_mem>>) src(%dma_wait3A_939 : memref<100000x128xf32, #tpu.memory_space<hbm>>) dst(%dma_wait3A_933 : memref<50x128xf32, #tpu.memory_space<vmem>>)
      %scan3A_942 = arith.constant 0 : i32
      %scan3A_943 = arith.constant 0 : i32
      %scan3A_944 = arith.constant 50 : i32
      %scan3A_945 = arith.addi %scan3A_943, %scan3A_944 : i32
      %scan3A_946 = arith.constant 1 : i32
      %scan3A_947 = scf.for %scan3A_1876 = %scan3A_943 to %scan3A_945 step %scan3A_946 iter_args(%scan3A_1877 = %scan3A_942) -> (i32)  : i32 {
        %add3A_1878 = arith.constant 150 : i32
        %add3A_1879 = arith.addi %add3A_1878, %scan3A_1876 : i32
        %get3A = arith.index_cast %add3A_1879 : i32 to index
        %get3A_1880 = arith.constant 0 : index
        %get3A_1881 = tpu.vector_load %arg11[%get3A, %get3A_1880] {strides = array<i32>} : memref<200x34xf32, #tpu.memory_space<vmem>>, vector<1x16xf32>,
        %get3A_1882 = vector.shape_cast %get3A_1881 : vector<1x16xf32> to vector<16xf32>
        %swap3A = arith.constant 3 : i32
        %swap3A_1883 = arith.index_cast %swap3A : i32 to index
        %swap3A_1884 = arith.index_cast %scan3A_1876 : i32 to index
        %swap3A_1885 = arith.constant 94 : index
        %swap3A_1886 = tpu.vector_load %arg13[%swap3A_1883, %swap3A_1884, %swap3A_1885] {strides = array<i32>} : memref<4x100x128xf32, #tpu.memory_space<vmem>>, vector<1x1x16xf32>,
        %swap3A_1887 = vector.shape_cast %swap3A_1886 : vector<1x1x16xf32> to vector<16xf32>
        %swap3A_1888 = vector.shape_cast %get3A_1882 : vector<16xf32> to vector<1x1x16xf32>
        tpu.vector_store %arg13[%swap3A_1883, %swap3A_1884, %swap3A_1885], %swap3A_1888 {strides = array<i32>} : memref<4x100x128xf32, #tpu.memory_space<vmem>>, vector<1x1x16xf32>,
        %get3A_1889 = arith.index_cast %add3A_1879 : i32 to index
        %get3A_1890 = arith.constant 16 : index
        %get3A_1891 = tpu.vector_load %arg11[%get3A_1889, %get3A_1890] {strides = array<i32>} : memref<200x34xf32, #tpu.memory_space<vmem>>, vector<1x16xf32>,
        %get3A_1892 = vector.shape_cast %get3A_1891 : vector<1x16xf32> to vector<16xf32>
        %swap3A_1893 = arith.constant 3 : i32
        %swap3A_1894 = arith.index_cast %swap3A_1893 : i32 to index
        %swap3A_1895 = arith.index_cast %scan3A_1876 : i32 to index
        %swap3A_1896 = arith.constant 110 : index
        %swap3A_1897 = tpu.vector_load %arg13[%swap3A_1894, %swap3A_1895, %swap3A_1896] {strides = array<i32>} : memref<4x100x128xf32, #tpu.memory_space<vmem>>, vector<1x1x16xf32>,
        %swap3A_1898 = vector.shape_cast %swap3A_1897 : vector<1x1x16xf32> to vector<16xf32>
        %swap3A_1899 = vector.shape_cast %get3A_1892 : vector<16xf32> to vector<1x1x16xf32>
        tpu.vector_store %arg13[%swap3A_1894, %swap3A_1895, %swap3A_1896], %swap3A_1899 {strides = array<i32>} : memref<4x100x128xf32, #tpu.memory_space<vmem>>, vector<1x1x16xf32>,
        %get3A_1900 = arith.index_cast %add3A_1879 : i32 to index
        %get3A_1901 = arith.constant 18 : index
        %get3A_1902 = tpu.vector_load %arg11[%get3A_1900, %get3A_1901] {strides = array<i32>} : memref<200x34xf32, #tpu.memory_space<vmem>>, vector<1x16xf32>,
        %get3A_1903 = vector.shape_cast %get3A_1902 : vector<1x16xf32> to vector<16xf32>
        %swap3A_1904 = arith.constant 3 : i32
        %swap3A_1905 = arith.index_cast %swap3A_1904 : i32 to index
        %swap3A_1906 = arith.index_cast %scan3A_1876 : i32 to index
        %swap3A_1907 = arith.constant 112 : index
        %swap3A_1908 = tpu.vector_load %arg13[%swap3A_1905, %swap3A_1906, %swap3A_1907] {strides = array<i32>} : memref<4x100x128xf32, #tpu.memory_space<vmem>>, vector<1x1x16xf32>,
        %swap3A_1909 = vector.shape_cast %swap3A_1908 : vector<1x1x16xf32> to vector<16xf32>
        %swap3A_1910 = vector.shape_cast %get3A_1903 : vector<16xf32> to vector<1x1x16xf32>
        tpu.vector_store %arg13[%swap3A_1905, %swap3A_1906, %swap3A_1907], %swap3A_1910 {strides = array<i32>} : memref<4x100x128xf32, #tpu.memory_space<vmem>>, vector<1x1x16xf32>,
        %get3A_1911 = arith.index_cast %add3A_1879 : i32 to index
        %get3A_1912 = arith.constant 0 : index
        %get3A_1913 = tpu.vector_load %arg12[%get3A_1911, %get3A_1912] {strides = array<i32>} : memref<200x16xf32, #tpu.memory_space<vmem>>, vector<1x16xf32>,
        %get3A_1914 = vector.shape_cast %get3A_1913 : vector<1x16xf32> to vector<16xf32>
        %add3A_1915 = arith.constant 50 : i32
        %add3A_1916 = arith.addi %add3A_1915, %scan3A_1876 : i32
        %swap3A_1917 = arith.constant 3 : i32
        %swap3A_1918 = arith.index_cast %swap3A_1917 : i32 to index
        %swap3A_1919 = arith.index_cast %add3A_1916 : i32 to index
        %swap3A_1920 = arith.constant 112 : index
        %swap3A_1921 = tpu.vector_load %arg13[%swap3A_1918, %swap3A_1919, %swap3A_1920] {strides = array<i32>} : memref<4x100x128xf32, #tpu.memory_space<vmem>>, vector<1x1x16xf32>,
        %swap3A_1922 = vector.shape_cast %swap3A_1921 : vector<1x1x16xf32> to vector<16xf32>
        %swap3A_1923 = vector.shape_cast %get3A_1914 : vector<16xf32> to vector<1x1x16xf32>
        tpu.vector_store %arg13[%swap3A_1918, %swap3A_1919, %swap3A_1920], %swap3A_1923 {strides = array<i32>} : memref<4x100x128xf32, #tpu.memory_space<vmem>>, vector<1x1x16xf32>,
        %scan3A_1924 = arith.constant 0 : i32
        scf.yield %scan3A_1924 : i32
      }
      %scan3A_948 = arith.constant 50 : i32
      %dma_start3A_949 = arith.constant 3 : i32
      %dma_start3A_950 = arith.constant 3 : i32
      %dma_start3A_951 = arith.constant 0 : i32
      %dma_start3A_952 = arith.constant 0 : i32
      %dma_start3A_953 = tpu.memref_slice %arg13[%dma_start3A_949, %dma_start3A_951, %dma_start3A_952] : memref<4x100x128xf32, #tpu.memory_space<vmem>> -> memref<1x100x128xf32, #tpu.memory_space<vmem>>
      %dma_start3A_954 = tpu.memref_squeeze %dma_start3A_953 : memref<1x100x128xf32, #tpu.memory_space<vmem>> -> memref<100x128xf32, #tpu.memory_space<vmem>>
      %dma_start3A_955 = arith.constant 0 : i32
      %dma_start3A_956 = arith.constant 0 : i32
      %dma_start3A_957 = tpu.memref_slice %arg8[%add3A_909, %dma_start3A_955, %dma_start3A_956] : memref<4096x100x128xf32, #tpu.memory_space<hbm>> -> memref<1x100x128xf32, #tpu.memory_space<hbm>>
      %dma_start3A_958 = tpu.memref_squeeze %dma_start3A_957 : memref<1x100x128xf32, #tpu.memory_space<hbm>> -> memref<100x128xf32, #tpu.memory_space<hbm>>
      %dma_start3A_959 = tpu.memref_slice %arg15[%dma_start3A_950] : memref<4x!tpu.dma_semaphore, #tpu.memory_space<semaphore_mem>> -> memref<1x!tpu.dma_semaphore, #tpu.memory_space<semaphore_mem>>
      %dma_start3A_960 = tpu.memref_squeeze %dma_start3A_959 : memref<1x!tpu.dma_semaphore, #tpu.memory_space<semaphore_mem>> -> memref<!tpu.dma_semaphore, #tpu.memory_space<semaphore_mem>>
      %dma_start3A_961 = arith.constant 0 : i32
      %dma_start3A_962 = arith.constant 0 : i32
      %dma_start3A_963 = tpu.memref_slice %arg8[%add3A_909, %dma_start3A_961, %dma_start3A_962] : memref<4096x100x128xf32, #tpu.memory_space<hbm>> -> memref<1x100x128xf32, #tpu.memory_space<hbm>>
      %dma_start3A_964 = tpu.memref_squeeze %dma_start3A_963 : memref<1x100x128xf32, #tpu.memory_space<hbm>> -> memref<100x128xf32, #tpu.memory_space<hbm>>
      %dma_start3A_965 = arith.constant 0 : i32
      %dma_start3A_966 = arith.constant 0 : i32
      %dma_start3A_967 = tpu.memref_slice %arg13[%dma_start3A_949, %dma_start3A_965, %dma_start3A_966] : memref<4x100x128xf32, #tpu.memory_space<vmem>> -> memref<1x100x128xf32, #tpu.memory_space<vmem>>
      %dma_start3A_968 = tpu.memref_squeeze %dma_start3A_967 : memref<1x100x128xf32, #tpu.memory_space<vmem>> -> memref<100x128xf32, #tpu.memory_space<vmem>>
      tpu.enqueue_dma source(%dma_start3A_968 : memref<100x128xf32, #tpu.memory_space<vmem>>) target(%dma_start3A_964 : memref<100x128xf32, #tpu.memory_space<hbm>>) target_semaphore(%dma_start3A_960 : memref<!tpu.dma_semaphore, #tpu.memory_space<semaphore_mem>>)
      %sub3A_969 = arith.constant 2 : i32
      %sub3A_970 = arith.subi %add3A_909, %sub3A_969 : i32
      %dma_wait3A_971 = arith.constant 1 : i32
      %dma_wait3A_972 = arith.constant 1 : i32
      %dma_wait3A_973 = arith.constant 0 : i32
      %dma_wait3A_974 = arith.constant 0 : i32
      %dma_wait3A_975 = tpu.memref_slice %arg13[%dma_wait3A_971, %dma_wait3A_973, %dma_wait3A_974] : memref<4x100x128xf32, #tpu.memory_space<vmem>> -> memref<1x100x128xf32, #tpu.memory_space<vmem>>
      %dma_wait3A_976 = tpu.memref_squeeze %dma_wait3A_975 : memref<1x100x128xf32, #tpu.memory_space<vmem>> -> memref<100x128xf32, #tpu.memory_space<vmem>>
      %dma_wait3A_977 = arith.constant 0 : i32
      %dma_wait3A_978 = arith.constant 0 : i32
      %dma_wait3A_979 = tpu.memref_slice %arg8[%sub3A_970, %dma_wait3A_977, %dma_wait3A_978] : memref<4096x100x128xf32, #tpu.memory_space<hbm>> -> memref<1x100x128xf32, #tpu.memory_space<hbm>>
      %dma_wait3A_980 = tpu.memref_squeeze %dma_wait3A_979 : memref<1x100x128xf32, #tpu.memory_space<hbm>> -> memref<100x128xf32, #tpu.memory_space<hbm>>
      %dma_wait3A_981 = tpu.memref_slice %arg15[%dma_wait3A_972] : memref<4x!tpu.dma_semaphore, #tpu.memory_space<semaphore_mem>> -> memref<1x!tpu.dma_semaphore, #tpu.memory_space<semaphore_mem>>
      %dma_wait3A_982 = tpu.memref_squeeze %dma_wait3A_981 : memref<1x!tpu.dma_semaphore, #tpu.memory_space<semaphore_mem>> -> memref<!tpu.dma_semaphore, #tpu.memory_space<semaphore_mem>>
      %dma_wait3A_983 = arith.constant 0 : i32
      %dma_wait3A_984 = arith.constant 0 : i32
      %dma_wait3A_985 = tpu.memref_slice %arg8[%sub3A_970, %dma_wait3A_983, %dma_wait3A_984] : memref<4096x100x128xf32, #tpu.memory_space<hbm>> -> memref<1x100x128xf32, #tpu.memory_space<hbm>>
      %dma_wait3A_986 = tpu.memref_squeeze %dma_wait3A_985 : memref<1x100x128xf32, #tpu.memory_space<hbm>> -> memref<100x128xf32, #tpu.memory_space<hbm>>
      %dma_wait3A_987 = arith.constant 0 : i32
      %dma_wait3A_988 = arith.constant 0 : i32
      %dma_wait3A_989 = tpu.memref_slice %arg13[%dma_wait3A_971, %dma_wait3A_987, %dma_wait3A_988] : memref<4x100x128xf32, #tpu.memory_space<vmem>> -> memref<1x100x128xf32, #tpu.memory_space<vmem>>
      %dma_wait3A_990 = tpu.memref_squeeze %dma_wait3A_989 : memref<1x100x128xf32, #tpu.memory_space<vmem>> -> memref<100x128xf32, #tpu.memory_space<vmem>>
      tpu.wait_dma2 semaphore(%dma_wait3A_982 : memref<!tpu.dma_semaphore, #tpu.memory_space<semaphore_mem>>) src(%dma_wait3A_990 : memref<100x128xf32, #tpu.memory_space<vmem>>) dst(%dma_wait3A_986 : memref<100x128xf32, #tpu.memory_space<hbm>>)
      %lt3A_991 = arith.constant 15 : i32
      %lt3A_992 = arith.cmpi slt, %mul3A_124, %lt3A_991 : i32
      %convert_element_type3A_993 = arith.extui %lt3A_992 : i1 to i32
      %cond3A_994 = arith.constant 0 : i32
      %cond3A_995 = arith.cmpi ne, %convert_element_type3A_993, %cond3A_994 : i32
      scf.if %cond3A_995 {
        %dma_start3A_1876 = arith.constant 1 : i32
        %dma_start3A_1877 = arith.constant 1 : i32
        %dma_start3A_1878 = arith.constant 1 : i32
        %dma_start3A_1879 = arith.constant 1 : i32
        %dma_start3A_1880 = arith.constant 0 : i32
        %dma_start3A_1881 = arith.constant 0 : i32
        %dma_start3A_1882 = tpu.memref_slice %arg13[%dma_start3A_1878, %dma_start3A_1880, %dma_start3A_1881] : memref<4x100x128xf32, #tpu.memory_space<vmem>> -> memref<1x50x128xf32, #tpu.memory_space<vmem>>
        %dma_start3A_1883 = tpu.memref_squeeze %dma_start3A_1882 : memref<1x50x128xf32, #tpu.memory_space<vmem>> -> memref<50x128xf32, #tpu.memory_space<vmem>>
        %dma_start3A_1884 = arith.constant 0 : i32
        %dma_start3A_1885 = tpu.memref_slice %arg9[%dma_start3A_1876, %dma_start3A_1877, %dma_start3A_1884] : memref<2x8x50xi32, #tpu.memory_space<vmem>> -> memref<1x1x50xi32, #tpu.memory_space<vmem>>
        %dma_start3A_1886 = tpu.memref_squeeze %dma_start3A_1885 : memref<1x1x50xi32, #tpu.memory_space<vmem>> -> memref<50xi32, #tpu.memory_space<vmem>>
        %dma_start3A_1887 = arith.constant 0 : i32
        %dma_start3A_1888 = arith.constant 0 : i32
        %dma_start3A_1889 = tpu.memref_slice %arg4[%dma_start3A_1887, %dma_start3A_1888] : memref<100000x128xf32, #tpu.memory_space<hbm>> -> memref<100000x128xf32, #tpu.memory_space<hbm>>
        %dma_start3A_1890 = tpu.memref_slice %arg14[%dma_start3A_1879] : memref<4x!tpu.dma_semaphore, #tpu.memory_space<semaphore_mem>> -> memref<1x!tpu.dma_semaphore, #tpu.memory_space<semaphore_mem>>
        %dma_start3A_1891 = tpu.memref_squeeze %dma_start3A_1890 : memref<1x!tpu.dma_semaphore, #tpu.memory_space<semaphore_mem>> -> memref<!tpu.dma_semaphore, #tpu.memory_space<semaphore_mem>>
        tpu.enqueue_indirect_dma source(%dma_start3A_1889 : memref<100000x128xf32, #tpu.memory_space<hbm>>) target(%dma_start3A_1883 : memref<50x128xf32, #tpu.memory_space<vmem>>) offsets(%dma_start3A_1886 : memref<50xi32, #tpu.memory_space<vmem>>) semaphore(%dma_start3A_1891 : memref<!tpu.dma_semaphore, #tpu.memory_space<semaphore_mem>>)
        %dma_start3A_1892 = arith.constant 1 : i32
        %dma_start3A_1893 = arith.constant 1 : i32
        %dma_start3A_1894 = arith.constant 1 : i32
        %dma_start3A_1895 = arith.constant 1 : i32
        %dma_start3A_1896 = arith.constant 50 : i32
        %dma_start3A_1897 = arith.constant 0 : i32
        %dma_start3A_1898 = tpu.memref_slice %arg13[%dma_start3A_1894, %dma_start3A_1896, %dma_start3A_1897] : memref<4x100x128xf32, #tpu.memory_space<vmem>> -> memref<1x50x128xf32, #tpu.memory_space<vmem>>
        %dma_start3A_1899 = tpu.memref_squeeze %dma_start3A_1898 : memref<1x50x128xf32, #tpu.memory_space<vmem>> -> memref<50x128xf32, #tpu.memory_space<vmem>>
        %dma_start3A_1900 = arith.constant 0 : i32
        %dma_start3A_1901 = tpu.memref_slice %arg10[%dma_start3A_1892, %dma_start3A_1893, %dma_start3A_1900] : memref<2x8x50xi32, #tpu.memory_space<vmem>> -> memref<1x1x50xi32, #tpu.memory_space<vmem>>
        %dma_start3A_1902 = tpu.memref_squeeze %dma_start3A_1901 : memref<1x1x50xi32, #tpu.memory_space<vmem>> -> memref<50xi32, #tpu.memory_space<vmem>>
        %dma_start3A_1903 = arith.constant 0 : i32
        %dma_start3A_1904 = arith.constant 0 : i32
        %dma_start3A_1905 = tpu.memref_slice %arg5[%dma_start3A_1903, %dma_start3A_1904] : memref<100000x128xf32, #tpu.memory_space<hbm>> -> memref<100000x128xf32, #tpu.memory_space<hbm>>
        %dma_start3A_1906 = tpu.memref_slice %arg14[%dma_start3A_1895] : memref<4x!tpu.dma_semaphore, #tpu.memory_space<semaphore_mem>> -> memref<1x!tpu.dma_semaphore, #tpu.memory_space<semaphore_mem>>
        %dma_start3A_1907 = tpu.memref_squeeze %dma_start3A_1906 : memref<1x!tpu.dma_semaphore, #tpu.memory_space<semaphore_mem>> -> memref<!tpu.dma_semaphore, #tpu.memory_space<semaphore_mem>>
        tpu.enqueue_indirect_dma source(%dma_start3A_1905 : memref<100000x128xf32, #tpu.memory_space<hbm>>) target(%dma_start3A_1899 : memref<50x128xf32, #tpu.memory_space<vmem>>) offsets(%dma_start3A_1902 : memref<50xi32, #tpu.memory_space<vmem>>) semaphore(%dma_start3A_1907 : memref<!tpu.dma_semaphore, #tpu.memory_space<semaphore_mem>>)
      } else {
      }
      %mul3A_996 = arith.constant 2 : i32
      %mul3A_997 = arith.muli %mul3A_996, %scan3A_121 : i32
      %add3A_998 = arith.constant 1 : i32
      %add3A_999 = arith.addi %mul3A_997, %add3A_998 : i32
      %mul3A_1000 = arith.constant 8 : i32
      %mul3A_1001 = arith.muli %add3A_999, %mul3A_1000 : i32
      %add3A_1002 = arith.addi %mul3A_2, %mul3A_1001 : i32
      %add3A_1003 = arith.constant 0 : i32
      %add3A_1004 = arith.addi %add3A_1002, %add3A_1003 : i32
      %mul3A_1005 = arith.constant 50 : i32
      %mul3A_1006 = arith.muli %add3A_1004, %mul3A_1005 : i32
      "tpu.region"() ({
        %run_scoped3A_1876 = tpu.sem_alloc : memref<!tpu.dma_semaphore, #tpu.memory_space<semaphore_mem>>
        %dma_start3A_1877 = arith.constant 0 : i32
        %dma_start3A_1878 = tpu.memref_slice %arg6[%mul3A_1006, %dma_start3A_1877] : memref<204800x34xf32, #tpu.memory_space<hbm>> -> memref<200x34xf32, #tpu.memory_space<hbm>>
        %dma_start3A_1879 = arith.constant 0 : i32
        %dma_start3A_1880 = tpu.memref_slice %arg6[%mul3A_1006, %dma_start3A_1879] : memref<204800x34xf32, #tpu.memory_space<hbm>> -> memref<200x34xf32, #tpu.memory_space<hbm>>
        tpu.enqueue_dma source(%dma_start3A_1880 : memref<200x34xf32, #tpu.memory_space<hbm>>) target(%arg11 : memref<200x34xf32, #tpu.memory_space<vmem>>) target_semaphore(%run_scoped3A_1876 : memref<!tpu.dma_semaphore, #tpu.memory_space<semaphore_mem>>)
        %dma_wait3A_1881 = arith.constant 0 : i32
        %dma_wait3A_1882 = tpu.memref_slice %arg6[%mul3A_1006, %dma_wait3A_1881] : memref<204800x34xf32, #tpu.memory_space<hbm>> -> memref<200x34xf32, #tpu.memory_space<hbm>>
        %dma_wait3A_1883 = arith.constant 0 : i32
        %dma_wait3A_1884 = tpu.memref_slice %arg6[%mul3A_1006, %dma_wait3A_1883] : memref<204800x34xf32, #tpu.memory_space<hbm>> -> memref<200x34xf32, #tpu.memory_space<hbm>>
        tpu.wait_dma2 semaphore(%run_scoped3A_1876 : memref<!tpu.dma_semaphore, #tpu.memory_space<semaphore_mem>>) src(%dma_wait3A_1884 : memref<200x34xf32, #tpu.memory_space<hbm>>) dst(%arg11 : memref<200x34xf32, #tpu.memory_space<vmem>>)
        tpu.yield
      }) : () -> ()
      "tpu.region"() ({
        %run_scoped3A_1876 = tpu.sem_alloc : memref<!tpu.dma_semaphore, #tpu.memory_space<semaphore_mem>>
        %dma_start3A_1877 = arith.constant 0 : i32
        %dma_start3A_1878 = tpu.memref_slice %arg7[%mul3A_1006, %dma_start3A_1877] : memref<204800x16xf32, #tpu.memory_space<hbm>> -> memref<200x16xf32, #tpu.memory_space<hbm>>
        %dma_start3A_1879 = arith.constant 0 : i32
        %dma_start3A_1880 = tpu.memref_slice %arg7[%mul3A_1006, %dma_start3A_1879] : memref<204800x16xf32, #tpu.memory_space<hbm>> -> memref<200x16xf32, #tpu.memory_space<hbm>>
        tpu.enqueue_dma source(%dma_start3A_1880 : memref<200x16xf32, #tpu.memory_space<hbm>>) target(%arg12 : memref<200x16xf32, #tpu.memory_space<vmem>>) target_semaphore(%run_scoped3A_1876 : memref<!tpu.dma_semaphore, #tpu.memory_space<semaphore_mem>>)
        %dma_wait3A_1881 = arith.constant 0 : i32
        %dma_wait3A_1882 = tpu.memref_slice %arg7[%mul3A_1006, %dma_wait3A_1881] : memref<204800x16xf32, #tpu.memory_space<hbm>> -> memref<200x16xf32, #tpu.memory_space<hbm>>
        %dma_wait3A_1883 = arith.constant 0 : i32
        %dma_wait3A_1884 = tpu.memref_slice %arg7[%mul3A_1006, %dma_wait3A_1883] : memref<204800x16xf32, #tpu.memory_space<hbm>> -> memref<200x16xf32, #tpu.memory_space<hbm>>
        tpu.wait_dma2 semaphore(%run_scoped3A_1876 : memref<!tpu.dma_semaphore, #tpu.memory_space<semaphore_mem>>) src(%dma_wait3A_1884 : memref<200x16xf32, #tpu.memory_space<hbm>>) dst(%arg12 : memref<200x16xf32, #tpu.memory_space<vmem>>)
        tpu.yield
      }) : () -> ()
      %mul3A_1007 = arith.constant 8 : i32
      %mul3A_1008 = arith.muli %add3A_999, %mul3A_1007 : i32
      %add3A_1009 = arith.addi %mul3A_2, %mul3A_1008 : i32
      %add3A_1010 = arith.constant 0 : i32
      %add3A_1011 = arith.addi %add3A_1009, %add3A_1010 : i32
      %dma_wait3A_1012 = arith.constant 1 : i32
      %dma_wait3A_1013 = arith.constant 0 : i32
      %dma_wait3A_1014 = arith.constant 0 : i32
      %dma_wait3A_1015 = arith.constant 0 : i32
      %dma_wait3A_1016 = arith.constant 0 : i32
      %dma_wait3A_1017 = arith.constant 0 : i32
      %dma_wait3A_1018 = tpu.memref_slice %arg13[%dma_wait3A_1014, %dma_wait3A_1016, %dma_wait3A_1017] : memref<4x100x128xf32, #tpu.memory_space<vmem>> -> memref<1x50x128xf32, #tpu.memory_space<vmem>>
      %dma_wait3A_1019 = tpu.memref_squeeze %dma_wait3A_1018 : memref<1x50x128xf32, #tpu.memory_space<vmem>> -> memref<50x128xf32, #tpu.memory_space<vmem>>
      %dma_wait3A_1020 = arith.constant 0 : i32
      %dma_wait3A_1021 = tpu.memref_slice %arg9[%dma_wait3A_1012, %dma_wait3A_1013, %dma_wait3A_1020] : memref<2x8x50xi32, #tpu.memory_space<vmem>> -> memref<1x1x50xi32, #tpu.memory_space<vmem>>
      %dma_wait3A_1022 = tpu.memref_squeeze %dma_wait3A_1021 : memref<1x1x50xi32, #tpu.memory_space<vmem>> -> memref<50xi32, #tpu.memory_space<vmem>>
      %dma_wait3A_1023 = arith.constant 0 : i32
      %dma_wait3A_1024 = arith.constant 0 : i32
      %dma_wait3A_1025 = tpu.memref_slice %arg4[%dma_wait3A_1023, %dma_wait3A_1024] : memref<100000x128xf32, #tpu.memory_space<hbm>> -> memref<100000x128xf32, #tpu.memory_space<hbm>>
      %dma_wait3A_1026 = tpu.memref_slice %arg14[%dma_wait3A_1015] : memref<4x!tpu.dma_semaphore, #tpu.memory_space<semaphore_mem>> -> memref<1x!tpu.dma_semaphore, #tpu.memory_space<semaphore_mem>>
      %dma_wait3A_1027 = tpu.memref_squeeze %dma_wait3A_1026 : memref<1x!tpu.dma_semaphore, #tpu.memory_space<semaphore_mem>> -> memref<!tpu.dma_semaphore, #tpu.memory_space<semaphore_mem>>
      tpu.wait_indirect_dma semaphore(%dma_wait3A_1027 : memref<!tpu.dma_semaphore, #tpu.memory_space<semaphore_mem>>) src(%dma_wait3A_1025 : memref<100000x128xf32, #tpu.memory_space<hbm>>) dst(%dma_wait3A_1019 : memref<50x128xf32, #tpu.memory_space<vmem>>)
      %dma_wait3A_1028 = arith.constant 1 : i32
      %dma_wait3A_1029 = arith.constant 0 : i32
      %dma_wait3A_1030 = arith.constant 0 : i32
      %dma_wait3A_1031 = arith.constant 0 : i32
      %dma_wait3A_1032 = arith.constant 50 : i32
      %dma_wait3A_1033 = arith.constant 0 : i32
      %dma_wait3A_1034 = tpu.memref_slice %arg13[%dma_wait3A_1030, %dma_wait3A_1032, %dma_wait3A_1033] : memref<4x100x128xf32, #tpu.memory_space<vmem>> -> memref<1x50x128xf32, #tpu.memory_space<vmem>>
      %dma_wait3A_1035 = tpu.memref_squeeze %dma_wait3A_1034 : memref<1x50x128xf32, #tpu.memory_space<vmem>> -> memref<50x128xf32, #tpu.memory_space<vmem>>
      %dma_wait3A_1036 = arith.constant 0 : i32
      %dma_wait3A_1037 = tpu.memref_slice %arg10[%dma_wait3A_1028, %dma_wait3A_1029, %dma_wait3A_1036] : memref<2x8x50xi32, #tpu.memory_space<vmem>> -> memref<1x1x50xi32, #tpu.memory_space<vmem>>
      %dma_wait3A_1038 = tpu.memref_squeeze %dma_wait3A_1037 : memref<1x1x50xi32, #tpu.memory_space<vmem>> -> memref<50xi32, #tpu.memory_space<vmem>>
      %dma_wait3A_1039 = arith.constant 0 : i32
      %dma_wait3A_1040 = arith.constant 0 : i32
      %dma_wait3A_1041 = tpu.memref_slice %arg5[%dma_wait3A_1039, %dma_wait3A_1040] : memref<100000x128xf32, #tpu.memory_space<hbm>> -> memref<100000x128xf32, #tpu.memory_space<hbm>>
      %dma_wait3A_1042 = tpu.memref_slice %arg14[%dma_wait3A_1031] : memref<4x!tpu.dma_semaphore, #tpu.memory_space<semaphore_mem>> -> memref<1x!tpu.dma_semaphore, #tpu.memory_space<semaphore_mem>>
      %dma_wait3A_1043 = tpu.memref_squeeze %dma_wait3A_1042 : memref<1x!tpu.dma_semaphore, #tpu.memory_space<semaphore_mem>> -> memref<!tpu.dma_semaphore, #tpu.memory_space<semaphore_mem>>
      tpu.wait_indirect_dma semaphore(%dma_wait3A_1043 : memref<!tpu.dma_semaphore, #tpu.memory_space<semaphore_mem>>) src(%dma_wait3A_1041 : memref<100000x128xf32, #tpu.memory_space<hbm>>) dst(%dma_wait3A_1035 : memref<50x128xf32, #tpu.memory_space<vmem>>)
      %scan3A_1044 = arith.constant 0 : i32
      %scan3A_1045 = arith.constant 0 : i32
      %scan3A_1046 = arith.constant 50 : i32
      %scan3A_1047 = arith.addi %scan3A_1045, %scan3A_1046 : i32
      %scan3A_1048 = arith.constant 1 : i32
      %scan3A_1049 = scf.for %scan3A_1876 = %scan3A_1045 to %scan3A_1047 step %scan3A_1048 iter_args(%scan3A_1877 = %scan3A_1044) -> (i32)  : i32 {
        %add3A_1878 = arith.constant 0 : i32
        %add3A_1879 = arith.addi %add3A_1878, %scan3A_1876 : i32
        %get3A = arith.index_cast %add3A_1879 : i32 to index
        %get3A_1880 = arith.constant 0 : index
        %get3A_1881 = tpu.vector_load %arg11[%get3A, %get3A_1880] {strides = array<i32>} : memref<200x34xf32, #tpu.memory_space<vmem>>, vector<1x16xf32>,
        %get3A_1882 = vector.shape_cast %get3A_1881 : vector<1x16xf32> to vector<16xf32>
        %swap3A = arith.constant 0 : i32
        %swap3A_1883 = arith.index_cast %swap3A : i32 to index
        %swap3A_1884 = arith.index_cast %scan3A_1876 : i32 to index
        %swap3A_1885 = arith.constant 94 : index
        %swap3A_1886 = tpu.vector_load %arg13[%swap3A_1883, %swap3A_1884, %swap3A_1885] {strides = array<i32>} : memref<4x100x128xf32, #tpu.memory_space<vmem>>, vector<1x1x16xf32>,
        %swap3A_1887 = vector.shape_cast %swap3A_1886 : vector<1x1x16xf32> to vector<16xf32>
        %swap3A_1888 = vector.shape_cast %get3A_1882 : vector<16xf32> to vector<1x1x16xf32>
        tpu.vector_store %arg13[%swap3A_1883, %swap3A_1884, %swap3A_1885], %swap3A_1888 {strides = array<i32>} : memref<4x100x128xf32, #tpu.memory_space<vmem>>, vector<1x1x16xf32>,
        %get3A_1889 = arith.index_cast %add3A_1879 : i32 to index
        %get3A_1890 = arith.constant 16 : index
        %get3A_1891 = tpu.vector_load %arg11[%get3A_1889, %get3A_1890] {strides = array<i32>} : memref<200x34xf32, #tpu.memory_space<vmem>>, vector<1x16xf32>,
        %get3A_1892 = vector.shape_cast %get3A_1891 : vector<1x16xf32> to vector<16xf32>
        %swap3A_1893 = arith.constant 0 : i32
        %swap3A_1894 = arith.index_cast %swap3A_1893 : i32 to index
        %swap3A_1895 = arith.index_cast %scan3A_1876 : i32 to index
        %swap3A_1896 = arith.constant 110 : index
        %swap3A_1897 = tpu.vector_load %arg13[%swap3A_1894, %swap3A_1895, %swap3A_1896] {strides = array<i32>} : memref<4x100x128xf32, #tpu.memory_space<vmem>>, vector<1x1x16xf32>,
        %swap3A_1898 = vector.shape_cast %swap3A_1897 : vector<1x1x16xf32> to vector<16xf32>
        %swap3A_1899 = vector.shape_cast %get3A_1892 : vector<16xf32> to vector<1x1x16xf32>
        tpu.vector_store %arg13[%swap3A_1894, %swap3A_1895, %swap3A_1896], %swap3A_1899 {strides = array<i32>} : memref<4x100x128xf32, #tpu.memory_space<vmem>>, vector<1x1x16xf32>,
        %get3A_1900 = arith.index_cast %add3A_1879 : i32 to index
        %get3A_1901 = arith.constant 18 : index
        %get3A_1902 = tpu.vector_load %arg11[%get3A_1900, %get3A_1901] {strides = array<i32>} : memref<200x34xf32, #tpu.memory_space<vmem>>, vector<1x16xf32>,
        %get3A_1903 = vector.shape_cast %get3A_1902 : vector<1x16xf32> to vector<16xf32>
        %swap3A_1904 = arith.constant 0 : i32
        %swap3A_1905 = arith.index_cast %swap3A_1904 : i32 to index
        %swap3A_1906 = arith.index_cast %scan3A_1876 : i32 to index
        %swap3A_1907 = arith.constant 112 : index
        %swap3A_1908 = tpu.vector_load %arg13[%swap3A_1905, %swap3A_1906, %swap3A_1907] {strides = array<i32>} : memref<4x100x128xf32, #tpu.memory_space<vmem>>, vector<1x1x16xf32>,
        %swap3A_1909 = vector.shape_cast %swap3A_1908 : vector<1x1x16xf32> to vector<16xf32>
        %swap3A_1910 = vector.shape_cast %get3A_1903 : vector<16xf32> to vector<1x1x16xf32>
        tpu.vector_store %arg13[%swap3A_1905, %swap3A_1906, %swap3A_1907], %swap3A_1910 {strides = array<i32>} : memref<4x100x128xf32, #tpu.memory_space<vmem>>, vector<1x1x16xf32>,
        %get3A_1911 = arith.index_cast %add3A_1879 : i32 to index
        %get3A_1912 = arith.constant 0 : index
        %get3A_1913 = tpu.vector_load %arg12[%get3A_1911, %get3A_1912] {strides = array<i32>} : memref<200x16xf32, #tpu.memory_space<vmem>>, vector<1x16xf32>,
        %get3A_1914 = vector.shape_cast %get3A_1913 : vector<1x16xf32> to vector<16xf32>
        %add3A_1915 = arith.constant 50 : i32
        %add3A_1916 = arith.addi %add3A_1915, %scan3A_1876 : i32
        %swap3A_1917 = arith.constant 0 : i32
        %swap3A_1918 = arith.index_cast %swap3A_1917 : i32 to index
        %swap3A_1919 = arith.index_cast %add3A_1916 : i32 to index
        %swap3A_1920 = arith.constant 112 : index
        %swap3A_1921 = tpu.vector_load %arg13[%swap3A_1918, %swap3A_1919, %swap3A_1920] {strides = array<i32>} : memref<4x100x128xf32, #tpu.memory_space<vmem>>, vector<1x1x16xf32>,
        %swap3A_1922 = vector.shape_cast %swap3A_1921 : vector<1x1x16xf32> to vector<16xf32>
        %swap3A_1923 = vector.shape_cast %get3A_1914 : vector<16xf32> to vector<1x1x16xf32>
        tpu.vector_store %arg13[%swap3A_1918, %swap3A_1919, %swap3A_1920], %swap3A_1923 {strides = array<i32>} : memref<4x100x128xf32, #tpu.memory_space<vmem>>, vector<1x1x16xf32>,
        %scan3A_1924 = arith.constant 0 : i32
        scf.yield %scan3A_1924 : i32
      }
      %scan3A_1050 = arith.constant 50 : i32
      %dma_start3A_1051 = arith.constant 0 : i32
      %dma_start3A_1052 = arith.constant 0 : i32
      %dma_start3A_1053 = arith.constant 0 : i32
      %dma_start3A_1054 = arith.constant 0 : i32
      %dma_start3A_1055 = tpu.memref_slice %arg13[%dma_start3A_1051, %dma_start3A_1053, %dma_start3A_1054] : memref<4x100x128xf32, #tpu.memory_space<vmem>> -> memref<1x100x128xf32, #tpu.memory_space<vmem>>
      %dma_start3A_1056 = tpu.memref_squeeze %dma_start3A_1055 : memref<1x100x128xf32, #tpu.memory_space<vmem>> -> memref<100x128xf32, #tpu.memory_space<vmem>>
      %dma_start3A_1057 = arith.constant 0 : i32
      %dma_start3A_1058 = arith.constant 0 : i32
      %dma_start3A_1059 = tpu.memref_slice %arg8[%add3A_1011, %dma_start3A_1057, %dma_start3A_1058] : memref<4096x100x128xf32, #tpu.memory_space<hbm>> -> memref<1x100x128xf32, #tpu.memory_space<hbm>>
      %dma_start3A_1060 = tpu.memref_squeeze %dma_start3A_1059 : memref<1x100x128xf32, #tpu.memory_space<hbm>> -> memref<100x128xf32, #tpu.memory_space<hbm>>
      %dma_start3A_1061 = tpu.memref_slice %arg15[%dma_start3A_1052] : memref<4x!tpu.dma_semaphore, #tpu.memory_space<semaphore_mem>> -> memref<1x!tpu.dma_semaphore, #tpu.memory_space<semaphore_mem>>
      %dma_start3A_1062 = tpu.memref_squeeze %dma_start3A_1061 : memref<1x!tpu.dma_semaphore, #tpu.memory_space<semaphore_mem>> -> memref<!tpu.dma_semaphore, #tpu.memory_space<semaphore_mem>>
      %dma_start3A_1063 = arith.constant 0 : i32
      %dma_start3A_1064 = arith.constant 0 : i32
      %dma_start3A_1065 = tpu.memref_slice %arg8[%add3A_1011, %dma_start3A_1063, %dma_start3A_1064] : memref<4096x100x128xf32, #tpu.memory_space<hbm>> -> memref<1x100x128xf32, #tpu.memory_space<hbm>>
      %dma_start3A_1066 = tpu.memref_squeeze %dma_start3A_1065 : memref<1x100x128xf32, #tpu.memory_space<hbm>> -> memref<100x128xf32, #tpu.memory_space<hbm>>
      %dma_start3A_1067 = arith.constant 0 : i32
      %dma_start3A_1068 = arith.constant 0 : i32
      %dma_start3A_1069 = tpu.memref_slice %arg13[%dma_start3A_1051, %dma_start3A_1067, %dma_start3A_1068] : memref<4x100x128xf32, #tpu.memory_space<vmem>> -> memref<1x100x128xf32, #tpu.memory_space<vmem>>
      %dma_start3A_1070 = tpu.memref_squeeze %dma_start3A_1069 : memref<1x100x128xf32, #tpu.memory_space<vmem>> -> memref<100x128xf32, #tpu.memory_space<vmem>>
      tpu.enqueue_dma source(%dma_start3A_1070 : memref<100x128xf32, #tpu.memory_space<vmem>>) target(%dma_start3A_1066 : memref<100x128xf32, #tpu.memory_space<hbm>>) target_semaphore(%dma_start3A_1062 : memref<!tpu.dma_semaphore, #tpu.memory_space<semaphore_mem>>)
      %gt3A_1071 = arith.constant 0 : i32
      %gt3A_1072 = arith.cmpi sgt, %add3A_999, %gt3A_1071 : i32
      %convert_element_type3A_1073 = arith.extui %gt3A_1072 : i1 to i32
      %cond3A_1074 = arith.constant 0 : i32
      %cond3A_1075 = arith.cmpi ne, %convert_element_type3A_1073, %cond3A_1074 : i32
      scf.if %cond3A_1075 {
        %sub3A_1876 = arith.constant 2 : i32
        %sub3A_1877 = arith.subi %add3A_1011, %sub3A_1876 : i32
        %dma_wait3A_1878 = arith.constant 2 : i32
        %dma_wait3A_1879 = arith.constant 2 : i32
        %dma_wait3A_1880 = arith.constant 0 : i32
        %dma_wait3A_1881 = arith.constant 0 : i32
        %dma_wait3A_1882 = tpu.memref_slice %arg13[%dma_wait3A_1878, %dma_wait3A_1880, %dma_wait3A_1881] : memref<4x100x128xf32, #tpu.memory_space<vmem>> -> memref<1x100x128xf32, #tpu.memory_space<vmem>>
        %dma_wait3A_1883 = tpu.memref_squeeze %dma_wait3A_1882 : memref<1x100x128xf32, #tpu.memory_space<vmem>> -> memref<100x128xf32, #tpu.memory_space<vmem>>
        %dma_wait3A_1884 = arith.constant 0 : i32
        %dma_wait3A_1885 = arith.constant 0 : i32
        %dma_wait3A_1886 = tpu.memref_slice %arg8[%sub3A_1877, %dma_wait3A_1884, %dma_wait3A_1885] : memref<4096x100x128xf32, #tpu.memory_space<hbm>> -> memref<1x100x128xf32, #tpu.memory_space<hbm>>
        %dma_wait3A_1887 = tpu.memref_squeeze %dma_wait3A_1886 : memref<1x100x128xf32, #tpu.memory_space<hbm>> -> memref<100x128xf32, #tpu.memory_space<hbm>>
        %dma_wait3A_1888 = tpu.memref_slice %arg15[%dma_wait3A_1879] : memref<4x!tpu.dma_semaphore, #tpu.memory_space<semaphore_mem>> -> memref<1x!tpu.dma_semaphore, #tpu.memory_space<semaphore_mem>>
        %dma_wait3A_1889 = tpu.memref_squeeze %dma_wait3A_1888 : memref<1x!tpu.dma_semaphore, #tpu.memory_space<semaphore_mem>> -> memref<!tpu.dma_semaphore, #tpu.memory_space<semaphore_mem>>
        %dma_wait3A_1890 = arith.constant 0 : i32
        %dma_wait3A_1891 = arith.constant 0 : i32
        %dma_wait3A_1892 = tpu.memref_slice %arg8[%sub3A_1877, %dma_wait3A_1890, %dma_wait3A_1891] : memref<4096x100x128xf32, #tpu.memory_space<hbm>> -> memref<1x100x128xf32, #tpu.memory_space<hbm>>
        %dma_wait3A_1893 = tpu.memref_squeeze %dma_wait3A_1892 : memref<1x100x128xf32, #tpu.memory_space<hbm>> -> memref<100x128xf32, #tpu.memory_space<hbm>>
        %dma_wait3A_1894 = arith.constant 0 : i32
        %dma_wait3A_1895 = arith.constant 0 : i32
        %dma_wait3A_1896 = tpu.memref_slice %arg13[%dma_wait3A_1878, %dma_wait3A_1894, %dma_wait3A_1895] : memref<4x100x128xf32, #tpu.memory_space<vmem>> -> memref<1x100x128xf32, #tpu.memory_space<vmem>>
        %dma_wait3A_1897 = tpu.memref_squeeze %dma_wait3A_1896 : memref<1x100x128xf32, #tpu.memory_space<vmem>> -> memref<100x128xf32, #tpu.memory_space<vmem>>
        tpu.wait_dma2 semaphore(%dma_wait3A_1889 : memref<!tpu.dma_semaphore, #tpu.memory_space<semaphore_mem>>) src(%dma_wait3A_1897 : memref<100x128xf32, #tpu.memory_space<vmem>>) dst(%dma_wait3A_1893 : memref<100x128xf32, #tpu.memory_space<hbm>>)
      } else {
      }
      %dma_start3A_1076 = arith.constant 1 : i32
      %dma_start3A_1077 = arith.constant 2 : i32
      %dma_start3A_1078 = arith.constant 2 : i32
      %dma_start3A_1079 = arith.constant 2 : i32
      %dma_start3A_1080 = arith.constant 0 : i32
      %dma_start3A_1081 = arith.constant 0 : i32
      %dma_start3A_1082 = tpu.memref_slice %arg13[%dma_start3A_1078, %dma_start3A_1080, %dma_start3A_1081] : memref<4x100x128xf32, #tpu.memory_space<vmem>> -> memref<1x50x128xf32, #tpu.memory_space<vmem>>
      %dma_start3A_1083 = tpu.memref_squeeze %dma_start3A_1082 : memref<1x50x128xf32, #tpu.memory_space<vmem>> -> memref<50x128xf32, #tpu.memory_space<vmem>>
      %dma_start3A_1084 = arith.constant 0 : i32
      %dma_start3A_1085 = tpu.memref_slice %arg9[%dma_start3A_1076, %dma_start3A_1077, %dma_start3A_1084] : memref<2x8x50xi32, #tpu.memory_space<vmem>> -> memref<1x1x50xi32, #tpu.memory_space<vmem>>
      %dma_start3A_1086 = tpu.memref_squeeze %dma_start3A_1085 : memref<1x1x50xi32, #tpu.memory_space<vmem>> -> memref<50xi32, #tpu.memory_space<vmem>>
      %dma_start3A_1087 = arith.constant 0 : i32
      %dma_start3A_1088 = arith.constant 0 : i32
      %dma_start3A_1089 = tpu.memref_slice %arg4[%dma_start3A_1087, %dma_start3A_1088] : memref<100000x128xf32, #tpu.memory_space<hbm>> -> memref<100000x128xf32, #tpu.memory_space<hbm>>
      %dma_start3A_1090 = tpu.memref_slice %arg14[%dma_start3A_1079] : memref<4x!tpu.dma_semaphore, #tpu.memory_space<semaphore_mem>> -> memref<1x!tpu.dma_semaphore, #tpu.memory_space<semaphore_mem>>
      %dma_start3A_1091 = tpu.memref_squeeze %dma_start3A_1090 : memref<1x!tpu.dma_semaphore, #tpu.memory_space<semaphore_mem>> -> memref<!tpu.dma_semaphore, #tpu.memory_space<semaphore_mem>>
      tpu.enqueue_indirect_dma source(%dma_start3A_1089 : memref<100000x128xf32, #tpu.memory_space<hbm>>) target(%dma_start3A_1083 : memref<50x128xf32, #tpu.memory_space<vmem>>) offsets(%dma_start3A_1086 : memref<50xi32, #tpu.memory_space<vmem>>) semaphore(%dma_start3A_1091 : memref<!tpu.dma_semaphore, #tpu.memory_space<semaphore_mem>>)
      %dma_start3A_1092 = arith.constant 1 : i32
      %dma_start3A_1093 = arith.constant 2 : i32
      %dma_start3A_1094 = arith.constant 2 : i32
      %dma_start3A_1095 = arith.constant 2 : i32
      %dma_start3A_1096 = arith.constant 50 : i32
      %dma_start3A_1097 = arith.constant 0 : i32
      %dma_start3A_1098 = tpu.memref_slice %arg13[%dma_start3A_1094, %dma_start3A_1096, %dma_start3A_1097] : memref<4x100x128xf32, #tpu.memory_space<vmem>> -> memref<1x50x128xf32, #tpu.memory_space<vmem>>
      %dma_start3A_1099 = tpu.memref_squeeze %dma_start3A_1098 : memref<1x50x128xf32, #tpu.memory_space<vmem>> -> memref<50x128xf32, #tpu.memory_space<vmem>>
      %dma_start3A_1100 = arith.constant 0 : i32
      %dma_start3A_1101 = tpu.memref_slice %arg10[%dma_start3A_1092, %dma_start3A_1093, %dma_start3A_1100] : memref<2x8x50xi32, #tpu.memory_space<vmem>> -> memref<1x1x50xi32, #tpu.memory_space<vmem>>
      %dma_start3A_1102 = tpu.memref_squeeze %dma_start3A_1101 : memref<1x1x50xi32, #tpu.memory_space<vmem>> -> memref<50xi32, #tpu.memory_space<vmem>>
      %dma_start3A_1103 = arith.constant 0 : i32
      %dma_start3A_1104 = arith.constant 0 : i32
      %dma_start3A_1105 = tpu.memref_slice %arg5[%dma_start3A_1103, %dma_start3A_1104] : memref<100000x128xf32, #tpu.memory_space<hbm>> -> memref<100000x128xf32, #tpu.memory_space<hbm>>
      %dma_start3A_1106 = tpu.memref_slice %arg14[%dma_start3A_1095] : memref<4x!tpu.dma_semaphore, #tpu.memory_space<semaphore_mem>> -> memref<1x!tpu.dma_semaphore, #tpu.memory_space<semaphore_mem>>
      %dma_start3A_1107 = tpu.memref_squeeze %dma_start3A_1106 : memref<1x!tpu.dma_semaphore, #tpu.memory_space<semaphore_mem>> -> memref<!tpu.dma_semaphore, #tpu.memory_space<semaphore_mem>>
      tpu.enqueue_indirect_dma source(%dma_start3A_1105 : memref<100000x128xf32, #tpu.memory_space<hbm>>) target(%dma_start3A_1099 : memref<50x128xf32, #tpu.memory_space<vmem>>) offsets(%dma_start3A_1102 : memref<50xi32, #tpu.memory_space<vmem>>) semaphore(%dma_start3A_1107 : memref<!tpu.dma_semaphore, #tpu.memory_space<semaphore_mem>>)
      %mul3A_1108 = arith.constant 8 : i32
      %mul3A_1109 = arith.muli %add3A_999, %mul3A_1108 : i32
      %add3A_1110 = arith.addi %mul3A_2, %mul3A_1109 : i32
      %add3A_1111 = arith.constant 1 : i32
      %add3A_1112 = arith.addi %add3A_1110, %add3A_1111 : i32
      %dma_wait3A_1113 = arith.constant 1 : i32
      %dma_wait3A_1114 = arith.constant 1 : i32
      %dma_wait3A_1115 = arith.constant 1 : i32
      %dma_wait3A_1116 = arith.constant 1 : i32
      %dma_wait3A_1117 = arith.constant 0 : i32
      %dma_wait3A_1118 = arith.constant 0 : i32
      %dma_wait3A_1119 = tpu.memref_slice %arg13[%dma_wait3A_1115, %dma_wait3A_1117, %dma_wait3A_1118] : memref<4x100x128xf32, #tpu.memory_space<vmem>> -> memref<1x50x128xf32, #tpu.memory_space<vmem>>
      %dma_wait3A_1120 = tpu.memref_squeeze %dma_wait3A_1119 : memref<1x50x128xf32, #tpu.memory_space<vmem>> -> memref<50x128xf32, #tpu.memory_space<vmem>>
      %dma_wait3A_1121 = arith.constant 0 : i32
      %dma_wait3A_1122 = tpu.memref_slice %arg9[%dma_wait3A_1113, %dma_wait3A_1114, %dma_wait3A_1121] : memref<2x8x50xi32, #tpu.memory_space<vmem>> -> memref<1x1x50xi32, #tpu.memory_space<vmem>>
      %dma_wait3A_1123 = tpu.memref_squeeze %dma_wait3A_1122 : memref<1x1x50xi32, #tpu.memory_space<vmem>> -> memref<50xi32, #tpu.memory_space<vmem>>
      %dma_wait3A_1124 = arith.constant 0 : i32
      %dma_wait3A_1125 = arith.constant 0 : i32
      %dma_wait3A_1126 = tpu.memref_slice %arg4[%dma_wait3A_1124, %dma_wait3A_1125] : memref<100000x128xf32, #tpu.memory_space<hbm>> -> memref<100000x128xf32, #tpu.memory_space<hbm>>
      %dma_wait3A_1127 = tpu.memref_slice %arg14[%dma_wait3A_1116] : memref<4x!tpu.dma_semaphore, #tpu.memory_space<semaphore_mem>> -> memref<1x!tpu.dma_semaphore, #tpu.memory_space<semaphore_mem>>
      %dma_wait3A_1128 = tpu.memref_squeeze %dma_wait3A_1127 : memref<1x!tpu.dma_semaphore, #tpu.memory_space<semaphore_mem>> -> memref<!tpu.dma_semaphore, #tpu.memory_space<semaphore_mem>>
      tpu.wait_indirect_dma semaphore(%dma_wait3A_1128 : memref<!tpu.dma_semaphore, #tpu.memory_space<semaphore_mem>>) src(%dma_wait3A_1126 : memref<100000x128xf32, #tpu.memory_space<hbm>>) dst(%dma_wait3A_1120 : memref<50x128xf32, #tpu.memory_space<vmem>>)
      %dma_wait3A_1129 = arith.constant 1 : i32
      %dma_wait3A_1130 = arith.constant 1 : i32
      %dma_wait3A_1131 = arith.constant 1 : i32
      %dma_wait3A_1132 = arith.constant 1 : i32
      %dma_wait3A_1133 = arith.constant 50 : i32
      %dma_wait3A_1134 = arith.constant 0 : i32
      %dma_wait3A_1135 = tpu.memref_slice %arg13[%dma_wait3A_1131, %dma_wait3A_1133, %dma_wait3A_1134] : memref<4x100x128xf32, #tpu.memory_space<vmem>> -> memref<1x50x128xf32, #tpu.memory_space<vmem>>
      %dma_wait3A_1136 = tpu.memref_squeeze %dma_wait3A_1135 : memref<1x50x128xf32, #tpu.memory_space<vmem>> -> memref<50x128xf32, #tpu.memory_space<vmem>>
      %dma_wait3A_1137 = arith.constant 0 : i32
      %dma_wait3A_1138 = tpu.memref_slice %arg10[%dma_wait3A_1129, %dma_wait3A_1130, %dma_wait3A_1137] : memref<2x8x50xi32, #tpu.memory_space<vmem>> -> memref<1x1x50xi32, #tpu.memory_space<vmem>>
      %dma_wait3A_1139 = tpu.memref_squeeze %dma_wait3A_1138 : memref<1x1x50xi32, #tpu.memory_space<vmem>> -> memref<50xi32, #tpu.memory_space<vmem>>
      %dma_wait3A_1140 = arith.constant 0 : i32
      %dma_wait3A_1141 = arith.constant 0 : i32
      %dma_wait3A_1142 = tpu.memref_slice %arg5[%dma_wait3A_1140, %dma_wait3A_1141] : memref<100000x128xf32, #tpu.memory_space<hbm>> -> memref<100000x128xf32, #tpu.memory_space<hbm>>
      %dma_wait3A_1143 = tpu.memref_slice %arg14[%dma_wait3A_1132] : memref<4x!tpu.dma_semaphore, #tpu.memory_space<semaphore_mem>> -> memref<1x!tpu.dma_semaphore, #tpu.memory_space<semaphore_mem>>
      %dma_wait3A_1144 = tpu.memref_squeeze %dma_wait3A_1143 : memref<1x!tpu.dma_semaphore, #tpu.memory_space<semaphore_mem>> -> memref<!tpu.dma_semaphore, #tpu.memory_space<semaphore_mem>>
      tpu.wait_indirect_dma semaphore(%dma_wait3A_1144 : memref<!tpu.dma_semaphore, #tpu.memory_space<semaphore_mem>>) src(%dma_wait3A_1142 : memref<100000x128xf32, #tpu.memory_space<hbm>>) dst(%dma_wait3A_1136 : memref<50x128xf32, #tpu.memory_space<vmem>>)
      %scan3A_1145 = arith.constant 0 : i32
      %scan3A_1146 = arith.constant 0 : i32
      %scan3A_1147 = arith.constant 50 : i32
      %scan3A_1148 = arith.addi %scan3A_1146, %scan3A_1147 : i32
      %scan3A_1149 = arith.constant 1 : i32
      %scan3A_1150 = scf.for %scan3A_1876 = %scan3A_1146 to %scan3A_1148 step %scan3A_1149 iter_args(%scan3A_1877 = %scan3A_1145) -> (i32)  : i32 {
        %add3A_1878 = arith.constant 50 : i32
        %add3A_1879 = arith.addi %add3A_1878, %scan3A_1876 : i32
        %get3A = arith.index_cast %add3A_1879 : i32 to index
        %get3A_1880 = arith.constant 0 : index
        %get3A_1881 = tpu.vector_load %arg11[%get3A, %get3A_1880] {strides = array<i32>} : memref<200x34xf32, #tpu.memory_space<vmem>>, vector<1x16xf32>,
        %get3A_1882 = vector.shape_cast %get3A_1881 : vector<1x16xf32> to vector<16xf32>
        %swap3A = arith.constant 1 : i32
        %swap3A_1883 = arith.index_cast %swap3A : i32 to index
        %swap3A_1884 = arith.index_cast %scan3A_1876 : i32 to index
        %swap3A_1885 = arith.constant 94 : index
        %swap3A_1886 = tpu.vector_load %arg13[%swap3A_1883, %swap3A_1884, %swap3A_1885] {strides = array<i32>} : memref<4x100x128xf32, #tpu.memory_space<vmem>>, vector<1x1x16xf32>,
        %swap3A_1887 = vector.shape_cast %swap3A_1886 : vector<1x1x16xf32> to vector<16xf32>
        %swap3A_1888 = vector.shape_cast %get3A_1882 : vector<16xf32> to vector<1x1x16xf32>
        tpu.vector_store %arg13[%swap3A_1883, %swap3A_1884, %swap3A_1885], %swap3A_1888 {strides = array<i32>} : memref<4x100x128xf32, #tpu.memory_space<vmem>>, vector<1x1x16xf32>,
        %get3A_1889 = arith.index_cast %add3A_1879 : i32 to index
        %get3A_1890 = arith.constant 16 : index
        %get3A_1891 = tpu.vector_load %arg11[%get3A_1889, %get3A_1890] {strides = array<i32>} : memref<200x34xf32, #tpu.memory_space<vmem>>, vector<1x16xf32>,
        %get3A_1892 = vector.shape_cast %get3A_1891 : vector<1x16xf32> to vector<16xf32>
        %swap3A_1893 = arith.constant 1 : i32
        %swap3A_1894 = arith.index_cast %swap3A_1893 : i32 to index
        %swap3A_1895 = arith.index_cast %scan3A_1876 : i32 to index
        %swap3A_1896 = arith.constant 110 : index
        %swap3A_1897 = tpu.vector_load %arg13[%swap3A_1894, %swap3A_1895, %swap3A_1896] {strides = array<i32>} : memref<4x100x128xf32, #tpu.memory_space<vmem>>, vector<1x1x16xf32>,
        %swap3A_1898 = vector.shape_cast %swap3A_1897 : vector<1x1x16xf32> to vector<16xf32>
        %swap3A_1899 = vector.shape_cast %get3A_1892 : vector<16xf32> to vector<1x1x16xf32>
        tpu.vector_store %arg13[%swap3A_1894, %swap3A_1895, %swap3A_1896], %swap3A_1899 {strides = array<i32>} : memref<4x100x128xf32, #tpu.memory_space<vmem>>, vector<1x1x16xf32>,
        %get3A_1900 = arith.index_cast %add3A_1879 : i32 to index
        %get3A_1901 = arith.constant 18 : index
        %get3A_1902 = tpu.vector_load %arg11[%get3A_1900, %get3A_1901] {strides = array<i32>} : memref<200x34xf32, #tpu.memory_space<vmem>>, vector<1x16xf32>,
        %get3A_1903 = vector.shape_cast %get3A_1902 : vector<1x16xf32> to vector<16xf32>
        %swap3A_1904 = arith.constant 1 : i32
        %swap3A_1905 = arith.index_cast %swap3A_1904 : i32 to index
        %swap3A_1906 = arith.index_cast %scan3A_1876 : i32 to index
        %swap3A_1907 = arith.constant 112 : index
        %swap3A_1908 = tpu.vector_load %arg13[%swap3A_1905, %swap3A_1906, %swap3A_1907] {strides = array<i32>} : memref<4x100x128xf32, #tpu.memory_space<vmem>>, vector<1x1x16xf32>,
        %swap3A_1909 = vector.shape_cast %swap3A_1908 : vector<1x1x16xf32> to vector<16xf32>
        %swap3A_1910 = vector.shape_cast %get3A_1903 : vector<16xf32> to vector<1x1x16xf32>
        tpu.vector_store %arg13[%swap3A_1905, %swap3A_1906, %swap3A_1907], %swap3A_1910 {strides = array<i32>} : memref<4x100x128xf32, #tpu.memory_space<vmem>>, vector<1x1x16xf32>,
        %get3A_1911 = arith.index_cast %add3A_1879 : i32 to index
        %get3A_1912 = arith.constant 0 : index
        %get3A_1913 = tpu.vector_load %arg12[%get3A_1911, %get3A_1912] {strides = array<i32>} : memref<200x16xf32, #tpu.memory_space<vmem>>, vector<1x16xf32>,
        %get3A_1914 = vector.shape_cast %get3A_1913 : vector<1x16xf32> to vector<16xf32>
        %add3A_1915 = arith.constant 50 : i32
        %add3A_1916 = arith.addi %add3A_1915, %scan3A_1876 : i32
        %swap3A_1917 = arith.constant 1 : i32
        %swap3A_1918 = arith.index_cast %swap3A_1917 : i32 to index
        %swap3A_1919 = arith.index_cast %add3A_1916 : i32 to index
        %swap3A_1920 = arith.constant 112 : index
        %swap3A_1921 = tpu.vector_load %arg13[%swap3A_1918, %swap3A_1919, %swap3A_1920] {strides = array<i32>} : memref<4x100x128xf32, #tpu.memory_space<vmem>>, vector<1x1x16xf32>,
        %swap3A_1922 = vector.shape_cast %swap3A_1921 : vector<1x1x16xf32> to vector<16xf32>
        %swap3A_1923 = vector.shape_cast %get3A_1914 : vector<16xf32> to vector<1x1x16xf32>
        tpu.vector_store %arg13[%swap3A_1918, %swap3A_1919, %swap3A_1920], %swap3A_1923 {strides = array<i32>} : memref<4x100x128xf32, #tpu.memory_space<vmem>>, vector<1x1x16xf32>,
        %scan3A_1924 = arith.constant 0 : i32
        scf.yield %scan3A_1924 : i32
      }
      %scan3A_1151 = arith.constant 50 : i32
      %dma_start3A_1152 = arith.constant 1 : i32
      %dma_start3A_1153 = arith.constant 1 : i32
      %dma_start3A_1154 = arith.constant 0 : i32
      %dma_start3A_1155 = arith.constant 0 : i32
      %dma_start3A_1156 = tpu.memref_slice %arg13[%dma_start3A_1152, %dma_start3A_1154, %dma_start3A_1155] : memref<4x100x128xf32, #tpu.memory_space<vmem>> -> memref<1x100x128xf32, #tpu.memory_space<vmem>>
      %dma_start3A_1157 = tpu.memref_squeeze %dma_start3A_1156 : memref<1x100x128xf32, #tpu.memory_space<vmem>> -> memref<100x128xf32, #tpu.memory_space<vmem>>
      %dma_start3A_1158 = arith.constant 0 : i32
      %dma_start3A_1159 = arith.constant 0 : i32
      %dma_start3A_1160 = tpu.memref_slice %arg8[%add3A_1112, %dma_start3A_1158, %dma_start3A_1159] : memref<4096x100x128xf32, #tpu.memory_space<hbm>> -> memref<1x100x128xf32, #tpu.memory_space<hbm>>
      %dma_start3A_1161 = tpu.memref_squeeze %dma_start3A_1160 : memref<1x100x128xf32, #tpu.memory_space<hbm>> -> memref<100x128xf32, #tpu.memory_space<hbm>>
      %dma_start3A_1162 = tpu.memref_slice %arg15[%dma_start3A_1153] : memref<4x!tpu.dma_semaphore, #tpu.memory_space<semaphore_mem>> -> memref<1x!tpu.dma_semaphore, #tpu.memory_space<semaphore_mem>>
      %dma_start3A_1163 = tpu.memref_squeeze %dma_start3A_1162 : memref<1x!tpu.dma_semaphore, #tpu.memory_space<semaphore_mem>> -> memref<!tpu.dma_semaphore, #tpu.memory_space<semaphore_mem>>
      %dma_start3A_1164 = arith.constant 0 : i32
      %dma_start3A_1165 = arith.constant 0 : i32
      %dma_start3A_1166 = tpu.memref_slice %arg8[%add3A_1112, %dma_start3A_1164, %dma_start3A_1165] : memref<4096x100x128xf32, #tpu.memory_space<hbm>> -> memref<1x100x128xf32, #tpu.memory_space<hbm>>
      %dma_start3A_1167 = tpu.memref_squeeze %dma_start3A_1166 : memref<1x100x128xf32, #tpu.memory_space<hbm>> -> memref<100x128xf32, #tpu.memory_space<hbm>>
      %dma_start3A_1168 = arith.constant 0 : i32
      %dma_start3A_1169 = arith.constant 0 : i32
      %dma_start3A_1170 = tpu.memref_slice %arg13[%dma_start3A_1152, %dma_start3A_1168, %dma_start3A_1169] : memref<4x100x128xf32, #tpu.memory_space<vmem>> -> memref<1x100x128xf32, #tpu.memory_space<vmem>>
      %dma_start3A_1171 = tpu.memref_squeeze %dma_start3A_1170 : memref<1x100x128xf32, #tpu.memory_space<vmem>> -> memref<100x128xf32, #tpu.memory_space<vmem>>
      tpu.enqueue_dma source(%dma_start3A_1171 : memref<100x128xf32, #tpu.memory_space<vmem>>) target(%dma_start3A_1167 : memref<100x128xf32, #tpu.memory_space<hbm>>) target_semaphore(%dma_start3A_1163 : memref<!tpu.dma_semaphore, #tpu.memory_space<semaphore_mem>>)
      %gt3A_1172 = arith.constant 0 : i32
      %gt3A_1173 = arith.cmpi sgt, %add3A_999, %gt3A_1172 : i32
      %convert_element_type3A_1174 = arith.extui %gt3A_1173 : i1 to i32
      %cond3A_1175 = arith.constant 0 : i32
      %cond3A_1176 = arith.cmpi ne, %convert_element_type3A_1174, %cond3A_1175 : i32
      scf.if %cond3A_1176 {
        %sub3A_1876 = arith.constant 2 : i32
        %sub3A_1877 = arith.subi %add3A_1112, %sub3A_1876 : i32
        %dma_wait3A_1878 = arith.constant 3 : i32
        %dma_wait3A_1879 = arith.constant 3 : i32
        %dma_wait3A_1880 = arith.constant 0 : i32
        %dma_wait3A_1881 = arith.constant 0 : i32
        %dma_wait3A_1882 = tpu.memref_slice %arg13[%dma_wait3A_1878, %dma_wait3A_1880, %dma_wait3A_1881] : memref<4x100x128xf32, #tpu.memory_space<vmem>> -> memref<1x100x128xf32, #tpu.memory_space<vmem>>
        %dma_wait3A_1883 = tpu.memref_squeeze %dma_wait3A_1882 : memref<1x100x128xf32, #tpu.memory_space<vmem>> -> memref<100x128xf32, #tpu.memory_space<vmem>>
        %dma_wait3A_1884 = arith.constant 0 : i32
        %dma_wait3A_1885 = arith.constant 0 : i32
        %dma_wait3A_1886 = tpu.memref_slice %arg8[%sub3A_1877, %dma_wait3A_1884, %dma_wait3A_1885] : memref<4096x100x128xf32, #tpu.memory_space<hbm>> -> memref<1x100x128xf32, #tpu.memory_space<hbm>>
        %dma_wait3A_1887 = tpu.memref_squeeze %dma_wait3A_1886 : memref<1x100x128xf32, #tpu.memory_space<hbm>> -> memref<100x128xf32, #tpu.memory_space<hbm>>
        %dma_wait3A_1888 = tpu.memref_slice %arg15[%dma_wait3A_1879] : memref<4x!tpu.dma_semaphore, #tpu.memory_space<semaphore_mem>> -> memref<1x!tpu.dma_semaphore, #tpu.memory_space<semaphore_mem>>
        %dma_wait3A_1889 = tpu.memref_squeeze %dma_wait3A_1888 : memref<1x!tpu.dma_semaphore, #tpu.memory_space<semaphore_mem>> -> memref<!tpu.dma_semaphore, #tpu.memory_space<semaphore_mem>>
        %dma_wait3A_1890 = arith.constant 0 : i32
        %dma_wait3A_1891 = arith.constant 0 : i32
        %dma_wait3A_1892 = tpu.memref_slice %arg8[%sub3A_1877, %dma_wait3A_1890, %dma_wait3A_1891] : memref<4096x100x128xf32, #tpu.memory_space<hbm>> -> memref<1x100x128xf32, #tpu.memory_space<hbm>>
        %dma_wait3A_1893 = tpu.memref_squeeze %dma_wait3A_1892 : memref<1x100x128xf32, #tpu.memory_space<hbm>> -> memref<100x128xf32, #tpu.memory_space<hbm>>
        %dma_wait3A_1894 = arith.constant 0 : i32
        %dma_wait3A_1895 = arith.constant 0 : i32
        %dma_wait3A_1896 = tpu.memref_slice %arg13[%dma_wait3A_1878, %dma_wait3A_1894, %dma_wait3A_1895] : memref<4x100x128xf32, #tpu.memory_space<vmem>> -> memref<1x100x128xf32, #tpu.memory_space<vmem>>
        %dma_wait3A_1897 = tpu.memref_squeeze %dma_wait3A_1896 : memref<1x100x128xf32, #tpu.memory_space<vmem>> -> memref<100x128xf32, #tpu.memory_space<vmem>>
        tpu.wait_dma2 semaphore(%dma_wait3A_1889 : memref<!tpu.dma_semaphore, #tpu.memory_space<semaphore_mem>>) src(%dma_wait3A_1897 : memref<100x128xf32, #tpu.memory_space<vmem>>) dst(%dma_wait3A_1893 : memref<100x128xf32, #tpu.memory_space<hbm>>)
      } else {
      }
      %dma_start3A_1177 = arith.constant 1 : i32
      %dma_start3A_1178 = arith.constant 3 : i32
      %dma_start3A_1179 = arith.constant 3 : i32
      %dma_start3A_1180 = arith.constant 3 : i32
      %dma_start3A_1181 = arith.constant 0 : i32
      %dma_start3A_1182 = arith.constant 0 : i32
      %dma_start3A_1183 = tpu.memref_slice %arg13[%dma_start3A_1179, %dma_start3A_1181, %dma_start3A_1182] : memref<4x100x128xf32, #tpu.memory_space<vmem>> -> memref<1x50x128xf32, #tpu.memory_space<vmem>>
      %dma_start3A_1184 = tpu.memref_squeeze %dma_start3A_1183 : memref<1x50x128xf32, #tpu.memory_space<vmem>> -> memref<50x128xf32, #tpu.memory_space<vmem>>
      %dma_start3A_1185 = arith.constant 0 : i32
      %dma_start3A_1186 = tpu.memref_slice %arg9[%dma_start3A_1177, %dma_start3A_1178, %dma_start3A_1185] : memref<2x8x50xi32, #tpu.memory_space<vmem>> -> memref<1x1x50xi32, #tpu.memory_space<vmem>>
      %dma_start3A_1187 = tpu.memref_squeeze %dma_start3A_1186 : memref<1x1x50xi32, #tpu.memory_space<vmem>> -> memref<50xi32, #tpu.memory_space<vmem>>
      %dma_start3A_1188 = arith.constant 0 : i32
      %dma_start3A_1189 = arith.constant 0 : i32
      %dma_start3A_1190 = tpu.memref_slice %arg4[%dma_start3A_1188, %dma_start3A_1189] : memref<100000x128xf32, #tpu.memory_space<hbm>> -> memref<100000x128xf32, #tpu.memory_space<hbm>>
      %dma_start3A_1191 = tpu.memref_slice %arg14[%dma_start3A_1180] : memref<4x!tpu.dma_semaphore, #tpu.memory_space<semaphore_mem>> -> memref<1x!tpu.dma_semaphore, #tpu.memory_space<semaphore_mem>>
      %dma_start3A_1192 = tpu.memref_squeeze %dma_start3A_1191 : memref<1x!tpu.dma_semaphore, #tpu.memory_space<semaphore_mem>> -> memref<!tpu.dma_semaphore, #tpu.memory_space<semaphore_mem>>
      tpu.enqueue_indirect_dma source(%dma_start3A_1190 : memref<100000x128xf32, #tpu.memory_space<hbm>>) target(%dma_start3A_1184 : memref<50x128xf32, #tpu.memory_space<vmem>>) offsets(%dma_start3A_1187 : memref<50xi32, #tpu.memory_space<vmem>>) semaphore(%dma_start3A_1192 : memref<!tpu.dma_semaphore, #tpu.memory_space<semaphore_mem>>)
      %dma_start3A_1193 = arith.constant 1 : i32
      %dma_start3A_1194 = arith.constant 3 : i32
      %dma_start3A_1195 = arith.constant 3 : i32
      %dma_start3A_1196 = arith.constant 3 : i32
      %dma_start3A_1197 = arith.constant 50 : i32
      %dma_start3A_1198 = arith.constant 0 : i32
      %dma_start3A_1199 = tpu.memref_slice %arg13[%dma_start3A_1195, %dma_start3A_1197, %dma_start3A_1198] : memref<4x100x128xf32, #tpu.memory_space<vmem>> -> memref<1x50x128xf32, #tpu.memory_space<vmem>>
      %dma_start3A_1200 = tpu.memref_squeeze %dma_start3A_1199 : memref<1x50x128xf32, #tpu.memory_space<vmem>> -> memref<50x128xf32, #tpu.memory_space<vmem>>
      %dma_start3A_1201 = arith.constant 0 : i32
      %dma_start3A_1202 = tpu.memref_slice %arg10[%dma_start3A_1193, %dma_start3A_1194, %dma_start3A_1201] : memref<2x8x50xi32, #tpu.memory_space<vmem>> -> memref<1x1x50xi32, #tpu.memory_space<vmem>>
      %dma_start3A_1203 = tpu.memref_squeeze %dma_start3A_1202 : memref<1x1x50xi32, #tpu.memory_space<vmem>> -> memref<50xi32, #tpu.memory_space<vmem>>
      %dma_start3A_1204 = arith.constant 0 : i32
      %dma_start3A_1205 = arith.constant 0 : i32
      %dma_start3A_1206 = tpu.memref_slice %arg5[%dma_start3A_1204, %dma_start3A_1205] : memref<100000x128xf32, #tpu.memory_space<hbm>> -> memref<100000x128xf32, #tpu.memory_space<hbm>>
      %dma_start3A_1207 = tpu.memref_slice %arg14[%dma_start3A_1196] : memref<4x!tpu.dma_semaphore, #tpu.memory_space<semaphore_mem>> -> memref<1x!tpu.dma_semaphore, #tpu.memory_space<semaphore_mem>>
      %dma_start3A_1208 = tpu.memref_squeeze %dma_start3A_1207 : memref<1x!tpu.dma_semaphore, #tpu.memory_space<semaphore_mem>> -> memref<!tpu.dma_semaphore, #tpu.memory_space<semaphore_mem>>
      tpu.enqueue_indirect_dma source(%dma_start3A_1206 : memref<100000x128xf32, #tpu.memory_space<hbm>>) target(%dma_start3A_1200 : memref<50x128xf32, #tpu.memory_space<vmem>>) offsets(%dma_start3A_1203 : memref<50xi32, #tpu.memory_space<vmem>>) semaphore(%dma_start3A_1208 : memref<!tpu.dma_semaphore, #tpu.memory_space<semaphore_mem>>)
      %mul3A_1209 = arith.constant 8 : i32
      %mul3A_1210 = arith.muli %add3A_999, %mul3A_1209 : i32
      %add3A_1211 = arith.addi %mul3A_2, %mul3A_1210 : i32
      %add3A_1212 = arith.constant 2 : i32
      %add3A_1213 = arith.addi %add3A_1211, %add3A_1212 : i32
      %dma_wait3A_1214 = arith.constant 1 : i32
      %dma_wait3A_1215 = arith.constant 2 : i32
      %dma_wait3A_1216 = arith.constant 2 : i32
      %dma_wait3A_1217 = arith.constant 2 : i32
      %dma_wait3A_1218 = arith.constant 0 : i32
      %dma_wait3A_1219 = arith.constant 0 : i32
      %dma_wait3A_1220 = tpu.memref_slice %arg13[%dma_wait3A_1216, %dma_wait3A_1218, %dma_wait3A_1219] : memref<4x100x128xf32, #tpu.memory_space<vmem>> -> memref<1x50x128xf32, #tpu.memory_space<vmem>>
      %dma_wait3A_1221 = tpu.memref_squeeze %dma_wait3A_1220 : memref<1x50x128xf32, #tpu.memory_space<vmem>> -> memref<50x128xf32, #tpu.memory_space<vmem>>
      %dma_wait3A_1222 = arith.constant 0 : i32
      %dma_wait3A_1223 = tpu.memref_slice %arg9[%dma_wait3A_1214, %dma_wait3A_1215, %dma_wait3A_1222] : memref<2x8x50xi32, #tpu.memory_space<vmem>> -> memref<1x1x50xi32, #tpu.memory_space<vmem>>
      %dma_wait3A_1224 = tpu.memref_squeeze %dma_wait3A_1223 : memref<1x1x50xi32, #tpu.memory_space<vmem>> -> memref<50xi32, #tpu.memory_space<vmem>>
      %dma_wait3A_1225 = arith.constant 0 : i32
      %dma_wait3A_1226 = arith.constant 0 : i32
      %dma_wait3A_1227 = tpu.memref_slice %arg4[%dma_wait3A_1225, %dma_wait3A_1226] : memref<100000x128xf32, #tpu.memory_space<hbm>> -> memref<100000x128xf32, #tpu.memory_space<hbm>>
      %dma_wait3A_1228 = tpu.memref_slice %arg14[%dma_wait3A_1217] : memref<4x!tpu.dma_semaphore, #tpu.memory_space<semaphore_mem>> -> memref<1x!tpu.dma_semaphore, #tpu.memory_space<semaphore_mem>>
      %dma_wait3A_1229 = tpu.memref_squeeze %dma_wait3A_1228 : memref<1x!tpu.dma_semaphore, #tpu.memory_space<semaphore_mem>> -> memref<!tpu.dma_semaphore, #tpu.memory_space<semaphore_mem>>
      tpu.wait_indirect_dma semaphore(%dma_wait3A_1229 : memref<!tpu.dma_semaphore, #tpu.memory_space<semaphore_mem>>) src(%dma_wait3A_1227 : memref<100000x128xf32, #tpu.memory_space<hbm>>) dst(%dma_wait3A_1221 : memref<50x128xf32, #tpu.memory_space<vmem>>)
      %dma_wait3A_1230 = arith.constant 1 : i32
      %dma_wait3A_1231 = arith.constant 2 : i32
      %dma_wait3A_1232 = arith.constant 2 : i32
      %dma_wait3A_1233 = arith.constant 2 : i32
      %dma_wait3A_1234 = arith.constant 50 : i32
      %dma_wait3A_1235 = arith.constant 0 : i32
      %dma_wait3A_1236 = tpu.memref_slice %arg13[%dma_wait3A_1232, %dma_wait3A_1234, %dma_wait3A_1235] : memref<4x100x128xf32, #tpu.memory_space<vmem>> -> memref<1x50x128xf32, #tpu.memory_space<vmem>>
      %dma_wait3A_1237 = tpu.memref_squeeze %dma_wait3A_1236 : memref<1x50x128xf32, #tpu.memory_space<vmem>> -> memref<50x128xf32, #tpu.memory_space<vmem>>
      %dma_wait3A_1238 = arith.constant 0 : i32
      %dma_wait3A_1239 = tpu.memref_slice %arg10[%dma_wait3A_1230, %dma_wait3A_1231, %dma_wait3A_1238] : memref<2x8x50xi32, #tpu.memory_space<vmem>> -> memref<1x1x50xi32, #tpu.memory_space<vmem>>
      %dma_wait3A_1240 = tpu.memref_squeeze %dma_wait3A_1239 : memref<1x1x50xi32, #tpu.memory_space<vmem>> -> memref<50xi32, #tpu.memory_space<vmem>>
      %dma_wait3A_1241 = arith.constant 0 : i32
      %dma_wait3A_1242 = arith.constant 0 : i32
      %dma_wait3A_1243 = tpu.memref_slice %arg5[%dma_wait3A_1241, %dma_wait3A_1242] : memref<100000x128xf32, #tpu.memory_space<hbm>> -> memref<100000x128xf32, #tpu.memory_space<hbm>>
      %dma_wait3A_1244 = tpu.memref_slice %arg14[%dma_wait3A_1233] : memref<4x!tpu.dma_semaphore, #tpu.memory_space<semaphore_mem>> -> memref<1x!tpu.dma_semaphore, #tpu.memory_space<semaphore_mem>>
      %dma_wait3A_1245 = tpu.memref_squeeze %dma_wait3A_1244 : memref<1x!tpu.dma_semaphore, #tpu.memory_space<semaphore_mem>> -> memref<!tpu.dma_semaphore, #tpu.memory_space<semaphore_mem>>
      tpu.wait_indirect_dma semaphore(%dma_wait3A_1245 : memref<!tpu.dma_semaphore, #tpu.memory_space<semaphore_mem>>) src(%dma_wait3A_1243 : memref<100000x128xf32, #tpu.memory_space<hbm>>) dst(%dma_wait3A_1237 : memref<50x128xf32, #tpu.memory_space<vmem>>)
      %scan3A_1246 = arith.constant 0 : i32
      %scan3A_1247 = arith.constant 0 : i32
      %scan3A_1248 = arith.constant 50 : i32
      %scan3A_1249 = arith.addi %scan3A_1247, %scan3A_1248 : i32
      %scan3A_1250 = arith.constant 1 : i32
      %scan3A_1251 = scf.for %scan3A_1876 = %scan3A_1247 to %scan3A_1249 step %scan3A_1250 iter_args(%scan3A_1877 = %scan3A_1246) -> (i32)  : i32 {
        %add3A_1878 = arith.constant 100 : i32
        %add3A_1879 = arith.addi %add3A_1878, %scan3A_1876 : i32
        %get3A = arith.index_cast %add3A_1879 : i32 to index
        %get3A_1880 = arith.constant 0 : index
        %get3A_1881 = tpu.vector_load %arg11[%get3A, %get3A_1880] {strides = array<i32>} : memref<200x34xf32, #tpu.memory_space<vmem>>, vector<1x16xf32>,
        %get3A_1882 = vector.shape_cast %get3A_1881 : vector<1x16xf32> to vector<16xf32>
        %swap3A = arith.constant 2 : i32
        %swap3A_1883 = arith.index_cast %swap3A : i32 to index
        %swap3A_1884 = arith.index_cast %scan3A_1876 : i32 to index
        %swap3A_1885 = arith.constant 94 : index
        %swap3A_1886 = tpu.vector_load %arg13[%swap3A_1883, %swap3A_1884, %swap3A_1885] {strides = array<i32>} : memref<4x100x128xf32, #tpu.memory_space<vmem>>, vector<1x1x16xf32>,
        %swap3A_1887 = vector.shape_cast %swap3A_1886 : vector<1x1x16xf32> to vector<16xf32>
        %swap3A_1888 = vector.shape_cast %get3A_1882 : vector<16xf32> to vector<1x1x16xf32>
        tpu.vector_store %arg13[%swap3A_1883, %swap3A_1884, %swap3A_1885], %swap3A_1888 {strides = array<i32>} : memref<4x100x128xf32, #tpu.memory_space<vmem>>, vector<1x1x16xf32>,
        %get3A_1889 = arith.index_cast %add3A_1879 : i32 to index
        %get3A_1890 = arith.constant 16 : index
        %get3A_1891 = tpu.vector_load %arg11[%get3A_1889, %get3A_1890] {strides = array<i32>} : memref<200x34xf32, #tpu.memory_space<vmem>>, vector<1x16xf32>,
        %get3A_1892 = vector.shape_cast %get3A_1891 : vector<1x16xf32> to vector<16xf32>
        %swap3A_1893 = arith.constant 2 : i32
        %swap3A_1894 = arith.index_cast %swap3A_1893 : i32 to index
        %swap3A_1895 = arith.index_cast %scan3A_1876 : i32 to index
        %swap3A_1896 = arith.constant 110 : index
        %swap3A_1897 = tpu.vector_load %arg13[%swap3A_1894, %swap3A_1895, %swap3A_1896] {strides = array<i32>} : memref<4x100x128xf32, #tpu.memory_space<vmem>>, vector<1x1x16xf32>,
        %swap3A_1898 = vector.shape_cast %swap3A_1897 : vector<1x1x16xf32> to vector<16xf32>
        %swap3A_1899 = vector.shape_cast %get3A_1892 : vector<16xf32> to vector<1x1x16xf32>
        tpu.vector_store %arg13[%swap3A_1894, %swap3A_1895, %swap3A_1896], %swap3A_1899 {strides = array<i32>} : memref<4x100x128xf32, #tpu.memory_space<vmem>>, vector<1x1x16xf32>,
        %get3A_1900 = arith.index_cast %add3A_1879 : i32 to index
        %get3A_1901 = arith.constant 18 : index
        %get3A_1902 = tpu.vector_load %arg11[%get3A_1900, %get3A_1901] {strides = array<i32>} : memref<200x34xf32, #tpu.memory_space<vmem>>, vector<1x16xf32>,
        %get3A_1903 = vector.shape_cast %get3A_1902 : vector<1x16xf32> to vector<16xf32>
        %swap3A_1904 = arith.constant 2 : i32
        %swap3A_1905 = arith.index_cast %swap3A_1904 : i32 to index
        %swap3A_1906 = arith.index_cast %scan3A_1876 : i32 to index
        %swap3A_1907 = arith.constant 112 : index
        %swap3A_1908 = tpu.vector_load %arg13[%swap3A_1905, %swap3A_1906, %swap3A_1907] {strides = array<i32>} : memref<4x100x128xf32, #tpu.memory_space<vmem>>, vector<1x1x16xf32>,
        %swap3A_1909 = vector.shape_cast %swap3A_1908 : vector<1x1x16xf32> to vector<16xf32>
        %swap3A_1910 = vector.shape_cast %get3A_1903 : vector<16xf32> to vector<1x1x16xf32>
        tpu.vector_store %arg13[%swap3A_1905, %swap3A_1906, %swap3A_1907], %swap3A_1910 {strides = array<i32>} : memref<4x100x128xf32, #tpu.memory_space<vmem>>, vector<1x1x16xf32>,
        %get3A_1911 = arith.index_cast %add3A_1879 : i32 to index
        %get3A_1912 = arith.constant 0 : index
        %get3A_1913 = tpu.vector_load %arg12[%get3A_1911, %get3A_1912] {strides = array<i32>} : memref<200x16xf32, #tpu.memory_space<vmem>>, vector<1x16xf32>,
        %get3A_1914 = vector.shape_cast %get3A_1913 : vector<1x16xf32> to vector<16xf32>
        %add3A_1915 = arith.constant 50 : i32
        %add3A_1916 = arith.addi %add3A_1915, %scan3A_1876 : i32
        %swap3A_1917 = arith.constant 2 : i32
        %swap3A_1918 = arith.index_cast %swap3A_1917 : i32 to index
        %swap3A_1919 = arith.index_cast %add3A_1916 : i32 to index
        %swap3A_1920 = arith.constant 112 : index
        %swap3A_1921 = tpu.vector_load %arg13[%swap3A_1918, %swap3A_1919, %swap3A_1920] {strides = array<i32>} : memref<4x100x128xf32, #tpu.memory_space<vmem>>, vector<1x1x16xf32>,
        %swap3A_1922 = vector.shape_cast %swap3A_1921 : vector<1x1x16xf32> to vector<16xf32>
        %swap3A_1923 = vector.shape_cast %get3A_1914 : vector<16xf32> to vector<1x1x16xf32>
        tpu.vector_store %arg13[%swap3A_1918, %swap3A_1919, %swap3A_1920], %swap3A_1923 {strides = array<i32>} : memref<4x100x128xf32, #tpu.memory_space<vmem>>, vector<1x1x16xf32>,
        %scan3A_1924 = arith.constant 0 : i32
        scf.yield %scan3A_1924 : i32
      }
      %scan3A_1252 = arith.constant 50 : i32
      %dma_start3A_1253 = arith.constant 2 : i32
      %dma_start3A_1254 = arith.constant 2 : i32
      %dma_start3A_1255 = arith.constant 0 : i32
      %dma_start3A_1256 = arith.constant 0 : i32
      %dma_start3A_1257 = tpu.memref_slice %arg13[%dma_start3A_1253, %dma_start3A_1255, %dma_start3A_1256] : memref<4x100x128xf32, #tpu.memory_space<vmem>> -> memref<1x100x128xf32, #tpu.memory_space<vmem>>
      %dma_start3A_1258 = tpu.memref_squeeze %dma_start3A_1257 : memref<1x100x128xf32, #tpu.memory_space<vmem>> -> memref<100x128xf32, #tpu.memory_space<vmem>>
      %dma_start3A_1259 = arith.constant 0 : i32
      %dma_start3A_1260 = arith.constant 0 : i32
      %dma_start3A_1261 = tpu.memref_slice %arg8[%add3A_1213, %dma_start3A_1259, %dma_start3A_1260] : memref<4096x100x128xf32, #tpu.memory_space<hbm>> -> memref<1x100x128xf32, #tpu.memory_space<hbm>>
      %dma_start3A_1262 = tpu.memref_squeeze %dma_start3A_1261 : memref<1x100x128xf32, #tpu.memory_space<hbm>> -> memref<100x128xf32, #tpu.memory_space<hbm>>
      %dma_start3A_1263 = tpu.memref_slice %arg15[%dma_start3A_1254] : memref<4x!tpu.dma_semaphore, #tpu.memory_space<semaphore_mem>> -> memref<1x!tpu.dma_semaphore, #tpu.memory_space<semaphore_mem>>
      %dma_start3A_1264 = tpu.memref_squeeze %dma_start3A_1263 : memref<1x!tpu.dma_semaphore, #tpu.memory_space<semaphore_mem>> -> memref<!tpu.dma_semaphore, #tpu.memory_space<semaphore_mem>>
      %dma_start3A_1265 = arith.constant 0 : i32
      %dma_start3A_1266 = arith.constant 0 : i32
      %dma_start3A_1267 = tpu.memref_slice %arg8[%add3A_1213, %dma_start3A_1265, %dma_start3A_1266] : memref<4096x100x128xf32, #tpu.memory_space<hbm>> -> memref<1x100x128xf32, #tpu.memory_space<hbm>>
      %dma_start3A_1268 = tpu.memref_squeeze %dma_start3A_1267 : memref<1x100x128xf32, #tpu.memory_space<hbm>> -> memref<100x128xf32, #tpu.memory_space<hbm>>
      %dma_start3A_1269 = arith.constant 0 : i32
      %dma_start3A_1270 = arith.constant 0 : i32
      %dma_start3A_1271 = tpu.memref_slice %arg13[%dma_start3A_1253, %dma_start3A_1269, %dma_start3A_1270] : memref<4x100x128xf32, #tpu.memory_space<vmem>> -> memref<1x100x128xf32, #tpu.memory_space<vmem>>
      %dma_start3A_1272 = tpu.memref_squeeze %dma_start3A_1271 : memref<1x100x128xf32, #tpu.memory_space<vmem>> -> memref<100x128xf32, #tpu.memory_space<vmem>>
      tpu.enqueue_dma source(%dma_start3A_1272 : memref<100x128xf32, #tpu.memory_space<vmem>>) target(%dma_start3A_1268 : memref<100x128xf32, #tpu.memory_space<hbm>>) target_semaphore(%dma_start3A_1264 : memref<!tpu.dma_semaphore, #tpu.memory_space<semaphore_mem>>)
      %sub3A_1273 = arith.constant 2 : i32
      %sub3A_1274 = arith.subi %add3A_1213, %sub3A_1273 : i32
      %dma_wait3A_1275 = arith.constant 0 : i32
      %dma_wait3A_1276 = arith.constant 0 : i32
      %dma_wait3A_1277 = arith.constant 0 : i32
      %dma_wait3A_1278 = arith.constant 0 : i32
      %dma_wait3A_1279 = tpu.memref_slice %arg13[%dma_wait3A_1275, %dma_wait3A_1277, %dma_wait3A_1278] : memref<4x100x128xf32, #tpu.memory_space<vmem>> -> memref<1x100x128xf32, #tpu.memory_space<vmem>>
      %dma_wait3A_1280 = tpu.memref_squeeze %dma_wait3A_1279 : memref<1x100x128xf32, #tpu.memory_space<vmem>> -> memref<100x128xf32, #tpu.memory_space<vmem>>
      %dma_wait3A_1281 = arith.constant 0 : i32
      %dma_wait3A_1282 = arith.constant 0 : i32
      %dma_wait3A_1283 = tpu.memref_slice %arg8[%sub3A_1274, %dma_wait3A_1281, %dma_wait3A_1282] : memref<4096x100x128xf32, #tpu.memory_space<hbm>> -> memref<1x100x128xf32, #tpu.memory_space<hbm>>
      %dma_wait3A_1284 = tpu.memref_squeeze %dma_wait3A_1283 : memref<1x100x128xf32, #tpu.memory_space<hbm>> -> memref<100x128xf32, #tpu.memory_space<hbm>>
      %dma_wait3A_1285 = tpu.memref_slice %arg15[%dma_wait3A_1276] : memref<4x!tpu.dma_semaphore, #tpu.memory_space<semaphore_mem>> -> memref<1x!tpu.dma_semaphore, #tpu.memory_space<semaphore_mem>>
      %dma_wait3A_1286 = tpu.memref_squeeze %dma_wait3A_1285 : memref<1x!tpu.dma_semaphore, #tpu.memory_space<semaphore_mem>> -> memref<!tpu.dma_semaphore, #tpu.memory_space<semaphore_mem>>
      %dma_wait3A_1287 = arith.constant 0 : i32
      %dma_wait3A_1288 = arith.constant 0 : i32
      %dma_wait3A_1289 = tpu.memref_slice %arg8[%sub3A_1274, %dma_wait3A_1287, %dma_wait3A_1288] : memref<4096x100x128xf32, #tpu.memory_space<hbm>> -> memref<1x100x128xf32, #tpu.memory_space<hbm>>
      %dma_wait3A_1290 = tpu.memref_squeeze %dma_wait3A_1289 : memref<1x100x128xf32, #tpu.memory_space<hbm>> -> memref<100x128xf32, #tpu.memory_space<hbm>>
      %dma_wait3A_1291 = arith.constant 0 : i32
      %dma_wait3A_1292 = arith.constant 0 : i32
      %dma_wait3A_1293 = tpu.memref_slice %arg13[%dma_wait3A_1275, %dma_wait3A_1291, %dma_wait3A_1292] : memref<4x100x128xf32, #tpu.memory_space<vmem>> -> memref<1x100x128xf32, #tpu.memory_space<vmem>>
      %dma_wait3A_1294 = tpu.memref_squeeze %dma_wait3A_1293 : memref<1x100x128xf32, #tpu.memory_space<vmem>> -> memref<100x128xf32, #tpu.memory_space<vmem>>
      tpu.wait_dma2 semaphore(%dma_wait3A_1286 : memref<!tpu.dma_semaphore, #tpu.memory_space<semaphore_mem>>) src(%dma_wait3A_1294 : memref<100x128xf32, #tpu.memory_space<vmem>>) dst(%dma_wait3A_1290 : memref<100x128xf32, #tpu.memory_space<hbm>>)
      %dma_start3A_1295 = arith.constant 1 : i32
      %dma_start3A_1296 = arith.constant 4 : i32
      %dma_start3A_1297 = arith.constant 0 : i32
      %dma_start3A_1298 = arith.constant 0 : i32
      %dma_start3A_1299 = arith.constant 0 : i32
      %dma_start3A_1300 = arith.constant 0 : i32
      %dma_start3A_1301 = tpu.memref_slice %arg13[%dma_start3A_1297, %dma_start3A_1299, %dma_start3A_1300] : memref<4x100x128xf32, #tpu.memory_space<vmem>> -> memref<1x50x128xf32, #tpu.memory_space<vmem>>
      %dma_start3A_1302 = tpu.memref_squeeze %dma_start3A_1301 : memref<1x50x128xf32, #tpu.memory_space<vmem>> -> memref<50x128xf32, #tpu.memory_space<vmem>>
      %dma_start3A_1303 = arith.constant 0 : i32
      %dma_start3A_1304 = tpu.memref_slice %arg9[%dma_start3A_1295, %dma_start3A_1296, %dma_start3A_1303] : memref<2x8x50xi32, #tpu.memory_space<vmem>> -> memref<1x1x50xi32, #tpu.memory_space<vmem>>
      %dma_start3A_1305 = tpu.memref_squeeze %dma_start3A_1304 : memref<1x1x50xi32, #tpu.memory_space<vmem>> -> memref<50xi32, #tpu.memory_space<vmem>>
      %dma_start3A_1306 = arith.constant 0 : i32
      %dma_start3A_1307 = arith.constant 0 : i32
      %dma_start3A_1308 = tpu.memref_slice %arg4[%dma_start3A_1306, %dma_start3A_1307] : memref<100000x128xf32, #tpu.memory_space<hbm>> -> memref<100000x128xf32, #tpu.memory_space<hbm>>
      %dma_start3A_1309 = tpu.memref_slice %arg14[%dma_start3A_1298] : memref<4x!tpu.dma_semaphore, #tpu.memory_space<semaphore_mem>> -> memref<1x!tpu.dma_semaphore, #tpu.memory_space<semaphore_mem>>
      %dma_start3A_1310 = tpu.memref_squeeze %dma_start3A_1309 : memref<1x!tpu.dma_semaphore, #tpu.memory_space<semaphore_mem>> -> memref<!tpu.dma_semaphore, #tpu.memory_space<semaphore_mem>>
      tpu.enqueue_indirect_dma source(%dma_start3A_1308 : memref<100000x128xf32, #tpu.memory_space<hbm>>) target(%dma_start3A_1302 : memref<50x128xf32, #tpu.memory_space<vmem>>) offsets(%dma_start3A_1305 : memref<50xi32, #tpu.memory_space<vmem>>) semaphore(%dma_start3A_1310 : memref<!tpu.dma_semaphore, #tpu.memory_space<semaphore_mem>>)
      %dma_start3A_1311 = arith.constant 1 : i32
      %dma_start3A_1312 = arith.constant 4 : i32
      %dma_start3A_1313 = arith.constant 0 : i32
      %dma_start3A_1314 = arith.constant 0 : i32
      %dma_start3A_1315 = arith.constant 50 : i32
      %dma_start3A_1316 = arith.constant 0 : i32
      %dma_start3A_1317 = tpu.memref_slice %arg13[%dma_start3A_1313, %dma_start3A_1315, %dma_start3A_1316] : memref<4x100x128xf32, #tpu.memory_space<vmem>> -> memref<1x50x128xf32, #tpu.memory_space<vmem>>
      %dma_start3A_1318 = tpu.memref_squeeze %dma_start3A_1317 : memref<1x50x128xf32, #tpu.memory_space<vmem>> -> memref<50x128xf32, #tpu.memory_space<vmem>>
      %dma_start3A_1319 = arith.constant 0 : i32
      %dma_start3A_1320 = tpu.memref_slice %arg10[%dma_start3A_1311, %dma_start3A_1312, %dma_start3A_1319] : memref<2x8x50xi32, #tpu.memory_space<vmem>> -> memref<1x1x50xi32, #tpu.memory_space<vmem>>
      %dma_start3A_1321 = tpu.memref_squeeze %dma_start3A_1320 : memref<1x1x50xi32, #tpu.memory_space<vmem>> -> memref<50xi32, #tpu.memory_space<vmem>>
      %dma_start3A_1322 = arith.constant 0 : i32
      %dma_start3A_1323 = arith.constant 0 : i32
      %dma_start3A_1324 = tpu.memref_slice %arg5[%dma_start3A_1322, %dma_start3A_1323] : memref<100000x128xf32, #tpu.memory_space<hbm>> -> memref<100000x128xf32, #tpu.memory_space<hbm>>
      %dma_start3A_1325 = tpu.memref_slice %arg14[%dma_start3A_1314] : memref<4x!tpu.dma_semaphore, #tpu.memory_space<semaphore_mem>> -> memref<1x!tpu.dma_semaphore, #tpu.memory_space<semaphore_mem>>
      %dma_start3A_1326 = tpu.memref_squeeze %dma_start3A_1325 : memref<1x!tpu.dma_semaphore, #tpu.memory_space<semaphore_mem>> -> memref<!tpu.dma_semaphore, #tpu.memory_space<semaphore_mem>>
      tpu.enqueue_indirect_dma source(%dma_start3A_1324 : memref<100000x128xf32, #tpu.memory_space<hbm>>) target(%dma_start3A_1318 : memref<50x128xf32, #tpu.memory_space<vmem>>) offsets(%dma_start3A_1321 : memref<50xi32, #tpu.memory_space<vmem>>) semaphore(%dma_start3A_1326 : memref<!tpu.dma_semaphore, #tpu.memory_space<semaphore_mem>>)
      %mul3A_1327 = arith.constant 8 : i32
      %mul3A_1328 = arith.muli %add3A_999, %mul3A_1327 : i32
      %add3A_1329 = arith.addi %mul3A_2, %mul3A_1328 : i32
      %add3A_1330 = arith.constant 3 : i32
      %add3A_1331 = arith.addi %add3A_1329, %add3A_1330 : i32
      %dma_wait3A_1332 = arith.constant 1 : i32
      %dma_wait3A_1333 = arith.constant 3 : i32
      %dma_wait3A_1334 = arith.constant 3 : i32
      %dma_wait3A_1335 = arith.constant 3 : i32
      %dma_wait3A_1336 = arith.constant 0 : i32
      %dma_wait3A_1337 = arith.constant 0 : i32
      %dma_wait3A_1338 = tpu.memref_slice %arg13[%dma_wait3A_1334, %dma_wait3A_1336, %dma_wait3A_1337] : memref<4x100x128xf32, #tpu.memory_space<vmem>> -> memref<1x50x128xf32, #tpu.memory_space<vmem>>
      %dma_wait3A_1339 = tpu.memref_squeeze %dma_wait3A_1338 : memref<1x50x128xf32, #tpu.memory_space<vmem>> -> memref<50x128xf32, #tpu.memory_space<vmem>>
      %dma_wait3A_1340 = arith.constant 0 : i32
      %dma_wait3A_1341 = tpu.memref_slice %arg9[%dma_wait3A_1332, %dma_wait3A_1333, %dma_wait3A_1340] : memref<2x8x50xi32, #tpu.memory_space<vmem>> -> memref<1x1x50xi32, #tpu.memory_space<vmem>>
      %dma_wait3A_1342 = tpu.memref_squeeze %dma_wait3A_1341 : memref<1x1x50xi32, #tpu.memory_space<vmem>> -> memref<50xi32, #tpu.memory_space<vmem>>
      %dma_wait3A_1343 = arith.constant 0 : i32
      %dma_wait3A_1344 = arith.constant 0 : i32
      %dma_wait3A_1345 = tpu.memref_slice %arg4[%dma_wait3A_1343, %dma_wait3A_1344] : memref<100000x128xf32, #tpu.memory_space<hbm>> -> memref<100000x128xf32, #tpu.memory_space<hbm>>
      %dma_wait3A_1346 = tpu.memref_slice %arg14[%dma_wait3A_1335] : memref<4x!tpu.dma_semaphore, #tpu.memory_space<semaphore_mem>> -> memref<1x!tpu.dma_semaphore, #tpu.memory_space<semaphore_mem>>
      %dma_wait3A_1347 = tpu.memref_squeeze %dma_wait3A_1346 : memref<1x!tpu.dma_semaphore, #tpu.memory_space<semaphore_mem>> -> memref<!tpu.dma_semaphore, #tpu.memory_space<semaphore_mem>>
      tpu.wait_indirect_dma semaphore(%dma_wait3A_1347 : memref<!tpu.dma_semaphore, #tpu.memory_space<semaphore_mem>>) src(%dma_wait3A_1345 : memref<100000x128xf32, #tpu.memory_space<hbm>>) dst(%dma_wait3A_1339 : memref<50x128xf32, #tpu.memory_space<vmem>>)
      %dma_wait3A_1348 = arith.constant 1 : i32
      %dma_wait3A_1349 = arith.constant 3 : i32
      %dma_wait3A_1350 = arith.constant 3 : i32
      %dma_wait3A_1351 = arith.constant 3 : i32
      %dma_wait3A_1352 = arith.constant 50 : i32
      %dma_wait3A_1353 = arith.constant 0 : i32
      %dma_wait3A_1354 = tpu.memref_slice %arg13[%dma_wait3A_1350, %dma_wait3A_1352, %dma_wait3A_1353] : memref<4x100x128xf32, #tpu.memory_space<vmem>> -> memref<1x50x128xf32, #tpu.memory_space<vmem>>
      %dma_wait3A_1355 = tpu.memref_squeeze %dma_wait3A_1354 : memref<1x50x128xf32, #tpu.memory_space<vmem>> -> memref<50x128xf32, #tpu.memory_space<vmem>>
      %dma_wait3A_1356 = arith.constant 0 : i32
      %dma_wait3A_1357 = tpu.memref_slice %arg10[%dma_wait3A_1348, %dma_wait3A_1349, %dma_wait3A_1356] : memref<2x8x50xi32, #tpu.memory_space<vmem>> -> memref<1x1x50xi32, #tpu.memory_space<vmem>>
      %dma_wait3A_1358 = tpu.memref_squeeze %dma_wait3A_1357 : memref<1x1x50xi32, #tpu.memory_space<vmem>> -> memref<50xi32, #tpu.memory_space<vmem>>
      %dma_wait3A_1359 = arith.constant 0 : i32
      %dma_wait3A_1360 = arith.constant 0 : i32
      %dma_wait3A_1361 = tpu.memref_slice %arg5[%dma_wait3A_1359, %dma_wait3A_1360] : memref<100000x128xf32, #tpu.memory_space<hbm>> -> memref<100000x128xf32, #tpu.memory_space<hbm>>
      %dma_wait3A_1362 = tpu.memref_slice %arg14[%dma_wait3A_1351] : memref<4x!tpu.dma_semaphore, #tpu.memory_space<semaphore_mem>> -> memref<1x!tpu.dma_semaphore, #tpu.memory_space<semaphore_mem>>
      %dma_wait3A_1363 = tpu.memref_squeeze %dma_wait3A_1362 : memref<1x!tpu.dma_semaphore, #tpu.memory_space<semaphore_mem>> -> memref<!tpu.dma_semaphore, #tpu.memory_space<semaphore_mem>>
      tpu.wait_indirect_dma semaphore(%dma_wait3A_1363 : memref<!tpu.dma_semaphore, #tpu.memory_space<semaphore_mem>>) src(%dma_wait3A_1361 : memref<100000x128xf32, #tpu.memory_space<hbm>>) dst(%dma_wait3A_1355 : memref<50x128xf32, #tpu.memory_space<vmem>>)
      %scan3A_1364 = arith.constant 0 : i32
      %scan3A_1365 = arith.constant 0 : i32
      %scan3A_1366 = arith.constant 50 : i32
      %scan3A_1367 = arith.addi %scan3A_1365, %scan3A_1366 : i32
      %scan3A_1368 = arith.constant 1 : i32
      %scan3A_1369 = scf.for %scan3A_1876 = %scan3A_1365 to %scan3A_1367 step %scan3A_1368 iter_args(%scan3A_1877 = %scan3A_1364) -> (i32)  : i32 {
        %add3A_1878 = arith.constant 150 : i32
        %add3A_1879 = arith.addi %add3A_1878, %scan3A_1876 : i32
        %get3A = arith.index_cast %add3A_1879 : i32 to index
        %get3A_1880 = arith.constant 0 : index
        %get3A_1881 = tpu.vector_load %arg11[%get3A, %get3A_1880] {strides = array<i32>} : memref<200x34xf32, #tpu.memory_space<vmem>>, vector<1x16xf32>,
        %get3A_1882 = vector.shape_cast %get3A_1881 : vector<1x16xf32> to vector<16xf32>
        %swap3A = arith.constant 3 : i32
        %swap3A_1883 = arith.index_cast %swap3A : i32 to index
        %swap3A_1884 = arith.index_cast %scan3A_1876 : i32 to index
        %swap3A_1885 = arith.constant 94 : index
        %swap3A_1886 = tpu.vector_load %arg13[%swap3A_1883, %swap3A_1884, %swap3A_1885] {strides = array<i32>} : memref<4x100x128xf32, #tpu.memory_space<vmem>>, vector<1x1x16xf32>,
        %swap3A_1887 = vector.shape_cast %swap3A_1886 : vector<1x1x16xf32> to vector<16xf32>
        %swap3A_1888 = vector.shape_cast %get3A_1882 : vector<16xf32> to vector<1x1x16xf32>
        tpu.vector_store %arg13[%swap3A_1883, %swap3A_1884, %swap3A_1885], %swap3A_1888 {strides = array<i32>} : memref<4x100x128xf32, #tpu.memory_space<vmem>>, vector<1x1x16xf32>,
        %get3A_1889 = arith.index_cast %add3A_1879 : i32 to index
        %get3A_1890 = arith.constant 16 : index
        %get3A_1891 = tpu.vector_load %arg11[%get3A_1889, %get3A_1890] {strides = array<i32>} : memref<200x34xf32, #tpu.memory_space<vmem>>, vector<1x16xf32>,
        %get3A_1892 = vector.shape_cast %get3A_1891 : vector<1x16xf32> to vector<16xf32>
        %swap3A_1893 = arith.constant 3 : i32
        %swap3A_1894 = arith.index_cast %swap3A_1893 : i32 to index
        %swap3A_1895 = arith.index_cast %scan3A_1876 : i32 to index
        %swap3A_1896 = arith.constant 110 : index
        %swap3A_1897 = tpu.vector_load %arg13[%swap3A_1894, %swap3A_1895, %swap3A_1896] {strides = array<i32>} : memref<4x100x128xf32, #tpu.memory_space<vmem>>, vector<1x1x16xf32>,
        %swap3A_1898 = vector.shape_cast %swap3A_1897 : vector<1x1x16xf32> to vector<16xf32>
        %swap3A_1899 = vector.shape_cast %get3A_1892 : vector<16xf32> to vector<1x1x16xf32>
        tpu.vector_store %arg13[%swap3A_1894, %swap3A_1895, %swap3A_1896], %swap3A_1899 {strides = array<i32>} : memref<4x100x128xf32, #tpu.memory_space<vmem>>, vector<1x1x16xf32>,
        %get3A_1900 = arith.index_cast %add3A_1879 : i32 to index
        %get3A_1901 = arith.constant 18 : index
        %get3A_1902 = tpu.vector_load %arg11[%get3A_1900, %get3A_1901] {strides = array<i32>} : memref<200x34xf32, #tpu.memory_space<vmem>>, vector<1x16xf32>,
        %get3A_1903 = vector.shape_cast %get3A_1902 : vector<1x16xf32> to vector<16xf32>
        %swap3A_1904 = arith.constant 3 : i32
        %swap3A_1905 = arith.index_cast %swap3A_1904 : i32 to index
        %swap3A_1906 = arith.index_cast %scan3A_1876 : i32 to index
        %swap3A_1907 = arith.constant 112 : index
        %swap3A_1908 = tpu.vector_load %arg13[%swap3A_1905, %swap3A_1906, %swap3A_1907] {strides = array<i32>} : memref<4x100x128xf32, #tpu.memory_space<vmem>>, vector<1x1x16xf32>,
        %swap3A_1909 = vector.shape_cast %swap3A_1908 : vector<1x1x16xf32> to vector<16xf32>
        %swap3A_1910 = vector.shape_cast %get3A_1903 : vector<16xf32> to vector<1x1x16xf32>
        tpu.vector_store %arg13[%swap3A_1905, %swap3A_1906, %swap3A_1907], %swap3A_1910 {strides = array<i32>} : memref<4x100x128xf32, #tpu.memory_space<vmem>>, vector<1x1x16xf32>,
        %get3A_1911 = arith.index_cast %add3A_1879 : i32 to index
        %get3A_1912 = arith.constant 0 : index
        %get3A_1913 = tpu.vector_load %arg12[%get3A_1911, %get3A_1912] {strides = array<i32>} : memref<200x16xf32, #tpu.memory_space<vmem>>, vector<1x16xf32>,
        %get3A_1914 = vector.shape_cast %get3A_1913 : vector<1x16xf32> to vector<16xf32>
        %add3A_1915 = arith.constant 50 : i32
        %add3A_1916 = arith.addi %add3A_1915, %scan3A_1876 : i32
        %swap3A_1917 = arith.constant 3 : i32
        %swap3A_1918 = arith.index_cast %swap3A_1917 : i32 to index
        %swap3A_1919 = arith.index_cast %add3A_1916 : i32 to index
        %swap3A_1920 = arith.constant 112 : index
        %swap3A_1921 = tpu.vector_load %arg13[%swap3A_1918, %swap3A_1919, %swap3A_1920] {strides = array<i32>} : memref<4x100x128xf32, #tpu.memory_space<vmem>>, vector<1x1x16xf32>,
        %swap3A_1922 = vector.shape_cast %swap3A_1921 : vector<1x1x16xf32> to vector<16xf32>
        %swap3A_1923 = vector.shape_cast %get3A_1914 : vector<16xf32> to vector<1x1x16xf32>
        tpu.vector_store %arg13[%swap3A_1918, %swap3A_1919, %swap3A_1920], %swap3A_1923 {strides = array<i32>} : memref<4x100x128xf32, #tpu.memory_space<vmem>>, vector<1x1x16xf32>,
        %scan3A_1924 = arith.constant 0 : i32
        scf.yield %scan3A_1924 : i32
      }
      %scan3A_1370 = arith.constant 50 : i32
      %dma_start3A_1371 = arith.constant 3 : i32
      %dma_start3A_1372 = arith.constant 3 : i32
      %dma_start3A_1373 = arith.constant 0 : i32
      %dma_start3A_1374 = arith.constant 0 : i32
      %dma_start3A_1375 = tpu.memref_slice %arg13[%dma_start3A_1371, %dma_start3A_1373, %dma_start3A_1374] : memref<4x100x128xf32, #tpu.memory_space<vmem>> -> memref<1x100x128xf32, #tpu.memory_space<vmem>>
      %dma_start3A_1376 = tpu.memref_squeeze %dma_start3A_1375 : memref<1x100x128xf32, #tpu.memory_space<vmem>> -> memref<100x128xf32, #tpu.memory_space<vmem>>
      %dma_start3A_1377 = arith.constant 0 : i32
      %dma_start3A_1378 = arith.constant 0 : i32
      %dma_start3A_1379 = tpu.memref_slice %arg8[%add3A_1331, %dma_start3A_1377, %dma_start3A_1378] : memref<4096x100x128xf32, #tpu.memory_space<hbm>> -> memref<1x100x128xf32, #tpu.memory_space<hbm>>
      %dma_start3A_1380 = tpu.memref_squeeze %dma_start3A_1379 : memref<1x100x128xf32, #tpu.memory_space<hbm>> -> memref<100x128xf32, #tpu.memory_space<hbm>>
      %dma_start3A_1381 = tpu.memref_slice %arg15[%dma_start3A_1372] : memref<4x!tpu.dma_semaphore, #tpu.memory_space<semaphore_mem>> -> memref<1x!tpu.dma_semaphore, #tpu.memory_space<semaphore_mem>>
      %dma_start3A_1382 = tpu.memref_squeeze %dma_start3A_1381 : memref<1x!tpu.dma_semaphore, #tpu.memory_space<semaphore_mem>> -> memref<!tpu.dma_semaphore, #tpu.memory_space<semaphore_mem>>
      %dma_start3A_1383 = arith.constant 0 : i32
      %dma_start3A_1384 = arith.constant 0 : i32
      %dma_start3A_1385 = tpu.memref_slice %arg8[%add3A_1331, %dma_start3A_1383, %dma_start3A_1384] : memref<4096x100x128xf32, #tpu.memory_space<hbm>> -> memref<1x100x128xf32, #tpu.memory_space<hbm>>
      %dma_start3A_1386 = tpu.memref_squeeze %dma_start3A_1385 : memref<1x100x128xf32, #tpu.memory_space<hbm>> -> memref<100x128xf32, #tpu.memory_space<hbm>>
      %dma_start3A_1387 = arith.constant 0 : i32
      %dma_start3A_1388 = arith.constant 0 : i32
      %dma_start3A_1389 = tpu.memref_slice %arg13[%dma_start3A_1371, %dma_start3A_1387, %dma_start3A_1388] : memref<4x100x128xf32, #tpu.memory_space<vmem>> -> memref<1x100x128xf32, #tpu.memory_space<vmem>>
      %dma_start3A_1390 = tpu.memref_squeeze %dma_start3A_1389 : memref<1x100x128xf32, #tpu.memory_space<vmem>> -> memref<100x128xf32, #tpu.memory_space<vmem>>
      tpu.enqueue_dma source(%dma_start3A_1390 : memref<100x128xf32, #tpu.memory_space<vmem>>) target(%dma_start3A_1386 : memref<100x128xf32, #tpu.memory_space<hbm>>) target_semaphore(%dma_start3A_1382 : memref<!tpu.dma_semaphore, #tpu.memory_space<semaphore_mem>>)
      %sub3A_1391 = arith.constant 2 : i32
      %sub3A_1392 = arith.subi %add3A_1331, %sub3A_1391 : i32
      %dma_wait3A_1393 = arith.constant 1 : i32
      %dma_wait3A_1394 = arith.constant 1 : i32
      %dma_wait3A_1395 = arith.constant 0 : i32
      %dma_wait3A_1396 = arith.constant 0 : i32
      %dma_wait3A_1397 = tpu.memref_slice %arg13[%dma_wait3A_1393, %dma_wait3A_1395, %dma_wait3A_1396] : memref<4x100x128xf32, #tpu.memory_space<vmem>> -> memref<1x100x128xf32, #tpu.memory_space<vmem>>
      %dma_wait3A_1398 = tpu.memref_squeeze %dma_wait3A_1397 : memref<1x100x128xf32, #tpu.memory_space<vmem>> -> memref<100x128xf32, #tpu.memory_space<vmem>>
      %dma_wait3A_1399 = arith.constant 0 : i32
      %dma_wait3A_1400 = arith.constant 0 : i32
      %dma_wait3A_1401 = tpu.memref_slice %arg8[%sub3A_1392, %dma_wait3A_1399, %dma_wait3A_1400] : memref<4096x100x128xf32, #tpu.memory_space<hbm>> -> memref<1x100x128xf32, #tpu.memory_space<hbm>>
      %dma_wait3A_1402 = tpu.memref_squeeze %dma_wait3A_1401 : memref<1x100x128xf32, #tpu.memory_space<hbm>> -> memref<100x128xf32, #tpu.memory_space<hbm>>
      %dma_wait3A_1403 = tpu.memref_slice %arg15[%dma_wait3A_1394] : memref<4x!tpu.dma_semaphore, #tpu.memory_space<semaphore_mem>> -> memref<1x!tpu.dma_semaphore, #tpu.memory_space<semaphore_mem>>
      %dma_wait3A_1404 = tpu.memref_squeeze %dma_wait3A_1403 : memref<1x!tpu.dma_semaphore, #tpu.memory_space<semaphore_mem>> -> memref<!tpu.dma_semaphore, #tpu.memory_space<semaphore_mem>>
      %dma_wait3A_1405 = arith.constant 0 : i32
      %dma_wait3A_1406 = arith.constant 0 : i32
      %dma_wait3A_1407 = tpu.memref_slice %arg8[%sub3A_1392, %dma_wait3A_1405, %dma_wait3A_1406] : memref<4096x100x128xf32, #tpu.memory_space<hbm>> -> memref<1x100x128xf32, #tpu.memory_space<hbm>>
      %dma_wait3A_1408 = tpu.memref_squeeze %dma_wait3A_1407 : memref<1x100x128xf32, #tpu.memory_space<hbm>> -> memref<100x128xf32, #tpu.memory_space<hbm>>
      %dma_wait3A_1409 = arith.constant 0 : i32
      %dma_wait3A_1410 = arith.constant 0 : i32
      %dma_wait3A_1411 = tpu.memref_slice %arg13[%dma_wait3A_1393, %dma_wait3A_1409, %dma_wait3A_1410] : memref<4x100x128xf32, #tpu.memory_space<vmem>> -> memref<1x100x128xf32, #tpu.memory_space<vmem>>
      %dma_wait3A_1412 = tpu.memref_squeeze %dma_wait3A_1411 : memref<1x100x128xf32, #tpu.memory_space<vmem>> -> memref<100x128xf32, #tpu.memory_space<vmem>>
      tpu.wait_dma2 semaphore(%dma_wait3A_1404 : memref<!tpu.dma_semaphore, #tpu.memory_space<semaphore_mem>>) src(%dma_wait3A_1412 : memref<100x128xf32, #tpu.memory_space<vmem>>) dst(%dma_wait3A_1408 : memref<100x128xf32, #tpu.memory_space<hbm>>)
      %dma_start3A_1413 = arith.constant 1 : i32
      %dma_start3A_1414 = arith.constant 5 : i32
      %dma_start3A_1415 = arith.constant 1 : i32
      %dma_start3A_1416 = arith.constant 1 : i32
      %dma_start3A_1417 = arith.constant 0 : i32
      %dma_start3A_1418 = arith.constant 0 : i32
      %dma_start3A_1419 = tpu.memref_slice %arg13[%dma_start3A_1415, %dma_start3A_1417, %dma_start3A_1418] : memref<4x100x128xf32, #tpu.memory_space<vmem>> -> memref<1x50x128xf32, #tpu.memory_space<vmem>>
      %dma_start3A_1420 = tpu.memref_squeeze %dma_start3A_1419 : memref<1x50x128xf32, #tpu.memory_space<vmem>> -> memref<50x128xf32, #tpu.memory_space<vmem>>
      %dma_start3A_1421 = arith.constant 0 : i32
      %dma_start3A_1422 = tpu.memref_slice %arg9[%dma_start3A_1413, %dma_start3A_1414, %dma_start3A_1421] : memref<2x8x50xi32, #tpu.memory_space<vmem>> -> memref<1x1x50xi32, #tpu.memory_space<vmem>>
      %dma_start3A_1423 = tpu.memref_squeeze %dma_start3A_1422 : memref<1x1x50xi32, #tpu.memory_space<vmem>> -> memref<50xi32, #tpu.memory_space<vmem>>
      %dma_start3A_1424 = arith.constant 0 : i32
      %dma_start3A_1425 = arith.constant 0 : i32
      %dma_start3A_1426 = tpu.memref_slice %arg4[%dma_start3A_1424, %dma_start3A_1425] : memref<100000x128xf32, #tpu.memory_space<hbm>> -> memref<100000x128xf32, #tpu.memory_space<hbm>>
      %dma_start3A_1427 = tpu.memref_slice %arg14[%dma_start3A_1416] : memref<4x!tpu.dma_semaphore, #tpu.memory_space<semaphore_mem>> -> memref<1x!tpu.dma_semaphore, #tpu.memory_space<semaphore_mem>>
      %dma_start3A_1428 = tpu.memref_squeeze %dma_start3A_1427 : memref<1x!tpu.dma_semaphore, #tpu.memory_space<semaphore_mem>> -> memref<!tpu.dma_semaphore, #tpu.memory_space<semaphore_mem>>
      tpu.enqueue_indirect_dma source(%dma_start3A_1426 : memref<100000x128xf32, #tpu.memory_space<hbm>>) target(%dma_start3A_1420 : memref<50x128xf32, #tpu.memory_space<vmem>>) offsets(%dma_start3A_1423 : memref<50xi32, #tpu.memory_space<vmem>>) semaphore(%dma_start3A_1428 : memref<!tpu.dma_semaphore, #tpu.memory_space<semaphore_mem>>)
      %dma_start3A_1429 = arith.constant 1 : i32
      %dma_start3A_1430 = arith.constant 5 : i32
      %dma_start3A_1431 = arith.constant 1 : i32
      %dma_start3A_1432 = arith.constant 1 : i32
      %dma_start3A_1433 = arith.constant 50 : i32
      %dma_start3A_1434 = arith.constant 0 : i32
      %dma_start3A_1435 = tpu.memref_slice %arg13[%dma_start3A_1431, %dma_start3A_1433, %dma_start3A_1434] : memref<4x100x128xf32, #tpu.memory_space<vmem>> -> memref<1x50x128xf32, #tpu.memory_space<vmem>>
      %dma_start3A_1436 = tpu.memref_squeeze %dma_start3A_1435 : memref<1x50x128xf32, #tpu.memory_space<vmem>> -> memref<50x128xf32, #tpu.memory_space<vmem>>
      %dma_start3A_1437 = arith.constant 0 : i32
      %dma_start3A_1438 = tpu.memref_slice %arg10[%dma_start3A_1429, %dma_start3A_1430, %dma_start3A_1437] : memref<2x8x50xi32, #tpu.memory_space<vmem>> -> memref<1x1x50xi32, #tpu.memory_space<vmem>>
      %dma_start3A_1439 = tpu.memref_squeeze %dma_start3A_1438 : memref<1x1x50xi32, #tpu.memory_space<vmem>> -> memref<50xi32, #tpu.memory_space<vmem>>
      %dma_start3A_1440 = arith.constant 0 : i32
      %dma_start3A_1441 = arith.constant 0 : i32
      %dma_start3A_1442 = tpu.memref_slice %arg5[%dma_start3A_1440, %dma_start3A_1441] : memref<100000x128xf32, #tpu.memory_space<hbm>> -> memref<100000x128xf32, #tpu.memory_space<hbm>>
      %dma_start3A_1443 = tpu.memref_slice %arg14[%dma_start3A_1432] : memref<4x!tpu.dma_semaphore, #tpu.memory_space<semaphore_mem>> -> memref<1x!tpu.dma_semaphore, #tpu.memory_space<semaphore_mem>>
      %dma_start3A_1444 = tpu.memref_squeeze %dma_start3A_1443 : memref<1x!tpu.dma_semaphore, #tpu.memory_space<semaphore_mem>> -> memref<!tpu.dma_semaphore, #tpu.memory_space<semaphore_mem>>
      tpu.enqueue_indirect_dma source(%dma_start3A_1442 : memref<100000x128xf32, #tpu.memory_space<hbm>>) target(%dma_start3A_1436 : memref<50x128xf32, #tpu.memory_space<vmem>>) offsets(%dma_start3A_1439 : memref<50xi32, #tpu.memory_space<vmem>>) semaphore(%dma_start3A_1444 : memref<!tpu.dma_semaphore, #tpu.memory_space<semaphore_mem>>)
      %mul3A_1445 = arith.constant 8 : i32
      %mul3A_1446 = arith.muli %add3A_999, %mul3A_1445 : i32
      %add3A_1447 = arith.addi %mul3A_2, %mul3A_1446 : i32
      %add3A_1448 = arith.constant 4 : i32
      %add3A_1449 = arith.addi %add3A_1447, %add3A_1448 : i32
      %mul3A_1450 = arith.constant 50 : i32
      %mul3A_1451 = arith.muli %add3A_1449, %mul3A_1450 : i32
      "tpu.region"() ({
        %run_scoped3A_1876 = tpu.sem_alloc : memref<!tpu.dma_semaphore, #tpu.memory_space<semaphore_mem>>
        %dma_start3A_1877 = arith.constant 0 : i32
        %dma_start3A_1878 = tpu.memref_slice %arg6[%mul3A_1451, %dma_start3A_1877] : memref<204800x34xf32, #tpu.memory_space<hbm>> -> memref<200x34xf32, #tpu.memory_space<hbm>>
        %dma_start3A_1879 = arith.constant 0 : i32
        %dma_start3A_1880 = tpu.memref_slice %arg6[%mul3A_1451, %dma_start3A_1879] : memref<204800x34xf32, #tpu.memory_space<hbm>> -> memref<200x34xf32, #tpu.memory_space<hbm>>
        tpu.enqueue_dma source(%dma_start3A_1880 : memref<200x34xf32, #tpu.memory_space<hbm>>) target(%arg11 : memref<200x34xf32, #tpu.memory_space<vmem>>) target_semaphore(%run_scoped3A_1876 : memref<!tpu.dma_semaphore, #tpu.memory_space<semaphore_mem>>)
        %dma_wait3A_1881 = arith.constant 0 : i32
        %dma_wait3A_1882 = tpu.memref_slice %arg6[%mul3A_1451, %dma_wait3A_1881] : memref<204800x34xf32, #tpu.memory_space<hbm>> -> memref<200x34xf32, #tpu.memory_space<hbm>>
        %dma_wait3A_1883 = arith.constant 0 : i32
        %dma_wait3A_1884 = tpu.memref_slice %arg6[%mul3A_1451, %dma_wait3A_1883] : memref<204800x34xf32, #tpu.memory_space<hbm>> -> memref<200x34xf32, #tpu.memory_space<hbm>>
        tpu.wait_dma2 semaphore(%run_scoped3A_1876 : memref<!tpu.dma_semaphore, #tpu.memory_space<semaphore_mem>>) src(%dma_wait3A_1884 : memref<200x34xf32, #tpu.memory_space<hbm>>) dst(%arg11 : memref<200x34xf32, #tpu.memory_space<vmem>>)
        tpu.yield
      }) : () -> ()
      "tpu.region"() ({
        %run_scoped3A_1876 = tpu.sem_alloc : memref<!tpu.dma_semaphore, #tpu.memory_space<semaphore_mem>>
        %dma_start3A_1877 = arith.constant 0 : i32
        %dma_start3A_1878 = tpu.memref_slice %arg7[%mul3A_1451, %dma_start3A_1877] : memref<204800x16xf32, #tpu.memory_space<hbm>> -> memref<200x16xf32, #tpu.memory_space<hbm>>
        %dma_start3A_1879 = arith.constant 0 : i32
        %dma_start3A_1880 = tpu.memref_slice %arg7[%mul3A_1451, %dma_start3A_1879] : memref<204800x16xf32, #tpu.memory_space<hbm>> -> memref<200x16xf32, #tpu.memory_space<hbm>>
        tpu.enqueue_dma source(%dma_start3A_1880 : memref<200x16xf32, #tpu.memory_space<hbm>>) target(%arg12 : memref<200x16xf32, #tpu.memory_space<vmem>>) target_semaphore(%run_scoped3A_1876 : memref<!tpu.dma_semaphore, #tpu.memory_space<semaphore_mem>>)
        %dma_wait3A_1881 = arith.constant 0 : i32
        %dma_wait3A_1882 = tpu.memref_slice %arg7[%mul3A_1451, %dma_wait3A_1881] : memref<204800x16xf32, #tpu.memory_space<hbm>> -> memref<200x16xf32, #tpu.memory_space<hbm>>
        %dma_wait3A_1883 = arith.constant 0 : i32
        %dma_wait3A_1884 = tpu.memref_slice %arg7[%mul3A_1451, %dma_wait3A_1883] : memref<204800x16xf32, #tpu.memory_space<hbm>> -> memref<200x16xf32, #tpu.memory_space<hbm>>
        tpu.wait_dma2 semaphore(%run_scoped3A_1876 : memref<!tpu.dma_semaphore, #tpu.memory_space<semaphore_mem>>) src(%dma_wait3A_1884 : memref<200x16xf32, #tpu.memory_space<hbm>>) dst(%arg12 : memref<200x16xf32, #tpu.memory_space<vmem>>)
        tpu.yield
      }) : () -> ()
      %lt3A_1452 = arith.constant 15 : i32
      %lt3A_1453 = arith.cmpi slt, %add3A_999, %lt3A_1452 : i32
      %convert_element_type3A_1454 = arith.extui %lt3A_1453 : i1 to i32
      %cond3A_1455 = arith.constant 0 : i32
      %cond3A_1456 = arith.cmpi ne, %convert_element_type3A_1454, %cond3A_1455 : i32
      scf.if %cond3A_1456 {
        %add3A_1876 = arith.constant 1 : i32
        %add3A_1877 = arith.addi %add3A_999, %add3A_1876 : i32
        %mul3A_1878 = arith.constant 8 : i32
        %mul3A_1879 = arith.muli %add3A_1877, %mul3A_1878 : i32
        %add3A_1880 = arith.addi %mul3A_2, %mul3A_1879 : i32
        %run_scoped3A_1881 = arith.constant 0 : i32
        "tpu.region"() ({
          %run_scoped3A_1883 = tpu.sem_alloc : memref<!tpu.dma_semaphore, #tpu.memory_space<semaphore_mem>>
          %dma_start3A_1884 = arith.constant 0 : i32
          %dma_start3A_1885 = arith.constant 0 : i32
          %dma_start3A_1886 = tpu.memref_slice %arg9[%run_scoped3A_1881, %dma_start3A_1884, %dma_start3A_1885] : memref<2x8x50xi32, #tpu.memory_space<vmem>> -> memref<1x8x50xi32, #tpu.memory_space<vmem>>
          %dma_start3A_1887 = tpu.memref_squeeze %dma_start3A_1886 : memref<1x8x50xi32, #tpu.memory_space<vmem>> -> memref<8x50xi32, #tpu.memory_space<vmem>>
          %dma_start3A_1888 = arith.constant 0 : i32
          %dma_start3A_1889 = tpu.memref_slice %arg2[%add3A_1880, %dma_start3A_1888] : memref<4096x50xi32, #tpu.memory_space<hbm>> -> memref<8x50xi32, #tpu.memory_space<hbm>>
          %dma_start3A_1890 = arith.constant 0 : i32
          %dma_start3A_1891 = arith.constant 0 : i32
          %dma_start3A_1892 = tpu.memref_slice %arg9[%run_scoped3A_1881, %dma_start3A_1890, %dma_start3A_1891] : memref<2x8x50xi32, #tpu.memory_space<vmem>> -> memref<1x8x50xi32, #tpu.memory_space<vmem>>
          %dma_start3A_1893 = tpu.memref_squeeze %dma_start3A_1892 : memref<1x8x50xi32, #tpu.memory_space<vmem>> -> memref<8x50xi32, #tpu.memory_space<vmem>>
          %dma_start3A_1894 = arith.constant 0 : i32
          %dma_start3A_1895 = tpu.memref_slice %arg2[%add3A_1880, %dma_start3A_1894] : memref<4096x50xi32, #tpu.memory_space<hbm>> -> memref<8x50xi32, #tpu.memory_space<hbm>>
          tpu.enqueue_dma source(%dma_start3A_1895 : memref<8x50xi32, #tpu.memory_space<hbm>>) target(%dma_start3A_1893 : memref<8x50xi32, #tpu.memory_space<vmem>>) target_semaphore(%run_scoped3A_1883 : memref<!tpu.dma_semaphore, #tpu.memory_space<semaphore_mem>>)
          %dma_wait3A_1896 = arith.constant 0 : i32
          %dma_wait3A_1897 = arith.constant 0 : i32
          %dma_wait3A_1898 = tpu.memref_slice %arg9[%run_scoped3A_1881, %dma_wait3A_1896, %dma_wait3A_1897] : memref<2x8x50xi32, #tpu.memory_space<vmem>> -> memref<1x8x50xi32, #tpu.memory_space<vmem>>
          %dma_wait3A_1899 = tpu.memref_squeeze %dma_wait3A_1898 : memref<1x8x50xi32, #tpu.memory_space<vmem>> -> memref<8x50xi32, #tpu.memory_space<vmem>>
          %dma_wait3A_1900 = arith.constant 0 : i32
          %dma_wait3A_1901 = tpu.memref_slice %arg2[%add3A_1880, %dma_wait3A_1900] : memref<4096x50xi32, #tpu.memory_space<hbm>> -> memref<8x50xi32, #tpu.memory_space<hbm>>
          %dma_wait3A_1902 = arith.constant 0 : i32
          %dma_wait3A_1903 = arith.constant 0 : i32
          %dma_wait3A_1904 = tpu.memref_slice %arg9[%run_scoped3A_1881, %dma_wait3A_1902, %dma_wait3A_1903] : memref<2x8x50xi32, #tpu.memory_space<vmem>> -> memref<1x8x50xi32, #tpu.memory_space<vmem>>
          %dma_wait3A_1905 = tpu.memref_squeeze %dma_wait3A_1904 : memref<1x8x50xi32, #tpu.memory_space<vmem>> -> memref<8x50xi32, #tpu.memory_space<vmem>>
          %dma_wait3A_1906 = arith.constant 0 : i32
          %dma_wait3A_1907 = tpu.memref_slice %arg2[%add3A_1880, %dma_wait3A_1906] : memref<4096x50xi32, #tpu.memory_space<hbm>> -> memref<8x50xi32, #tpu.memory_space<hbm>>
          tpu.wait_dma2 semaphore(%run_scoped3A_1883 : memref<!tpu.dma_semaphore, #tpu.memory_space<semaphore_mem>>) src(%dma_wait3A_1907 : memref<8x50xi32, #tpu.memory_space<hbm>>) dst(%dma_wait3A_1905 : memref<8x50xi32, #tpu.memory_space<vmem>>)
          tpu.yield
        }) : () -> ()
        %run_scoped3A_1882 = arith.constant 0 : i32
        "tpu.region"() ({
          %run_scoped3A_1883 = tpu.sem_alloc : memref<!tpu.dma_semaphore, #tpu.memory_space<semaphore_mem>>
          %dma_start3A_1884 = arith.constant 0 : i32
          %dma_start3A_1885 = arith.constant 0 : i32
          %dma_start3A_1886 = tpu.memref_slice %arg10[%run_scoped3A_1882, %dma_start3A_1884, %dma_start3A_1885] : memref<2x8x50xi32, #tpu.memory_space<vmem>> -> memref<1x8x50xi32, #tpu.memory_space<vmem>>
          %dma_start3A_1887 = tpu.memref_squeeze %dma_start3A_1886 : memref<1x8x50xi32, #tpu.memory_space<vmem>> -> memref<8x50xi32, #tpu.memory_space<vmem>>
          %dma_start3A_1888 = arith.constant 0 : i32
          %dma_start3A_1889 = tpu.memref_slice %arg3[%add3A_1880, %dma_start3A_1888] : memref<4096x50xi32, #tpu.memory_space<hbm>> -> memref<8x50xi32, #tpu.memory_space<hbm>>
          %dma_start3A_1890 = arith.constant 0 : i32
          %dma_start3A_1891 = arith.constant 0 : i32
          %dma_start3A_1892 = tpu.memref_slice %arg10[%run_scoped3A_1882, %dma_start3A_1890, %dma_start3A_1891] : memref<2x8x50xi32, #tpu.memory_space<vmem>> -> memref<1x8x50xi32, #tpu.memory_space<vmem>>
          %dma_start3A_1893 = tpu.memref_squeeze %dma_start3A_1892 : memref<1x8x50xi32, #tpu.memory_space<vmem>> -> memref<8x50xi32, #tpu.memory_space<vmem>>
          %dma_start3A_1894 = arith.constant 0 : i32
          %dma_start3A_1895 = tpu.memref_slice %arg3[%add3A_1880, %dma_start3A_1894] : memref<4096x50xi32, #tpu.memory_space<hbm>> -> memref<8x50xi32, #tpu.memory_space<hbm>>
          tpu.enqueue_dma source(%dma_start3A_1895 : memref<8x50xi32, #tpu.memory_space<hbm>>) target(%dma_start3A_1893 : memref<8x50xi32, #tpu.memory_space<vmem>>) target_semaphore(%run_scoped3A_1883 : memref<!tpu.dma_semaphore, #tpu.memory_space<semaphore_mem>>)
          %dma_wait3A_1896 = arith.constant 0 : i32
          %dma_wait3A_1897 = arith.constant 0 : i32
          %dma_wait3A_1898 = tpu.memref_slice %arg10[%run_scoped3A_1882, %dma_wait3A_1896, %dma_wait3A_1897] : memref<2x8x50xi32, #tpu.memory_space<vmem>> -> memref<1x8x50xi32, #tpu.memory_space<vmem>>
          %dma_wait3A_1899 = tpu.memref_squeeze %dma_wait3A_1898 : memref<1x8x50xi32, #tpu.memory_space<vmem>> -> memref<8x50xi32, #tpu.memory_space<vmem>>
          %dma_wait3A_1900 = arith.constant 0 : i32
          %dma_wait3A_1901 = tpu.memref_slice %arg3[%add3A_1880, %dma_wait3A_1900] : memref<4096x50xi32, #tpu.memory_space<hbm>> -> memref<8x50xi32, #tpu.memory_space<hbm>>
          %dma_wait3A_1902 = arith.constant 0 : i32
          %dma_wait3A_1903 = arith.constant 0 : i32
          %dma_wait3A_1904 = tpu.memref_slice %arg10[%run_scoped3A_1882, %dma_wait3A_1902, %dma_wait3A_1903] : memref<2x8x50xi32, #tpu.memory_space<vmem>> -> memref<1x8x50xi32, #tpu.memory_space<vmem>>
          %dma_wait3A_1905 = tpu.memref_squeeze %dma_wait3A_1904 : memref<1x8x50xi32, #tpu.memory_space<vmem>> -> memref<8x50xi32, #tpu.memory_space<vmem>>
          %dma_wait3A_1906 = arith.constant 0 : i32
          %dma_wait3A_1907 = tpu.memref_slice %arg3[%add3A_1880, %dma_wait3A_1906] : memref<4096x50xi32, #tpu.memory_space<hbm>> -> memref<8x50xi32, #tpu.memory_space<hbm>>
          tpu.wait_dma2 semaphore(%run_scoped3A_1883 : memref<!tpu.dma_semaphore, #tpu.memory_space<semaphore_mem>>) src(%dma_wait3A_1907 : memref<8x50xi32, #tpu.memory_space<hbm>>) dst(%dma_wait3A_1905 : memref<8x50xi32, #tpu.memory_space<vmem>>)
          tpu.yield
        }) : () -> ()
      } else {
      }
      %mul3A_1457 = arith.constant 8 : i32
      %mul3A_1458 = arith.muli %add3A_999, %mul3A_1457 : i32
      %add3A_1459 = arith.addi %mul3A_2, %mul3A_1458 : i32
      %add3A_1460 = arith.constant 4 : i32
      %add3A_1461 = arith.addi %add3A_1459, %add3A_1460 : i32
      %dma_wait3A_1462 = arith.constant 1 : i32
      %dma_wait3A_1463 = arith.constant 4 : i32
      %dma_wait3A_1464 = arith.constant 0 : i32
      %dma_wait3A_1465 = arith.constant 0 : i32
      %dma_wait3A_1466 = arith.constant 0 : i32
      %dma_wait3A_1467 = arith.constant 0 : i32
      %dma_wait3A_1468 = tpu.memref_slice %arg13[%dma_wait3A_1464, %dma_wait3A_1466, %dma_wait3A_1467] : memref<4x100x128xf32, #tpu.memory_space<vmem>> -> memref<1x50x128xf32, #tpu.memory_space<vmem>>
      %dma_wait3A_1469 = tpu.memref_squeeze %dma_wait3A_1468 : memref<1x50x128xf32, #tpu.memory_space<vmem>> -> memref<50x128xf32, #tpu.memory_space<vmem>>
      %dma_wait3A_1470 = arith.constant 0 : i32
      %dma_wait3A_1471 = tpu.memref_slice %arg9[%dma_wait3A_1462, %dma_wait3A_1463, %dma_wait3A_1470] : memref<2x8x50xi32, #tpu.memory_space<vmem>> -> memref<1x1x50xi32, #tpu.memory_space<vmem>>
      %dma_wait3A_1472 = tpu.memref_squeeze %dma_wait3A_1471 : memref<1x1x50xi32, #tpu.memory_space<vmem>> -> memref<50xi32, #tpu.memory_space<vmem>>
      %dma_wait3A_1473 = arith.constant 0 : i32
      %dma_wait3A_1474 = arith.constant 0 : i32
      %dma_wait3A_1475 = tpu.memref_slice %arg4[%dma_wait3A_1473, %dma_wait3A_1474] : memref<100000x128xf32, #tpu.memory_space<hbm>> -> memref<100000x128xf32, #tpu.memory_space<hbm>>
      %dma_wait3A_1476 = tpu.memref_slice %arg14[%dma_wait3A_1465] : memref<4x!tpu.dma_semaphore, #tpu.memory_space<semaphore_mem>> -> memref<1x!tpu.dma_semaphore, #tpu.memory_space<semaphore_mem>>
      %dma_wait3A_1477 = tpu.memref_squeeze %dma_wait3A_1476 : memref<1x!tpu.dma_semaphore, #tpu.memory_space<semaphore_mem>> -> memref<!tpu.dma_semaphore, #tpu.memory_space<semaphore_mem>>
      tpu.wait_indirect_dma semaphore(%dma_wait3A_1477 : memref<!tpu.dma_semaphore, #tpu.memory_space<semaphore_mem>>) src(%dma_wait3A_1475 : memref<100000x128xf32, #tpu.memory_space<hbm>>) dst(%dma_wait3A_1469 : memref<50x128xf32, #tpu.memory_space<vmem>>)
      %dma_wait3A_1478 = arith.constant 1 : i32
      %dma_wait3A_1479 = arith.constant 4 : i32
      %dma_wait3A_1480 = arith.constant 0 : i32
      %dma_wait3A_1481 = arith.constant 0 : i32
      %dma_wait3A_1482 = arith.constant 50 : i32
      %dma_wait3A_1483 = arith.constant 0 : i32
      %dma_wait3A_1484 = tpu.memref_slice %arg13[%dma_wait3A_1480, %dma_wait3A_1482, %dma_wait3A_1483] : memref<4x100x128xf32, #tpu.memory_space<vmem>> -> memref<1x50x128xf32, #tpu.memory_space<vmem>>
      %dma_wait3A_1485 = tpu.memref_squeeze %dma_wait3A_1484 : memref<1x50x128xf32, #tpu.memory_space<vmem>> -> memref<50x128xf32, #tpu.memory_space<vmem>>
      %dma_wait3A_1486 = arith.constant 0 : i32
      %dma_wait3A_1487 = tpu.memref_slice %arg10[%dma_wait3A_1478, %dma_wait3A_1479, %dma_wait3A_1486] : memref<2x8x50xi32, #tpu.memory_space<vmem>> -> memref<1x1x50xi32, #tpu.memory_space<vmem>>
      %dma_wait3A_1488 = tpu.memref_squeeze %dma_wait3A_1487 : memref<1x1x50xi32, #tpu.memory_space<vmem>> -> memref<50xi32, #tpu.memory_space<vmem>>
      %dma_wait3A_1489 = arith.constant 0 : i32
      %dma_wait3A_1490 = arith.constant 0 : i32
      %dma_wait3A_1491 = tpu.memref_slice %arg5[%dma_wait3A_1489, %dma_wait3A_1490] : memref<100000x128xf32, #tpu.memory_space<hbm>> -> memref<100000x128xf32, #tpu.memory_space<hbm>>
      %dma_wait3A_1492 = tpu.memref_slice %arg14[%dma_wait3A_1481] : memref<4x!tpu.dma_semaphore, #tpu.memory_space<semaphore_mem>> -> memref<1x!tpu.dma_semaphore, #tpu.memory_space<semaphore_mem>>
      %dma_wait3A_1493 = tpu.memref_squeeze %dma_wait3A_1492 : memref<1x!tpu.dma_semaphore, #tpu.memory_space<semaphore_mem>> -> memref<!tpu.dma_semaphore, #tpu.memory_space<semaphore_mem>>
      tpu.wait_indirect_dma semaphore(%dma_wait3A_1493 : memref<!tpu.dma_semaphore, #tpu.memory_space<semaphore_mem>>) src(%dma_wait3A_1491 : memref<100000x128xf32, #tpu.memory_space<hbm>>) dst(%dma_wait3A_1485 : memref<50x128xf32, #tpu.memory_space<vmem>>)
      %scan3A_1494 = arith.constant 0 : i32
      %scan3A_1495 = arith.constant 0 : i32
      %scan3A_1496 = arith.constant 50 : i32
      %scan3A_1497 = arith.addi %scan3A_1495, %scan3A_1496 : i32
      %scan3A_1498 = arith.constant 1 : i32
      %scan3A_1499 = scf.for %scan3A_1876 = %scan3A_1495 to %scan3A_1497 step %scan3A_1498 iter_args(%scan3A_1877 = %scan3A_1494) -> (i32)  : i32 {
        %add3A_1878 = arith.constant 0 : i32
        %add3A_1879 = arith.addi %add3A_1878, %scan3A_1876 : i32
        %get3A = arith.index_cast %add3A_1879 : i32 to index
        %get3A_1880 = arith.constant 0 : index
        %get3A_1881 = tpu.vector_load %arg11[%get3A, %get3A_1880] {strides = array<i32>} : memref<200x34xf32, #tpu.memory_space<vmem>>, vector<1x16xf32>,
        %get3A_1882 = vector.shape_cast %get3A_1881 : vector<1x16xf32> to vector<16xf32>
        %swap3A = arith.constant 0 : i32
        %swap3A_1883 = arith.index_cast %swap3A : i32 to index
        %swap3A_1884 = arith.index_cast %scan3A_1876 : i32 to index
        %swap3A_1885 = arith.constant 94 : index
        %swap3A_1886 = tpu.vector_load %arg13[%swap3A_1883, %swap3A_1884, %swap3A_1885] {strides = array<i32>} : memref<4x100x128xf32, #tpu.memory_space<vmem>>, vector<1x1x16xf32>,
        %swap3A_1887 = vector.shape_cast %swap3A_1886 : vector<1x1x16xf32> to vector<16xf32>
        %swap3A_1888 = vector.shape_cast %get3A_1882 : vector<16xf32> to vector<1x1x16xf32>
        tpu.vector_store %arg13[%swap3A_1883, %swap3A_1884, %swap3A_1885], %swap3A_1888 {strides = array<i32>} : memref<4x100x128xf32, #tpu.memory_space<vmem>>, vector<1x1x16xf32>,
        %get3A_1889 = arith.index_cast %add3A_1879 : i32 to index
        %get3A_1890 = arith.constant 16 : index
        %get3A_1891 = tpu.vector_load %arg11[%get3A_1889, %get3A_1890] {strides = array<i32>} : memref<200x34xf32, #tpu.memory_space<vmem>>, vector<1x16xf32>,
        %get3A_1892 = vector.shape_cast %get3A_1891 : vector<1x16xf32> to vector<16xf32>
        %swap3A_1893 = arith.constant 0 : i32
        %swap3A_1894 = arith.index_cast %swap3A_1893 : i32 to index
        %swap3A_1895 = arith.index_cast %scan3A_1876 : i32 to index
        %swap3A_1896 = arith.constant 110 : index
        %swap3A_1897 = tpu.vector_load %arg13[%swap3A_1894, %swap3A_1895, %swap3A_1896] {strides = array<i32>} : memref<4x100x128xf32, #tpu.memory_space<vmem>>, vector<1x1x16xf32>,
        %swap3A_1898 = vector.shape_cast %swap3A_1897 : vector<1x1x16xf32> to vector<16xf32>
        %swap3A_1899 = vector.shape_cast %get3A_1892 : vector<16xf32> to vector<1x1x16xf32>
        tpu.vector_store %arg13[%swap3A_1894, %swap3A_1895, %swap3A_1896], %swap3A_1899 {strides = array<i32>} : memref<4x100x128xf32, #tpu.memory_space<vmem>>, vector<1x1x16xf32>,
        %get3A_1900 = arith.index_cast %add3A_1879 : i32 to index
        %get3A_1901 = arith.constant 18 : index
        %get3A_1902 = tpu.vector_load %arg11[%get3A_1900, %get3A_1901] {strides = array<i32>} : memref<200x34xf32, #tpu.memory_space<vmem>>, vector<1x16xf32>,
        %get3A_1903 = vector.shape_cast %get3A_1902 : vector<1x16xf32> to vector<16xf32>
        %swap3A_1904 = arith.constant 0 : i32
        %swap3A_1905 = arith.index_cast %swap3A_1904 : i32 to index
        %swap3A_1906 = arith.index_cast %scan3A_1876 : i32 to index
        %swap3A_1907 = arith.constant 112 : index
        %swap3A_1908 = tpu.vector_load %arg13[%swap3A_1905, %swap3A_1906, %swap3A_1907] {strides = array<i32>} : memref<4x100x128xf32, #tpu.memory_space<vmem>>, vector<1x1x16xf32>,
        %swap3A_1909 = vector.shape_cast %swap3A_1908 : vector<1x1x16xf32> to vector<16xf32>
        %swap3A_1910 = vector.shape_cast %get3A_1903 : vector<16xf32> to vector<1x1x16xf32>
        tpu.vector_store %arg13[%swap3A_1905, %swap3A_1906, %swap3A_1907], %swap3A_1910 {strides = array<i32>} : memref<4x100x128xf32, #tpu.memory_space<vmem>>, vector<1x1x16xf32>,
        %get3A_1911 = arith.index_cast %add3A_1879 : i32 to index
        %get3A_1912 = arith.constant 0 : index
        %get3A_1913 = tpu.vector_load %arg12[%get3A_1911, %get3A_1912] {strides = array<i32>} : memref<200x16xf32, #tpu.memory_space<vmem>>, vector<1x16xf32>,
        %get3A_1914 = vector.shape_cast %get3A_1913 : vector<1x16xf32> to vector<16xf32>
        %add3A_1915 = arith.constant 50 : i32
        %add3A_1916 = arith.addi %add3A_1915, %scan3A_1876 : i32
        %swap3A_1917 = arith.constant 0 : i32
        %swap3A_1918 = arith.index_cast %swap3A_1917 : i32 to index
        %swap3A_1919 = arith.index_cast %add3A_1916 : i32 to index
        %swap3A_1920 = arith.constant 112 : index
        %swap3A_1921 = tpu.vector_load %arg13[%swap3A_1918, %swap3A_1919, %swap3A_1920] {strides = array<i32>} : memref<4x100x128xf32, #tpu.memory_space<vmem>>, vector<1x1x16xf32>,
        %swap3A_1922 = vector.shape_cast %swap3A_1921 : vector<1x1x16xf32> to vector<16xf32>
        %swap3A_1923 = vector.shape_cast %get3A_1914 : vector<16xf32> to vector<1x1x16xf32>
        tpu.vector_store %arg13[%swap3A_1918, %swap3A_1919, %swap3A_1920], %swap3A_1923 {strides = array<i32>} : memref<4x100x128xf32, #tpu.memory_space<vmem>>, vector<1x1x16xf32>,
        %scan3A_1924 = arith.constant 0 : i32
        scf.yield %scan3A_1924 : i32
      }
      %scan3A_1500 = arith.constant 50 : i32
      %dma_start3A_1501 = arith.constant 0 : i32
      %dma_start3A_1502 = arith.constant 0 : i32
      %dma_start3A_1503 = arith.constant 0 : i32
      %dma_start3A_1504 = arith.constant 0 : i32
      %dma_start3A_1505 = tpu.memref_slice %arg13[%dma_start3A_1501, %dma_start3A_1503, %dma_start3A_1504] : memref<4x100x128xf32, #tpu.memory_space<vmem>> -> memref<1x100x128xf32, #tpu.memory_space<vmem>>
      %dma_start3A_1506 = tpu.memref_squeeze %dma_start3A_1505 : memref<1x100x128xf32, #tpu.memory_space<vmem>> -> memref<100x128xf32, #tpu.memory_space<vmem>>
      %dma_start3A_1507 = arith.constant 0 : i32
      %dma_start3A_1508 = arith.constant 0 : i32
      %dma_start3A_1509 = tpu.memref_slice %arg8[%add3A_1461, %dma_start3A_1507, %dma_start3A_1508] : memref<4096x100x128xf32, #tpu.memory_space<hbm>> -> memref<1x100x128xf32, #tpu.memory_space<hbm>>
      %dma_start3A_1510 = tpu.memref_squeeze %dma_start3A_1509 : memref<1x100x128xf32, #tpu.memory_space<hbm>> -> memref<100x128xf32, #tpu.memory_space<hbm>>
      %dma_start3A_1511 = tpu.memref_slice %arg15[%dma_start3A_1502] : memref<4x!tpu.dma_semaphore, #tpu.memory_space<semaphore_mem>> -> memref<1x!tpu.dma_semaphore, #tpu.memory_space<semaphore_mem>>
      %dma_start3A_1512 = tpu.memref_squeeze %dma_start3A_1511 : memref<1x!tpu.dma_semaphore, #tpu.memory_space<semaphore_mem>> -> memref<!tpu.dma_semaphore, #tpu.memory_space<semaphore_mem>>
      %dma_start3A_1513 = arith.constant 0 : i32
      %dma_start3A_1514 = arith.constant 0 : i32
      %dma_start3A_1515 = tpu.memref_slice %arg8[%add3A_1461, %dma_start3A_1513, %dma_start3A_1514] : memref<4096x100x128xf32, #tpu.memory_space<hbm>> -> memref<1x100x128xf32, #tpu.memory_space<hbm>>
      %dma_start3A_1516 = tpu.memref_squeeze %dma_start3A_1515 : memref<1x100x128xf32, #tpu.memory_space<hbm>> -> memref<100x128xf32, #tpu.memory_space<hbm>>
      %dma_start3A_1517 = arith.constant 0 : i32
      %dma_start3A_1518 = arith.constant 0 : i32
      %dma_start3A_1519 = tpu.memref_slice %arg13[%dma_start3A_1501, %dma_start3A_1517, %dma_start3A_1518] : memref<4x100x128xf32, #tpu.memory_space<vmem>> -> memref<1x100x128xf32, #tpu.memory_space<vmem>>
      %dma_start3A_1520 = tpu.memref_squeeze %dma_start3A_1519 : memref<1x100x128xf32, #tpu.memory_space<vmem>> -> memref<100x128xf32, #tpu.memory_space<vmem>>
      tpu.enqueue_dma source(%dma_start3A_1520 : memref<100x128xf32, #tpu.memory_space<vmem>>) target(%dma_start3A_1516 : memref<100x128xf32, #tpu.memory_space<hbm>>) target_semaphore(%dma_start3A_1512 : memref<!tpu.dma_semaphore, #tpu.memory_space<semaphore_mem>>)
      %sub3A_1521 = arith.constant 2 : i32
      %sub3A_1522 = arith.subi %add3A_1461, %sub3A_1521 : i32
      %dma_wait3A_1523 = arith.constant 2 : i32
      %dma_wait3A_1524 = arith.constant 2 : i32
      %dma_wait3A_1525 = arith.constant 0 : i32
      %dma_wait3A_1526 = arith.constant 0 : i32
      %dma_wait3A_1527 = tpu.memref_slice %arg13[%dma_wait3A_1523, %dma_wait3A_1525, %dma_wait3A_1526] : memref<4x100x128xf32, #tpu.memory_space<vmem>> -> memref<1x100x128xf32, #tpu.memory_space<vmem>>
      %dma_wait3A_1528 = tpu.memref_squeeze %dma_wait3A_1527 : memref<1x100x128xf32, #tpu.memory_space<vmem>> -> memref<100x128xf32, #tpu.memory_space<vmem>>
      %dma_wait3A_1529 = arith.constant 0 : i32
      %dma_wait3A_1530 = arith.constant 0 : i32
      %dma_wait3A_1531 = tpu.memref_slice %arg8[%sub3A_1522, %dma_wait3A_1529, %dma_wait3A_1530] : memref<4096x100x128xf32, #tpu.memory_space<hbm>> -> memref<1x100x128xf32, #tpu.memory_space<hbm>>
      %dma_wait3A_1532 = tpu.memref_squeeze %dma_wait3A_1531 : memref<1x100x128xf32, #tpu.memory_space<hbm>> -> memref<100x128xf32, #tpu.memory_space<hbm>>
      %dma_wait3A_1533 = tpu.memref_slice %arg15[%dma_wait3A_1524] : memref<4x!tpu.dma_semaphore, #tpu.memory_space<semaphore_mem>> -> memref<1x!tpu.dma_semaphore, #tpu.memory_space<semaphore_mem>>
      %dma_wait3A_1534 = tpu.memref_squeeze %dma_wait3A_1533 : memref<1x!tpu.dma_semaphore, #tpu.memory_space<semaphore_mem>> -> memref<!tpu.dma_semaphore, #tpu.memory_space<semaphore_mem>>
      %dma_wait3A_1535 = arith.constant 0 : i32
      %dma_wait3A_1536 = arith.constant 0 : i32
      %dma_wait3A_1537 = tpu.memref_slice %arg8[%sub3A_1522, %dma_wait3A_1535, %dma_wait3A_1536] : memref<4096x100x128xf32, #tpu.memory_space<hbm>> -> memref<1x100x128xf32, #tpu.memory_space<hbm>>
      %dma_wait3A_1538 = tpu.memref_squeeze %dma_wait3A_1537 : memref<1x100x128xf32, #tpu.memory_space<hbm>> -> memref<100x128xf32, #tpu.memory_space<hbm>>
      %dma_wait3A_1539 = arith.constant 0 : i32
      %dma_wait3A_1540 = arith.constant 0 : i32
      %dma_wait3A_1541 = tpu.memref_slice %arg13[%dma_wait3A_1523, %dma_wait3A_1539, %dma_wait3A_1540] : memref<4x100x128xf32, #tpu.memory_space<vmem>> -> memref<1x100x128xf32, #tpu.memory_space<vmem>>
      %dma_wait3A_1542 = tpu.memref_squeeze %dma_wait3A_1541 : memref<1x100x128xf32, #tpu.memory_space<vmem>> -> memref<100x128xf32, #tpu.memory_space<vmem>>
      tpu.wait_dma2 semaphore(%dma_wait3A_1534 : memref<!tpu.dma_semaphore, #tpu.memory_space<semaphore_mem>>) src(%dma_wait3A_1542 : memref<100x128xf32, #tpu.memory_space<vmem>>) dst(%dma_wait3A_1538 : memref<100x128xf32, #tpu.memory_space<hbm>>)
      %dma_start3A_1543 = arith.constant 1 : i32
      %dma_start3A_1544 = arith.constant 6 : i32
      %dma_start3A_1545 = arith.constant 2 : i32
      %dma_start3A_1546 = arith.constant 2 : i32
      %dma_start3A_1547 = arith.constant 0 : i32
      %dma_start3A_1548 = arith.constant 0 : i32
      %dma_start3A_1549 = tpu.memref_slice %arg13[%dma_start3A_1545, %dma_start3A_1547, %dma_start3A_1548] : memref<4x100x128xf32, #tpu.memory_space<vmem>> -> memref<1x50x128xf32, #tpu.memory_space<vmem>>
      %dma_start3A_1550 = tpu.memref_squeeze %dma_start3A_1549 : memref<1x50x128xf32, #tpu.memory_space<vmem>> -> memref<50x128xf32, #tpu.memory_space<vmem>>
      %dma_start3A_1551 = arith.constant 0 : i32
      %dma_start3A_1552 = tpu.memref_slice %arg9[%dma_start3A_1543, %dma_start3A_1544, %dma_start3A_1551] : memref<2x8x50xi32, #tpu.memory_space<vmem>> -> memref<1x1x50xi32, #tpu.memory_space<vmem>>
      %dma_start3A_1553 = tpu.memref_squeeze %dma_start3A_1552 : memref<1x1x50xi32, #tpu.memory_space<vmem>> -> memref<50xi32, #tpu.memory_space<vmem>>
      %dma_start3A_1554 = arith.constant 0 : i32
      %dma_start3A_1555 = arith.constant 0 : i32
      %dma_start3A_1556 = tpu.memref_slice %arg4[%dma_start3A_1554, %dma_start3A_1555] : memref<100000x128xf32, #tpu.memory_space<hbm>> -> memref<100000x128xf32, #tpu.memory_space<hbm>>
      %dma_start3A_1557 = tpu.memref_slice %arg14[%dma_start3A_1546] : memref<4x!tpu.dma_semaphore, #tpu.memory_space<semaphore_mem>> -> memref<1x!tpu.dma_semaphore, #tpu.memory_space<semaphore_mem>>
      %dma_start3A_1558 = tpu.memref_squeeze %dma_start3A_1557 : memref<1x!tpu.dma_semaphore, #tpu.memory_space<semaphore_mem>> -> memref<!tpu.dma_semaphore, #tpu.memory_space<semaphore_mem>>
      tpu.enqueue_indirect_dma source(%dma_start3A_1556 : memref<100000x128xf32, #tpu.memory_space<hbm>>) target(%dma_start3A_1550 : memref<50x128xf32, #tpu.memory_space<vmem>>) offsets(%dma_start3A_1553 : memref<50xi32, #tpu.memory_space<vmem>>) semaphore(%dma_start3A_1558 : memref<!tpu.dma_semaphore, #tpu.memory_space<semaphore_mem>>)
      %dma_start3A_1559 = arith.constant 1 : i32
      %dma_start3A_1560 = arith.constant 6 : i32
      %dma_start3A_1561 = arith.constant 2 : i32
      %dma_start3A_1562 = arith.constant 2 : i32
      %dma_start3A_1563 = arith.constant 50 : i32
      %dma_start3A_1564 = arith.constant 0 : i32
      %dma_start3A_1565 = tpu.memref_slice %arg13[%dma_start3A_1561, %dma_start3A_1563, %dma_start3A_1564] : memref<4x100x128xf32, #tpu.memory_space<vmem>> -> memref<1x50x128xf32, #tpu.memory_space<vmem>>
      %dma_start3A_1566 = tpu.memref_squeeze %dma_start3A_1565 : memref<1x50x128xf32, #tpu.memory_space<vmem>> -> memref<50x128xf32, #tpu.memory_space<vmem>>
      %dma_start3A_1567 = arith.constant 0 : i32
      %dma_start3A_1568 = tpu.memref_slice %arg10[%dma_start3A_1559, %dma_start3A_1560, %dma_start3A_1567] : memref<2x8x50xi32, #tpu.memory_space<vmem>> -> memref<1x1x50xi32, #tpu.memory_space<vmem>>
      %dma_start3A_1569 = tpu.memref_squeeze %dma_start3A_1568 : memref<1x1x50xi32, #tpu.memory_space<vmem>> -> memref<50xi32, #tpu.memory_space<vmem>>
      %dma_start3A_1570 = arith.constant 0 : i32
      %dma_start3A_1571 = arith.constant 0 : i32
      %dma_start3A_1572 = tpu.memref_slice %arg5[%dma_start3A_1570, %dma_start3A_1571] : memref<100000x128xf32, #tpu.memory_space<hbm>> -> memref<100000x128xf32, #tpu.memory_space<hbm>>
      %dma_start3A_1573 = tpu.memref_slice %arg14[%dma_start3A_1562] : memref<4x!tpu.dma_semaphore, #tpu.memory_space<semaphore_mem>> -> memref<1x!tpu.dma_semaphore, #tpu.memory_space<semaphore_mem>>
      %dma_start3A_1574 = tpu.memref_squeeze %dma_start3A_1573 : memref<1x!tpu.dma_semaphore, #tpu.memory_space<semaphore_mem>> -> memref<!tpu.dma_semaphore, #tpu.memory_space<semaphore_mem>>
      tpu.enqueue_indirect_dma source(%dma_start3A_1572 : memref<100000x128xf32, #tpu.memory_space<hbm>>) target(%dma_start3A_1566 : memref<50x128xf32, #tpu.memory_space<vmem>>) offsets(%dma_start3A_1569 : memref<50xi32, #tpu.memory_space<vmem>>) semaphore(%dma_start3A_1574 : memref<!tpu.dma_semaphore, #tpu.memory_space<semaphore_mem>>)
      %mul3A_1575 = arith.constant 8 : i32
      %mul3A_1576 = arith.muli %add3A_999, %mul3A_1575 : i32
      %add3A_1577 = arith.addi %mul3A_2, %mul3A_1576 : i32
      %add3A_1578 = arith.constant 5 : i32
      %add3A_1579 = arith.addi %add3A_1577, %add3A_1578 : i32
      %dma_wait3A_1580 = arith.constant 1 : i32
      %dma_wait3A_1581 = arith.constant 5 : i32
      %dma_wait3A_1582 = arith.constant 1 : i32
      %dma_wait3A_1583 = arith.constant 1 : i32
      %dma_wait3A_1584 = arith.constant 0 : i32
      %dma_wait3A_1585 = arith.constant 0 : i32
      %dma_wait3A_1586 = tpu.memref_slice %arg13[%dma_wait3A_1582, %dma_wait3A_1584, %dma_wait3A_1585] : memref<4x100x128xf32, #tpu.memory_space<vmem>> -> memref<1x50x128xf32, #tpu.memory_space<vmem>>
      %dma_wait3A_1587 = tpu.memref_squeeze %dma_wait3A_1586 : memref<1x50x128xf32, #tpu.memory_space<vmem>> -> memref<50x128xf32, #tpu.memory_space<vmem>>
      %dma_wait3A_1588 = arith.constant 0 : i32
      %dma_wait3A_1589 = tpu.memref_slice %arg9[%dma_wait3A_1580, %dma_wait3A_1581, %dma_wait3A_1588] : memref<2x8x50xi32, #tpu.memory_space<vmem>> -> memref<1x1x50xi32, #tpu.memory_space<vmem>>
      %dma_wait3A_1590 = tpu.memref_squeeze %dma_wait3A_1589 : memref<1x1x50xi32, #tpu.memory_space<vmem>> -> memref<50xi32, #tpu.memory_space<vmem>>
      %dma_wait3A_1591 = arith.constant 0 : i32
      %dma_wait3A_1592 = arith.constant 0 : i32
      %dma_wait3A_1593 = tpu.memref_slice %arg4[%dma_wait3A_1591, %dma_wait3A_1592] : memref<100000x128xf32, #tpu.memory_space<hbm>> -> memref<100000x128xf32, #tpu.memory_space<hbm>>
      %dma_wait3A_1594 = tpu.memref_slice %arg14[%dma_wait3A_1583] : memref<4x!tpu.dma_semaphore, #tpu.memory_space<semaphore_mem>> -> memref<1x!tpu.dma_semaphore, #tpu.memory_space<semaphore_mem>>
      %dma_wait3A_1595 = tpu.memref_squeeze %dma_wait3A_1594 : memref<1x!tpu.dma_semaphore, #tpu.memory_space<semaphore_mem>> -> memref<!tpu.dma_semaphore, #tpu.memory_space<semaphore_mem>>
      tpu.wait_indirect_dma semaphore(%dma_wait3A_1595 : memref<!tpu.dma_semaphore, #tpu.memory_space<semaphore_mem>>) src(%dma_wait3A_1593 : memref<100000x128xf32, #tpu.memory_space<hbm>>) dst(%dma_wait3A_1587 : memref<50x128xf32, #tpu.memory_space<vmem>>)
      %dma_wait3A_1596 = arith.constant 1 : i32
      %dma_wait3A_1597 = arith.constant 5 : i32
      %dma_wait3A_1598 = arith.constant 1 : i32
      %dma_wait3A_1599 = arith.constant 1 : i32
      %dma_wait3A_1600 = arith.constant 50 : i32
      %dma_wait3A_1601 = arith.constant 0 : i32
      %dma_wait3A_1602 = tpu.memref_slice %arg13[%dma_wait3A_1598, %dma_wait3A_1600, %dma_wait3A_1601] : memref<4x100x128xf32, #tpu.memory_space<vmem>> -> memref<1x50x128xf32, #tpu.memory_space<vmem>>
      %dma_wait3A_1603 = tpu.memref_squeeze %dma_wait3A_1602 : memref<1x50x128xf32, #tpu.memory_space<vmem>> -> memref<50x128xf32, #tpu.memory_space<vmem>>
      %dma_wait3A_1604 = arith.constant 0 : i32
      %dma_wait3A_1605 = tpu.memref_slice %arg10[%dma_wait3A_1596, %dma_wait3A_1597, %dma_wait3A_1604] : memref<2x8x50xi32, #tpu.memory_space<vmem>> -> memref<1x1x50xi32, #tpu.memory_space<vmem>>
      %dma_wait3A_1606 = tpu.memref_squeeze %dma_wait3A_1605 : memref<1x1x50xi32, #tpu.memory_space<vmem>> -> memref<50xi32, #tpu.memory_space<vmem>>
      %dma_wait3A_1607 = arith.constant 0 : i32
      %dma_wait3A_1608 = arith.constant 0 : i32
      %dma_wait3A_1609 = tpu.memref_slice %arg5[%dma_wait3A_1607, %dma_wait3A_1608] : memref<100000x128xf32, #tpu.memory_space<hbm>> -> memref<100000x128xf32, #tpu.memory_space<hbm>>
      %dma_wait3A_1610 = tpu.memref_slice %arg14[%dma_wait3A_1599] : memref<4x!tpu.dma_semaphore, #tpu.memory_space<semaphore_mem>> -> memref<1x!tpu.dma_semaphore, #tpu.memory_space<semaphore_mem>>
      %dma_wait3A_1611 = tpu.memref_squeeze %dma_wait3A_1610 : memref<1x!tpu.dma_semaphore, #tpu.memory_space<semaphore_mem>> -> memref<!tpu.dma_semaphore, #tpu.memory_space<semaphore_mem>>
      tpu.wait_indirect_dma semaphore(%dma_wait3A_1611 : memref<!tpu.dma_semaphore, #tpu.memory_space<semaphore_mem>>) src(%dma_wait3A_1609 : memref<100000x128xf32, #tpu.memory_space<hbm>>) dst(%dma_wait3A_1603 : memref<50x128xf32, #tpu.memory_space<vmem>>)
      %scan3A_1612 = arith.constant 0 : i32
      %scan3A_1613 = arith.constant 0 : i32
      %scan3A_1614 = arith.constant 50 : i32
      %scan3A_1615 = arith.addi %scan3A_1613, %scan3A_1614 : i32
      %scan3A_1616 = arith.constant 1 : i32
      %scan3A_1617 = scf.for %scan3A_1876 = %scan3A_1613 to %scan3A_1615 step %scan3A_1616 iter_args(%scan3A_1877 = %scan3A_1612) -> (i32)  : i32 {
        %add3A_1878 = arith.constant 50 : i32
        %add3A_1879 = arith.addi %add3A_1878, %scan3A_1876 : i32
        %get3A = arith.index_cast %add3A_1879 : i32 to index
        %get3A_1880 = arith.constant 0 : index
        %get3A_1881 = tpu.vector_load %arg11[%get3A, %get3A_1880] {strides = array<i32>} : memref<200x34xf32, #tpu.memory_space<vmem>>, vector<1x16xf32>,
        %get3A_1882 = vector.shape_cast %get3A_1881 : vector<1x16xf32> to vector<16xf32>
        %swap3A = arith.constant 1 : i32
        %swap3A_1883 = arith.index_cast %swap3A : i32 to index
        %swap3A_1884 = arith.index_cast %scan3A_1876 : i32 to index
        %swap3A_1885 = arith.constant 94 : index
        %swap3A_1886 = tpu.vector_load %arg13[%swap3A_1883, %swap3A_1884, %swap3A_1885] {strides = array<i32>} : memref<4x100x128xf32, #tpu.memory_space<vmem>>, vector<1x1x16xf32>,
        %swap3A_1887 = vector.shape_cast %swap3A_1886 : vector<1x1x16xf32> to vector<16xf32>
        %swap3A_1888 = vector.shape_cast %get3A_1882 : vector<16xf32> to vector<1x1x16xf32>
        tpu.vector_store %arg13[%swap3A_1883, %swap3A_1884, %swap3A_1885], %swap3A_1888 {strides = array<i32>} : memref<4x100x128xf32, #tpu.memory_space<vmem>>, vector<1x1x16xf32>,
        %get3A_1889 = arith.index_cast %add3A_1879 : i32 to index
        %get3A_1890 = arith.constant 16 : index
        %get3A_1891 = tpu.vector_load %arg11[%get3A_1889, %get3A_1890] {strides = array<i32>} : memref<200x34xf32, #tpu.memory_space<vmem>>, vector<1x16xf32>,
        %get3A_1892 = vector.shape_cast %get3A_1891 : vector<1x16xf32> to vector<16xf32>
        %swap3A_1893 = arith.constant 1 : i32
        %swap3A_1894 = arith.index_cast %swap3A_1893 : i32 to index
        %swap3A_1895 = arith.index_cast %scan3A_1876 : i32 to index
        %swap3A_1896 = arith.constant 110 : index
        %swap3A_1897 = tpu.vector_load %arg13[%swap3A_1894, %swap3A_1895, %swap3A_1896] {strides = array<i32>} : memref<4x100x128xf32, #tpu.memory_space<vmem>>, vector<1x1x16xf32>,
        %swap3A_1898 = vector.shape_cast %swap3A_1897 : vector<1x1x16xf32> to vector<16xf32>
        %swap3A_1899 = vector.shape_cast %get3A_1892 : vector<16xf32> to vector<1x1x16xf32>
        tpu.vector_store %arg13[%swap3A_1894, %swap3A_1895, %swap3A_1896], %swap3A_1899 {strides = array<i32>} : memref<4x100x128xf32, #tpu.memory_space<vmem>>, vector<1x1x16xf32>,
        %get3A_1900 = arith.index_cast %add3A_1879 : i32 to index
        %get3A_1901 = arith.constant 18 : index
        %get3A_1902 = tpu.vector_load %arg11[%get3A_1900, %get3A_1901] {strides = array<i32>} : memref<200x34xf32, #tpu.memory_space<vmem>>, vector<1x16xf32>,
        %get3A_1903 = vector.shape_cast %get3A_1902 : vector<1x16xf32> to vector<16xf32>
        %swap3A_1904 = arith.constant 1 : i32
        %swap3A_1905 = arith.index_cast %swap3A_1904 : i32 to index
        %swap3A_1906 = arith.index_cast %scan3A_1876 : i32 to index
        %swap3A_1907 = arith.constant 112 : index
        %swap3A_1908 = tpu.vector_load %arg13[%swap3A_1905, %swap3A_1906, %swap3A_1907] {strides = array<i32>} : memref<4x100x128xf32, #tpu.memory_space<vmem>>, vector<1x1x16xf32>,
        %swap3A_1909 = vector.shape_cast %swap3A_1908 : vector<1x1x16xf32> to vector<16xf32>
        %swap3A_1910 = vector.shape_cast %get3A_1903 : vector<16xf32> to vector<1x1x16xf32>
        tpu.vector_store %arg13[%swap3A_1905, %swap3A_1906, %swap3A_1907], %swap3A_1910 {strides = array<i32>} : memref<4x100x128xf32, #tpu.memory_space<vmem>>, vector<1x1x16xf32>,
        %get3A_1911 = arith.index_cast %add3A_1879 : i32 to index
        %get3A_1912 = arith.constant 0 : index
        %get3A_1913 = tpu.vector_load %arg12[%get3A_1911, %get3A_1912] {strides = array<i32>} : memref<200x16xf32, #tpu.memory_space<vmem>>, vector<1x16xf32>,
        %get3A_1914 = vector.shape_cast %get3A_1913 : vector<1x16xf32> to vector<16xf32>
        %add3A_1915 = arith.constant 50 : i32
        %add3A_1916 = arith.addi %add3A_1915, %scan3A_1876 : i32
        %swap3A_1917 = arith.constant 1 : i32
        %swap3A_1918 = arith.index_cast %swap3A_1917 : i32 to index
        %swap3A_1919 = arith.index_cast %add3A_1916 : i32 to index
        %swap3A_1920 = arith.constant 112 : index
        %swap3A_1921 = tpu.vector_load %arg13[%swap3A_1918, %swap3A_1919, %swap3A_1920] {strides = array<i32>} : memref<4x100x128xf32, #tpu.memory_space<vmem>>, vector<1x1x16xf32>,
        %swap3A_1922 = vector.shape_cast %swap3A_1921 : vector<1x1x16xf32> to vector<16xf32>
        %swap3A_1923 = vector.shape_cast %get3A_1914 : vector<16xf32> to vector<1x1x16xf32>
        tpu.vector_store %arg13[%swap3A_1918, %swap3A_1919, %swap3A_1920], %swap3A_1923 {strides = array<i32>} : memref<4x100x128xf32, #tpu.memory_space<vmem>>, vector<1x1x16xf32>,
        %scan3A_1924 = arith.constant 0 : i32
        scf.yield %scan3A_1924 : i32
      }
      %scan3A_1618 = arith.constant 50 : i32
      %dma_start3A_1619 = arith.constant 1 : i32
      %dma_start3A_1620 = arith.constant 1 : i32
      %dma_start3A_1621 = arith.constant 0 : i32
      %dma_start3A_1622 = arith.constant 0 : i32
      %dma_start3A_1623 = tpu.memref_slice %arg13[%dma_start3A_1619, %dma_start3A_1621, %dma_start3A_1622] : memref<4x100x128xf32, #tpu.memory_space<vmem>> -> memref<1x100x128xf32, #tpu.memory_space<vmem>>
      %dma_start3A_1624 = tpu.memref_squeeze %dma_start3A_1623 : memref<1x100x128xf32, #tpu.memory_space<vmem>> -> memref<100x128xf32, #tpu.memory_space<vmem>>
      %dma_start3A_1625 = arith.constant 0 : i32
      %dma_start3A_1626 = arith.constant 0 : i32
      %dma_start3A_1627 = tpu.memref_slice %arg8[%add3A_1579, %dma_start3A_1625, %dma_start3A_1626] : memref<4096x100x128xf32, #tpu.memory_space<hbm>> -> memref<1x100x128xf32, #tpu.memory_space<hbm>>
      %dma_start3A_1628 = tpu.memref_squeeze %dma_start3A_1627 : memref<1x100x128xf32, #tpu.memory_space<hbm>> -> memref<100x128xf32, #tpu.memory_space<hbm>>
      %dma_start3A_1629 = tpu.memref_slice %arg15[%dma_start3A_1620] : memref<4x!tpu.dma_semaphore, #tpu.memory_space<semaphore_mem>> -> memref<1x!tpu.dma_semaphore, #tpu.memory_space<semaphore_mem>>
      %dma_start3A_1630 = tpu.memref_squeeze %dma_start3A_1629 : memref<1x!tpu.dma_semaphore, #tpu.memory_space<semaphore_mem>> -> memref<!tpu.dma_semaphore, #tpu.memory_space<semaphore_mem>>
      %dma_start3A_1631 = arith.constant 0 : i32
      %dma_start3A_1632 = arith.constant 0 : i32
      %dma_start3A_1633 = tpu.memref_slice %arg8[%add3A_1579, %dma_start3A_1631, %dma_start3A_1632] : memref<4096x100x128xf32, #tpu.memory_space<hbm>> -> memref<1x100x128xf32, #tpu.memory_space<hbm>>
      %dma_start3A_1634 = tpu.memref_squeeze %dma_start3A_1633 : memref<1x100x128xf32, #tpu.memory_space<hbm>> -> memref<100x128xf32, #tpu.memory_space<hbm>>
      %dma_start3A_1635 = arith.constant 0 : i32
      %dma_start3A_1636 = arith.constant 0 : i32
      %dma_start3A_1637 = tpu.memref_slice %arg13[%dma_start3A_1619, %dma_start3A_1635, %dma_start3A_1636] : memref<4x100x128xf32, #tpu.memory_space<vmem>> -> memref<1x100x128xf32, #tpu.memory_space<vmem>>
      %dma_start3A_1638 = tpu.memref_squeeze %dma_start3A_1637 : memref<1x100x128xf32, #tpu.memory_space<vmem>> -> memref<100x128xf32, #tpu.memory_space<vmem>>
      tpu.enqueue_dma source(%dma_start3A_1638 : memref<100x128xf32, #tpu.memory_space<vmem>>) target(%dma_start3A_1634 : memref<100x128xf32, #tpu.memory_space<hbm>>) target_semaphore(%dma_start3A_1630 : memref<!tpu.dma_semaphore, #tpu.memory_space<semaphore_mem>>)
      %sub3A_1639 = arith.constant 2 : i32
      %sub3A_1640 = arith.subi %add3A_1579, %sub3A_1639 : i32
      %dma_wait3A_1641 = arith.constant 3 : i32
      %dma_wait3A_1642 = arith.constant 3 : i32
      %dma_wait3A_1643 = arith.constant 0 : i32
      %dma_wait3A_1644 = arith.constant 0 : i32
      %dma_wait3A_1645 = tpu.memref_slice %arg13[%dma_wait3A_1641, %dma_wait3A_1643, %dma_wait3A_1644] : memref<4x100x128xf32, #tpu.memory_space<vmem>> -> memref<1x100x128xf32, #tpu.memory_space<vmem>>
      %dma_wait3A_1646 = tpu.memref_squeeze %dma_wait3A_1645 : memref<1x100x128xf32, #tpu.memory_space<vmem>> -> memref<100x128xf32, #tpu.memory_space<vmem>>
      %dma_wait3A_1647 = arith.constant 0 : i32
      %dma_wait3A_1648 = arith.constant 0 : i32
      %dma_wait3A_1649 = tpu.memref_slice %arg8[%sub3A_1640, %dma_wait3A_1647, %dma_wait3A_1648] : memref<4096x100x128xf32, #tpu.memory_space<hbm>> -> memref<1x100x128xf32, #tpu.memory_space<hbm>>
      %dma_wait3A_1650 = tpu.memref_squeeze %dma_wait3A_1649 : memref<1x100x128xf32, #tpu.memory_space<hbm>> -> memref<100x128xf32, #tpu.memory_space<hbm>>
      %dma_wait3A_1651 = tpu.memref_slice %arg15[%dma_wait3A_1642] : memref<4x!tpu.dma_semaphore, #tpu.memory_space<semaphore_mem>> -> memref<1x!tpu.dma_semaphore, #tpu.memory_space<semaphore_mem>>
      %dma_wait3A_1652 = tpu.memref_squeeze %dma_wait3A_1651 : memref<1x!tpu.dma_semaphore, #tpu.memory_space<semaphore_mem>> -> memref<!tpu.dma_semaphore, #tpu.memory_space<semaphore_mem>>
      %dma_wait3A_1653 = arith.constant 0 : i32
      %dma_wait3A_1654 = arith.constant 0 : i32
      %dma_wait3A_1655 = tpu.memref_slice %arg8[%sub3A_1640, %dma_wait3A_1653, %dma_wait3A_1654] : memref<4096x100x128xf32, #tpu.memory_space<hbm>> -> memref<1x100x128xf32, #tpu.memory_space<hbm>>
      %dma_wait3A_1656 = tpu.memref_squeeze %dma_wait3A_1655 : memref<1x100x128xf32, #tpu.memory_space<hbm>> -> memref<100x128xf32, #tpu.memory_space<hbm>>
      %dma_wait3A_1657 = arith.constant 0 : i32
      %dma_wait3A_1658 = arith.constant 0 : i32
      %dma_wait3A_1659 = tpu.memref_slice %arg13[%dma_wait3A_1641, %dma_wait3A_1657, %dma_wait3A_1658] : memref<4x100x128xf32, #tpu.memory_space<vmem>> -> memref<1x100x128xf32, #tpu.memory_space<vmem>>
      %dma_wait3A_1660 = tpu.memref_squeeze %dma_wait3A_1659 : memref<1x100x128xf32, #tpu.memory_space<vmem>> -> memref<100x128xf32, #tpu.memory_space<vmem>>
      tpu.wait_dma2 semaphore(%dma_wait3A_1652 : memref<!tpu.dma_semaphore, #tpu.memory_space<semaphore_mem>>) src(%dma_wait3A_1660 : memref<100x128xf32, #tpu.memory_space<vmem>>) dst(%dma_wait3A_1656 : memref<100x128xf32, #tpu.memory_space<hbm>>)
      %dma_start3A_1661 = arith.constant 1 : i32
      %dma_start3A_1662 = arith.constant 7 : i32
      %dma_start3A_1663 = arith.constant 3 : i32
      %dma_start3A_1664 = arith.constant 3 : i32
      %dma_start3A_1665 = arith.constant 0 : i32
      %dma_start3A_1666 = arith.constant 0 : i32
      %dma_start3A_1667 = tpu.memref_slice %arg13[%dma_start3A_1663, %dma_start3A_1665, %dma_start3A_1666] : memref<4x100x128xf32, #tpu.memory_space<vmem>> -> memref<1x50x128xf32, #tpu.memory_space<vmem>>
      %dma_start3A_1668 = tpu.memref_squeeze %dma_start3A_1667 : memref<1x50x128xf32, #tpu.memory_space<vmem>> -> memref<50x128xf32, #tpu.memory_space<vmem>>
      %dma_start3A_1669 = arith.constant 0 : i32
      %dma_start3A_1670 = tpu.memref_slice %arg9[%dma_start3A_1661, %dma_start3A_1662, %dma_start3A_1669] : memref<2x8x50xi32, #tpu.memory_space<vmem>> -> memref<1x1x50xi32, #tpu.memory_space<vmem>>
      %dma_start3A_1671 = tpu.memref_squeeze %dma_start3A_1670 : memref<1x1x50xi32, #tpu.memory_space<vmem>> -> memref<50xi32, #tpu.memory_space<vmem>>
      %dma_start3A_1672 = arith.constant 0 : i32
      %dma_start3A_1673 = arith.constant 0 : i32
      %dma_start3A_1674 = tpu.memref_slice %arg4[%dma_start3A_1672, %dma_start3A_1673] : memref<100000x128xf32, #tpu.memory_space<hbm>> -> memref<100000x128xf32, #tpu.memory_space<hbm>>
      %dma_start3A_1675 = tpu.memref_slice %arg14[%dma_start3A_1664] : memref<4x!tpu.dma_semaphore, #tpu.memory_space<semaphore_mem>> -> memref<1x!tpu.dma_semaphore, #tpu.memory_space<semaphore_mem>>
      %dma_start3A_1676 = tpu.memref_squeeze %dma_start3A_1675 : memref<1x!tpu.dma_semaphore, #tpu.memory_space<semaphore_mem>> -> memref<!tpu.dma_semaphore, #tpu.memory_space<semaphore_mem>>
      tpu.enqueue_indirect_dma source(%dma_start3A_1674 : memref<100000x128xf32, #tpu.memory_space<hbm>>) target(%dma_start3A_1668 : memref<50x128xf32, #tpu.memory_space<vmem>>) offsets(%dma_start3A_1671 : memref<50xi32, #tpu.memory_space<vmem>>) semaphore(%dma_start3A_1676 : memref<!tpu.dma_semaphore, #tpu.memory_space<semaphore_mem>>)
      %dma_start3A_1677 = arith.constant 1 : i32
      %dma_start3A_1678 = arith.constant 7 : i32
      %dma_start3A_1679 = arith.constant 3 : i32
      %dma_start3A_1680 = arith.constant 3 : i32
      %dma_start3A_1681 = arith.constant 50 : i32
      %dma_start3A_1682 = arith.constant 0 : i32
      %dma_start3A_1683 = tpu.memref_slice %arg13[%dma_start3A_1679, %dma_start3A_1681, %dma_start3A_1682] : memref<4x100x128xf32, #tpu.memory_space<vmem>> -> memref<1x50x128xf32, #tpu.memory_space<vmem>>
      %dma_start3A_1684 = tpu.memref_squeeze %dma_start3A_1683 : memref<1x50x128xf32, #tpu.memory_space<vmem>> -> memref<50x128xf32, #tpu.memory_space<vmem>>
      %dma_start3A_1685 = arith.constant 0 : i32
      %dma_start3A_1686 = tpu.memref_slice %arg10[%dma_start3A_1677, %dma_start3A_1678, %dma_start3A_1685] : memref<2x8x50xi32, #tpu.memory_space<vmem>> -> memref<1x1x50xi32, #tpu.memory_space<vmem>>
      %dma_start3A_1687 = tpu.memref_squeeze %dma_start3A_1686 : memref<1x1x50xi32, #tpu.memory_space<vmem>> -> memref<50xi32, #tpu.memory_space<vmem>>
      %dma_start3A_1688 = arith.constant 0 : i32
      %dma_start3A_1689 = arith.constant 0 : i32
      %dma_start3A_1690 = tpu.memref_slice %arg5[%dma_start3A_1688, %dma_start3A_1689] : memref<100000x128xf32, #tpu.memory_space<hbm>> -> memref<100000x128xf32, #tpu.memory_space<hbm>>
      %dma_start3A_1691 = tpu.memref_slice %arg14[%dma_start3A_1680] : memref<4x!tpu.dma_semaphore, #tpu.memory_space<semaphore_mem>> -> memref<1x!tpu.dma_semaphore, #tpu.memory_space<semaphore_mem>>
      %dma_start3A_1692 = tpu.memref_squeeze %dma_start3A_1691 : memref<1x!tpu.dma_semaphore, #tpu.memory_space<semaphore_mem>> -> memref<!tpu.dma_semaphore, #tpu.memory_space<semaphore_mem>>
      tpu.enqueue_indirect_dma source(%dma_start3A_1690 : memref<100000x128xf32, #tpu.memory_space<hbm>>) target(%dma_start3A_1684 : memref<50x128xf32, #tpu.memory_space<vmem>>) offsets(%dma_start3A_1687 : memref<50xi32, #tpu.memory_space<vmem>>) semaphore(%dma_start3A_1692 : memref<!tpu.dma_semaphore, #tpu.memory_space<semaphore_mem>>)
      %mul3A_1693 = arith.constant 8 : i32
      %mul3A_1694 = arith.muli %add3A_999, %mul3A_1693 : i32
      %add3A_1695 = arith.addi %mul3A_2, %mul3A_1694 : i32
      %add3A_1696 = arith.constant 6 : i32
      %add3A_1697 = arith.addi %add3A_1695, %add3A_1696 : i32
      %dma_wait3A_1698 = arith.constant 1 : i32
      %dma_wait3A_1699 = arith.constant 6 : i32
      %dma_wait3A_1700 = arith.constant 2 : i32
      %dma_wait3A_1701 = arith.constant 2 : i32
      %dma_wait3A_1702 = arith.constant 0 : i32
      %dma_wait3A_1703 = arith.constant 0 : i32
      %dma_wait3A_1704 = tpu.memref_slice %arg13[%dma_wait3A_1700, %dma_wait3A_1702, %dma_wait3A_1703] : memref<4x100x128xf32, #tpu.memory_space<vmem>> -> memref<1x50x128xf32, #tpu.memory_space<vmem>>
      %dma_wait3A_1705 = tpu.memref_squeeze %dma_wait3A_1704 : memref<1x50x128xf32, #tpu.memory_space<vmem>> -> memref<50x128xf32, #tpu.memory_space<vmem>>
      %dma_wait3A_1706 = arith.constant 0 : i32
      %dma_wait3A_1707 = tpu.memref_slice %arg9[%dma_wait3A_1698, %dma_wait3A_1699, %dma_wait3A_1706] : memref<2x8x50xi32, #tpu.memory_space<vmem>> -> memref<1x1x50xi32, #tpu.memory_space<vmem>>
      %dma_wait3A_1708 = tpu.memref_squeeze %dma_wait3A_1707 : memref<1x1x50xi32, #tpu.memory_space<vmem>> -> memref<50xi32, #tpu.memory_space<vmem>>
      %dma_wait3A_1709 = arith.constant 0 : i32
      %dma_wait3A_1710 = arith.constant 0 : i32
      %dma_wait3A_1711 = tpu.memref_slice %arg4[%dma_wait3A_1709, %dma_wait3A_1710] : memref<100000x128xf32, #tpu.memory_space<hbm>> -> memref<100000x128xf32, #tpu.memory_space<hbm>>
      %dma_wait3A_1712 = tpu.memref_slice %arg14[%dma_wait3A_1701] : memref<4x!tpu.dma_semaphore, #tpu.memory_space<semaphore_mem>> -> memref<1x!tpu.dma_semaphore, #tpu.memory_space<semaphore_mem>>
      %dma_wait3A_1713 = tpu.memref_squeeze %dma_wait3A_1712 : memref<1x!tpu.dma_semaphore, #tpu.memory_space<semaphore_mem>> -> memref<!tpu.dma_semaphore, #tpu.memory_space<semaphore_mem>>
      tpu.wait_indirect_dma semaphore(%dma_wait3A_1713 : memref<!tpu.dma_semaphore, #tpu.memory_space<semaphore_mem>>) src(%dma_wait3A_1711 : memref<100000x128xf32, #tpu.memory_space<hbm>>) dst(%dma_wait3A_1705 : memref<50x128xf32, #tpu.memory_space<vmem>>)
      %dma_wait3A_1714 = arith.constant 1 : i32
      %dma_wait3A_1715 = arith.constant 6 : i32
      %dma_wait3A_1716 = arith.constant 2 : i32
      %dma_wait3A_1717 = arith.constant 2 : i32
      %dma_wait3A_1718 = arith.constant 50 : i32
      %dma_wait3A_1719 = arith.constant 0 : i32
      %dma_wait3A_1720 = tpu.memref_slice %arg13[%dma_wait3A_1716, %dma_wait3A_1718, %dma_wait3A_1719] : memref<4x100x128xf32, #tpu.memory_space<vmem>> -> memref<1x50x128xf32, #tpu.memory_space<vmem>>
      %dma_wait3A_1721 = tpu.memref_squeeze %dma_wait3A_1720 : memref<1x50x128xf32, #tpu.memory_space<vmem>> -> memref<50x128xf32, #tpu.memory_space<vmem>>
      %dma_wait3A_1722 = arith.constant 0 : i32
      %dma_wait3A_1723 = tpu.memref_slice %arg10[%dma_wait3A_1714, %dma_wait3A_1715, %dma_wait3A_1722] : memref<2x8x50xi32, #tpu.memory_space<vmem>> -> memref<1x1x50xi32, #tpu.memory_space<vmem>>
      %dma_wait3A_1724 = tpu.memref_squeeze %dma_wait3A_1723 : memref<1x1x50xi32, #tpu.memory_space<vmem>> -> memref<50xi32, #tpu.memory_space<vmem>>
      %dma_wait3A_1725 = arith.constant 0 : i32
      %dma_wait3A_1726 = arith.constant 0 : i32
      %dma_wait3A_1727 = tpu.memref_slice %arg5[%dma_wait3A_1725, %dma_wait3A_1726] : memref<100000x128xf32, #tpu.memory_space<hbm>> -> memref<100000x128xf32, #tpu.memory_space<hbm>>
      %dma_wait3A_1728 = tpu.memref_slice %arg14[%dma_wait3A_1717] : memref<4x!tpu.dma_semaphore, #tpu.memory_space<semaphore_mem>> -> memref<1x!tpu.dma_semaphore, #tpu.memory_space<semaphore_mem>>
      %dma_wait3A_1729 = tpu.memref_squeeze %dma_wait3A_1728 : memref<1x!tpu.dma_semaphore, #tpu.memory_space<semaphore_mem>> -> memref<!tpu.dma_semaphore, #tpu.memory_space<semaphore_mem>>
      tpu.wait_indirect_dma semaphore(%dma_wait3A_1729 : memref<!tpu.dma_semaphore, #tpu.memory_space<semaphore_mem>>) src(%dma_wait3A_1727 : memref<100000x128xf32, #tpu.memory_space<hbm>>) dst(%dma_wait3A_1721 : memref<50x128xf32, #tpu.memory_space<vmem>>)
      %scan3A_1730 = arith.constant 0 : i32
      %scan3A_1731 = arith.constant 0 : i32
      %scan3A_1732 = arith.constant 50 : i32
      %scan3A_1733 = arith.addi %scan3A_1731, %scan3A_1732 : i32
      %scan3A_1734 = arith.constant 1 : i32
      %scan3A_1735 = scf.for %scan3A_1876 = %scan3A_1731 to %scan3A_1733 step %scan3A_1734 iter_args(%scan3A_1877 = %scan3A_1730) -> (i32)  : i32 {
        %add3A_1878 = arith.constant 100 : i32
        %add3A_1879 = arith.addi %add3A_1878, %scan3A_1876 : i32
        %get3A = arith.index_cast %add3A_1879 : i32 to index
        %get3A_1880 = arith.constant 0 : index
        %get3A_1881 = tpu.vector_load %arg11[%get3A, %get3A_1880] {strides = array<i32>} : memref<200x34xf32, #tpu.memory_space<vmem>>, vector<1x16xf32>,
        %get3A_1882 = vector.shape_cast %get3A_1881 : vector<1x16xf32> to vector<16xf32>
        %swap3A = arith.constant 2 : i32
        %swap3A_1883 = arith.index_cast %swap3A : i32 to index
        %swap3A_1884 = arith.index_cast %scan3A_1876 : i32 to index
        %swap3A_1885 = arith.constant 94 : index
        %swap3A_1886 = tpu.vector_load %arg13[%swap3A_1883, %swap3A_1884, %swap3A_1885] {strides = array<i32>} : memref<4x100x128xf32, #tpu.memory_space<vmem>>, vector<1x1x16xf32>,
        %swap3A_1887 = vector.shape_cast %swap3A_1886 : vector<1x1x16xf32> to vector<16xf32>
        %swap3A_1888 = vector.shape_cast %get3A_1882 : vector<16xf32> to vector<1x1x16xf32>
        tpu.vector_store %arg13[%swap3A_1883, %swap3A_1884, %swap3A_1885], %swap3A_1888 {strides = array<i32>} : memref<4x100x128xf32, #tpu.memory_space<vmem>>, vector<1x1x16xf32>,
        %get3A_1889 = arith.index_cast %add3A_1879 : i32 to index
        %get3A_1890 = arith.constant 16 : index
        %get3A_1891 = tpu.vector_load %arg11[%get3A_1889, %get3A_1890] {strides = array<i32>} : memref<200x34xf32, #tpu.memory_space<vmem>>, vector<1x16xf32>,
        %get3A_1892 = vector.shape_cast %get3A_1891 : vector<1x16xf32> to vector<16xf32>
        %swap3A_1893 = arith.constant 2 : i32
        %swap3A_1894 = arith.index_cast %swap3A_1893 : i32 to index
        %swap3A_1895 = arith.index_cast %scan3A_1876 : i32 to index
        %swap3A_1896 = arith.constant 110 : index
        %swap3A_1897 = tpu.vector_load %arg13[%swap3A_1894, %swap3A_1895, %swap3A_1896] {strides = array<i32>} : memref<4x100x128xf32, #tpu.memory_space<vmem>>, vector<1x1x16xf32>,
        %swap3A_1898 = vector.shape_cast %swap3A_1897 : vector<1x1x16xf32> to vector<16xf32>
        %swap3A_1899 = vector.shape_cast %get3A_1892 : vector<16xf32> to vector<1x1x16xf32>
        tpu.vector_store %arg13[%swap3A_1894, %swap3A_1895, %swap3A_1896], %swap3A_1899 {strides = array<i32>} : memref<4x100x128xf32, #tpu.memory_space<vmem>>, vector<1x1x16xf32>,
        %get3A_1900 = arith.index_cast %add3A_1879 : i32 to index
        %get3A_1901 = arith.constant 18 : index
        %get3A_1902 = tpu.vector_load %arg11[%get3A_1900, %get3A_1901] {strides = array<i32>} : memref<200x34xf32, #tpu.memory_space<vmem>>, vector<1x16xf32>,
        %get3A_1903 = vector.shape_cast %get3A_1902 : vector<1x16xf32> to vector<16xf32>
        %swap3A_1904 = arith.constant 2 : i32
        %swap3A_1905 = arith.index_cast %swap3A_1904 : i32 to index
        %swap3A_1906 = arith.index_cast %scan3A_1876 : i32 to index
        %swap3A_1907 = arith.constant 112 : index
        %swap3A_1908 = tpu.vector_load %arg13[%swap3A_1905, %swap3A_1906, %swap3A_1907] {strides = array<i32>} : memref<4x100x128xf32, #tpu.memory_space<vmem>>, vector<1x1x16xf32>,
        %swap3A_1909 = vector.shape_cast %swap3A_1908 : vector<1x1x16xf32> to vector<16xf32>
        %swap3A_1910 = vector.shape_cast %get3A_1903 : vector<16xf32> to vector<1x1x16xf32>
        tpu.vector_store %arg13[%swap3A_1905, %swap3A_1906, %swap3A_1907], %swap3A_1910 {strides = array<i32>} : memref<4x100x128xf32, #tpu.memory_space<vmem>>, vector<1x1x16xf32>,
        %get3A_1911 = arith.index_cast %add3A_1879 : i32 to index
        %get3A_1912 = arith.constant 0 : index
        %get3A_1913 = tpu.vector_load %arg12[%get3A_1911, %get3A_1912] {strides = array<i32>} : memref<200x16xf32, #tpu.memory_space<vmem>>, vector<1x16xf32>,
        %get3A_1914 = vector.shape_cast %get3A_1913 : vector<1x16xf32> to vector<16xf32>
        %add3A_1915 = arith.constant 50 : i32
        %add3A_1916 = arith.addi %add3A_1915, %scan3A_1876 : i32
        %swap3A_1917 = arith.constant 2 : i32
        %swap3A_1918 = arith.index_cast %swap3A_1917 : i32 to index
        %swap3A_1919 = arith.index_cast %add3A_1916 : i32 to index
        %swap3A_1920 = arith.constant 112 : index
        %swap3A_1921 = tpu.vector_load %arg13[%swap3A_1918, %swap3A_1919, %swap3A_1920] {strides = array<i32>} : memref<4x100x128xf32, #tpu.memory_space<vmem>>, vector<1x1x16xf32>,
        %swap3A_1922 = vector.shape_cast %swap3A_1921 : vector<1x1x16xf32> to vector<16xf32>
        %swap3A_1923 = vector.shape_cast %get3A_1914 : vector<16xf32> to vector<1x1x16xf32>
        tpu.vector_store %arg13[%swap3A_1918, %swap3A_1919, %swap3A_1920], %swap3A_1923 {strides = array<i32>} : memref<4x100x128xf32, #tpu.memory_space<vmem>>, vector<1x1x16xf32>,
        %scan3A_1924 = arith.constant 0 : i32
        scf.yield %scan3A_1924 : i32
      }
      %scan3A_1736 = arith.constant 50 : i32
      %dma_start3A_1737 = arith.constant 2 : i32
      %dma_start3A_1738 = arith.constant 2 : i32
      %dma_start3A_1739 = arith.constant 0 : i32
      %dma_start3A_1740 = arith.constant 0 : i32
      %dma_start3A_1741 = tpu.memref_slice %arg13[%dma_start3A_1737, %dma_start3A_1739, %dma_start3A_1740] : memref<4x100x128xf32, #tpu.memory_space<vmem>> -> memref<1x100x128xf32, #tpu.memory_space<vmem>>
      %dma_start3A_1742 = tpu.memref_squeeze %dma_start3A_1741 : memref<1x100x128xf32, #tpu.memory_space<vmem>> -> memref<100x128xf32, #tpu.memory_space<vmem>>
      %dma_start3A_1743 = arith.constant 0 : i32
      %dma_start3A_1744 = arith.constant 0 : i32
      %dma_start3A_1745 = tpu.memref_slice %arg8[%add3A_1697, %dma_start3A_1743, %dma_start3A_1744] : memref<4096x100x128xf32, #tpu.memory_space<hbm>> -> memref<1x100x128xf32, #tpu.memory_space<hbm>>
      %dma_start3A_1746 = tpu.memref_squeeze %dma_start3A_1745 : memref<1x100x128xf32, #tpu.memory_space<hbm>> -> memref<100x128xf32, #tpu.memory_space<hbm>>
      %dma_start3A_1747 = tpu.memref_slice %arg15[%dma_start3A_1738] : memref<4x!tpu.dma_semaphore, #tpu.memory_space<semaphore_mem>> -> memref<1x!tpu.dma_semaphore, #tpu.memory_space<semaphore_mem>>
      %dma_start3A_1748 = tpu.memref_squeeze %dma_start3A_1747 : memref<1x!tpu.dma_semaphore, #tpu.memory_space<semaphore_mem>> -> memref<!tpu.dma_semaphore, #tpu.memory_space<semaphore_mem>>
      %dma_start3A_1749 = arith.constant 0 : i32
      %dma_start3A_1750 = arith.constant 0 : i32
      %dma_start3A_1751 = tpu.memref_slice %arg8[%add3A_1697, %dma_start3A_1749, %dma_start3A_1750] : memref<4096x100x128xf32, #tpu.memory_space<hbm>> -> memref<1x100x128xf32, #tpu.memory_space<hbm>>
      %dma_start3A_1752 = tpu.memref_squeeze %dma_start3A_1751 : memref<1x100x128xf32, #tpu.memory_space<hbm>> -> memref<100x128xf32, #tpu.memory_space<hbm>>
      %dma_start3A_1753 = arith.constant 0 : i32
      %dma_start3A_1754 = arith.constant 0 : i32
      %dma_start3A_1755 = tpu.memref_slice %arg13[%dma_start3A_1737, %dma_start3A_1753, %dma_start3A_1754] : memref<4x100x128xf32, #tpu.memory_space<vmem>> -> memref<1x100x128xf32, #tpu.memory_space<vmem>>
      %dma_start3A_1756 = tpu.memref_squeeze %dma_start3A_1755 : memref<1x100x128xf32, #tpu.memory_space<vmem>> -> memref<100x128xf32, #tpu.memory_space<vmem>>
      tpu.enqueue_dma source(%dma_start3A_1756 : memref<100x128xf32, #tpu.memory_space<vmem>>) target(%dma_start3A_1752 : memref<100x128xf32, #tpu.memory_space<hbm>>) target_semaphore(%dma_start3A_1748 : memref<!tpu.dma_semaphore, #tpu.memory_space<semaphore_mem>>)
      %sub3A_1757 = arith.constant 2 : i32
      %sub3A_1758 = arith.subi %add3A_1697, %sub3A_1757 : i32
      %dma_wait3A_1759 = arith.constant 0 : i32
      %dma_wait3A_1760 = arith.constant 0 : i32
      %dma_wait3A_1761 = arith.constant 0 : i32
      %dma_wait3A_1762 = arith.constant 0 : i32
      %dma_wait3A_1763 = tpu.memref_slice %arg13[%dma_wait3A_1759, %dma_wait3A_1761, %dma_wait3A_1762] : memref<4x100x128xf32, #tpu.memory_space<vmem>> -> memref<1x100x128xf32, #tpu.memory_space<vmem>>
      %dma_wait3A_1764 = tpu.memref_squeeze %dma_wait3A_1763 : memref<1x100x128xf32, #tpu.memory_space<vmem>> -> memref<100x128xf32, #tpu.memory_space<vmem>>
      %dma_wait3A_1765 = arith.constant 0 : i32
      %dma_wait3A_1766 = arith.constant 0 : i32
      %dma_wait3A_1767 = tpu.memref_slice %arg8[%sub3A_1758, %dma_wait3A_1765, %dma_wait3A_1766] : memref<4096x100x128xf32, #tpu.memory_space<hbm>> -> memref<1x100x128xf32, #tpu.memory_space<hbm>>
      %dma_wait3A_1768 = tpu.memref_squeeze %dma_wait3A_1767 : memref<1x100x128xf32, #tpu.memory_space<hbm>> -> memref<100x128xf32, #tpu.memory_space<hbm>>
      %dma_wait3A_1769 = tpu.memref_slice %arg15[%dma_wait3A_1760] : memref<4x!tpu.dma_semaphore, #tpu.memory_space<semaphore_mem>> -> memref<1x!tpu.dma_semaphore, #tpu.memory_space<semaphore_mem>>
      %dma_wait3A_1770 = tpu.memref_squeeze %dma_wait3A_1769 : memref<1x!tpu.dma_semaphore, #tpu.memory_space<semaphore_mem>> -> memref<!tpu.dma_semaphore, #tpu.memory_space<semaphore_mem>>
      %dma_wait3A_1771 = arith.constant 0 : i32
      %dma_wait3A_1772 = arith.constant 0 : i32
      %dma_wait3A_1773 = tpu.memref_slice %arg8[%sub3A_1758, %dma_wait3A_1771, %dma_wait3A_1772] : memref<4096x100x128xf32, #tpu.memory_space<hbm>> -> memref<1x100x128xf32, #tpu.memory_space<hbm>>
      %dma_wait3A_1774 = tpu.memref_squeeze %dma_wait3A_1773 : memref<1x100x128xf32, #tpu.memory_space<hbm>> -> memref<100x128xf32, #tpu.memory_space<hbm>>
      %dma_wait3A_1775 = arith.constant 0 : i32
      %dma_wait3A_1776 = arith.constant 0 : i32
      %dma_wait3A_1777 = tpu.memref_slice %arg13[%dma_wait3A_1759, %dma_wait3A_1775, %dma_wait3A_1776] : memref<4x100x128xf32, #tpu.memory_space<vmem>> -> memref<1x100x128xf32, #tpu.memory_space<vmem>>
      %dma_wait3A_1778 = tpu.memref_squeeze %dma_wait3A_1777 : memref<1x100x128xf32, #tpu.memory_space<vmem>> -> memref<100x128xf32, #tpu.memory_space<vmem>>
      tpu.wait_dma2 semaphore(%dma_wait3A_1770 : memref<!tpu.dma_semaphore, #tpu.memory_space<semaphore_mem>>) src(%dma_wait3A_1778 : memref<100x128xf32, #tpu.memory_space<vmem>>) dst(%dma_wait3A_1774 : memref<100x128xf32, #tpu.memory_space<hbm>>)
      %lt3A_1779 = arith.constant 15 : i32
      %lt3A_1780 = arith.cmpi slt, %add3A_999, %lt3A_1779 : i32
      %convert_element_type3A_1781 = arith.extui %lt3A_1780 : i1 to i32
      %cond3A_1782 = arith.constant 0 : i32
      %cond3A_1783 = arith.cmpi ne, %convert_element_type3A_1781, %cond3A_1782 : i32
      scf.if %cond3A_1783 {
        %dma_start3A_1876 = arith.constant 0 : i32
        %dma_start3A_1877 = arith.constant 0 : i32
        %dma_start3A_1878 = arith.constant 0 : i32
        %dma_start3A_1879 = arith.constant 0 : i32
        %dma_start3A_1880 = arith.constant 0 : i32
        %dma_start3A_1881 = arith.constant 0 : i32
        %dma_start3A_1882 = tpu.memref_slice %arg13[%dma_start3A_1878, %dma_start3A_1880, %dma_start3A_1881] : memref<4x100x128xf32, #tpu.memory_space<vmem>> -> memref<1x50x128xf32, #tpu.memory_space<vmem>>
        %dma_start3A_1883 = tpu.memref_squeeze %dma_start3A_1882 : memref<1x50x128xf32, #tpu.memory_space<vmem>> -> memref<50x128xf32, #tpu.memory_space<vmem>>
        %dma_start3A_1884 = arith.constant 0 : i32
        %dma_start3A_1885 = tpu.memref_slice %arg9[%dma_start3A_1876, %dma_start3A_1877, %dma_start3A_1884] : memref<2x8x50xi32, #tpu.memory_space<vmem>> -> memref<1x1x50xi32, #tpu.memory_space<vmem>>
        %dma_start3A_1886 = tpu.memref_squeeze %dma_start3A_1885 : memref<1x1x50xi32, #tpu.memory_space<vmem>> -> memref<50xi32, #tpu.memory_space<vmem>>
        %dma_start3A_1887 = arith.constant 0 : i32
        %dma_start3A_1888 = arith.constant 0 : i32
        %dma_start3A_1889 = tpu.memref_slice %arg4[%dma_start3A_1887, %dma_start3A_1888] : memref<100000x128xf32, #tpu.memory_space<hbm>> -> memref<100000x128xf32, #tpu.memory_space<hbm>>
        %dma_start3A_1890 = tpu.memref_slice %arg14[%dma_start3A_1879] : memref<4x!tpu.dma_semaphore, #tpu.memory_space<semaphore_mem>> -> memref<1x!tpu.dma_semaphore, #tpu.memory_space<semaphore_mem>>
        %dma_start3A_1891 = tpu.memref_squeeze %dma_start3A_1890 : memref<1x!tpu.dma_semaphore, #tpu.memory_space<semaphore_mem>> -> memref<!tpu.dma_semaphore, #tpu.memory_space<semaphore_mem>>
        tpu.enqueue_indirect_dma source(%dma_start3A_1889 : memref<100000x128xf32, #tpu.memory_space<hbm>>) target(%dma_start3A_1883 : memref<50x128xf32, #tpu.memory_space<vmem>>) offsets(%dma_start3A_1886 : memref<50xi32, #tpu.memory_space<vmem>>) semaphore(%dma_start3A_1891 : memref<!tpu.dma_semaphore, #tpu.memory_space<semaphore_mem>>)
        %dma_start3A_1892 = arith.constant 0 : i32
        %dma_start3A_1893 = arith.constant 0 : i32
        %dma_start3A_1894 = arith.constant 0 : i32
        %dma_start3A_1895 = arith.constant 0 : i32
        %dma_start3A_1896 = arith.constant 50 : i32
        %dma_start3A_1897 = arith.constant 0 : i32
        %dma_start3A_1898 = tpu.memref_slice %arg13[%dma_start3A_1894, %dma_start3A_1896, %dma_start3A_1897] : memref<4x100x128xf32, #tpu.memory_space<vmem>> -> memref<1x50x128xf32, #tpu.memory_space<vmem>>
        %dma_start3A_1899 = tpu.memref_squeeze %dma_start3A_1898 : memref<1x50x128xf32, #tpu.memory_space<vmem>> -> memref<50x128xf32, #tpu.memory_space<vmem>>
        %dma_start3A_1900 = arith.constant 0 : i32
        %dma_start3A_1901 = tpu.memref_slice %arg10[%dma_start3A_1892, %dma_start3A_1893, %dma_start3A_1900] : memref<2x8x50xi32, #tpu.memory_space<vmem>> -> memref<1x1x50xi32, #tpu.memory_space<vmem>>
        %dma_start3A_1902 = tpu.memref_squeeze %dma_start3A_1901 : memref<1x1x50xi32, #tpu.memory_space<vmem>> -> memref<50xi32, #tpu.memory_space<vmem>>
        %dma_start3A_1903 = arith.constant 0 : i32
        %dma_start3A_1904 = arith.constant 0 : i32
        %dma_start3A_1905 = tpu.memref_slice %arg5[%dma_start3A_1903, %dma_start3A_1904] : memref<100000x128xf32, #tpu.memory_space<hbm>> -> memref<100000x128xf32, #tpu.memory_space<hbm>>
        %dma_start3A_1906 = tpu.memref_slice %arg14[%dma_start3A_1895] : memref<4x!tpu.dma_semaphore, #tpu.memory_space<semaphore_mem>> -> memref<1x!tpu.dma_semaphore, #tpu.memory_space<semaphore_mem>>
        %dma_start3A_1907 = tpu.memref_squeeze %dma_start3A_1906 : memref<1x!tpu.dma_semaphore, #tpu.memory_space<semaphore_mem>> -> memref<!tpu.dma_semaphore, #tpu.memory_space<semaphore_mem>>
        tpu.enqueue_indirect_dma source(%dma_start3A_1905 : memref<100000x128xf32, #tpu.memory_space<hbm>>) target(%dma_start3A_1899 : memref<50x128xf32, #tpu.memory_space<vmem>>) offsets(%dma_start3A_1902 : memref<50xi32, #tpu.memory_space<vmem>>) semaphore(%dma_start3A_1907 : memref<!tpu.dma_semaphore, #tpu.memory_space<semaphore_mem>>)
      } else {
      }
      %mul3A_1784 = arith.constant 8 : i32
      %mul3A_1785 = arith.muli %add3A_999, %mul3A_1784 : i32
      %add3A_1786 = arith.addi %mul3A_2, %mul3A_1785 : i32
      %add3A_1787 = arith.constant 7 : i32
      %add3A_1788 = arith.addi %add3A_1786, %add3A_1787 : i32
      %dma_wait3A_1789 = arith.constant 1 : i32
      %dma_wait3A_1790 = arith.constant 7 : i32
      %dma_wait3A_1791 = arith.constant 3 : i32
      %dma_wait3A_1792 = arith.constant 3 : i32
      %dma_wait3A_1793 = arith.constant 0 : i32
      %dma_wait3A_1794 = arith.constant 0 : i32
      %dma_wait3A_1795 = tpu.memref_slice %arg13[%dma_wait3A_1791, %dma_wait3A_1793, %dma_wait3A_1794] : memref<4x100x128xf32, #tpu.memory_space<vmem>> -> memref<1x50x128xf32, #tpu.memory_space<vmem>>
      %dma_wait3A_1796 = tpu.memref_squeeze %dma_wait3A_1795 : memref<1x50x128xf32, #tpu.memory_space<vmem>> -> memref<50x128xf32, #tpu.memory_space<vmem>>
      %dma_wait3A_1797 = arith.constant 0 : i32
      %dma_wait3A_1798 = tpu.memref_slice %arg9[%dma_wait3A_1789, %dma_wait3A_1790, %dma_wait3A_1797] : memref<2x8x50xi32, #tpu.memory_space<vmem>> -> memref<1x1x50xi32, #tpu.memory_space<vmem>>
      %dma_wait3A_1799 = tpu.memref_squeeze %dma_wait3A_1798 : memref<1x1x50xi32, #tpu.memory_space<vmem>> -> memref<50xi32, #tpu.memory_space<vmem>>
      %dma_wait3A_1800 = arith.constant 0 : i32
      %dma_wait3A_1801 = arith.constant 0 : i32
      %dma_wait3A_1802 = tpu.memref_slice %arg4[%dma_wait3A_1800, %dma_wait3A_1801] : memref<100000x128xf32, #tpu.memory_space<hbm>> -> memref<100000x128xf32, #tpu.memory_space<hbm>>
      %dma_wait3A_1803 = tpu.memref_slice %arg14[%dma_wait3A_1792] : memref<4x!tpu.dma_semaphore, #tpu.memory_space<semaphore_mem>> -> memref<1x!tpu.dma_semaphore, #tpu.memory_space<semaphore_mem>>
      %dma_wait3A_1804 = tpu.memref_squeeze %dma_wait3A_1803 : memref<1x!tpu.dma_semaphore, #tpu.memory_space<semaphore_mem>> -> memref<!tpu.dma_semaphore, #tpu.memory_space<semaphore_mem>>
      tpu.wait_indirect_dma semaphore(%dma_wait3A_1804 : memref<!tpu.dma_semaphore, #tpu.memory_space<semaphore_mem>>) src(%dma_wait3A_1802 : memref<100000x128xf32, #tpu.memory_space<hbm>>) dst(%dma_wait3A_1796 : memref<50x128xf32, #tpu.memory_space<vmem>>)
      %dma_wait3A_1805 = arith.constant 1 : i32
      %dma_wait3A_1806 = arith.constant 7 : i32
      %dma_wait3A_1807 = arith.constant 3 : i32
      %dma_wait3A_1808 = arith.constant 3 : i32
      %dma_wait3A_1809 = arith.constant 50 : i32
      %dma_wait3A_1810 = arith.constant 0 : i32
      %dma_wait3A_1811 = tpu.memref_slice %arg13[%dma_wait3A_1807, %dma_wait3A_1809, %dma_wait3A_1810] : memref<4x100x128xf32, #tpu.memory_space<vmem>> -> memref<1x50x128xf32, #tpu.memory_space<vmem>>
      %dma_wait3A_1812 = tpu.memref_squeeze %dma_wait3A_1811 : memref<1x50x128xf32, #tpu.memory_space<vmem>> -> memref<50x128xf32, #tpu.memory_space<vmem>>
      %dma_wait3A_1813 = arith.constant 0 : i32
      %dma_wait3A_1814 = tpu.memref_slice %arg10[%dma_wait3A_1805, %dma_wait3A_1806, %dma_wait3A_1813] : memref<2x8x50xi32, #tpu.memory_space<vmem>> -> memref<1x1x50xi32, #tpu.memory_space<vmem>>
      %dma_wait3A_1815 = tpu.memref_squeeze %dma_wait3A_1814 : memref<1x1x50xi32, #tpu.memory_space<vmem>> -> memref<50xi32, #tpu.memory_space<vmem>>
      %dma_wait3A_1816 = arith.constant 0 : i32
      %dma_wait3A_1817 = arith.constant 0 : i32
      %dma_wait3A_1818 = tpu.memref_slice %arg5[%dma_wait3A_1816, %dma_wait3A_1817] : memref<100000x128xf32, #tpu.memory_space<hbm>> -> memref<100000x128xf32, #tpu.memory_space<hbm>>
      %dma_wait3A_1819 = tpu.memref_slice %arg14[%dma_wait3A_1808] : memref<4x!tpu.dma_semaphore, #tpu.memory_space<semaphore_mem>> -> memref<1x!tpu.dma_semaphore, #tpu.memory_space<semaphore_mem>>
      %dma_wait3A_1820 = tpu.memref_squeeze %dma_wait3A_1819 : memref<1x!tpu.dma_semaphore, #tpu.memory_space<semaphore_mem>> -> memref<!tpu.dma_semaphore, #tpu.memory_space<semaphore_mem>>
      tpu.wait_indirect_dma semaphore(%dma_wait3A_1820 : memref<!tpu.dma_semaphore, #tpu.memory_space<semaphore_mem>>) src(%dma_wait3A_1818 : memref<100000x128xf32, #tpu.memory_space<hbm>>) dst(%dma_wait3A_1812 : memref<50x128xf32, #tpu.memory_space<vmem>>)
      %scan3A_1821 = arith.constant 0 : i32
      %scan3A_1822 = arith.constant 0 : i32
      %scan3A_1823 = arith.constant 50 : i32
      %scan3A_1824 = arith.addi %scan3A_1822, %scan3A_1823 : i32
      %scan3A_1825 = arith.constant 1 : i32
      %scan3A_1826 = scf.for %scan3A_1876 = %scan3A_1822 to %scan3A_1824 step %scan3A_1825 iter_args(%scan3A_1877 = %scan3A_1821) -> (i32)  : i32 {
        %add3A_1878 = arith.constant 150 : i32
        %add3A_1879 = arith.addi %add3A_1878, %scan3A_1876 : i32
        %get3A = arith.index_cast %add3A_1879 : i32 to index
        %get3A_1880 = arith.constant 0 : index
        %get3A_1881 = tpu.vector_load %arg11[%get3A, %get3A_1880] {strides = array<i32>} : memref<200x34xf32, #tpu.memory_space<vmem>>, vector<1x16xf32>,
        %get3A_1882 = vector.shape_cast %get3A_1881 : vector<1x16xf32> to vector<16xf32>
        %swap3A = arith.constant 3 : i32
        %swap3A_1883 = arith.index_cast %swap3A : i32 to index
        %swap3A_1884 = arith.index_cast %scan3A_1876 : i32 to index
        %swap3A_1885 = arith.constant 94 : index
        %swap3A_1886 = tpu.vector_load %arg13[%swap3A_1883, %swap3A_1884, %swap3A_1885] {strides = array<i32>} : memref<4x100x128xf32, #tpu.memory_space<vmem>>, vector<1x1x16xf32>,
        %swap3A_1887 = vector.shape_cast %swap3A_1886 : vector<1x1x16xf32> to vector<16xf32>
        %swap3A_1888 = vector.shape_cast %get3A_1882 : vector<16xf32> to vector<1x1x16xf32>
        tpu.vector_store %arg13[%swap3A_1883, %swap3A_1884, %swap3A_1885], %swap3A_1888 {strides = array<i32>} : memref<4x100x128xf32, #tpu.memory_space<vmem>>, vector<1x1x16xf32>,
        %get3A_1889 = arith.index_cast %add3A_1879 : i32 to index
        %get3A_1890 = arith.constant 16 : index
        %get3A_1891 = tpu.vector_load %arg11[%get3A_1889, %get3A_1890] {strides = array<i32>} : memref<200x34xf32, #tpu.memory_space<vmem>>, vector<1x16xf32>,
        %get3A_1892 = vector.shape_cast %get3A_1891 : vector<1x16xf32> to vector<16xf32>
        %swap3A_1893 = arith.constant 3 : i32
        %swap3A_1894 = arith.index_cast %swap3A_1893 : i32 to index
        %swap3A_1895 = arith.index_cast %scan3A_1876 : i32 to index
        %swap3A_1896 = arith.constant 110 : index
        %swap3A_1897 = tpu.vector_load %arg13[%swap3A_1894, %swap3A_1895, %swap3A_1896] {strides = array<i32>} : memref<4x100x128xf32, #tpu.memory_space<vmem>>, vector<1x1x16xf32>,
        %swap3A_1898 = vector.shape_cast %swap3A_1897 : vector<1x1x16xf32> to vector<16xf32>
        %swap3A_1899 = vector.shape_cast %get3A_1892 : vector<16xf32> to vector<1x1x16xf32>
        tpu.vector_store %arg13[%swap3A_1894, %swap3A_1895, %swap3A_1896], %swap3A_1899 {strides = array<i32>} : memref<4x100x128xf32, #tpu.memory_space<vmem>>, vector<1x1x16xf32>,
        %get3A_1900 = arith.index_cast %add3A_1879 : i32 to index
        %get3A_1901 = arith.constant 18 : index
        %get3A_1902 = tpu.vector_load %arg11[%get3A_1900, %get3A_1901] {strides = array<i32>} : memref<200x34xf32, #tpu.memory_space<vmem>>, vector<1x16xf32>,
        %get3A_1903 = vector.shape_cast %get3A_1902 : vector<1x16xf32> to vector<16xf32>
        %swap3A_1904 = arith.constant 3 : i32
        %swap3A_1905 = arith.index_cast %swap3A_1904 : i32 to index
        %swap3A_1906 = arith.index_cast %scan3A_1876 : i32 to index
        %swap3A_1907 = arith.constant 112 : index
        %swap3A_1908 = tpu.vector_load %arg13[%swap3A_1905, %swap3A_1906, %swap3A_1907] {strides = array<i32>} : memref<4x100x128xf32, #tpu.memory_space<vmem>>, vector<1x1x16xf32>,
        %swap3A_1909 = vector.shape_cast %swap3A_1908 : vector<1x1x16xf32> to vector<16xf32>
        %swap3A_1910 = vector.shape_cast %get3A_1903 : vector<16xf32> to vector<1x1x16xf32>
        tpu.vector_store %arg13[%swap3A_1905, %swap3A_1906, %swap3A_1907], %swap3A_1910 {strides = array<i32>} : memref<4x100x128xf32, #tpu.memory_space<vmem>>, vector<1x1x16xf32>,
        %get3A_1911 = arith.index_cast %add3A_1879 : i32 to index
        %get3A_1912 = arith.constant 0 : index
        %get3A_1913 = tpu.vector_load %arg12[%get3A_1911, %get3A_1912] {strides = array<i32>} : memref<200x16xf32, #tpu.memory_space<vmem>>, vector<1x16xf32>,
        %get3A_1914 = vector.shape_cast %get3A_1913 : vector<1x16xf32> to vector<16xf32>
        %add3A_1915 = arith.constant 50 : i32
        %add3A_1916 = arith.addi %add3A_1915, %scan3A_1876 : i32
        %swap3A_1917 = arith.constant 3 : i32
        %swap3A_1918 = arith.index_cast %swap3A_1917 : i32 to index
        %swap3A_1919 = arith.index_cast %add3A_1916 : i32 to index
        %swap3A_1920 = arith.constant 112 : index
        %swap3A_1921 = tpu.vector_load %arg13[%swap3A_1918, %swap3A_1919, %swap3A_1920] {strides = array<i32>} : memref<4x100x128xf32, #tpu.memory_space<vmem>>, vector<1x1x16xf32>,
        %swap3A_1922 = vector.shape_cast %swap3A_1921 : vector<1x1x16xf32> to vector<16xf32>
        %swap3A_1923 = vector.shape_cast %get3A_1914 : vector<16xf32> to vector<1x1x16xf32>
        tpu.vector_store %arg13[%swap3A_1918, %swap3A_1919, %swap3A_1920], %swap3A_1923 {strides = array<i32>} : memref<4x100x128xf32, #tpu.memory_space<vmem>>, vector<1x1x16xf32>,
        %scan3A_1924 = arith.constant 0 : i32
        scf.yield %scan3A_1924 : i32
      }
      %scan3A_1827 = arith.constant 50 : i32
      %dma_start3A_1828 = arith.constant 3 : i32
      %dma_start3A_1829 = arith.constant 3 : i32
      %dma_start3A_1830 = arith.constant 0 : i32
      %dma_start3A_1831 = arith.constant 0 : i32
      %dma_start3A_1832 = tpu.memref_slice %arg13[%dma_start3A_1828, %dma_start3A_1830, %dma_start3A_1831] : memref<4x100x128xf32, #tpu.memory_space<vmem>> -> memref<1x100x128xf32, #tpu.memory_space<vmem>>
      %dma_start3A_1833 = tpu.memref_squeeze %dma_start3A_1832 : memref<1x100x128xf32, #tpu.memory_space<vmem>> -> memref<100x128xf32, #tpu.memory_space<vmem>>
      %dma_start3A_1834 = arith.constant 0 : i32
      %dma_start3A_1835 = arith.constant 0 : i32
      %dma_start3A_1836 = tpu.memref_slice %arg8[%add3A_1788, %dma_start3A_1834, %dma_start3A_1835] : memref<4096x100x128xf32, #tpu.memory_space<hbm>> -> memref<1x100x128xf32, #tpu.memory_space<hbm>>
      %dma_start3A_1837 = tpu.memref_squeeze %dma_start3A_1836 : memref<1x100x128xf32, #tpu.memory_space<hbm>> -> memref<100x128xf32, #tpu.memory_space<hbm>>
      %dma_start3A_1838 = tpu.memref_slice %arg15[%dma_start3A_1829] : memref<4x!tpu.dma_semaphore, #tpu.memory_space<semaphore_mem>> -> memref<1x!tpu.dma_semaphore, #tpu.memory_space<semaphore_mem>>
      %dma_start3A_1839 = tpu.memref_squeeze %dma_start3A_1838 : memref<1x!tpu.dma_semaphore, #tpu.memory_space<semaphore_mem>> -> memref<!tpu.dma_semaphore, #tpu.memory_space<semaphore_mem>>
      %dma_start3A_1840 = arith.constant 0 : i32
      %dma_start3A_1841 = arith.constant 0 : i32
      %dma_start3A_1842 = tpu.memref_slice %arg8[%add3A_1788, %dma_start3A_1840, %dma_start3A_1841] : memref<4096x100x128xf32, #tpu.memory_space<hbm>> -> memref<1x100x128xf32, #tpu.memory_space<hbm>>
      %dma_start3A_1843 = tpu.memref_squeeze %dma_start3A_1842 : memref<1x100x128xf32, #tpu.memory_space<hbm>> -> memref<100x128xf32, #tpu.memory_space<hbm>>
      %dma_start3A_1844 = arith.constant 0 : i32
      %dma_start3A_1845 = arith.constant 0 : i32
      %dma_start3A_1846 = tpu.memref_slice %arg13[%dma_start3A_1828, %dma_start3A_1844, %dma_start3A_1845] : memref<4x100x128xf32, #tpu.memory_space<vmem>> -> memref<1x100x128xf32, #tpu.memory_space<vmem>>
      %dma_start3A_1847 = tpu.memref_squeeze %dma_start3A_1846 : memref<1x100x128xf32, #tpu.memory_space<vmem>> -> memref<100x128xf32, #tpu.memory_space<vmem>>
      tpu.enqueue_dma source(%dma_start3A_1847 : memref<100x128xf32, #tpu.memory_space<vmem>>) target(%dma_start3A_1843 : memref<100x128xf32, #tpu.memory_space<hbm>>) target_semaphore(%dma_start3A_1839 : memref<!tpu.dma_semaphore, #tpu.memory_space<semaphore_mem>>)
      %sub3A_1848 = arith.constant 2 : i32
      %sub3A_1849 = arith.subi %add3A_1788, %sub3A_1848 : i32
      %dma_wait3A_1850 = arith.constant 1 : i32
      %dma_wait3A_1851 = arith.constant 1 : i32
      %dma_wait3A_1852 = arith.constant 0 : i32
      %dma_wait3A_1853 = arith.constant 0 : i32
      %dma_wait3A_1854 = tpu.memref_slice %arg13[%dma_wait3A_1850, %dma_wait3A_1852, %dma_wait3A_1853] : memref<4x100x128xf32, #tpu.memory_space<vmem>> -> memref<1x100x128xf32, #tpu.memory_space<vmem>>
      %dma_wait3A_1855 = tpu.memref_squeeze %dma_wait3A_1854 : memref<1x100x128xf32, #tpu.memory_space<vmem>> -> memref<100x128xf32, #tpu.memory_space<vmem>>
      %dma_wait3A_1856 = arith.constant 0 : i32
      %dma_wait3A_1857 = arith.constant 0 : i32
      %dma_wait3A_1858 = tpu.memref_slice %arg8[%sub3A_1849, %dma_wait3A_1856, %dma_wait3A_1857] : memref<4096x100x128xf32, #tpu.memory_space<hbm>> -> memref<1x100x128xf32, #tpu.memory_space<hbm>>
      %dma_wait3A_1859 = tpu.memref_squeeze %dma_wait3A_1858 : memref<1x100x128xf32, #tpu.memory_space<hbm>> -> memref<100x128xf32, #tpu.memory_space<hbm>>
      %dma_wait3A_1860 = tpu.memref_slice %arg15[%dma_wait3A_1851] : memref<4x!tpu.dma_semaphore, #tpu.memory_space<semaphore_mem>> -> memref<1x!tpu.dma_semaphore, #tpu.memory_space<semaphore_mem>>
      %dma_wait3A_1861 = tpu.memref_squeeze %dma_wait3A_1860 : memref<1x!tpu.dma_semaphore, #tpu.memory_space<semaphore_mem>> -> memref<!tpu.dma_semaphore, #tpu.memory_space<semaphore_mem>>
      %dma_wait3A_1862 = arith.constant 0 : i32
      %dma_wait3A_1863 = arith.constant 0 : i32
      %dma_wait3A_1864 = tpu.memref_slice %arg8[%sub3A_1849, %dma_wait3A_1862, %dma_wait3A_1863] : memref<4096x100x128xf32, #tpu.memory_space<hbm>> -> memref<1x100x128xf32, #tpu.memory_space<hbm>>
      %dma_wait3A_1865 = tpu.memref_squeeze %dma_wait3A_1864 : memref<1x100x128xf32, #tpu.memory_space<hbm>> -> memref<100x128xf32, #tpu.memory_space<hbm>>
      %dma_wait3A_1866 = arith.constant 0 : i32
      %dma_wait3A_1867 = arith.constant 0 : i32
      %dma_wait3A_1868 = tpu.memref_slice %arg13[%dma_wait3A_1850, %dma_wait3A_1866, %dma_wait3A_1867] : memref<4x100x128xf32, #tpu.memory_space<vmem>> -> memref<1x100x128xf32, #tpu.memory_space<vmem>>
      %dma_wait3A_1869 = tpu.memref_squeeze %dma_wait3A_1868 : memref<1x100x128xf32, #tpu.memory_space<vmem>> -> memref<100x128xf32, #tpu.memory_space<vmem>>
      tpu.wait_dma2 semaphore(%dma_wait3A_1861 : memref<!tpu.dma_semaphore, #tpu.memory_space<semaphore_mem>>) src(%dma_wait3A_1869 : memref<100x128xf32, #tpu.memory_space<vmem>>) dst(%dma_wait3A_1865 : memref<100x128xf32, #tpu.memory_space<hbm>>)
      %lt3A_1870 = arith.constant 15 : i32
      %lt3A_1871 = arith.cmpi slt, %add3A_999, %lt3A_1870 : i32
      %convert_element_type3A_1872 = arith.extui %lt3A_1871 : i1 to i32
      %cond3A_1873 = arith.constant 0 : i32
      %cond3A_1874 = arith.cmpi ne, %convert_element_type3A_1872, %cond3A_1873 : i32
      scf.if %cond3A_1874 {
        %dma_start3A_1876 = arith.constant 0 : i32
        %dma_start3A_1877 = arith.constant 1 : i32
        %dma_start3A_1878 = arith.constant 1 : i32
        %dma_start3A_1879 = arith.constant 1 : i32
        %dma_start3A_1880 = arith.constant 0 : i32
        %dma_start3A_1881 = arith.constant 0 : i32
        %dma_start3A_1882 = tpu.memref_slice %arg13[%dma_start3A_1878, %dma_start3A_1880, %dma_start3A_1881] : memref<4x100x128xf32, #tpu.memory_space<vmem>> -> memref<1x50x128xf32, #tpu.memory_space<vmem>>
        %dma_start3A_1883 = tpu.memref_squeeze %dma_start3A_1882 : memref<1x50x128xf32, #tpu.memory_space<vmem>> -> memref<50x128xf32, #tpu.memory_space<vmem>>
        %dma_start3A_1884 = arith.constant 0 : i32
        %dma_start3A_1885 = tpu.memref_slice %arg9[%dma_start3A_1876, %dma_start3A_1877, %dma_start3A_1884] : memref<2x8x50xi32, #tpu.memory_space<vmem>> -> memref<1x1x50xi32, #tpu.memory_space<vmem>>
        %dma_start3A_1886 = tpu.memref_squeeze %dma_start3A_1885 : memref<1x1x50xi32, #tpu.memory_space<vmem>> -> memref<50xi32, #tpu.memory_space<vmem>>
        %dma_start3A_1887 = arith.constant 0 : i32
        %dma_start3A_1888 = arith.constant 0 : i32
        %dma_start3A_1889 = tpu.memref_slice %arg4[%dma_start3A_1887, %dma_start3A_1888] : memref<100000x128xf32, #tpu.memory_space<hbm>> -> memref<100000x128xf32, #tpu.memory_space<hbm>>
        %dma_start3A_1890 = tpu.memref_slice %arg14[%dma_start3A_1879] : memref<4x!tpu.dma_semaphore, #tpu.memory_space<semaphore_mem>> -> memref<1x!tpu.dma_semaphore, #tpu.memory_space<semaphore_mem>>
        %dma_start3A_1891 = tpu.memref_squeeze %dma_start3A_1890 : memref<1x!tpu.dma_semaphore, #tpu.memory_space<semaphore_mem>> -> memref<!tpu.dma_semaphore, #tpu.memory_space<semaphore_mem>>
        tpu.enqueue_indirect_dma source(%dma_start3A_1889 : memref<100000x128xf32, #tpu.memory_space<hbm>>) target(%dma_start3A_1883 : memref<50x128xf32, #tpu.memory_space<vmem>>) offsets(%dma_start3A_1886 : memref<50xi32, #tpu.memory_space<vmem>>) semaphore(%dma_start3A_1891 : memref<!tpu.dma_semaphore, #tpu.memory_space<semaphore_mem>>)
        %dma_start3A_1892 = arith.constant 0 : i32
        %dma_start3A_1893 = arith.constant 1 : i32
        %dma_start3A_1894 = arith.constant 1 : i32
        %dma_start3A_1895 = arith.constant 1 : i32
        %dma_start3A_1896 = arith.constant 50 : i32
        %dma_start3A_1897 = arith.constant 0 : i32
        %dma_start3A_1898 = tpu.memref_slice %arg13[%dma_start3A_1894, %dma_start3A_1896, %dma_start3A_1897] : memref<4x100x128xf32, #tpu.memory_space<vmem>> -> memref<1x50x128xf32, #tpu.memory_space<vmem>>
        %dma_start3A_1899 = tpu.memref_squeeze %dma_start3A_1898 : memref<1x50x128xf32, #tpu.memory_space<vmem>> -> memref<50x128xf32, #tpu.memory_space<vmem>>
        %dma_start3A_1900 = arith.constant 0 : i32
        %dma_start3A_1901 = tpu.memref_slice %arg10[%dma_start3A_1892, %dma_start3A_1893, %dma_start3A_1900] : memref<2x8x50xi32, #tpu.memory_space<vmem>> -> memref<1x1x50xi32, #tpu.memory_space<vmem>>
        %dma_start3A_1902 = tpu.memref_squeeze %dma_start3A_1901 : memref<1x1x50xi32, #tpu.memory_space<vmem>> -> memref<50xi32, #tpu.memory_space<vmem>>
        %dma_start3A_1903 = arith.constant 0 : i32
        %dma_start3A_1904 = arith.constant 0 : i32
        %dma_start3A_1905 = tpu.memref_slice %arg5[%dma_start3A_1903, %dma_start3A_1904] : memref<100000x128xf32, #tpu.memory_space<hbm>> -> memref<100000x128xf32, #tpu.memory_space<hbm>>
        %dma_start3A_1906 = tpu.memref_slice %arg14[%dma_start3A_1895] : memref<4x!tpu.dma_semaphore, #tpu.memory_space<semaphore_mem>> -> memref<1x!tpu.dma_semaphore, #tpu.memory_space<semaphore_mem>>
        %dma_start3A_1907 = tpu.memref_squeeze %dma_start3A_1906 : memref<1x!tpu.dma_semaphore, #tpu.memory_space<semaphore_mem>> -> memref<!tpu.dma_semaphore, #tpu.memory_space<semaphore_mem>>
        tpu.enqueue_indirect_dma source(%dma_start3A_1905 : memref<100000x128xf32, #tpu.memory_space<hbm>>) target(%dma_start3A_1899 : memref<50x128xf32, #tpu.memory_space<vmem>>) offsets(%dma_start3A_1902 : memref<50xi32, #tpu.memory_space<vmem>>) semaphore(%dma_start3A_1907 : memref<!tpu.dma_semaphore, #tpu.memory_space<semaphore_mem>>)
      } else {
      }
      %scan3A_1875 = arith.constant 0 : i32
      scf.yield %scan3A_1875 : i32
    }
    %scan3A_74 = arith.constant 8 : i32
    %add3A_75 = arith.constant 128 : i32
    %add3A_76 = arith.addi %mul3A_2, %add3A_75 : i32
    %sub3A = arith.constant 2 : i32
    %sub3A_77 = arith.subi %add3A_76, %sub3A : i32
    %dma_wait3A = arith.constant 2 : i32
    %dma_wait3A_78 = arith.constant 2 : i32
    %dma_wait3A_79 = arith.constant 0 : i32
    %dma_wait3A_80 = arith.constant 0 : i32
    %dma_wait3A_81 = tpu.memref_slice %arg13[%dma_wait3A, %dma_wait3A_79, %dma_wait3A_80] : memref<4x100x128xf32, #tpu.memory_space<vmem>> -> memref<1x100x128xf32, #tpu.memory_space<vmem>>
    %dma_wait3A_82 = tpu.memref_squeeze %dma_wait3A_81 : memref<1x100x128xf32, #tpu.memory_space<vmem>> -> memref<100x128xf32, #tpu.memory_space<vmem>>
    %dma_wait3A_83 = arith.constant 0 : i32
    %dma_wait3A_84 = arith.constant 0 : i32
    %dma_wait3A_85 = tpu.memref_slice %arg8[%sub3A_77, %dma_wait3A_83, %dma_wait3A_84] : memref<4096x100x128xf32, #tpu.memory_space<hbm>> -> memref<1x100x128xf32, #tpu.memory_space<hbm>>
    %dma_wait3A_86 = tpu.memref_squeeze %dma_wait3A_85 : memref<1x100x128xf32, #tpu.memory_space<hbm>> -> memref<100x128xf32, #tpu.memory_space<hbm>>
    %dma_wait3A_87 = tpu.memref_slice %arg15[%dma_wait3A_78] : memref<4x!tpu.dma_semaphore, #tpu.memory_space<semaphore_mem>> -> memref<1x!tpu.dma_semaphore, #tpu.memory_space<semaphore_mem>>
    %dma_wait3A_88 = tpu.memref_squeeze %dma_wait3A_87 : memref<1x!tpu.dma_semaphore, #tpu.memory_space<semaphore_mem>> -> memref<!tpu.dma_semaphore, #tpu.memory_space<semaphore_mem>>
    %dma_wait3A_89 = arith.constant 0 : i32
    %dma_wait3A_90 = arith.constant 0 : i32
    %dma_wait3A_91 = tpu.memref_slice %arg8[%sub3A_77, %dma_wait3A_89, %dma_wait3A_90] : memref<4096x100x128xf32, #tpu.memory_space<hbm>> -> memref<1x100x128xf32, #tpu.memory_space<hbm>>
    %dma_wait3A_92 = tpu.memref_squeeze %dma_wait3A_91 : memref<1x100x128xf32, #tpu.memory_space<hbm>> -> memref<100x128xf32, #tpu.memory_space<hbm>>
    %dma_wait3A_93 = arith.constant 0 : i32
    %dma_wait3A_94 = arith.constant 0 : i32
    %dma_wait3A_95 = tpu.memref_slice %arg13[%dma_wait3A, %dma_wait3A_93, %dma_wait3A_94] : memref<4x100x128xf32, #tpu.memory_space<vmem>> -> memref<1x100x128xf32, #tpu.memory_space<vmem>>
    %dma_wait3A_96 = tpu.memref_squeeze %dma_wait3A_95 : memref<1x100x128xf32, #tpu.memory_space<vmem>> -> memref<100x128xf32, #tpu.memory_space<vmem>>
    tpu.wait_dma2 semaphore(%dma_wait3A_88 : memref<!tpu.dma_semaphore, #tpu.memory_space<semaphore_mem>>) src(%dma_wait3A_96 : memref<100x128xf32, #tpu.memory_space<vmem>>) dst(%dma_wait3A_92 : memref<100x128xf32, #tpu.memory_space<hbm>>)
    %add3A_97 = arith.constant 128 : i32
    %add3A_98 = arith.addi %mul3A_2, %add3A_97 : i32
    %sub3A_99 = arith.constant 1 : i32
    %sub3A_100 = arith.subi %add3A_98, %sub3A_99 : i32
    %dma_wait3A_101 = arith.constant 3 : i32
    %dma_wait3A_102 = arith.constant 3 : i32
    %dma_wait3A_103 = arith.constant 0 : i32
    %dma_wait3A_104 = arith.constant 0 : i32
    %dma_wait3A_105 = tpu.memref_slice %arg13[%dma_wait3A_101, %dma_wait3A_103, %dma_wait3A_104] : memref<4x100x128xf32, #tpu.memory_space<vmem>> -> memref<1x100x128xf32, #tpu.memory_space<vmem>>
    %dma_wait3A_106 = tpu.memref_squeeze %dma_wait3A_105 : memref<1x100x128xf32, #tpu.memory_space<vmem>> -> memref<100x128xf32, #tpu.memory_space<vmem>>
    %dma_wait3A_107 = arith.constant 0 : i32
    %dma_wait3A_108 = arith.constant 0 : i32
    %dma_wait3A_109 = tpu.memref_slice %arg8[%sub3A_100, %dma_wait3A_107, %dma_wait3A_108] : memref<4096x100x128xf32, #tpu.memory_space<hbm>> -> memref<1x100x128xf32, #tpu.memory_space<hbm>>
    %dma_wait3A_110 = tpu.memref_squeeze %dma_wait3A_109 : memref<1x100x128xf32, #tpu.memory_space<hbm>> -> memref<100x128xf32, #tpu.memory_space<hbm>>
    %dma_wait3A_111 = tpu.memref_slice %arg15[%dma_wait3A_102] : memref<4x!tpu.dma_semaphore, #tpu.memory_space<semaphore_mem>> -> memref<1x!tpu.dma_semaphore, #tpu.memory_space<semaphore_mem>>
    %dma_wait3A_112 = tpu.memref_squeeze %dma_wait3A_111 : memref<1x!tpu.dma_semaphore, #tpu.memory_space<semaphore_mem>> -> memref<!tpu.dma_semaphore, #tpu.memory_space<semaphore_mem>>
    %dma_wait3A_113 = arith.constant 0 : i32
    %dma_wait3A_114 = arith.constant 0 : i32
    %dma_wait3A_115 = tpu.memref_slice %arg8[%sub3A_100, %dma_wait3A_113, %dma_wait3A_114] : memref<4096x100x128xf32, #tpu.memory_space<hbm>> -> memref<1x100x128xf32, #tpu.memory_space<hbm>>
    %dma_wait3A_116 = tpu.memref_squeeze %dma_wait3A_115 : memref<1x100x128xf32, #tpu.memory_space<hbm>> -> memref<100x128xf32, #tpu.memory_space<hbm>>
    %dma_wait3A_117 = arith.constant 0 : i32
    %dma_wait3A_118 = arith.constant 0 : i32
    %dma_wait3A_119 = tpu.memref_slice %arg13[%dma_wait3A_101, %dma_wait3A_117, %dma_wait3A_118] : memref<4x100x128xf32, #tpu.memory_space<vmem>> -> memref<1x100x128xf32, #tpu.memory_space<vmem>>
    %dma_wait3A_120 = tpu.memref_squeeze %dma_wait3A_119 : memref<1x100x128xf32, #tpu.memory_space<vmem>> -> memref<100x128xf32, #tpu.memory_space<vmem>>
    tpu.wait_dma2 semaphore(%dma_wait3A_112 : memref<!tpu.dma_semaphore, #tpu.memory_space<semaphore_mem>>) src(%dma_wait3A_120 : memref<100x128xf32, #tpu.memory_space<vmem>>) dst(%dma_wait3A_116 : memref<100x128xf32, #tpu.memory_space<hbm>>)
    return
  }
}

module attributes {stable_mosaic.version = 14 : i64} {
  func.func @_pad_body(%arg0: i32, %arg1: memref<2000x94xf32, #tpu.memory_space<vmem>>, %arg2: memref<2000x112xf32, #tpu.memory_space<vmem>>, %arg3: memref<2000x128xf32, #tpu.memory_space<vmem>>, %arg4: memref<2000x128xf32, #tpu.memory_space<vmem>>) attributes {dimension_semantics = [#tpu.dimension_semantics<arbitrary>], iteration_bounds = array<i64: 50>, scalar_prefetch = 0 : i64, scratch_operands = 0 : i64, tpu.core_type = #tpu.core_type<tc>, window_params = [{transform_indices = @transform_0, window_bounds = array<i64: 2000, 94>}, {transform_indices = @transform_1, window_bounds = array<i64: 2000, 112>}, {transform_indices = @transform_2, window_bounds = array<i64: 2000, 128>}, {transform_indices = @transform_3, window_bounds = array<i64: 2000, 128>}]} {
    %broadcast_in_dim3A = arith.constant 0.000000e+00 : f32
    %broadcast_in_dim3A_0 = vector.broadcast %broadcast_in_dim3A : f32 to vector<2000x34xf32>
    %broadcast_in_dim3A_1 = arith.constant 0.000000e+00 : f32
    %broadcast_in_dim3A_2 = vector.broadcast %broadcast_in_dim3A_1 : f32 to vector<2000x16xf32>
    %get3A = arith.constant 0 : index
    %get3A_3 = arith.constant 0 : index
    %get3A_4 = vector.load %arg1[%get3A, %get3A_3] : memref<2000x94xf32, #tpu.memory_space<vmem>>, vector<2000x94xf32>
    %concatenate3A = tpu.concatenate %get3A_4, %broadcast_in_dim3A_0 in 1 : vector<2000x94xf32>, vector<2000x34xf32> -> vector<2000x128xf32>
    %swap3A = arith.constant 0 : index
    %swap3A_5 = arith.constant 0 : index
    %swap3A_6 = vector.load %arg3[%swap3A, %swap3A_5] : memref<2000x128xf32, #tpu.memory_space<vmem>>, vector<2000x128xf32>
    tpu.vector_store %arg3[%swap3A, %swap3A_5], %concatenate3A {strides = array<i32>} : memref<2000x128xf32, #tpu.memory_space<vmem>>, vector<2000x128xf32>,
    %get3A_7 = arith.constant 0 : index
    %get3A_8 = arith.constant 0 : index
    %get3A_9 = vector.load %arg2[%get3A_7, %get3A_8] : memref<2000x112xf32, #tpu.memory_space<vmem>>, vector<2000x112xf32>
    %concatenate3A_10 = tpu.concatenate %get3A_9, %broadcast_in_dim3A_2 in 1 : vector<2000x112xf32>, vector<2000x16xf32> -> vector<2000x128xf32>
    %swap3A_11 = arith.constant 0 : index
    %swap3A_12 = arith.constant 0 : index
    %swap3A_13 = vector.load %arg4[%swap3A_11, %swap3A_12] : memref<2000x128xf32, #tpu.memory_space<vmem>>, vector<2000x128xf32>
    tpu.vector_store %arg4[%swap3A_11, %swap3A_12], %concatenate3A_10 {strides = array<i32>} : memref<2000x128xf32, #tpu.memory_space<vmem>>, vector<2000x128xf32>,
    return
  }
  func.func @transform_0(%arg0: i32) -> (i32, i32) {
    %c0_i32 = arith.constant 0 : i32
    %c0_i32_0 = arith.constant 0 : i32
    return %arg0, %c0_i32 : i32, i32
  }
  func.func @transform_1(%arg0: i32) -> (i32, i32) {
    %c0_i32 = arith.constant 0 : i32
    %c0_i32_0 = arith.constant 0 : i32
    return %arg0, %c0_i32 : i32, i32
  }
  func.func @transform_2(%arg0: i32) -> (i32, i32) {
    %c0_i32 = arith.constant 0 : i32
    %c0_i32_0 = arith.constant 0 : i32
    return %arg0, %c0_i32 : i32, i32
  }
  func.func @transform_3(%arg0: i32) -> (i32, i32) {
    %c0_i32 = arith.constant 0 : i32
    %c0_i32_0 = arith.constant 0 : i32
    return %arg0, %c0_i32 : i32, i32
  }
}

module attributes {stable_mosaic.version = 14 : i64} {
  func.func @_dense_body(%arg0: i32, %arg1: memref<6400x16xf32, #tpu.memory_space<vmem>>, %arg2: memref<6x34xf32, #tpu.memory_space<vmem>>, %arg3: memref<16x34xf32, #tpu.memory_space<vmem>>, %arg4: memref<2x34xf32, #tpu.memory_space<vmem>>, %arg5: memref<1x34xf32, #tpu.memory_space<vmem>>, %arg6: memref<6x16xf32, #tpu.memory_space<vmem>>, %arg7: memref<1x16xf32, #tpu.memory_space<vmem>>, %arg8: memref<6400x34xf32, #tpu.memory_space<vmem>>, %arg9: memref<6400x16xf32, #tpu.memory_space<vmem>>) attributes {dimension_semantics = [#tpu.dimension_semantics<arbitrary>], iteration_bounds = array<i64: 32>, scalar_prefetch = 0 : i64, scratch_operands = 0 : i64, tpu.core_type = #tpu.core_type<tc>, window_params = [{transform_indices = @transform_0, window_bounds = array<i64: 6400, 16>}, {pipeline_mode = #tpu.pipeline_mode<synchronous>, transform_indices = @transform_1, window_bounds = array<i64: 6, 34>}, {pipeline_mode = #tpu.pipeline_mode<synchronous>, transform_indices = @transform_2, window_bounds = array<i64: 16, 34>}, {pipeline_mode = #tpu.pipeline_mode<synchronous>, transform_indices = @transform_3, window_bounds = array<i64: 2, 34>}, {pipeline_mode = #tpu.pipeline_mode<synchronous>, transform_indices = @transform_4, window_bounds = array<i64: 1, 34>}, {pipeline_mode = #tpu.pipeline_mode<synchronous>, transform_indices = @transform_5, window_bounds = array<i64: 6, 16>}, {pipeline_mode = #tpu.pipeline_mode<synchronous>, transform_indices = @transform_6, window_bounds = array<i64: 1, 16>}, {transform_indices = @transform_7, window_bounds = array<i64: 6400, 34>}, {transform_indices = @transform_8, window_bounds = array<i64: 6400, 16>}]} {
    %get3A = arith.constant 0 : index
    %get3A_0 = arith.constant 0 : index
    %get3A_1 = vector.load %arg1[%get3A, %get3A_0] : memref<6400x16xf32, #tpu.memory_space<vmem>>, vector<6400x16xf32>
    %slice3A = vector.extract_strided_slice %get3A_1 {offsets = [0, 0], sizes = [6400, 6], strides = [1, 1]} : vector<6400x16xf32> to vector<6400x6xf32>
    %slice3A_2 = vector.extract_strided_slice %get3A_1 {offsets = [0, 6], sizes = [6400, 2], strides = [1, 1]} : vector<6400x16xf32> to vector<6400x2xf32>
    %slice3A_3 = vector.extract_strided_slice %get3A_1 {offsets = [0, 8], sizes = [6400, 2], strides = [1, 1]} : vector<6400x16xf32> to vector<6400x2xf32>
    %slice3A_4 = vector.extract_strided_slice %get3A_1 {offsets = [0, 10], sizes = [6400, 6], strides = [1, 1]} : vector<6400x16xf32> to vector<6400x6xf32>
    %iota3A = tpu.iota {dimensions = array<i32: 1>} : vector<6400x16xi32>
    %lt3A = arith.constant 8 : i32
    %lt3A_5 = vector.broadcast %lt3A : i32 to vector<6400x16xi32>
    %lt3A_6 = arith.cmpi slt, %iota3A, %lt3A_5 : vector<6400x16xi32>
    %slice3A_7 = vector.extract_strided_slice %slice3A_3 {offsets = [0, 0], sizes = [6400, 1], strides = [1, 1]} : vector<6400x2xf32> to vector<6400x1xf32>
    %slice3A_8 = vector.extract_strided_slice %slice3A_3 {offsets = [0, 1], sizes = [6400, 1], strides = [1, 1]} : vector<6400x2xf32> to vector<6400x1xf32>
    %broadcast_in_dim3A = vector.shape_cast %slice3A_7 : vector<6400x1xf32> to vector<6400x1xf32>
    %broadcast_in_dim3A_9 = vector.broadcast %broadcast_in_dim3A : vector<6400x1xf32> to vector<6400x16xf32>
    %broadcast_in_dim3A_10 = vector.shape_cast %slice3A_8 : vector<6400x1xf32> to vector<6400x1xf32>
    %broadcast_in_dim3A_11 = vector.broadcast %broadcast_in_dim3A_10 : vector<6400x1xf32> to vector<6400x16xf32>
    %select_n3A = arith.select %lt3A_6, %broadcast_in_dim3A_9, %broadcast_in_dim3A_11 : vector<6400x16xi1>, vector<6400x16xf32>
    %and3A = arith.constant 7 : i32
    %and3A_12 = vector.broadcast %and3A : i32 to vector<6400x16xi32>
    %and3A_13 = arith.andi %iota3A, %and3A_12 : vector<6400x16xi32>
    %convert_element_type3A = arith.sitofp %and3A_13 : vector<6400x16xi32> to vector<6400x16xf32>
    %eq3A = arith.cmpf oeq, %select_n3A, %convert_element_type3A : vector<6400x16xf32>
    %convert_element_type3A_14 = arith.extui %eq3A : vector<6400x16xi1> to vector<6400x16xi32>
    %convert_element_type3A_15 = arith.sitofp %convert_element_type3A_14 : vector<6400x16xi32> to vector<6400x16xf32>
    %get3A_16 = arith.constant 0 : index
    %get3A_17 = arith.constant 0 : index
    %get3A_18 = vector.load %arg2[%get3A_16, %get3A_17] : memref<6x34xf32, #tpu.memory_space<vmem>>, vector<6x34xf32>
    %dot_general3A = arith.constant dense<0.000000e+00> : vector<6400x34xf32>
    %dot_general3A_19 = tpu.matmul %slice3A, %get3A_18, %dot_general3A {dimension_numbers = #tpu.dot_dimension_numbers<[1], [0], [0], [1], [0, 0, 1, 1], [], []>, transpose_lhs_hint = false} : vector<6400x6xf32>, vector<6x34xf32>, vector<6400x34xf32> -> vector<6400x34xf32>
    %get3A_20 = arith.constant 0 : index
    %get3A_21 = arith.constant 0 : index
    %get3A_22 = vector.load %arg3[%get3A_20, %get3A_21] : memref<16x34xf32, #tpu.memory_space<vmem>>, vector<16x34xf32>
    %dot_general3A_23 = arith.constant dense<0.000000e+00> : vector<6400x34xf32>
    %dot_general3A_24 = tpu.matmul %convert_element_type3A_15, %get3A_22, %dot_general3A_23 {dimension_numbers = #tpu.dot_dimension_numbers<[1], [0], [0], [1], [0, 0, 1, 1], [], []>, transpose_lhs_hint = false} : vector<6400x16xf32>, vector<16x34xf32>, vector<6400x34xf32> -> vector<6400x34xf32>
    %add3A = arith.addf %dot_general3A_19, %dot_general3A_24 : vector<6400x34xf32>
    %get3A_25 = arith.constant 0 : index
    %get3A_26 = arith.constant 0 : index
    %get3A_27 = vector.load %arg4[%get3A_25, %get3A_26] : memref<2x34xf32, #tpu.memory_space<vmem>>, vector<2x34xf32>
    %dot_general3A_28 = arith.constant dense<0.000000e+00> : vector<6400x34xf32>
    %dot_general3A_29 = tpu.matmul %slice3A_2, %get3A_27, %dot_general3A_28 {dimension_numbers = #tpu.dot_dimension_numbers<[1], [0], [0], [1], [0, 0, 1, 1], [], []>, transpose_lhs_hint = false} : vector<6400x2xf32>, vector<2x34xf32>, vector<6400x34xf32> -> vector<6400x34xf32>
    %add3A_30 = arith.addf %add3A, %dot_general3A_29 : vector<6400x34xf32>
    %get3A_31 = arith.constant 0 : index
    %get3A_32 = arith.constant 0 : index
    %get3A_33 = vector.load %arg5[%get3A_31, %get3A_32] : memref<1x34xf32, #tpu.memory_space<vmem>>, vector<1x34xf32>
    %add3A_34 = vector.broadcast %get3A_33 : vector<1x34xf32> to vector<6400x34xf32>
    %add3A_35 = arith.addf %add3A_30, %add3A_34 : vector<6400x34xf32>
    %swap3A = arith.constant 0 : index
    %swap3A_36 = arith.constant 0 : index
    %swap3A_37 = vector.load %arg8[%swap3A, %swap3A_36] : memref<6400x34xf32, #tpu.memory_space<vmem>>, vector<6400x34xf32>
    tpu.vector_store %arg8[%swap3A, %swap3A_36], %add3A_35 {strides = array<i32>} : memref<6400x34xf32, #tpu.memory_space<vmem>>, vector<6400x34xf32>,
    %get3A_38 = arith.constant 0 : index
    %get3A_39 = arith.constant 0 : index
    %get3A_40 = vector.load %arg6[%get3A_38, %get3A_39] : memref<6x16xf32, #tpu.memory_space<vmem>>, vector<6x16xf32>
    %dot_general3A_41 = arith.constant dense<0.000000e+00> : vector<6400x16xf32>
    %dot_general3A_42 = tpu.matmul %slice3A_4, %get3A_40, %dot_general3A_41 {dimension_numbers = #tpu.dot_dimension_numbers<[1], [0], [0], [1], [0, 0, 1, 1], [], []>, transpose_lhs_hint = false} : vector<6400x6xf32>, vector<6x16xf32>, vector<6400x16xf32> -> vector<6400x16xf32>
    %get3A_43 = arith.constant 0 : index
    %get3A_44 = arith.constant 0 : index
    %get3A_45 = vector.load %arg7[%get3A_43, %get3A_44] : memref<1x16xf32, #tpu.memory_space<vmem>>, vector<1x16xf32>
    %add3A_46 = vector.broadcast %get3A_45 : vector<1x16xf32> to vector<6400x16xf32>
    %add3A_47 = arith.addf %dot_general3A_42, %add3A_46 : vector<6400x16xf32>
    %swap3A_48 = arith.constant 0 : index
    %swap3A_49 = arith.constant 0 : index
    %swap3A_50 = vector.load %arg9[%swap3A_48, %swap3A_49] : memref<6400x16xf32, #tpu.memory_space<vmem>>, vector<6400x16xf32>
    tpu.vector_store %arg9[%swap3A_48, %swap3A_49], %add3A_47 {strides = array<i32>} : memref<6400x16xf32, #tpu.memory_space<vmem>>, vector<6400x16xf32>,
    return
  }
  func.func @transform_0(%arg0: i32) -> (i32, i32) {
    %c0_i32 = arith.constant 0 : i32
    %c0_i32_0 = arith.constant 0 : i32
    return %arg0, %c0_i32 : i32, i32
  }
  func.func @transform_1(%arg0: i32) -> (i32, i32) {
    %c0_i32 = arith.constant 0 : i32
    %c0_i32_0 = arith.constant 0 : i32
    %c0_i32_1 = arith.constant 0 : i32
    return %c0_i32, %c0_i32_0 : i32, i32
  }
  func.func @transform_2(%arg0: i32) -> (i32, i32) {
    %c0_i32 = arith.constant 0 : i32
    %c0_i32_0 = arith.constant 0 : i32
    %c0_i32_1 = arith.constant 0 : i32
    return %c0_i32, %c0_i32_0 : i32, i32
  }
  func.func @transform_3(%arg0: i32) -> (i32, i32) {
    %c0_i32 = arith.constant 0 : i32
    %c0_i32_0 = arith.constant 0 : i32
    %c0_i32_1 = arith.constant 0 : i32
    return %c0_i32, %c0_i32_0 : i32, i32
  }
  func.func @transform_4(%arg0: i32) -> (i32, i32) {
    %c0_i32 = arith.constant 0 : i32
    %c0_i32_0 = arith.constant 0 : i32
    %c0_i32_1 = arith.constant 0 : i32
    return %c0_i32, %c0_i32_0 : i32, i32
  }
  func.func @transform_5(%arg0: i32) -> (i32, i32) {
    %c0_i32 = arith.constant 0 : i32
    %c0_i32_0 = arith.constant 0 : i32
    %c0_i32_1 = arith.constant 0 : i32
    return %c0_i32, %c0_i32_0 : i32, i32
  }
  func.func @transform_6(%arg0: i32) -> (i32, i32) {
    %c0_i32 = arith.constant 0 : i32
    %c0_i32_0 = arith.constant 0 : i32
    %c0_i32_1 = arith.constant 0 : i32
    return %c0_i32, %c0_i32_0 : i32, i32
  }
  func.func @transform_7(%arg0: i32) -> (i32, i32) {
    %c0_i32 = arith.constant 0 : i32
    %c0_i32_0 = arith.constant 0 : i32
    return %arg0, %c0_i32 : i32, i32
  }
  func.func @transform_8(%arg0: i32) -> (i32, i32) {
    %c0_i32 = arith.constant 0 : i32
    %c0_i32_0 = arith.constant 0 : i32
    return %arg0, %c0_i32 : i32, i32
  }
}

</mosaic_0001>

<sc_bundles>
// kernel: kernel.5.cloned.1.call-start
scs
__scs_entry_jumppad:
0x0: {  	(pc) =	sbr.rel $0x88, $3  }
0x1: {  	(tag) =	ssettag $0x0;
	lr =	simm.s32 $0x1  }
0x2: {  	[smem:$0x3F94] =	sst lr;
	_ =	strace $0xD0000000  }
0x3: {  	_ = 	snop  }
0x4: {  	_ = 	snop  }
0x5: {  	_ = 	snop  }
0x6: {  	_ = 	snop  }
0x7: {  	_ = 	snop  }
__scs_overlays_trampoline_lowered:
0x8: {  	[smem:$0x3FA3] =	sst s0  }
0x9: {  	[smem:$0x3FA4] =	sst s1  }
0xa: {  	[smem:$0x3FA5] =	sst s2  }
0xb: {  	[smem:$0x3FA6] =	sst s3  }
0xc: {  	[smem:$0x3FA7] =	sst s4  }
0xd: {  	[smem:$0x3FA8] =	sst s5  }
0xe: {  	[smem:$0x3FA9] =	sst s6  }
0xf: {  	[smem:$0x3FAA] =	sst s7  }
0x10: {  	[smem:$0x3FAB] =	sst s8  }
0x11: {  	[smem:$0x3FAC] =	sst s9;
	s0 =	simm.s32 @!p0 $0x0  }
0x12: {  	s1 =	sld [smem:$0x3F92];
	s0 =	simm.s32 @p0 $0x1  }
0x13: {  	[smem:$0x3FAD] =	sst s0;
	s0 =	simm.s32 @!p1 $0x0  }
0x14: {  	s2 =	sld [smem:$0x3F91];
	s0 =	simm.s32 @p1 $0x1  }
0x15: {  	[smem:$0x3FAE] =	sst s0;
	s0 =	simm.s32 @!p2 $0x0  }
0x16: {  	s3 =	sld [smem:$0x3FDB];
	s0 =	simm.s32 @p2 $0x1  }
0x17: {  	s4 =	simm.s32 $0x1BF5;
	[smem:$0x3FB0] =	sst s0  }
0x18: {  	s0 =	sld [smem:$0x3F93];
	_ =	swait.ge [sflag:s4], $0x0  }
0x19: {  	s7 =	sld [smem:$0x3F94]  }
0x1a: {  	s8 =	sadd.s32 $0xFFFFE003, lr  }
0x1b: {  	s9 =	sadd.s32 $0xFFFFFEF7, lr;
	s5 =	simm.s32 $0xFFFFFFFF;
	p2 =	slt.u32 s8, $0xFFFFF086  }
0x1c: {  	p1 =	slt.u32 s9, $0xF7A;
	s5 =	simm.s32 @!p2 $0x0  }
0x1d: {  	s5 =	simm.s32 @p1 $0x1;
	p0 =	seq.s32 s7, s2  }
0x1e: {  	s7 =	smul.u32 @!p0 $0xF7A, s2;
	p2 =	seq.s32 @!p0 s5, $0x0  }
0x1f: {  	s9 =	smul.u32 $0xF7A, s1;
	s8 =	simm.s32 @!p0 $0x1BF5;
	p2 =	por !p2, p0  }
0x20: {  	[sflag:s8] =	ssyncset.s32 @!p0 $0xFFFFF086;
	s6 =	sadd.s32 @!p0 s3, s7;
	s7 =	simm.s32 @!p0 $0x108  }
0x21: {  	s3 =	sadd.s32 s3, s9;
	s6 =	sadd.s32 @!p0 $0x88, s6;
	s7 =	simm.s32 @p2 $0x1082  }
0x22: {  	[simem:s7], [sflag:s8] =	dma.local @!p0 [hbm:s6], $0xF7A  }
0x23: {  	s9 =	sor.u32 $0xD0000000, s2;
	s6 =	simm.s32 $0x108;
	_ =	swait.ge @!p0 [sflag:s8], $0x0  }
0x24: {  	s3 =	sadd.s32 $0x88, s3;
	s6 =	simm.s32 @!p1 $0x1082;
	[sflag:s4] =	ssyncset.s32 $0xFFFFF086  }
0x25: {  	[simem:s6], [sflag:s4] =	dma.local [hbm:s3], $0xF7A  }
0x26: {  	[smem:$0x3F94] =	sst s1;
	(tag) =	ssettag s2;
	_ =	strace s9  }
0x27: {  	s1 =	sld [smem:$0x3FA4]  }
0x28: {  	s2 =	sld [smem:$0x3FA5]  }
0x29: {  	s4 =	sld [smem:$0x3FA7]  }
0x2a: {  	p0 =	seq.s32 s5, $0x0;
	s5 =	sld [smem:$0x3FA8]  }
0x2b: {  	s6 =	sld [smem:$0x3FA9]  }
0x2c: {  	s7 =	sld [smem:$0x3FAA]  }
0x2d: {  	s3 =	simm.s32 $0x108;
	s8 =	sld [smem:$0x3FAB]  }
0x2e: {  	s3 =	simm.s32 @!p0 $0x1082;
	s9 =	sld [smem:$0x3FAC]  }
0x2f: {  	lr =	sadd.s32 s0, s3;
	s0 =	sld [smem:$0x3FA3]  }
0x30: {  	s3 =	sld [smem:$0x3FA6]  }
0x31: {  	[smem:$0x3FAF] =	sst s10  }
0x32: {  	s10 =	sld [smem:$0x3FAD];
	_ =	sdelay $0x3  }
0x33: {  	p0 =	seq.s32 s10, $0x1;
	s10 =	sld [smem:$0x3FAF];
	_ =	sdelay $0x3  }
0x34: {  	[smem:$0x3FAF] =	sst s10  }
0x35: {  	s10 =	sld [smem:$0x3FAE];
	_ =	sdelay $0x3  }
0x36: {  	p1 =	seq.s32 s10, $0x1;
	s10 =	sld [smem:$0x3FAF];
	_ =	sdelay $0x3  }
0x37: {  	[smem:$0x3FAF] =	sst s10  }
0x38: {  	s10 =	sld [smem:$0x3FB0]  }
0x39: {  	_ = 	snop;
	(pc) =	sbr.ind lr, $3  }
0x3a: {  	_ = 	snop  }
0x3b: {  	_ = 	snop  }
0x3c: {  	p2 =	seq.s32 s10, $0x1;
	s10 =	sld [smem:$0x3FAF]  }
0x3d: {  	_ =	shalt  }
0x3e: {  	_ =	shalt  }
0x3f: {  	_ =	shalt  }
0x40: {  	_ =	shalt  }
0x41: {  	_ =	shalt  }
0x42: {  	_ =	shalt  }
0x43: {  	_ =	shalt  }
0x44: {  	_ =	shalt  }
0x45: {  	_ =	shalt  }
0x46: {  	_ =	shalt  }
0x47: {  	_ =	shalt  }
0x48: {  	_ =	shalt  }
0x49: {  	_ =	shalt  }
0x4a: {  	_ =	shalt  }
0x4b: {  	_ =	shalt  }
0x4c: {  	_ =	shalt  }
0x4d: {  	_ =	shalt  }
0x4e: {  	_ =	shalt  }
0x4f: {  	_ =	shalt  }
0x50: {  	_ =	shalt  }
0x51: {  	_ =	shalt  }
0x52: {  	_ =	shalt  }
0x53: {  	_ =	shalt  }
0x54: {  	_ =	shalt  }
0x55: {  	_ =	shalt  }
0x56: {  	_ =	shalt  }
0x57: {  	_ =	shalt  }
0x58: {  	_ =	shalt  }
0x59: {  	_ =	shalt  }
0x5a: {  	_ =	shalt  }
0x5b: {  	_ =	shalt  }
0x5c: {  	_ =	shalt  }
0x5d: {  	_ =	shalt  }
0x5e: {  	_ =	shalt  }
0x5f: {  	_ =	shalt  }
0x60: {  	_ =	shalt  }
0x61: {  	_ =	shalt  }
0x62: {  	_ =	shalt  }
0x63: {  	_ =	shalt  }
0x64: {  	_ =	shalt  }
0x65: {  	_ =	shalt  }
0x66: {  	_ =	shalt  }
0x67: {  	_ =	shalt  }
0x68: {  	_ =	shalt  }
0x69: {  	_ =	shalt  }
0x6a: {  	_ =	shalt  }
0x6b: {  	_ =	shalt  }
0x6c: {  	_ =	shalt  }
0x6d: {  	_ =	shalt  }
0x6e: {  	_ =	shalt  }
0x6f: {  	_ =	shalt  }
0x70: {  	_ =	shalt  }
0x71: {  	_ =	shalt  }
0x72: {  	_ =	shalt  }
0x73: {  	_ =	shalt  }
0x74: {  	_ =	shalt  }
0x75: {  	_ =	shalt  }
0x76: {  	_ =	shalt  }
0x77: {  	_ =	shalt  }
0x78: {  	_ =	shalt  }
0x79: {  	_ =	shalt  }
0x7a: {  	_ =	shalt  }
0x7b: {  	_ =	shalt  }
0x7c: {  	_ =	shalt  }
0x7d: {  	_ =	shalt  }
0x7e: {  	_ =	shalt  }
0x7f: {  	_ =	shalt  }
0x80: {  	_ =	shalt  }
0x81: {  	_ =	shalt  }
0x82: {  	_ =	shalt  }
0x83: {  	_ =	shalt  }
0x84: {  	_ =	shalt  }
0x85: {  	_ =	shalt  }
0x86: {  	_ =	shalt  }
0x87: {  	_ =	shalt  }
.Lfunc_end0:
.L_simem_size_0:
called_computation_lowered:
.L_overlay_start_0:
0x88: {  	s2 =	sld [smem:$0x3FD9]  }
0x89: {  	s3 =	sld [smem:$0x3FFE];
	_ =	sdelay $0x1  }
0x8a: {  	s1 =	srdreg.scid  }
0x8b: {  	s0 =	sand.u32 $0x1, s1  }
0x8c: {  	s16 =	sshll.u32 s0, $0xA;
	s2 =	sadd.s32 s3, s2  }
0x8d: {  	s2 =	sadd.s32 s2, s16  }
0x8e: {  	[smem:$0x3FBB] =	sst s2  }
0x8f: {  	_ = 	snop  }
0x90: {  	(tm) =	ssettm $0x1  }
0x91: {  	s17 =	sld [smem:$0x3FFB];
	_ =	sdelay $0x3  }
0x92: {  	_ =	strace s17  }
0x93: {  	s2 =	sld [smem:$0x3FFC];
	_ =	sdelay $0x3  }
0x94: {  	_ =	strace s2  }
0x95: {  	s2 =	sld [smem:$0x3FFD];
	_ =	sdelay $0x3  }
0x96: {  	_ =	strace s2  }
0x97: {  	_ =	strace $0x8FFFFFFF  }
0x98: {  	s18 =	sld [smem:$0x3FDB];
	_ =	sdelay $0x1  }
0x99: {  	s19 =	simm.s32 $_scs_section_size  }
0x9a: {  	s4 =	simm.s32 $_size__tile_overlayer_lowered;
	s5 =	simm.s32 $_tile_overlayer_lowered  }
0x9b: {  	s22 =	simm.s32 $0x1BFF;
	s21 =	sshll.u32 s5, $0x1;
	s2 =	sadd.s32 s19, s18  }
0x9c: {  	s6 =	simm.s32 $0x0;
	s20 =	sshll.u32 s4, $0x1;
	s4 =	sadd.s32 s21, s2  }
0x9d: {  	[timem:s6], [sflag:s22] =	dma.local [hbm:s4], s20  }
0x9e: {  	_ =	swait.ge [sflag:s22], s20  }
0x9f: {  	s3 =	ssub.s32 $0x0, s20;
	[sflag:s22] =	ssyncset.done $0x0  }
0xa0: {  	[sflag:s22] =	ssyncadd.s32 s3;
	_ =	sdelay $0x1  }
0xa1: {  	s23 =	simm.s32 $0x1B8B  }
0xa2: {  	_ =	swait.ge [sflag:s23], $0x1  }
0xa3: {  	[sflag:s23] =	ssyncset.done $0x0  }
0xa4: {  	s25 =	simm.s32 $0x1B8E;
	s24 =	sld [smem:$0x3FFE];
	[sflag:s23] =	ssyncadd.s32 $0xFFFFFFFF  }
0xa5: {  	s26 =	simm.s32 $execute0_lowered;
	[smem:$0x3FD2] =	sst s25  }
0xa6: {  	s4 =	sshll.u32 s26, $0x1;
	_ =	strace $0x80000046;
	[dreg:$0x1] =	wrdreg $0xFFFFFFFF  }
0xa7: {  	s28 =	simm.s32 $_size_execute0_lowered;
	s2 =	sadd.s32 s2, s4;
	[dreg:$0x0] =	wrdreg $0x0  }
0xa8: {  	s4 =	sshll.u32 s28, $0x1;
	[dreg:$0x2] =	wrdreg s2  }
0xa9: {  	[dreg:$0x3] =	wrdreg s4  }
0xaa: {  	[dreg:$0x4] =	wrdreg $0xC0  }
0xab: {  	_ =	task [dreg:s6], $0x5FFFF  }
0xac: {  	[dreg:$0x1] =	wrdreg $0xFFFFFFFF  }
0xad: {  	[dreg:$0x0] =	wrdreg $0x60  }
0xae: {  	[dreg:$0x2] =	wrdreg s24  }
0xaf: {  	[dreg:$0x3] =	wrdreg $0x9  }
0xb0: {  	_ =	task.clear_ibuf [dreg:s6], $0x4FFFF;
	_ =	strace $0x90000046  }
0xb1: {  	s29 =	simm.s32 $0x9;
	_ =	strace $0x80000048  }
0xb2: {  	_ =	swait.ge [sflag:s29], $0x1  }
0xb3: {  	[sflag:s29] =	ssyncadd.s32 $0xFFFFFFFF  }
0xb4: {  	_ =	strace $0x90000048  }
0xb5: {  	_ =	sfence  }
0xb6: {  	s30 =	sld [smem:$0x0];
	_ =	sdelay $0x2  }
0xb7: {  	s31 =	sshll.u32 s1, $0xD;
	s1 =	sshrl.u32 s1, $0x2  }
0xb8: {  	s3 =	sand.u32 $0x4000, s31;
	s1 =	sadd.s32 s1, s30  }
0xb9: {  	s0 =	sor.u32 s3, s0;
	s1 =	sshll.u32 s1, $0x11  }
0xba: {  	s0 =	sor.u32 s1, s0  }
0xbb: {  	s0 =	sadd.s32 $0x8F2B, s0  }
0xbc: {  	[sflag:s0] =	ssyncadd.remote.s32 $0x1  }
0xbd: {  	_ =	sfence.sel $0xFFFF  }
0xbe: {  	[dreg:$0x0] =	wrdreg $0xFFFFFFFF;
	(pc) =	sbr.abs _section_cstart, $3  }
0xbf: {  	[dreg:$0x1] =	wrdreg $0xFFFFFFFF  }
0xc0: {  	_ =	task.clear_ibuf [dreg:s6], $0x2FFFF;
	_ =	strace $0x9FFFFFFF  }
0xc1: {  	(tm) =	ssettm $0x7FFFFFFF  }
tec
execute0_lowered:
.L_overlay_start_1:
0x0: {  	(tag) =	ssettag $0x1  }
0x1: {  	s0 =	rddreg [dreg:$0x0];
	s1 =	simm.s32 $0x0  }
0x2: {  	s2 =	srdreg.scid;
	s4 =	stileid.u32;
	s16 =	simm.s32 $0x9  }
0x3: {  	s18 =	simm.s32 $0x32;
	s19 =	simm.s32 $0xD800;
	s22 =	simm.s32 $0x10C00  }
0x4: {  	s28 =	simm.s32 $0x1;
	s30 =	simm.s32 $0x14000;
	s12 =	simm.s32 $0x3  }
0x5: {  	s15 =	simm.s32 $0x5;
	s21 =	simm.s32 $0x4;
	s17 =	simm.s32 $0x6  }
0x6: {  	s13 =	simm.s32 $0x7;
	s14 =	simm.s32 $0x8;
	[smem:$0x7FF] =	sst s1  }
0x7: {  	s26 =	sadd.s32 $0x12A00, s0;
	s11 =	sadd.s32 $0x2A00, s0;
	s5 =	sadd.s32 $0x32FE00, s0  }
0x8: {  	s6 =	sadd.s32 $0x4B6800, s0;
	s7 =	sadd.s32 $0x63D200, s0;
	s2 =	sand.u32 $0x1, s2  }
0x9: {  	s4 =	sshll.u32 s4, $0x8;
	s8 =	sadd.s32 $0x95D200, s0;
	s10 =	sadd.s32 $0xC7D200, s0  }
0xa: {  	s0 =	sadd.s32 $0xC7D880, s0;
	_ =	strace $0x80000047;
	[dreg:$0x2] =	wrdreg s11  }
0xb: {  	s3 =	ssub.s32 $0x2, s2;
	s2 =	sshll.u32 s2, $0x7;
	[dreg:$0x6] =	wrdreg s0  }
0xc: {  	s9 =	sshrl.u32 s3, $0x1;
	s4 =	sor.u32 s2, s4;
	s2 =	simm.s32 $0x0  }
0xd: {  	s24 =	sshll.u32 s4, $0x4;
	[dreg:$0x3] =	wrdreg s4;
	s29 =	sor.u32 $0x10, s4  }
0xe: {  	s23 =	ssub.s32 s3, s9;
	s25 =	sadd.s32 s26, s24;
	[dreg:$0x7] =	wrdreg s29  }
0xf: {  	s4 =	simm.s32 $0x2;
	s3 =	sadd.s32 s11, s24;
	[dreg:$0x4] =	wrdreg s25  }
0x10: {  	s31 =	smax.u32 s23, $0x1;
	s11 =	simm.s32 $0x7400;
	[dreg:$0x5] =	wrdreg s3  }
0x11: {  	s24 =	simm.s32 $0x15900;
	s23 =	simm.s32 $0x17400;
	[dreg:$0x8] =	wrdreg s31  }
.LBB2_1:
0x12: {  	[dreg:$0x9] =	wrdreg s2  }
0x13: {  	s0 =	rddreg [dreg:$0x4]  }
0x14: {  	[tilespmem:s1], [sflag:$0x9] =	stream.linear.gather [hbm4b:s0+s1], $0x400, $0x38;
	[tilespmem:$0x1A800] =	vst v63  }
0x15: {  	_ =	swait.ge [sflag:s16], $0x400  }
0x16: {  	[sflag:s16] =	ssyncset.done $0x0  }
0x17: {  	s3 =	simm.s32 $0x800;
	s2 =	rddreg [dreg:$0x5];
	[sflag:s16] =	ssyncadd.s32 $0xFFFFFC00  }
0x18: {  	[tilespmem:s3], [sflag:$0x9] =	stream.linear.gather [hbm4b:s2+s1], $0x400, $0x38;
	[tilespmem:$0x1A800] =	vst v63  }
0x19: {  	_ =	swait.ge [sflag:s16], $0x400  }
0x1a: {  	[sflag:s16] =	ssyncset.done $0x0  }
0x1b: {  	[sflag:s16] =	ssyncadd.s32 $0xFFFFFC00  }
0x1c: {  	[tilespmem:s19], [sflag:$0x1] =	stream.indirect.gather [hbm4b:s5+s18], $0x80, s1, s18, $0xb8;
	[tilespmem:$0x1A800] =	vst v63  }
0x1d: {  	s9 =	simm.s32 $0xF100  }
0x1e: {  	[tilespmem:s9], [sflag:$0x1] =	stream.indirect.gather [hbm4b:s6+s18], $0x80, s3, s18, $0xb8;
	[tilespmem:$0x1A800] =	vst v63  }
0x1f: {  	s20 =	simm.s32 $0x80  }
0x20: {  	[tilespmem:s22], [sflag:$0x2] =	stream.indirect.gather [hbm4b:s5+s18], $0x80, s20, s18, $0xb8;
	[tilespmem:$0x1A800] =	vst v63  }
0x21: {  	s25 =	simm.s32 $0x880;
	s31 =	simm.s32 $0x12500;
	s29 =	simm.s32 $0x0  }
0x22: {  	[tilespmem:s31], [sflag:$0x2] =	stream.indirect.gather [hbm4b:s6+s18], $0x80, s25, s18, $0xb8;
	[tilespmem:$0x1A800] =	vst v63  }
.LBB2_2:
0x23: {  	s31 =	sshll.u32 s29, $0x4;
	s0 =	rddreg [dreg:$0x3]  }
0x24: {  	s2 =	sor.u32 s0, s31  }
0x25: {  	s3 =	smul.u32 $0x320, s2;
	_ =	sdelay $0x1  }
0x26: {  	s20 =	simm.s32 $0x0;
	s25 =	simm.s32 $0x1000;
	s9 =	sadd.s32 s7, s3  }
0x27: {  	[tilespmem:s25], [sflag:$0x9] =	stream.linear.gather [hbm4b:s9+s20], $0x6400, $0x38;
	[tilespmem:$0x1A800] =	vst v63  }
0x28: {  	_ =	swait.ge [sflag:s16], $0x6400  }
0x29: {  	[sflag:s16] =	ssyncset.done $0x0  }
0x2a: {  	s3 =	sadd.s32 s8, s3;
	[sflag:s16] =	ssyncadd.s32 $0xFFFF9C00  }
0x2b: {  	[tilespmem:s11], [sflag:$0x9] =	stream.linear.gather [hbm4b:s3+s20], $0x6400, $0x38;
	[tilespmem:$0x1A800] =	vst v63  }
0x2c: {  	_ =	swait.ge [sflag:s16], $0x6400  }
0x2d: {  	[sflag:s16] =	ssyncset.done $0x0  }
0x2e: {  	[sflag:s16] =	ssyncadd.s32 $0xFFFF9C00  }
0x2f: {  	_ =	swait.ge [sflag:s28], $0x1900  }
0x30: {  	[sflag:s28] =	ssyncset.done $0x0  }
0x31: {  	[sflag:s28] =	ssyncadd.s32 $0xFFFFE700  }
0x32: {  	_ =	swait.ge [sflag:s28], $0x1900  }
0x33: {  	[sflag:s28] =	ssyncset.done $0x0  }
0x34: {  	s20 =	simm.s32 $0x0;
	[sflag:s28] =	ssyncadd.s32 $0xFFFFE700  }
0x35: {  	v1 =	vld [tilespmem:s20+$0x1010]  }
0x36: {  	v2 =	vld [tilespmem:s20+$0x1012]  }
0x37: {  	v0 =	vld [tilespmem:s20+$0x1000]  }
0x38: {  	s3 =	simm.s32 $0x200;
	v3 =	vld [tilespmem:s20+$0x7400]  }
.LBB2_3:
0x39: {  	p0 =	sne.s32 s3, $0x6200  }
.Ltmp0:
0x3a: {  	s9 =	sshra.s32 s3, $0x2;
	[tilespmem:s20+$0xD86E] =	vst v1;
	(pc) =	sbr.rel @p0 .LBB2_3-.Ltmp0, $4  }
0x3b: {  	s3 =	sadd.s32 $0x200, s3;
	v1 =	vld [tilespmem:s9+$0x1010];
	[tilespmem:s20+$0xD870] =	vst v2  }
0x3c: {  	v2 =	vld [tilespmem:s9+$0x1012];
	[tilespmem:s20+$0xD85E] =	vst v0  }
0x3d: {  	v0 =	vld [tilespmem:s9+$0x1000];
	[tilespmem:s20+$0xF170] =	vst v3;
	s20 =	smov.u32 s9  }
0x3e: {  	v3 =	vld [tilespmem:s20+$0x7400]  }
0x3f: {  	_ = 	snop  }
0x40: {  	[tilespmem:s20+$0xD86E] =	vst v1  }
0x41: {  	s3 =	smul.u32 $0x680, s2;
	[tilespmem:s20+$0xD870] =	vst v2  }
0x42: {  	[tilespmem:s20+$0xD85E] =	vst v0  }
0x43: {  	p0 =	seq.s32 s29, $0x0;
	s9 =	sadd.s32 s10, s3;
	[tilespmem:s20+$0xF170] =	vst v3  }
0x44: {  	[hbm4b:s9+s1] =	stream.linear.scatter [tilespmem:s19], [sflag:$0x5], $0x3200, $0x38;
	[tilespmem:$0x1A800] =	vst v63  }
0x45: {  	s9 =	simm.s32 @!p0 $0x7  }
0x46: {  	_ =	swait.ge @!p0 [sflag:s9], $0x3200  }
0x47: {  	[sflag:s9] =	ssyncset.done @!p0 $0x0  }
0x48: {  	s0 =	simm.s32 $0x100;
	[sflag:s9] =	ssyncadd.s32 @!p0 $0xFFFFCE00  }
0x49: {  	[tilespmem:s30], [sflag:$0x3] =	stream.indirect.gather [hbm4b:s5+s18], $0x80, s0, s18, $0xb8;
	[tilespmem:$0x1A800] =	vst v63  }
0x4a: {  	s25 =	simm.s32 $0x900  }
0x4b: {  	[tilespmem:s24], [sflag:$0x3] =	stream.indirect.gather [hbm4b:s6+s18], $0x80, s25, s18, $0xb8;
	[tilespmem:$0x1A800] =	vst v63  }
0x4c: {  	_ =	swait.ge [sflag:s4], $0x1900  }
0x4d: {  	[sflag:s4] =	ssyncset.done $0x0  }
0x4e: {  	[sflag:s4] =	ssyncadd.s32 $0xFFFFE700  }
0x4f: {  	_ =	swait.ge [sflag:s4], $0x1900  }
0x50: {  	[sflag:s4] =	ssyncset.done $0x0  }
0x51: {  	s24 =	simm.s32 $0x0;
	[sflag:s4] =	ssyncadd.s32 $0xFFFFE700  }
0x52: {  	v0 =	vld [tilespmem:s24+$0x2910]  }
0x53: {  	v1 =	vld [tilespmem:s24+$0x2912]  }
0x54: {  	v2 =	vld [tilespmem:s24+$0x2900]  }
0x55: {  	s20 =	sshll.u32 s29, $0x1;
	s9 =	simm.s32 $0x200;
	v3 =	vld [tilespmem:s24+$0x8D00]  }
.LBB2_5:
0x56: {  	p1 =	sne.s32 s9, $0x6200  }
.Ltmp1:
0x57: {  	s25 =	sshra.s32 s9, $0x2;
	[tilespmem:s24+$0x10C6E] =	vst v0;
	(pc) =	sbr.rel @p1 .LBB2_5-.Ltmp1, $4  }
0x58: {  	s9 =	sadd.s32 $0x200, s9;
	v0 =	vld [tilespmem:s25+$0x2910];
	[tilespmem:s24+$0x10C70] =	vst v1  }
0x59: {  	v1 =	vld [tilespmem:s25+$0x2912];
	[tilespmem:s24+$0x10C5E] =	vst v2  }
0x5a: {  	v2 =	vld [tilespmem:s25+$0x2900];
	[tilespmem:s24+$0x12570] =	vst v3;
	s24 =	smov.u32 s25  }
0x5b: {  	v3 =	vld [tilespmem:s24+$0x8D00]  }
0x5c: {  	_ = 	snop  }
0x5d: {  	[tilespmem:s24+$0x10C6E] =	vst v0  }
0x5e: {  	[tilespmem:s24+$0x10C70] =	vst v1  }
0x5f: {  	s0 =	rddreg [dreg:$0x6];
	[tilespmem:s24+$0x10C5E] =	vst v2  }
0x60: {  	s3 =	sadd.s32 s3, s0;
	[tilespmem:s24+$0x12570] =	vst v3  }
0x61: {  	[hbm4b:s3+s1] =	stream.linear.scatter [tilespmem:s22], [sflag:$0x6], $0x3200, $0x38;
	[tilespmem:$0x1A800] =	vst v63  }
0x62: {  	s3 =	simm.s32 @!p0 $0x8  }
0x63: {  	_ =	swait.ge @!p0 [sflag:s3], $0x3200  }
0x64: {  	[sflag:s3] =	ssyncset.done @!p0 $0x0  }
0x65: {  	s11 =	simm.s32 $0x180;
	[sflag:s3] =	ssyncadd.s32 @!p0 $0xFFFFCE00  }
0x66: {  	[tilespmem:s23], [sflag:$0x4] =	stream.indirect.gather [hbm4b:s5+s18], $0x80, s11, s18, $0xb8;
	[tilespmem:$0x1A800] =	vst v63  }
0x67: {  	s25 =	simm.s32 $0x18D00;
	s24 =	simm.s32 $0x980  }
0x68: {  	[tilespmem:s25], [sflag:$0x4] =	stream.indirect.gather [hbm4b:s6+s18], $0x80, s24, s18, $0xb8;
	[tilespmem:$0x1A800] =	vst v63  }
0x69: {  	_ =	swait.ge [sflag:s12], $0x1900  }
0x6a: {  	[sflag:s12] =	ssyncset.done $0x0  }
0x6b: {  	[sflag:s12] =	ssyncadd.s32 $0xFFFFE700  }
0x6c: {  	_ =	swait.ge [sflag:s12], $0x1900  }
0x6d: {  	[sflag:s12] =	ssyncset.done $0x0  }
0x6e: {  	s3 =	simm.s32 $0x0;
	[sflag:s12] =	ssyncadd.s32 $0xFFFFE700  }
0x6f: {  	v1 =	vld [tilespmem:s3+$0x4210]  }
0x70: {  	v2 =	vld [tilespmem:s3+$0x4212]  }
0x71: {  	v0 =	vld [tilespmem:s3+$0x4200]  }
0x72: {  	s9 =	simm.s32 $0x200;
	v3 =	vld [tilespmem:s3+$0xA600]  }
.LBB2_7:
0x73: {  	p0 =	sne.s32 s9, $0x6200  }
.Ltmp2:
0x74: {  	s24 =	sshra.s32 s9, $0x2;
	[tilespmem:s3+$0x1406E] =	vst v1;
	(pc) =	sbr.rel @p0 .LBB2_7-.Ltmp2, $4  }
0x75: {  	s9 =	sadd.s32 $0x200, s9;
	v1 =	vld [tilespmem:s24+$0x4210];
	[tilespmem:s3+$0x14070] =	vst v2  }
0x76: {  	v2 =	vld [tilespmem:s24+$0x4212];
	[tilespmem:s3+$0x1405E] =	vst v0  }
0x77: {  	v0 =	vld [tilespmem:s24+$0x4200];
	[tilespmem:s3+$0x15970] =	vst v3;
	s3 =	smov.u32 s24  }
0x78: {  	v3 =	vld [tilespmem:s3+$0xA600]  }
0x79: {  	s9 =	smul.u32 $0x3400, s2  }
0x7a: {  	[tilespmem:s3+$0x1406E] =	vst v1  }
0x7b: {  	[tilespmem:s3+$0x14070] =	vst v2;
	s9 =	sshrl.u32 s9, $0x3  }
0x7c: {  	[tilespmem:s3+$0x1405E] =	vst v0;
	s24 =	sadd.s32 s10, s9  }
0x7d: {  	s0 =	smov.u32 s26;
	s26 =	simm.s32 $0x0;
	[tilespmem:s3+$0x15970] =	vst v3;
	s25 =	sadd.s32 $0xD00, s24  }
0x7e: {  	[hbm4b:s25+s26] =	stream.linear.scatter [tilespmem:s30], [sflag:$0x7], $0x3200, $0x38;
	[tilespmem:$0x1A800] =	vst v63  }
0x7f: {  	_ =	swait.ge [sflag:s15], $0x3200  }
0x80: {  	[sflag:s15] =	ssyncset.done $0x0  }
0x81: {  	s11 =	simm.s32 $0x200;
	[sflag:s15] =	ssyncadd.s32 $0xFFFFCE00  }
0x82: {  	[tilespmem:s19], [sflag:$0x1] =	stream.indirect.gather [hbm4b:s5+s18], $0x80, s11, s18, $0xb8;
	[tilespmem:$0x1A800] =	vst v63  }
0x83: {  	s25 =	simm.s32 $0xF100;
	s26 =	simm.s32 $0xA00  }
0x84: {  	[tilespmem:s25], [sflag:$0x1] =	stream.indirect.gather [hbm4b:s6+s18], $0x80, s26, s18, $0xb8;
	[tilespmem:$0x1A800] =	vst v63  }
0x85: {  	_ =	swait.ge [sflag:s21], $0x1900  }
0x86: {  	[sflag:s21] =	ssyncset.done $0x0  }
0x87: {  	[sflag:s21] =	ssyncadd.s32 $0xFFFFE700  }
0x88: {  	_ =	swait.ge [sflag:s21], $0x1900  }
0x89: {  	[sflag:s21] =	ssyncset.done $0x0  }
0x8a: {  	s3 =	simm.s32 $0x0;
	[sflag:s21] =	ssyncadd.s32 $0xFFFFE700  }
0x8b: {  	v0 =	vld [tilespmem:s3+$0x5B10]  }
0x8c: {  	v1 =	vld [tilespmem:s3+$0x5B12]  }
0x8d: {  	v2 =	vld [tilespmem:s3+$0x5B00]  }
0x8e: {  	s9 =	simm.s32 $0x200;
	v3 =	vld [tilespmem:s3+$0xBF00]  }
.LBB2_9:
0x8f: {  	p0 =	sne.s32 s9, $0x6200  }
.Ltmp3:
0x90: {  	s25 =	sshra.s32 s9, $0x2;
	[tilespmem:s3+$0x1746E] =	vst v0;
	(pc) =	sbr.rel @p0 .LBB2_9-.Ltmp3, $4  }
0x91: {  	s9 =	sadd.s32 $0x200, s9;
	v0 =	vld [tilespmem:s25+$0x5B10];
	[tilespmem:s3+$0x17470] =	vst v1  }
0x92: {  	v1 =	vld [tilespmem:s25+$0x5B12];
	[tilespmem:s3+$0x1745E] =	vst v2  }
0x93: {  	v2 =	vld [tilespmem:s25+$0x5B00];
	[tilespmem:s3+$0x18D70] =	vst v3;
	s3 =	smov.u32 s25  }
0x94: {  	v3 =	vld [tilespmem:s3+$0xBF00]  }
0x95: {  	_ = 	snop  }
0x96: {  	[tilespmem:s3+$0x1746E] =	vst v0  }
0x97: {  	[tilespmem:s3+$0x17470] =	vst v1  }
0x98: {  	[tilespmem:s3+$0x1745E] =	vst v2  }
0x99: {  	s11 =	sadd.s32 $0x1380, s24;
	s9 =	simm.s32 $0x0;
	[tilespmem:s3+$0x18D70] =	vst v3  }
0x9a: {  	[hbm4b:s11+s9] =	stream.linear.scatter [tilespmem:s23], [sflag:$0x8], $0x3200, $0x38;
	[tilespmem:$0x1A800] =	vst v63  }
0x9b: {  	_ =	swait.ge [sflag:s17], $0x3200  }
0x9c: {  	[sflag:s17] =	ssyncset.done $0x0  }
0x9d: {  	s25 =	simm.s32 $0x280;
	s3 =	sor.u32 $0x4, s2;
	[sflag:s17] =	ssyncadd.s32 $0xFFFFCE00  }
0x9e: {  	[tilespmem:s22], [sflag:$0x2] =	stream.indirect.gather [hbm4b:s5+s18], $0x80, s25, s18, $0xb8;
	[tilespmem:$0x1A800] =	vst v63  }
0x9f: {  	s26 =	simm.s32 $0x12500;
	s11 =	simm.s32 $0xA80;
	s25 =	smul.u32 $0x320, s3  }
0xa0: {  	[tilespmem:s26], [sflag:$0x2] =	stream.indirect.gather [hbm4b:s6+s18], $0x80, s11, s18, $0xb8;
	[tilespmem:$0x1A800] =	vst v63  }
0xa1: {  	s26 =	sadd.s32 s7, s25;
	s11 =	simm.s32 $0x1000  }
0xa2: {  	[tilespmem:s11], [sflag:$0x9] =	stream.linear.gather [hbm4b:s26+s9], $0x6400, $0x38;
	[tilespmem:$0x1A800] =	vst v63  }
0xa3: {  	_ =	swait.ge [sflag:s16], $0x6400  }
0xa4: {  	[sflag:s16] =	ssyncset.done $0x0  }
0xa5: {  	s25 =	sadd.s32 s8, s25;
	s11 =	simm.s32 $0x7400;
	[sflag:s16] =	ssyncadd.s32 $0xFFFF9C00  }
0xa6: {  	[tilespmem:s11], [sflag:$0x9] =	stream.linear.gather [hbm4b:s25+s9], $0x6400, $0x38;
	[tilespmem:$0x1A800] =	vst v63  }
0xa7: {  	s26 =	sshll.u32 s2, $0x4;
	_ =	swait.ge [sflag:s16], $0x6400  }
0xa8: {  	s2 =	sor.u32 $0x80, s26;
	s26 =	smov.u32 s0;
	[sflag:s16] =	ssyncset.done $0x0  }
0xa9: {  	s25 =	sadd.s32 s0, s2;
	s0 =	simm.s32 $0x400;
	[sflag:s16] =	ssyncadd.s32 $0xFFFF9C00  }
0xaa: {  	[tilespmem:s0], [sflag:$0x9] =	stream.linear.gather [hbm4b:s25+s9], $0x400, $0x38;
	[tilespmem:$0x1A800] =	vst v63  }
0xab: {  	_ =	swait.ge [sflag:s16], $0x400  }
0xac: {  	[sflag:s16] =	ssyncset.done $0x0;
	s25 =	rddreg [dreg:$0x2]  }
0xad: {  	[sflag:s16] =	ssyncadd.s32 $0xFFFFFC00;
	s2 =	sadd.s32 s25, s2;
	s25 =	simm.s32 $0xC00  }
0xae: {  	[tilespmem:s25], [sflag:$0x9] =	stream.linear.gather [hbm4b:s2+s9], $0x400, $0x38;
	[tilespmem:$0x1A800] =	vst v63  }
0xaf: {  	_ =	swait.ge [sflag:s16], $0x400  }
0xb0: {  	[sflag:s16] =	ssyncset.done $0x0  }
0xb1: {  	[sflag:s16] =	ssyncadd.s32 $0xFFFFFC00  }
0xb2: {  	_ =	swait.ge [sflag:s28], $0x1900  }
0xb3: {  	[sflag:s28] =	ssyncset.done $0x0  }
0xb4: {  	[sflag:s28] =	ssyncadd.s32 $0xFFFFE700  }
0xb5: {  	_ =	swait.ge [sflag:s28], $0x1900  }
0xb6: {  	[sflag:s28] =	ssyncset.done $0x0  }
0xb7: {  	s2 =	simm.s32 $0x0;
	[sflag:s28] =	ssyncadd.s32 $0xFFFFE700  }
0xb8: {  	v1 =	vld [tilespmem:s2+$0x1010]  }
0xb9: {  	v2 =	vld [tilespmem:s2+$0x1012]  }
0xba: {  	v0 =	vld [tilespmem:s2+$0x1000]  }
0xbb: {  	s9 =	simm.s32 $0x200;
	v3 =	vld [tilespmem:s2+$0x7400]  }
.LBB2_11:
0xbc: {  	p0 =	sne.s32 s9, $0x6200  }
.Ltmp4:
0xbd: {  	s25 =	sshra.s32 s9, $0x2;
	[tilespmem:s2+$0xD86E] =	vst v1;
	(pc) =	sbr.rel @p0 .LBB2_11-.Ltmp4, $4  }
0xbe: {  	s9 =	sadd.s32 $0x200, s9;
	v1 =	vld [tilespmem:s25+$0x1010];
	[tilespmem:s2+$0xD870] =	vst v2  }
0xbf: {  	v2 =	vld [tilespmem:s25+$0x1012];
	[tilespmem:s2+$0xD85E] =	vst v0  }
0xc0: {  	v0 =	vld [tilespmem:s25+$0x1000];
	[tilespmem:s2+$0xF170] =	vst v3;
	s2 =	smov.u32 s25  }
0xc1: {  	v3 =	vld [tilespmem:s2+$0x7400]  }
0xc2: {  	_ = 	snop  }
0xc3: {  	[tilespmem:s2+$0xD86E] =	vst v1  }
0xc4: {  	s3 =	smul.u32 $0x680, s3;
	[tilespmem:s2+$0xD870] =	vst v2  }
0xc5: {  	[tilespmem:s2+$0xD85E] =	vst v0  }
0xc6: {  	s0 =	simm.s32 $0x0;
	s25 =	sadd.s32 s10, s3;
	[tilespmem:s2+$0xF170] =	vst v3  }
0xc7: {  	[hbm4b:s25+s0] =	stream.linear.scatter [tilespmem:s19], [sflag:$0x5], $0x3200, $0x38;
	[tilespmem:$0x1A800] =	vst v63  }
0xc8: {  	_ =	swait.ge [sflag:s13], $0x3200  }
0xc9: {  	[sflag:s13] =	ssyncset.done $0x0  }
0xca: {  	s0 =	simm.s32 $0x300;
	[sflag:s13] =	ssyncadd.s32 $0xFFFFCE00  }
0xcb: {  	[tilespmem:s30], [sflag:$0x3] =	stream.indirect.gather [hbm4b:s5+s18], $0x80, s0, s18, $0xb8;
	[tilespmem:$0x1A800] =	vst v63  }
0xcc: {  	s9 =	simm.s32 $0xB00;
	s25 =	simm.s32 $0x15900  }
0xcd: {  	[tilespmem:s25], [sflag:$0x3] =	stream.indirect.gather [hbm4b:s6+s18], $0x80, s9, s18, $0xb8;
	[tilespmem:$0x1A800] =	vst v63  }
0xce: {  	_ =	swait.ge [sflag:s4], $0x1900  }
0xcf: {  	[sflag:s4] =	ssyncset.done $0x0  }
0xd0: {  	[sflag:s4] =	ssyncadd.s32 $0xFFFFE700  }
0xd1: {  	_ =	swait.ge [sflag:s4], $0x1900  }
0xd2: {  	[sflag:s4] =	ssyncset.done $0x0  }
0xd3: {  	s2 =	simm.s32 $0x0;
	[sflag:s4] =	ssyncadd.s32 $0xFFFFE700  }
0xd4: {  	v0 =	vld [tilespmem:s2+$0x2910]  }
0xd5: {  	v1 =	vld [tilespmem:s2+$0x2912]  }
0xd6: {  	v2 =	vld [tilespmem:s2+$0x2900]  }
0xd7: {  	s3 =	simm.s32 $0x200;
	v3 =	vld [tilespmem:s2+$0x8D00]  }
.LBB2_13:
0xd8: {  	p0 =	sne.s32 s3, $0x6200  }
.Ltmp5:
0xd9: {  	s9 =	sshra.s32 s3, $0x2;
	[tilespmem:s2+$0x10C6E] =	vst v0;
	(pc) =	sbr.rel @p0 .LBB2_13-.Ltmp5, $4  }
0xda: {  	s3 =	sadd.s32 $0x200, s3;
	v0 =	vld [tilespmem:s9+$0x2910];
	[tilespmem:s2+$0x10C70] =	vst v1  }
0xdb: {  	v1 =	vld [tilespmem:s9+$0x2912];
	[tilespmem:s2+$0x10C5E] =	vst v2  }
0xdc: {  	v2 =	vld [tilespmem:s9+$0x2900];
	[tilespmem:s2+$0x12570] =	vst v3;
	s2 =	smov.u32 s9  }
0xdd: {  	v3 =	vld [tilespmem:s2+$0x8D00]  }
0xde: {  	_ = 	snop  }
0xdf: {  	[tilespmem:s2+$0x10C6E] =	vst v0  }
0xe0: {  	[tilespmem:s2+$0x10C70] =	vst v1  }
0xe1: {  	[tilespmem:s2+$0x10C5E] =	vst v2  }
0xe2: {  	s0 =	sadd.s32 $0x2080, s24;
	s3 =	simm.s32 $0x0;
	[tilespmem:s2+$0x12570] =	vst v3  }
0xe3: {  	[hbm4b:s0+s3] =	stream.linear.scatter [tilespmem:s22], [sflag:$0x6], $0x3200, $0x38;
	[tilespmem:$0x1A800] =	vst v63  }
0xe4: {  	_ =	swait.ge [sflag:s14], $0x3200  }
0xe5: {  	[sflag:s14] =	ssyncset.done $0x0  }
0xe6: {  	s0 =	simm.s32 $0x380;
	[sflag:s14] =	ssyncadd.s32 $0xFFFFCE00  }
0xe7: {  	[tilespmem:s23], [sflag:$0x4] =	stream.indirect.gather [hbm4b:s5+s18], $0x80, s0, s18, $0xb8;
	[tilespmem:$0x1A800] =	vst v63  }
0xe8: {  	s9 =	simm.s32 $0xB80;
	s3 =	simm.s32 $0x18D00  }
0xe9: {  	[tilespmem:s3], [sflag:$0x4] =	stream.indirect.gather [hbm4b:s6+s18], $0x80, s9, s18, $0xb8;
	[tilespmem:$0x1A800] =	vst v63  }
0xea: {  	_ =	swait.ge [sflag:s12], $0x1900  }
0xeb: {  	[sflag:s12] =	ssyncset.done $0x0  }
0xec: {  	[sflag:s12] =	ssyncadd.s32 $0xFFFFE700  }
0xed: {  	_ =	swait.ge [sflag:s12], $0x1900  }
0xee: {  	[sflag:s12] =	ssyncset.done $0x0  }
0xef: {  	s2 =	simm.s32 $0x0;
	[sflag:s12] =	ssyncadd.s32 $0xFFFFE700  }
0xf0: {  	v0 =	vld [tilespmem:s2+$0x4210]  }
0xf1: {  	v1 =	vld [tilespmem:s2+$0x4212]  }
0xf2: {  	v2 =	vld [tilespmem:s2+$0x4200]  }
0xf3: {  	s3 =	simm.s32 $0x200;
	v3 =	vld [tilespmem:s2+$0xA600]  }
.LBB2_15:
0xf4: {  	p0 =	sne.s32 s3, $0x6200  }
.Ltmp6:
0xf5: {  	s9 =	sshra.s32 s3, $0x2;
	[tilespmem:s2+$0x1406E] =	vst v0;
	(pc) =	sbr.rel @p0 .LBB2_15-.Ltmp6, $4  }
0xf6: {  	s3 =	sadd.s32 $0x200, s3;
	v0 =	vld [tilespmem:s9+$0x4210];
	[tilespmem:s2+$0x14070] =	vst v1  }
0xf7: {  	v1 =	vld [tilespmem:s9+$0x4212];
	[tilespmem:s2+$0x1405E] =	vst v2  }
0xf8: {  	v2 =	vld [tilespmem:s9+$0x4200];
	[tilespmem:s2+$0x15970] =	vst v3;
	s2 =	smov.u32 s9  }
0xf9: {  	v3 =	vld [tilespmem:s2+$0xA600]  }
0xfa: {  	_ = 	snop  }
0xfb: {  	[tilespmem:s2+$0x1406E] =	vst v0  }
0xfc: {  	[tilespmem:s2+$0x14070] =	vst v1  }
0xfd: {  	[tilespmem:s2+$0x1405E] =	vst v2  }
0xfe: {  	s0 =	sadd.s32 $0x2700, s24;
	s3 =	simm.s32 $0x0;
	[tilespmem:s2+$0x15970] =	vst v3  }
0xff: {  	[hbm4b:s0+s3] =	stream.linear.scatter [tilespmem:s30], [sflag:$0x7], $0x3200, $0x38;
	[tilespmem:$0x1A800] =	vst v63  }
0x100: {  	_ =	swait.ge [sflag:s15], $0x3200  }
0x101: {  	[sflag:s15] =	ssyncset.done $0x0  }
0x102: {  	s0 =	simm.s32 $0x400;
	[sflag:s15] =	ssyncadd.s32 $0xFFFFCE00  }
0x103: {  	[tilespmem:s19], [sflag:$0x1] =	stream.indirect.gather [hbm4b:s5+s18], $0x80, s0, s18, $0xb8;
	[tilespmem:$0x1A800] =	vst v63  }
0x104: {  	s9 =	simm.s32 $0xC00;
	s3 =	simm.s32 $0xF100  }
0x105: {  	[tilespmem:s3], [sflag:$0x1] =	stream.indirect.gather [hbm4b:s6+s18], $0x80, s9, s18, $0xb8;
	[tilespmem:$0x1A800] =	vst v63  }
0x106: {  	_ =	swait.ge [sflag:s21], $0x1900  }
0x107: {  	[sflag:s21] =	ssyncset.done $0x0  }
0x108: {  	[sflag:s21] =	ssyncadd.s32 $0xFFFFE700  }
0x109: {  	_ =	swait.ge [sflag:s21], $0x1900  }
0x10a: {  	[sflag:s21] =	ssyncset.done $0x0  }
0x10b: {  	s2 =	simm.s32 $0x0;
	[sflag:s21] =	ssyncadd.s32 $0xFFFFE700  }
0x10c: {  	v0 =	vld [tilespmem:s2+$0x5B10]  }
0x10d: {  	v1 =	vld [tilespmem:s2+$0x5B12]  }
0x10e: {  	v2 =	vld [tilespmem:s2+$0x5B00]  }
0x10f: {  	s3 =	simm.s32 $0x200;
	v3 =	vld [tilespmem:s2+$0xBF00]  }
.LBB2_17:
0x110: {  	p0 =	sne.s32 s3, $0x6200  }
.Ltmp7:
0x111: {  	s9 =	sshra.s32 s3, $0x2;
	[tilespmem:s2+$0x1746E] =	vst v0;
	(pc) =	sbr.rel @p0 .LBB2_17-.Ltmp7, $4  }
0x112: {  	s3 =	sadd.s32 $0x200, s3;
	v0 =	vld [tilespmem:s9+$0x5B10];
	[tilespmem:s2+$0x17470] =	vst v1  }
0x113: {  	v1 =	vld [tilespmem:s9+$0x5B12];
	[tilespmem:s2+$0x1745E] =	vst v2  }
0x114: {  	v2 =	vld [tilespmem:s9+$0x5B00];
	[tilespmem:s2+$0x18D70] =	vst v3;
	s2 =	smov.u32 s9  }
0x115: {  	v3 =	vld [tilespmem:s2+$0xBF00]  }
0x116: {  	_ = 	snop  }
0x117: {  	[tilespmem:s2+$0x1746E] =	vst v0  }
0x118: {  	[tilespmem:s2+$0x17470] =	vst v1  }
0x119: {  	[tilespmem:s2+$0x1745E] =	vst v2  }
0x11a: {  	s9 =	sadd.s32 $0x2D80, s24;
	s3 =	simm.s32 $0x0;
	[tilespmem:s2+$0x18D70] =	vst v3  }
0x11b: {  	[hbm4b:s9+s3] =	stream.linear.scatter [tilespmem:s23], [sflag:$0x8], $0x3200, $0x38;
	[tilespmem:$0x1A800] =	vst v63  }
0x11c: {  	s2 =	sor.u32 $0x1, s20;
	_ =	swait.ge [sflag:s17], $0x3200  }
0x11d: {  	s9 =	sshll.u32 s2, $0x3;
	[sflag:s17] =	ssyncset.done $0x0;
	s24 =	rddreg [dreg:$0x3]  }
0x11e: {  	s0 =	simm.s32 $0x480;
	[sflag:s17] =	ssyncadd.s32 $0xFFFFCE00;
	s24 =	sadd.s32 s24, s9  }
0x11f: {  	[tilespmem:s22], [sflag:$0x2] =	stream.indirect.gather [hbm4b:s5+s18], $0x80, s0, s18, $0xb8;
	[tilespmem:$0x1A800] =	vst v63  }
0x120: {  	s20 =	simm.s32 $0xC80;
	s9 =	smul.u32 $0x320, s24;
	s0 =	simm.s32 $0x12500  }
0x121: {  	[tilespmem:s0], [sflag:$0x2] =	stream.indirect.gather [hbm4b:s6+s18], $0x80, s20, s18, $0xb8;
	[tilespmem:$0x1A800] =	vst v63  }
0x122: {  	s20 =	sadd.s32 s7, s9;
	s0 =	simm.s32 $0x1000  }
0x123: {  	[tilespmem:s0], [sflag:$0x9] =	stream.linear.gather [hbm4b:s20+s3], $0x6400, $0x38;
	[tilespmem:$0x1A800] =	vst v63  }
0x124: {  	_ =	swait.ge [sflag:s16], $0x6400  }
0x125: {  	[sflag:s16] =	ssyncset.done $0x0  }
0x126: {  	s9 =	sadd.s32 s8, s9;
	[sflag:s16] =	ssyncadd.s32 $0xFFFF9C00  }
0x127: {  	[tilespmem:s11], [sflag:$0x9] =	stream.linear.gather [hbm4b:s9+s3], $0x6400, $0x38;
	[tilespmem:$0x1A800] =	vst v63  }
0x128: {  	_ =	swait.ge [sflag:s16], $0x6400  }
0x129: {  	[sflag:s16] =	ssyncset.done $0x0  }
0x12a: {  	[sflag:s16] =	ssyncadd.s32 $0xFFFF9C00  }
0x12b: {  	_ =	swait.ge [sflag:s28], $0x1900  }
0x12c: {  	[sflag:s28] =	ssyncset.done $0x0  }
0x12d: {  	[sflag:s28] =	ssyncadd.s32 $0xFFFFE700  }
0x12e: {  	_ =	swait.ge [sflag:s28], $0x1900  }
0x12f: {  	[sflag:s28] =	ssyncset.done $0x0  }
0x130: {  	s3 =	simm.s32 $0x0;
	[sflag:s28] =	ssyncadd.s32 $0xFFFFE700  }
0x131: {  	v1 =	vld [tilespmem:s3+$0x1010]  }
0x132: {  	v2 =	vld [tilespmem:s3+$0x1012]  }
0x133: {  	v0 =	vld [tilespmem:s3+$0x1000]  }
0x134: {  	s9 =	simm.s32 $0x200;
	v3 =	vld [tilespmem:s3+$0x7400]  }
.LBB2_19:
0x135: {  	p0 =	sne.s32 s9, $0x6200  }
.Ltmp8:
0x136: {  	s20 =	sshra.s32 s9, $0x2;
	[tilespmem:s3+$0xD86E] =	vst v1;
	(pc) =	sbr.rel @p0 .LBB2_19-.Ltmp8, $4  }
0x137: {  	s9 =	sadd.s32 $0x200, s9;
	v1 =	vld [tilespmem:s20+$0x1010];
	[tilespmem:s3+$0xD870] =	vst v2  }
0x138: {  	v2 =	vld [tilespmem:s20+$0x1012];
	[tilespmem:s3+$0xD85E] =	vst v0  }
0x139: {  	v0 =	vld [tilespmem:s20+$0x1000];
	[tilespmem:s3+$0xF170] =	vst v3;
	s3 =	smov.u32 s20  }
0x13a: {  	v3 =	vld [tilespmem:s3+$0x7400]  }
0x13b: {  	_ = 	snop  }
0x13c: {  	[tilespmem:s3+$0xD86E] =	vst v1  }
0x13d: {  	s9 =	smul.u32 $0x680, s24;
	[tilespmem:s3+$0xD870] =	vst v2  }
0x13e: {  	[tilespmem:s3+$0xD85E] =	vst v0  }
0x13f: {  	s0 =	simm.s32 $0x0;
	s20 =	sadd.s32 s10, s9;
	[tilespmem:s3+$0xF170] =	vst v3  }
0x140: {  	[hbm4b:s20+s0] =	stream.linear.scatter [tilespmem:s19], [sflag:$0x5], $0x3200, $0x38;
	[tilespmem:$0x1A800] =	vst v63  }
0x141: {  	_ =	swait.ge [sflag:s13], $0x3200  }
0x142: {  	[sflag:s13] =	ssyncset.done $0x0  }
0x143: {  	s0 =	simm.s32 $0x500;
	[sflag:s13] =	ssyncadd.s32 $0xFFFFCE00  }
0x144: {  	[tilespmem:s30], [sflag:$0x3] =	stream.indirect.gather [hbm4b:s5+s18], $0x80, s0, s18, $0xb8;
	[tilespmem:$0x1A800] =	vst v63  }
0x145: {  	s20 =	simm.s32 $0xD00  }
0x146: {  	[tilespmem:s25], [sflag:$0x3] =	stream.indirect.gather [hbm4b:s6+s18], $0x80, s20, s18, $0xb8;
	[tilespmem:$0x1A800] =	vst v63  }
0x147: {  	_ =	swait.ge [sflag:s4], $0x1900  }
0x148: {  	[sflag:s4] =	ssyncset.done $0x0  }
0x149: {  	[sflag:s4] =	ssyncadd.s32 $0xFFFFE700  }
0x14a: {  	_ =	swait.ge [sflag:s4], $0x1900  }
0x14b: {  	[sflag:s4] =	ssyncset.done $0x0  }
0x14c: {  	s3 =	simm.s32 $0x0;
	[sflag:s4] =	ssyncadd.s32 $0xFFFFE700  }
0x14d: {  	v1 =	vld [tilespmem:s3+$0x2910]  }
0x14e: {  	v2 =	vld [tilespmem:s3+$0x2912]  }
0x14f: {  	v0 =	vld [tilespmem:s3+$0x2900]  }
0x150: {  	s9 =	simm.s32 $0x200;
	v3 =	vld [tilespmem:s3+$0x8D00]  }
.LBB2_21:
0x151: {  	p0 =	sne.s32 s9, $0x6200  }
.Ltmp9:
0x152: {  	s20 =	sshra.s32 s9, $0x2;
	[tilespmem:s3+$0x10C6E] =	vst v1;
	(pc) =	sbr.rel @p0 .LBB2_21-.Ltmp9, $4  }
0x153: {  	s9 =	sadd.s32 $0x200, s9;
	v1 =	vld [tilespmem:s20+$0x2910];
	[tilespmem:s3+$0x10C70] =	vst v2  }
0x154: {  	v2 =	vld [tilespmem:s20+$0x2912];
	[tilespmem:s3+$0x10C5E] =	vst v0  }
0x155: {  	v0 =	vld [tilespmem:s20+$0x2900];
	[tilespmem:s3+$0x12570] =	vst v3;
	s3 =	smov.u32 s20  }
0x156: {  	v3 =	vld [tilespmem:s3+$0x8D00]  }
0x157: {  	s9 =	smul.u32 $0x3400, s24  }
0x158: {  	[tilespmem:s3+$0x10C6E] =	vst v1  }
0x159: {  	[tilespmem:s3+$0x10C70] =	vst v2;
	s9 =	sshrl.u32 s9, $0x3  }
0x15a: {  	[tilespmem:s3+$0x10C5E] =	vst v0;
	s20 =	sadd.s32 s10, s9  }
0x15b: {  	s0 =	simm.s32 $0x0;
	[tilespmem:s3+$0x12570] =	vst v3;
	s25 =	sadd.s32 $0x680, s20  }
0x15c: {  	[hbm4b:s25+s0] =	stream.linear.scatter [tilespmem:s22], [sflag:$0x6], $0x3200, $0x38;
	[tilespmem:$0x1A800] =	vst v63  }
0x15d: {  	_ =	swait.ge [sflag:s14], $0x3200  }
0x15e: {  	[sflag:s14] =	ssyncset.done $0x0  }
0x15f: {  	s0 =	simm.s32 $0x580;
	[sflag:s14] =	ssyncadd.s32 $0xFFFFCE00  }
0x160: {  	[tilespmem:s23], [sflag:$0x4] =	stream.indirect.gather [hbm4b:s5+s18], $0x80, s0, s18, $0xb8;
	[tilespmem:$0x1A800] =	vst v63  }
0x161: {  	s9 =	simm.s32 $0x18D00;
	s25 =	simm.s32 $0xD80  }
0x162: {  	[tilespmem:s9], [sflag:$0x4] =	stream.indirect.gather [hbm4b:s6+s18], $0x80, s25, s18, $0xb8;
	[tilespmem:$0x1A800] =	vst v63  }
0x163: {  	_ =	swait.ge [sflag:s12], $0x1900  }
0x164: {  	[sflag:s12] =	ssyncset.done $0x0  }
0x165: {  	[sflag:s12] =	ssyncadd.s32 $0xFFFFE700  }
0x166: {  	_ =	swait.ge [sflag:s12], $0x1900  }
0x167: {  	[sflag:s12] =	ssyncset.done $0x0  }
0x168: {  	s3 =	simm.s32 $0x0;
	[sflag:s12] =	ssyncadd.s32 $0xFFFFE700  }
0x169: {  	v0 =	vld [tilespmem:s3+$0x4210]  }
0x16a: {  	v1 =	vld [tilespmem:s3+$0x4212]  }
0x16b: {  	v2 =	vld [tilespmem:s3+$0x4200]  }
0x16c: {  	s9 =	simm.s32 $0x200;
	v3 =	vld [tilespmem:s3+$0xA600]  }
.LBB2_23:
0x16d: {  	p0 =	sne.s32 s9, $0x6200  }
.Ltmp10:
0x16e: {  	s25 =	sshra.s32 s9, $0x2;
	[tilespmem:s3+$0x1406E] =	vst v0;
	(pc) =	sbr.rel @p0 .LBB2_23-.Ltmp10, $4  }
0x16f: {  	s9 =	sadd.s32 $0x200, s9;
	v0 =	vld [tilespmem:s25+$0x4210];
	[tilespmem:s3+$0x14070] =	vst v1  }
0x170: {  	v1 =	vld [tilespmem:s25+$0x4212];
	[tilespmem:s3+$0x1405E] =	vst v2  }
0x171: {  	v2 =	vld [tilespmem:s25+$0x4200];
	[tilespmem:s3+$0x15970] =	vst v3;
	s3 =	smov.u32 s25  }
0x172: {  	v3 =	vld [tilespmem:s3+$0xA600]  }
0x173: {  	_ = 	snop  }
0x174: {  	[tilespmem:s3+$0x1406E] =	vst v0  }
0x175: {  	[tilespmem:s3+$0x14070] =	vst v1  }
0x176: {  	[tilespmem:s3+$0x1405E] =	vst v2  }
0x177: {  	s0 =	sadd.s32 $0xD00, s20;
	s9 =	simm.s32 $0x0;
	[tilespmem:s3+$0x15970] =	vst v3  }
0x178: {  	[hbm4b:s0+s9] =	stream.linear.scatter [tilespmem:s30], [sflag:$0x7], $0x3200, $0x38;
	[tilespmem:$0x1A800] =	vst v63  }
0x179: {  	_ =	swait.ge [sflag:s15], $0x3200  }
0x17a: {  	[sflag:s15] =	ssyncset.done $0x0  }
0x17b: {  	s0 =	simm.s32 $0x600;
	[sflag:s15] =	ssyncadd.s32 $0xFFFFCE00  }
0x17c: {  	[tilespmem:s19], [sflag:$0x1] =	stream.indirect.gather [hbm4b:s5+s18], $0x80, s0, s18, $0xb8;
	[tilespmem:$0x1A800] =	vst v63  }
0x17d: {  	s25 =	simm.s32 $0xE00;
	s9 =	simm.s32 $0xF100  }
0x17e: {  	[tilespmem:s9], [sflag:$0x1] =	stream.indirect.gather [hbm4b:s6+s18], $0x80, s25, s18, $0xb8;
	[tilespmem:$0x1A800] =	vst v63  }
0x17f: {  	_ =	swait.ge [sflag:s21], $0x1900  }
0x180: {  	[sflag:s21] =	ssyncset.done $0x0  }
0x181: {  	[sflag:s21] =	ssyncadd.s32 $0xFFFFE700  }
0x182: {  	_ =	swait.ge [sflag:s21], $0x1900  }
0x183: {  	[sflag:s21] =	ssyncset.done $0x0  }
0x184: {  	s3 =	simm.s32 $0x0;
	[sflag:s21] =	ssyncadd.s32 $0xFFFFE700  }
0x185: {  	v0 =	vld [tilespmem:s3+$0x5B10]  }
0x186: {  	v1 =	vld [tilespmem:s3+$0x5B12]  }
0x187: {  	v2 =	vld [tilespmem:s3+$0x5B00]  }
0x188: {  	s9 =	simm.s32 $0x200;
	v3 =	vld [tilespmem:s3+$0xBF00]  }
.LBB2_25:
0x189: {  	p0 =	sne.s32 s9, $0x6200  }
.Ltmp11:
0x18a: {  	s25 =	sshra.s32 s9, $0x2;
	[tilespmem:s3+$0x1746E] =	vst v0;
	(pc) =	sbr.rel @p0 .LBB2_25-.Ltmp11, $4  }
0x18b: {  	s9 =	sadd.s32 $0x200, s9;
	v0 =	vld [tilespmem:s25+$0x5B10];
	[tilespmem:s3+$0x17470] =	vst v1  }
0x18c: {  	v1 =	vld [tilespmem:s25+$0x5B12];
	[tilespmem:s3+$0x1745E] =	vst v2  }
0x18d: {  	v2 =	vld [tilespmem:s25+$0x5B00];
	[tilespmem:s3+$0x18D70] =	vst v3;
	s3 =	smov.u32 s25  }
0x18e: {  	v3 =	vld [tilespmem:s3+$0xBF00]  }
0x18f: {  	_ = 	snop  }
0x190: {  	[tilespmem:s3+$0x1746E] =	vst v0  }
0x191: {  	[tilespmem:s3+$0x17470] =	vst v1  }
0x192: {  	[tilespmem:s3+$0x1745E] =	vst v2  }
0x193: {  	s9 =	sadd.s32 $0x1380, s20;
	[tilespmem:s3+$0x18D70] =	vst v3  }
0x194: {  	[hbm4b:s9+s1] =	stream.linear.scatter [tilespmem:s23], [sflag:$0x8], $0x3200, $0x38;
	[tilespmem:$0x1A800] =	vst v63  }
0x195: {  	_ =	swait.ge [sflag:s17], $0x3200  }
0x196: {  	[sflag:s17] =	ssyncset.done $0x0  }
0x197: {  	s0 =	simm.s32 $0x680;
	s24 =	sor.u32 $0x4, s24;
	[sflag:s17] =	ssyncadd.s32 $0xFFFFCE00  }
0x198: {  	[tilespmem:s22], [sflag:$0x2] =	stream.indirect.gather [hbm4b:s5+s18], $0x80, s0, s18, $0xb8;
	[tilespmem:$0x1A800] =	vst v63  }
0x199: {  	s25 =	simm.s32 $0x12500;
	s3 =	smul.u32 $0x320, s24;
	s9 =	simm.s32 $0xE80  }
0x19a: {  	[tilespmem:s25], [sflag:$0x2] =	stream.indirect.gather [hbm4b:s6+s18], $0x80, s9, s18, $0xb8;
	[tilespmem:$0x1A800] =	vst v63  }
0x19b: {  	s0 =	sadd.s32 s7, s3;
	s25 =	simm.s32 $0x1000  }
0x19c: {  	[tilespmem:s25], [sflag:$0x9] =	stream.linear.gather [hbm4b:s0+s1], $0x6400, $0x38;
	[tilespmem:$0x1A800] =	vst v63  }
0x19d: {  	_ =	swait.ge [sflag:s16], $0x6400  }
0x19e: {  	[sflag:s16] =	ssyncset.done $0x0  }
0x19f: {  	s3 =	sadd.s32 s8, s3;
	[sflag:s16] =	ssyncadd.s32 $0xFFFF9C00  }
0x1a0: {  	[tilespmem:s11], [sflag:$0x9] =	stream.linear.gather [hbm4b:s3+s1], $0x6400, $0x38;
	[tilespmem:$0x1A800] =	vst v63  }
0x1a1: {  	_ =	swait.ge [sflag:s16], $0x6400  }
0x1a2: {  	p0 =	sgt.u32 s2, $0xE;
	s0 =	rddreg [dreg:$0x7]  }
0x1a3: {  	s2 =	sadd.s32 @!p0 s31, s0  }
0x1a4: {  	[sflag:s16] =	ssyncset.done $0x0;
	s2 =	sshll.u32 @!p0 s2, $0x4  }
0x1a5: {  	s9 =	simm.s32 @!p0 $0x0;
	[sflag:s16] =	ssyncadd.s32 $0xFFFF9C00;
	s3 =	sadd.s32 @!p0 s26, s2  }
0x1a6: {  	[tilespmem:s9], [sflag:$0x9] =	stream.linear.gather @!p0 [hbm4b:s3+s9], $0x400, $0x38;
	[tilespmem:$0x1A800] =	vst v63  }
0x1a7: {  	s3 =	simm.s32 @!p0 $0x9  }
0x1a8: {  	_ =	swait.ge @!p0 [sflag:s3], $0x400  }
0x1a9: {  	[sflag:s3] =	ssyncset.done @!p0 $0x0;
	s0 =	rddreg [dreg:$0x2]  }
0x1aa: {  	s25 =	simm.s32 @!p0 $0x800;
	[sflag:s3] =	ssyncadd.s32 @!p0 $0xFFFFFC00;
	s2 =	sadd.s32 @!p0 s0, s2  }
0x1ab: {  	[tilespmem:s25], [sflag:$0x9] =	stream.linear.gather @!p0 [hbm4b:s2+s9], $0x400, $0x38;
	[tilespmem:$0x1A800] =	vst v63  }
0x1ac: {  	_ =	swait.ge @!p0 [sflag:s3], $0x400  }
0x1ad: {  	[sflag:s3] =	ssyncset.done @!p0 $0x0  }
0x1ae: {  	[sflag:s3] =	ssyncadd.s32 @!p0 $0xFFFFFC00  }
0x1af: {  	_ =	swait.ge [sflag:s28], $0x1900  }
0x1b0: {  	[sflag:s28] =	ssyncset.done $0x0  }
0x1b1: {  	[sflag:s28] =	ssyncadd.s32 $0xFFFFE700  }
0x1b2: {  	_ =	swait.ge [sflag:s28], $0x1900  }
0x1b3: {  	[sflag:s28] =	ssyncset.done $0x0  }
0x1b4: {  	s2 =	simm.s32 $0x0;
	[sflag:s28] =	ssyncadd.s32 $0xFFFFE700  }
0x1b5: {  	v1 =	vld [tilespmem:s2+$0x1010]  }
0x1b6: {  	v2 =	vld [tilespmem:s2+$0x1012]  }
0x1b7: {  	v0 =	vld [tilespmem:s2+$0x1000]  }
0x1b8: {  	s3 =	simm.s32 $0x200;
	v3 =	vld [tilespmem:s2+$0x7400]  }
.LBB2_27:
0x1b9: {  	p1 =	sne.s32 s3, $0x6200  }
.Ltmp12:
0x1ba: {  	s9 =	sshra.s32 s3, $0x2;
	[tilespmem:s2+$0xD86E] =	vst v1;
	(pc) =	sbr.rel @p1 .LBB2_27-.Ltmp12, $4  }
0x1bb: {  	s3 =	sadd.s32 $0x200, s3;
	v1 =	vld [tilespmem:s9+$0x1010];
	[tilespmem:s2+$0xD870] =	vst v2  }
0x1bc: {  	v2 =	vld [tilespmem:s9+$0x1012];
	[tilespmem:s2+$0xD85E] =	vst v0  }
0x1bd: {  	v0 =	vld [tilespmem:s9+$0x1000];
	[tilespmem:s2+$0xF170] =	vst v3;
	s2 =	smov.u32 s9  }
0x1be: {  	v3 =	vld [tilespmem:s2+$0x7400]  }
0x1bf: {  	_ = 	snop  }
0x1c0: {  	[tilespmem:s2+$0xD86E] =	vst v1  }
0x1c1: {  	s3 =	smul.u32 $0x680, s24;
	[tilespmem:s2+$0xD870] =	vst v2  }
0x1c2: {  	[tilespmem:s2+$0xD85E] =	vst v0  }
0x1c3: {  	s25 =	simm.s32 $0x0;
	s24 =	sadd.s32 s10, s3;
	[tilespmem:s2+$0xF170] =	vst v3  }
0x1c4: {  	[hbm4b:s24+s25] =	stream.linear.scatter [tilespmem:s19], [sflag:$0x5], $0x3200, $0x38;
	[tilespmem:$0x1A800] =	vst v63  }
0x1c5: {  	_ =	swait.ge [sflag:s13], $0x3200  }
0x1c6: {  	[sflag:s13] =	ssyncset.done $0x0  }
0x1c7: {  	s0 =	simm.s32 $0x700;
	[sflag:s13] =	ssyncadd.s32 $0xFFFFCE00  }
0x1c8: {  	[tilespmem:s30], [sflag:$0x3] =	stream.indirect.gather [hbm4b:s5+s18], $0x80, s0, s18, $0xb8;
	[tilespmem:$0x1A800] =	vst v63  }
0x1c9: {  	s31 =	simm.s32 $0xF00;
	s24 =	simm.s32 $0x15900  }
0x1ca: {  	[tilespmem:s24], [sflag:$0x3] =	stream.indirect.gather [hbm4b:s6+s18], $0x80, s31, s18, $0xb8;
	[tilespmem:$0x1A800] =	vst v63  }
0x1cb: {  	_ =	swait.ge [sflag:s4], $0x1900  }
0x1cc: {  	[sflag:s4] =	ssyncset.done $0x0  }
0x1cd: {  	[sflag:s4] =	ssyncadd.s32 $0xFFFFE700  }
0x1ce: {  	_ =	swait.ge [sflag:s4], $0x1900  }
0x1cf: {  	[sflag:s4] =	ssyncset.done $0x0  }
0x1d0: {  	s2 =	simm.s32 $0x0;
	[sflag:s4] =	ssyncadd.s32 $0xFFFFE700  }
0x1d1: {  	v0 =	vld [tilespmem:s2+$0x2910]  }
0x1d2: {  	v1 =	vld [tilespmem:s2+$0x2912]  }
0x1d3: {  	v2 =	vld [tilespmem:s2+$0x2900]  }
0x1d4: {  	s3 =	simm.s32 $0x200;
	v3 =	vld [tilespmem:s2+$0x8D00]  }
.LBB2_29:
0x1d5: {  	p1 =	sne.s32 s3, $0x6200  }
.Ltmp13:
0x1d6: {  	s9 =	sshra.s32 s3, $0x2;
	[tilespmem:s2+$0x10C6E] =	vst v0;
	(pc) =	sbr.rel @p1 .LBB2_29-.Ltmp13, $4  }
0x1d7: {  	s3 =	sadd.s32 $0x200, s3;
	v0 =	vld [tilespmem:s9+$0x2910];
	[tilespmem:s2+$0x10C70] =	vst v1  }
0x1d8: {  	v1 =	vld [tilespmem:s9+$0x2912];
	[tilespmem:s2+$0x10C5E] =	vst v2  }
0x1d9: {  	v2 =	vld [tilespmem:s9+$0x2900];
	[tilespmem:s2+$0x12570] =	vst v3;
	s2 =	smov.u32 s9  }
0x1da: {  	v3 =	vld [tilespmem:s2+$0x8D00]  }
0x1db: {  	_ = 	snop  }
0x1dc: {  	[tilespmem:s2+$0x10C6E] =	vst v0  }
0x1dd: {  	[tilespmem:s2+$0x10C70] =	vst v1  }
0x1de: {  	[tilespmem:s2+$0x10C5E] =	vst v2  }
0x1df: {  	s9 =	sadd.s32 $0x2080, s20;
	s3 =	simm.s32 $0x0;
	[tilespmem:s2+$0x12570] =	vst v3  }
0x1e0: {  	[hbm4b:s9+s3] =	stream.linear.scatter [tilespmem:s22], [sflag:$0x6], $0x3200, $0x38;
	[tilespmem:$0x1A800] =	vst v63  }
0x1e1: {  	_ =	swait.ge [sflag:s14], $0x3200  }
0x1e2: {  	[sflag:s14] =	ssyncset.done $0x0  }
0x1e3: {  	s0 =	simm.s32 $0x780;
	[sflag:s14] =	ssyncadd.s32 $0xFFFFCE00  }
0x1e4: {  	[tilespmem:s23], [sflag:$0x4] =	stream.indirect.gather [hbm4b:s5+s18], $0x80, s0, s18, $0xb8;
	[tilespmem:$0x1A800] =	vst v63  }
0x1e5: {  	s25 =	simm.s32 $0x18D00;
	s31 =	simm.s32 $0xF80  }
0x1e6: {  	[tilespmem:s25], [sflag:$0x4] =	stream.indirect.gather [hbm4b:s6+s18], $0x80, s31, s18, $0xb8;
	[tilespmem:$0x1A800] =	vst v63  }
0x1e7: {  	_ =	swait.ge [sflag:s12], $0x1900  }
0x1e8: {  	[sflag:s12] =	ssyncset.done $0x0  }
0x1e9: {  	[sflag:s12] =	ssyncadd.s32 $0xFFFFE700  }
0x1ea: {  	_ =	swait.ge [sflag:s12], $0x1900  }
0x1eb: {  	[sflag:s12] =	ssyncset.done $0x0  }
0x1ec: {  	s2 =	simm.s32 $0x0;
	[sflag:s12] =	ssyncadd.s32 $0xFFFFE700  }
0x1ed: {  	v0 =	vld [tilespmem:s2+$0x4210]  }
0x1ee: {  	v1 =	vld [tilespmem:s2+$0x4212]  }
0x1ef: {  	v2 =	vld [tilespmem:s2+$0x4200]  }
0x1f0: {  	s3 =	simm.s32 $0x200;
	v3 =	vld [tilespmem:s2+$0xA600]  }
.LBB2_31:
0x1f1: {  	p1 =	sne.s32 s3, $0x6200  }
.Ltmp14:
0x1f2: {  	s9 =	sshra.s32 s3, $0x2;
	[tilespmem:s2+$0x1406E] =	vst v0;
	(pc) =	sbr.rel @p1 .LBB2_31-.Ltmp14, $4  }
0x1f3: {  	s3 =	sadd.s32 $0x200, s3;
	v0 =	vld [tilespmem:s9+$0x4210];
	[tilespmem:s2+$0x14070] =	vst v1  }
0x1f4: {  	v1 =	vld [tilespmem:s9+$0x4212];
	[tilespmem:s2+$0x1405E] =	vst v2  }
0x1f5: {  	v2 =	vld [tilespmem:s9+$0x4200];
	[tilespmem:s2+$0x15970] =	vst v3;
	s2 =	smov.u32 s9  }
0x1f6: {  	v3 =	vld [tilespmem:s2+$0xA600]  }
0x1f7: {  	_ = 	snop  }
0x1f8: {  	[tilespmem:s2+$0x1406E] =	vst v0  }
0x1f9: {  	[tilespmem:s2+$0x14070] =	vst v1  }
0x1fa: {  	[tilespmem:s2+$0x1405E] =	vst v2  }
0x1fb: {  	s31 =	sadd.s32 $0x2700, s20;
	[tilespmem:s2+$0x15970] =	vst v3  }
0x1fc: {  	[hbm4b:s31+s1] =	stream.linear.scatter [tilespmem:s30], [sflag:$0x7], $0x3200, $0x38;
	[tilespmem:$0x1A800] =	vst v63  }
0x1fd: {  	_ =	swait.ge [sflag:s15], $0x3200  }
0x1fe: {  	s3 =	simm.s32 @!p0 $0x0;
	[sflag:s15] =	ssyncset.done $0x0  }
0x1ff: {  	s9 =	simm.s32 @!p0 $0xD800;
	s2 =	simm.s32 @!p0 $0x32;
	[sflag:s15] =	ssyncadd.s32 $0xFFFFCE00  }
0x200: {  	[tilespmem:s9], [sflag:$0x1] =	stream.indirect.gather @!p0 [hbm4b:s5+s2], $0x80, s3, s2, $0xb8;
	[tilespmem:$0x1A800] =	vst v63  }
0x201: {  	s3 =	simm.s32 @!p0 $0x800;
	s9 =	simm.s32 @!p0 $0xF100  }
0x202: {  	[tilespmem:s9], [sflag:$0x1] =	stream.indirect.gather @!p0 [hbm4b:s6+s2], $0x80, s3, s2, $0xb8;
	[tilespmem:$0x1A800] =	vst v63  }
0x203: {  	_ =	swait.ge [sflag:s21], $0x1900  }
0x204: {  	[sflag:s21] =	ssyncset.done $0x0  }
0x205: {  	[sflag:s21] =	ssyncadd.s32 $0xFFFFE700  }
0x206: {  	_ =	swait.ge [sflag:s21], $0x1900  }
0x207: {  	[sflag:s21] =	ssyncset.done $0x0  }
0x208: {  	s2 =	simm.s32 $0x0;
	[sflag:s21] =	ssyncadd.s32 $0xFFFFE700  }
0x209: {  	v0 =	vld [tilespmem:s2+$0x5B10]  }
0x20a: {  	v1 =	vld [tilespmem:s2+$0x5B12]  }
0x20b: {  	v2 =	vld [tilespmem:s2+$0x5B00]  }
0x20c: {  	s3 =	simm.s32 $0x200;
	v3 =	vld [tilespmem:s2+$0xBF00]  }
.LBB2_33:
0x20d: {  	p1 =	sne.s32 s3, $0x6200  }
.Ltmp15:
0x20e: {  	s9 =	sshra.s32 s3, $0x2;
	[tilespmem:s2+$0x1746E] =	vst v0;
	(pc) =	sbr.rel @p1 .LBB2_33-.Ltmp15, $4  }
0x20f: {  	s3 =	sadd.s32 $0x200, s3;
	v0 =	vld [tilespmem:s9+$0x5B10];
	[tilespmem:s2+$0x17470] =	vst v1  }
0x210: {  	v1 =	vld [tilespmem:s9+$0x5B12];
	[tilespmem:s2+$0x1745E] =	vst v2  }
0x211: {  	v2 =	vld [tilespmem:s9+$0x5B00];
	[tilespmem:s2+$0x18D70] =	vst v3;
	s2 =	smov.u32 s9  }
0x212: {  	v3 =	vld [tilespmem:s2+$0xBF00]  }
0x213: {  	_ = 	snop  }
0x214: {  	[tilespmem:s2+$0x1746E] =	vst v0  }
0x215: {  	[tilespmem:s2+$0x17470] =	vst v1  }
0x216: {  	[tilespmem:s2+$0x1745E] =	vst v2  }
0x217: {  	s31 =	sadd.s32 $0x2D80, s20;
	[tilespmem:s2+$0x18D70] =	vst v3  }
0x218: {  	[hbm4b:s31+s1] =	stream.linear.scatter [tilespmem:s23], [sflag:$0x8], $0x3200, $0x38;
	[tilespmem:$0x1A800] =	vst v63  }
0x219: {  	_ =	swait.ge [sflag:s17], $0x3200  }
0x21a: {  	s3 =	simm.s32 @!p0 $0x80;
	[sflag:s17] =	ssyncset.done $0x0  }
0x21b: {  	s9 =	simm.s32 @!p0 $0x10C00;
	s2 =	simm.s32 @!p0 $0x32;
	[sflag:s17] =	ssyncadd.s32 $0xFFFFCE00  }
0x21c: {  	[tilespmem:s9], [sflag:$0x2] =	stream.indirect.gather @!p0 [hbm4b:s5+s2], $0x80, s3, s2, $0xb8;
	[tilespmem:$0x1A800] =	vst v63  }
0x21d: {  	s29 =	sadd.s32 $0x1, s29;
	s3 =	simm.s32 @!p0 $0x880;
	s9 =	simm.s32 @!p0 $0x12500  }
0x21e: {  	[tilespmem:s9], [sflag:$0x2] =	stream.indirect.gather @!p0 [hbm4b:s6+s2], $0x80, s3, s2, $0xb8;
	[tilespmem:$0x1A800] =	vst v63  }
0x21f: {  	p0 =	sne.s32 s29, $0x8  }
.Ltmp16:
0x220: {  	_ = 	snop;
	(pc) =	sbr.rel @p0 .LBB2_2-.Ltmp16, $1  }
0x221: {  	_ =	sdelay $0x3  }
0x222: {  	_ =	swait.ge [sflag:s13], $0x3200  }
0x223: {  	[sflag:s13] =	ssyncset.done $0x0  }
0x224: {  	[sflag:s13] =	ssyncadd.s32 $0xFFFFCE00  }
0x225: {  	_ =	swait.ge [sflag:s14], $0x3200  }
0x226: {  	s2 =	rddreg [dreg:$0x9]  }
0x227: {  	s0 =	rddreg [dreg:$0x8];
	s2 =	sadd.s32 $0x1, s2  }
0x228: {  	p0 =	sne.s32 s2, s0  }
.Ltmp17:
0x229: {  	_ = 	snop;
	(pc) =	sbr.rel @p0 .LBB2_1-.Ltmp17, $3  }
0x22a: {  	_ =	sdelay $0x1  }
0x22b: {  	[sflag:s14] =	ssyncset.done $0x0  }
0x22c: {  	[sflag:s14] =	ssyncadd.s32 $0xFFFFCE00  }
0x22d: {  	_ =	sfence.sel $0x180000  }
0x22e: {  	[bflag:$0x0] =	sbarrier.arrive $0xFFFF  }
0x22f: {  	_ =	strace $0x90000047  }
0x230: {  	s0 =	stileid.u32;
	[bflag:$0x2] =	sbarrier.arrive $0xFFFF  }
0x231: {  	p0 =	sne.s32 s0, $0x0;
	s0 =	rddreg [dreg:$0x1]  }
0x232: {  	s0 =	sadd.s32 @!p0 $0x100000, s0  }
0x233: {  	[sflag:s0] =	ssyncadd.tile.s32 @!p0 $0x1;
	_ =	shalt  }
.Lfunc_end2:
_tile_overlayer_lowered:
.L_overlay_start_2:
0x234: {  	(tag) =	ssettag $0x2  }
0x235: {  	s0 =	rddreg [dreg:$0x0];
	s2 =	stileid.u32  }
0x236: {  	s1 =	rddreg [dreg:$0x1];
	p0 =	sne.s32 s2, $0x0  }
0x237: {  	s3 =	rddreg [dreg:$0x2];
	[bflag:$0x3] =	sbarrier.arrive $0xFFFF;
	s2 =	simm.s32 @!p0 $0x1C09  }
0x238: {  	[timem:s3], [sflag:s2] =	dma.local @!p0 [hbm:s0], s1  }
0x239: {  	s0 =	simm.s32 @!p0 $0x9  }
0x23a: {  	_ =	swait.ge @!p0 [sflag:s0], s1  }
0x23b: {  	s1 =	ssub.s32 @!p0 $0x0, s1;
	[sflag:s0] =	ssyncset.done @!p0 $0x0  }
0x23c: {  	[sflag:s0] =	ssyncadd.s32 @!p0 s1  }
0x23d: {  	[bflag:$0x3] =	sbarrier.arrive $0xFFFF  }
0x23e: {  	_ =	shalt  }

</sc_bundles>
